<compile_context>
chip_gen: v7x
topology: tpu7x:2x2x1
jax: 0.10.2.dev20260603
libtpu: 0.0.44.dev20260713+nightly
codegen_flags: <defaults>
</compile_context>

<pallas_src>
import jax
import jax.numpy as jnp
from jax import lax
from jax.experimental import pallas as pl
from jax.experimental.pallas import tpu as pltpu
from jax.experimental.pallas import tpu_sc as plsc

N = 10000
E = 320000
G = 64
H = 128

NC = 2
NS = 16
NW = NC * NS
L = 16

DP = 144
EW = E // NW
B = 80
BH = B // 2
NCHUNK = EW // B
RPT = N // NS

_f32 = jnp.float32



def _edge_body(xl_h, xr_h, src_h, dst_h, att_h, zer_h, acc_h,
               att_v, idx_s0, idx_s1, idx_d0, idx_d1, sidx0, sidx1,
               wrr0, wrr1, xra, xrb, acc_sh,
               sem_ix0, sem_ix1, sem_xl0, sem_xl1, sem_xra, sem_xrb,
               sem_sc0, sem_sc1):
  c = lax.axis_index("c")
  s = lax.axis_index("s")
  wid = c * NS + s

  idx_s = [idx_s0, idx_s1]
  idx_d = [idx_d0, idx_d1]
  sidx = [sidx0, sidx1]
  wrr = [wrr0, wrr1]
  sem_ix = [sem_ix0, sem_ix1]
  sem_xl = [sem_xl0, sem_xl1]
  sem_sc = [sem_sc0, sem_sc1]

  pltpu.sync_copy(zer_h.at[pl.ds(s * RPT, RPT)],
                  acc_sh.at[pl.ds(s * RPT, RPT)])
  pltpu.sync_copy(att_h, att_v)
  plsc.subcore_barrier()

  att_c = [att_v[pl.ds(k * L, L)] for k in range(8)]

  def issue_idx(cj, b):
    pltpu.async_copy(src_h.at[wid, cj], idx_s[b], sem_ix[b])
    pltpu.async_copy(dst_h.at[wid, cj], idx_d[b], sem_ix[b])

  def wait_idx(b):
    pltpu.make_async_copy(src_h.at[wid, 0], idx_s[b], sem_ix[b]).wait()
    pltpu.make_async_copy(dst_h.at[wid, 0], idx_d[b], sem_ix[b]).wait()

  def issue_xl(b):
    pltpu.async_copy(xl_h.at[idx_s[b]], wrr[b], sem_xl[b])

  def wait_xl(b):
    pltpu.make_async_copy(xl_h.at[idx_s[b]], wrr[b], sem_xl[b]).wait()

  def issue_xr(b, h, xr_v, sem):
    pltpu.async_copy(xr_h.at[idx_d[b].at[pl.ds(h * BH, BH)]], xr_v, sem)

  def wait_xr(b, h, xr_v, sem):
    pltpu.make_async_copy(xr_h.at[idx_d[b].at[pl.ds(h * BH, BH)]], xr_v,
                          sem).wait()

  def issue_scatter(b, h):
    pltpu.async_copy(wrr[b].at[pl.ds(h * BH, BH)], acc_sh.at[sidx[b].at[h]],
                     sem_sc[b], add=True)

  def wait_scatter(b, h):
    pltpu.make_async_copy(wrr[b].at[pl.ds(h * BH, BH)],
                          acc_sh.at[sidx[b].at[h]], sem_sc[b]).wait()

  def copy_sidx(b):
    for h in range(2):
      for o in (0, L, BH - L):
        sidx[b][h, pl.ds(o, L)] = idx_d[b][pl.ds(h * BH + o, L)]

  def compute_half(b, h, xr_v):
    w = wrr[b]

    def edge_body(i, carry):
      vl = [w[i, pl.ds(k * L, L)] for k in range(8)]
      xi = i - h * BH
      p = []
      for k in range(8):
        sv = vl[k] + xr_v[xi, pl.ds(k * L, L)]
        p.append(att_c[k] * jnp.maximum(sv, 0.2 * sv))
      acc = ((p[0] + p[1]) + (p[2] + p[3])) + ((p[4] + p[5]) + (p[6] + p[7]))
      ex = jnp.exp(jnp.full((L,), jnp.sum(acc), _f32))
      for k in range(8):
        w[i, pl.ds(k * L, L)] = vl[k] * ex
      w[i, pl.ds(8 * L, L)] = ex
      return carry

    lax.fori_loop(h * BH, h * BH + BH, edge_body, 0, unroll=2)

  issue_idx(0, 0)
  issue_idx(1, 1)
  wait_idx(0)
  issue_xl(0)
  issue_xr(0, 0, xra, sem_xra)
  issue_xr(0, 1, xrb, sem_xrb)

  def step(cj, b, tail):
    nb = 1 - b
    if not tail:
      wait_idx(nb)

    @pl.when(cj >= 1)
    def _():
      wait_scatter(nb, 0)
      wait_scatter(nb, 1)

    if not tail:
      issue_xl(nb)
    wait_xl(b)
    copy_sidx(b)
    wait_xr(b, 0, xra, sem_xra)
    compute_half(b, 0, xra)
    issue_scatter(b, 0)
    if not tail:
      issue_xr(nb, 0, xra, sem_xra)
    wait_xr(b, 1, xrb, sem_xrb)
    compute_half(b, 1, xrb)
    issue_scatter(b, 1)
    if not tail:
      issue_xr(nb, 1, xrb, sem_xrb)

      @pl.when(cj <= NCHUNK - 3)
      def _():
        issue_idx(cj + 2, b)

  @pl.loop(0, NCHUNK - 1, step=2)
  def pair_body(j):
    step(j, 0, False)
    step(j + 1, 1, False)

  step(NCHUNK - 1, (NCHUNK - 1) % 2, True)
  tb = (NCHUNK - 1) % 2
  wait_scatter(tb, 0)
  wait_scatter(tb, 1)

  plsc.subcore_barrier()
  pltpu.sync_copy(acc_sh.at[pl.ds(s * RPT, RPT)],
                  acc_h.at[c, pl.ds(s * RPT, RPT)])


@jax.jit
def _edge_phase(xl, xr, src3, dst3, att, zeros):
  mesh = plsc.VectorSubcoreMesh(core_axis_name="c", subcore_axis_name="s",
                                num_cores=NC, num_subcores=NS)
  kern = pl.kernel(
      _edge_body,
      out_type=jax.ShapeDtypeStruct((NC, N, DP), _f32),
      mesh=mesh,
      scratch_types=(
          [pltpu.VMEM((H,), _f32)]
          + [pltpu.VMEM((B,), jnp.int32)] * 4
          + [pltpu.VMEM((2, BH), jnp.int32)] * 2
          + [pltpu.VMEM((B, DP), _f32)] * 2
          + [pltpu.VMEM((BH, H), _f32)] * 2
          + [pltpu.VMEM_SHARED((N, DP), _f32)]
          + [pltpu.SemaphoreType.DMA] * 8
      ),
      compiler_params=pltpu.CompilerParams(use_tc_tiling_on_sc=False,
                                           needs_layout_passes=False),
  )
  return kern(xl, xr, src3, dst3, att, zeros)



def _pad_cols(xl):
  marker = (lax.broadcasted_iota(jnp.int32, (N, DP - H), 1) == 0
            ).astype(_f32)
  return jnp.concatenate([xl, marker], axis=1)


def _proj_body(x_ref, wl_ref, wr_ref, xl_ref, xr_ref):
  x = x_ref[...]
  xl_ref[...] = _pad_cols(jnp.dot(x, wl_ref[...], preferred_element_type=_f32))
  xr_ref[...] = jnp.dot(x, wr_ref[...], preferred_element_type=_f32)


def _proj(x, wl, wr):
  return pl.pallas_call(
      _proj_body,
      out_shape=(jax.ShapeDtypeStruct((N, DP), _f32),
                 jax.ShapeDtypeStruct((N, H), _f32)),
  )(x, wl, wr)


def _combine_proj_body(acc_ref, b_ref, wl_ref, wr_ref, xl_ref, xr_ref):
  num = acc_ref[0, :, :H] + acc_ref[1, :, :H]
  den = acc_ref[0, :, H:H + 1] + acc_ref[1, :, H:H + 1]
  h = jnp.where(den > 0.0, num / den, 0.0) + b_ref[...]
  h = jnp.maximum(h, 0.0)
  xl_ref[...] = _pad_cols(jnp.dot(h, wl_ref[...], preferred_element_type=_f32))
  xr_ref[...] = jnp.dot(h, wr_ref[...], preferred_element_type=_f32)


def _combine_proj(acc, b, wl, wr):
  return pl.pallas_call(
      _combine_proj_body,
      out_shape=(jax.ShapeDtypeStruct((N, DP), _f32),
                 jax.ShapeDtypeStruct((N, H), _f32)),
  )(acc, b, wl, wr)


def _head_body(acc_ref, b_ref, batch_ref, wm1_ref, bm1_ref, wm2_ref,
               bm2_ref, wm3_ref, bm3_ref, out_ref):
  num = acc_ref[0, :, :H] + acc_ref[1, :, :H]
  den = acc_ref[0, :, H:H + 1] + acc_ref[1, :, H:H + 1]
  h = jnp.where(den > 0.0, num / den, 0.0) + b_ref[...]
  bi = batch_ref[...]
  seg = lax.broadcasted_iota(jnp.int32, (G, N), 0)
  mask = (bi == seg).astype(_f32)
  sums = jnp.dot(mask, h, preferred_element_type=_f32)
  cnt = jnp.sum(mask, axis=1, keepdims=True)
  pooled = sums / jnp.maximum(cnt, 1.0)
  z = jax.nn.sigmoid(jnp.dot(pooled, wm1_ref[...],
                             preferred_element_type=_f32) + bm1_ref[...])
  z = jax.nn.sigmoid(jnp.dot(z, wm2_ref[...],
                             preferred_element_type=_f32) + bm2_ref[...])
  out_ref[...] = jnp.dot(z, wm3_ref[...],
                         preferred_element_type=_f32) + bm3_ref[...]


def _head(acc, b3, batch, wm1, bm1, wm2, bm2, wm3, bm3):
  return pl.pallas_call(
      _head_body,
      out_shape=jax.ShapeDtypeStruct((G, 2), _f32),
  )(acc, b3, batch, wm1, bm1, wm2, bm2, wm3, bm3)



def kernel(x, edge_index, batch, Wl1, Wr1, att1, b1, Wl2, Wr2, att2, b2,
           Wl3, Wr3, att3, b3, Wm1, bm1, Wm2, bm2, Wm3, bm3):
  src3 = edge_index[0].reshape(NW, NCHUNK, B)
  dst3 = edge_index[1].reshape(NW, NCHUNK, B)
  zeros = jnp.zeros((N, DP), _f32)

  xl, xr = _proj(x, Wl1, Wr1)
  acc = _edge_phase(xl, xr, src3, dst3, att1, zeros)
  xl, xr = _combine_proj(acc, b1.reshape(1, H), Wl2, Wr2)
  acc = _edge_phase(xl, xr, src3, dst3, att2, zeros)
  xl, xr = _combine_proj(acc, b2.reshape(1, H), Wl3, Wr3)
  acc = _edge_phase(xl, xr, src3, dst3, att3, zeros)
  return _head(acc, b3.reshape(1, H), batch.reshape(1, N),
               Wm1, bm1.reshape(1, -1), Wm2, bm2.reshape(1, -1),
               Wm3, bm3.reshape(1, 2))

# --- scband reference (transcript-rebuilt; emitter-appended) ---
"""Pipeline reference for scband-gat-29643864277421 (READ-ONLY COPY).

The authoritative reference and input builder live on the scoring server;
editing this copy changes nothing except your own understanding.
"""

import jax, jax.numpy as jnp
import numpy as np

N = 10000
E = 320000
G = 64
D_IN = 128
H = 128


def _gatv2(x, src, dst, Wl, Wr, att, b):
    # GATv2Conv (single head, PyG semantics): message from src j to dst i
    xl = x @ Wl  # lin_l, applied to source/messages
    xr = x @ Wr  # lin_r, applied to target
    e = jax.nn.leaky_relu(xl[src] + xr[dst], negative_slope=0.2) @ att  # [E]
    emax = jax.ops.segment_max(e, dst, num_segments=N)
    emax = jnp.where(jnp.isfinite(emax), emax, 0.0)
    ex = jnp.exp(e - emax[dst])
    denom = jax.ops.segment_sum(ex, dst, num_segments=N)
    alpha = ex / (denom[dst] + 1e-16)
    out = jax.ops.segment_sum(alpha[:, None] * xl[src], dst, num_segments=N)
    return out + b


def setup_inputs(seed: int = 0):
    key = jax.random.key(seed)
    ks = jax.random.split(key, 24)

    def glorot(k, shape):
        fan_in = shape[0]
        return jax.random.normal(k, shape, dtype=jnp.float32) / np.sqrt(fan_in)

    inp = {
        "x": jax.random.normal(ks[0], (N, D_IN), dtype=jnp.float32),
        "edge_index": jax.random.randint(ks[1], (2, E), 0, N, dtype=jnp.int32),
        "batch": jnp.sort(jax.random.randint(ks[2], (N,), 0, G, dtype=jnp.int32)),
        "Wl1": glorot(ks[3], (D_IN, H)), "Wr1": glorot(ks[4], (D_IN, H)),
        "att1": glorot(ks[5], (H,)), "b1": jnp.zeros((H,), jnp.float32),
        "Wl2": glorot(ks[6], (H, H)), "Wr2": glorot(ks[7], (H, H)),
        "att2": glorot(ks[8], (H,)), "b2": jnp.zeros((H,), jnp.float32),
        "Wl3": glorot(ks[9], (H, H)), "Wr3": glorot(ks[10], (H, H)),
        "att3": glorot(ks[11], (H,)), "b3": jnp.zeros((H,), jnp.float32),
        "Wm1": glorot(ks[12], (H, 128)), "bm1": jnp.zeros((128,), jnp.float32),
        "Wm2": glorot(ks[13], (128, 64)), "bm2": jnp.zeros((64,), jnp.float32),
        "Wm3": glorot(ks[14], (64, 2)), "bm3": jnp.zeros((2,), jnp.float32),
    }
    return inp


def reference(x, edge_index, batch, Wl1, Wr1, att1, b1, Wl2, Wr2, att2, b2,
              Wl3, Wr3, att3, b3, Wm1, bm1, Wm2, bm2, Wm3, bm3):
    src, dst = edge_index[0], edge_index[1]
    h = jax.nn.relu(_gatv2(x, src, dst, Wl1, Wr1, att1, b1))
    h = jax.nn.relu(_gatv2(h, src, dst, Wl2, Wr2, att2, b2))
    h = _gatv2(h, src, dst, Wl3, Wr3, att3, b3)
    sums = jax.ops.segment_sum(h, batch, num_segments=G)
    cnt = jax.ops.segment_sum(jnp.ones((N,), jnp.float32), batch, num_segments=G)
    pooled = sums / jnp.maximum(cnt, 1.0)[:, None]
    # dropout p=0.5 is identity at inference (training=False)
    z = jax.nn.sigmoid(pooled @ Wm1 + bm1)
    z = jax.nn.sigmoid(z @ Wm2 + bm2)
    return z @ Wm3 + bm3

if __name__ == "__main__":
    import jax
    _d = setup_inputs()
    print(jax.jit(kernel)(*tuple(_d.values())))

</pallas_src>

<mosaic_0001>
#map = affine_map<(d0, d1) -> (0, 0)>
#map1 = affine_map<(d0, d1) -> (0, 0, 0)>
#map2 = affine_map<(d0, d1) -> (0)>
module attributes {stable_mosaic.version = 14 : i64} {
  func.func @_edge_body(%arg0: i32, %arg1: i32, %arg2: memref<10000x144xf32, #tpu.memory_space<hbm>>, %arg3: memref<10000x128xf32, #tpu.memory_space<hbm>>, %arg4: memref<32x125x80xi32, #tpu.memory_space<hbm>>, %arg5: memref<32x125x80xi32, #tpu.memory_space<hbm>>, %arg6: memref<128xf32, #tpu.memory_space<hbm>>, %arg7: memref<10000x144xf32, #tpu.memory_space<hbm>>, %arg8: memref<2x10000x144xf32, #tpu.memory_space<hbm>>, %arg9: memref<128xf32, #tpu.memory_space<vmem>>, %arg10: memref<80xi32, #tpu.memory_space<vmem>>, %arg11: memref<80xi32, #tpu.memory_space<vmem>>, %arg12: memref<80xi32, #tpu.memory_space<vmem>>, %arg13: memref<80xi32, #tpu.memory_space<vmem>>, %arg14: memref<2x40xi32, #tpu.memory_space<vmem>>, %arg15: memref<2x40xi32, #tpu.memory_space<vmem>>, %arg16: memref<80x144xf32, #tpu.memory_space<vmem>>, %arg17: memref<80x144xf32, #tpu.memory_space<vmem>>, %arg18: memref<40x128xf32, #tpu.memory_space<vmem>>, %arg19: memref<40x128xf32, #tpu.memory_space<vmem>>, %arg20: memref<10000x144xf32, #tpu.memory_space<vmem_shared>>, %arg21: memref<!tpu.dma_semaphore, #tpu.memory_space<semaphore_mem>>, %arg22: memref<!tpu.dma_semaphore, #tpu.memory_space<semaphore_mem>>, %arg23: memref<!tpu.dma_semaphore, #tpu.memory_space<semaphore_mem>>, %arg24: memref<!tpu.dma_semaphore, #tpu.memory_space<semaphore_mem>>, %arg25: memref<!tpu.dma_semaphore, #tpu.memory_space<semaphore_mem>>, %arg26: memref<!tpu.dma_semaphore, #tpu.memory_space<semaphore_mem>>, %arg27: memref<!tpu.dma_semaphore, #tpu.memory_space<semaphore_mem>>, %arg28: memref<!tpu.dma_semaphore, #tpu.memory_space<semaphore_mem>>) attributes {dimension_semantics = [#tpu.dimension_semantics<core_parallel>, #tpu.dimension_semantics<subcore_parallel>], iteration_bounds = array<i64: 2, 16>, scalar_prefetch = 0 : i64, scratch_operands = 20 : i64, tpu.core_type = #tpu.core_type<sc_vector_subcore>, window_params = [{transform_indices = #map}, {transform_indices = #map}, {transform_indices = #map1}, {transform_indices = #map1}, {transform_indices = #map2}, {transform_indices = #map}, {transform_indices = #map1}]} {
    %mul3A = arith.constant 16 : i32
    %mul3A_0 = arith.muli %arg0, %mul3A : i32
    %add3A = arith.addi %mul3A_0, %arg1 : i32
    %mul3A_1 = arith.constant 625 : i32
    %mul3A_2 = arith.muli %arg1, %mul3A_1 : i32
    %mul3A_3 = arith.constant 625 : i32
    %mul3A_4 = arith.muli %arg1, %mul3A_3 : i32
    "tpu.region"() ({
      %run_scoped3A = tpu.sem_alloc : memref<!tpu.dma_semaphore, #tpu.memory_space<semaphore_mem>>
      %dma_start3A_202 = arith.constant 0 : i32
      %dma_start3A_203 = tpu.memref_slice %arg20[%mul3A_4, %dma_start3A_202] : memref<10000x144xf32, #tpu.memory_space<vmem_shared>> -> memref<625x144xf32, #tpu.memory_space<vmem_shared>>
      %dma_start3A_204 = arith.constant 0 : i32
      %dma_start3A_205 = tpu.memref_slice %arg7[%mul3A_2, %dma_start3A_204] : memref<10000x144xf32, #tpu.memory_space<hbm>> -> memref<625x144xf32, #tpu.memory_space<hbm>>
      tpu.enqueue_dma source(%dma_start3A_205 : memref<625x144xf32, #tpu.memory_space<hbm>>) target(%dma_start3A_203 : memref<625x144xf32, #tpu.memory_space<vmem_shared>>) target_semaphore(%run_scoped3A : memref<!tpu.dma_semaphore, #tpu.memory_space<semaphore_mem>>)
      %dma_wait3A_206 = arith.constant 0 : i32
      %dma_wait3A_207 = tpu.memref_slice %arg20[%mul3A_4, %dma_wait3A_206] : memref<10000x144xf32, #tpu.memory_space<vmem_shared>> -> memref<625x144xf32, #tpu.memory_space<vmem_shared>>
      %dma_wait3A_208 = arith.constant 0 : i32
      %dma_wait3A_209 = tpu.memref_slice %arg7[%mul3A_2, %dma_wait3A_208] : memref<10000x144xf32, #tpu.memory_space<hbm>> -> memref<625x144xf32, #tpu.memory_space<hbm>>
      tpu.wait_dma2 semaphore(%run_scoped3A : memref<!tpu.dma_semaphore, #tpu.memory_space<semaphore_mem>>) src(%dma_wait3A_209 : memref<625x144xf32, #tpu.memory_space<hbm>>) dst(%dma_wait3A_207 : memref<625x144xf32, #tpu.memory_space<vmem_shared>>)
      tpu.yield
    }) : () -> ()
    "tpu.region"() ({
      %run_scoped3A = tpu.sem_alloc : memref<!tpu.dma_semaphore, #tpu.memory_space<semaphore_mem>>
      tpu.enqueue_dma source(%arg6 : memref<128xf32, #tpu.memory_space<hbm>>) target(%arg9 : memref<128xf32, #tpu.memory_space<vmem>>) target_semaphore(%run_scoped3A : memref<!tpu.dma_semaphore, #tpu.memory_space<semaphore_mem>>)
      tpu.wait_dma2 semaphore(%run_scoped3A : memref<!tpu.dma_semaphore, #tpu.memory_space<semaphore_mem>>) src(%arg6 : memref<128xf32, #tpu.memory_space<hbm>>) dst(%arg9 : memref<128xf32, #tpu.memory_space<vmem>>)
      tpu.yield
    }) : () -> ()
    %barrier3A = arith.constant 0 : index
    tpu.barrier barrier_id(%barrier3A)
    %get3A = arith.constant 0 : index
    %get3A_5 = tpu.vector_load %arg9[%get3A] {strides = array<i32>} : memref<128xf32, #tpu.memory_space<vmem>>, vector<16xf32>,
    %get3A_6 = arith.constant 16 : index
    %get3A_7 = tpu.vector_load %arg9[%get3A_6] {strides = array<i32>} : memref<128xf32, #tpu.memory_space<vmem>>, vector<16xf32>,
    %get3A_8 = arith.constant 32 : index
    %get3A_9 = tpu.vector_load %arg9[%get3A_8] {strides = array<i32>} : memref<128xf32, #tpu.memory_space<vmem>>, vector<16xf32>,
    %get3A_10 = arith.constant 48 : index
    %get3A_11 = tpu.vector_load %arg9[%get3A_10] {strides = array<i32>} : memref<128xf32, #tpu.memory_space<vmem>>, vector<16xf32>,
    %get3A_12 = arith.constant 64 : index
    %get3A_13 = tpu.vector_load %arg9[%get3A_12] {strides = array<i32>} : memref<128xf32, #tpu.memory_space<vmem>>, vector<16xf32>,
    %get3A_14 = arith.constant 80 : index
    %get3A_15 = tpu.vector_load %arg9[%get3A_14] {strides = array<i32>} : memref<128xf32, #tpu.memory_space<vmem>>, vector<16xf32>,
    %get3A_16 = arith.constant 96 : index
    %get3A_17 = tpu.vector_load %arg9[%get3A_16] {strides = array<i32>} : memref<128xf32, #tpu.memory_space<vmem>>, vector<16xf32>,
    %get3A_18 = arith.constant 112 : index
    %get3A_19 = tpu.vector_load %arg9[%get3A_18] {strides = array<i32>} : memref<128xf32, #tpu.memory_space<vmem>>, vector<16xf32>,
    %dma_start3A = arith.constant 0 : i32
    %dma_start3A_20 = arith.constant 0 : i32
    %dma_start3A_21 = tpu.memref_slice %arg4[%add3A, %dma_start3A, %dma_start3A_20] : memref<32x125x80xi32, #tpu.memory_space<hbm>> -> memref<1x1x80xi32, #tpu.memory_space<hbm>>
    %dma_start3A_22 = tpu.memref_squeeze %dma_start3A_21 : memref<1x1x80xi32, #tpu.memory_space<hbm>> -> memref<80xi32, #tpu.memory_space<hbm>>
    %dma_start3A_23 = arith.constant 0 : i32
    %dma_start3A_24 = tpu.memref_slice %arg4[%add3A, %dma_start3A, %dma_start3A_23] : memref<32x125x80xi32, #tpu.memory_space<hbm>> -> memref<1x1x80xi32, #tpu.memory_space<hbm>>
    %dma_start3A_25 = tpu.memref_squeeze %dma_start3A_24 : memref<1x1x80xi32, #tpu.memory_space<hbm>> -> memref<80xi32, #tpu.memory_space<hbm>>
    tpu.enqueue_dma source(%dma_start3A_25 : memref<80xi32, #tpu.memory_space<hbm>>) target(%arg10 : memref<80xi32, #tpu.memory_space<vmem>>) target_semaphore(%arg21 : memref<!tpu.dma_semaphore, #tpu.memory_space<semaphore_mem>>)
    %dma_start3A_26 = arith.constant 0 : i32
    %dma_start3A_27 = arith.constant 0 : i32
    %dma_start3A_28 = tpu.memref_slice %arg5[%add3A, %dma_start3A_26, %dma_start3A_27] : memref<32x125x80xi32, #tpu.memory_space<hbm>> -> memref<1x1x80xi32, #tpu.memory_space<hbm>>
    %dma_start3A_29 = tpu.memref_squeeze %dma_start3A_28 : memref<1x1x80xi32, #tpu.memory_space<hbm>> -> memref<80xi32, #tpu.memory_space<hbm>>
    %dma_start3A_30 = arith.constant 0 : i32
    %dma_start3A_31 = tpu.memref_slice %arg5[%add3A, %dma_start3A_26, %dma_start3A_30] : memref<32x125x80xi32, #tpu.memory_space<hbm>> -> memref<1x1x80xi32, #tpu.memory_space<hbm>>
    %dma_start3A_32 = tpu.memref_squeeze %dma_start3A_31 : memref<1x1x80xi32, #tpu.memory_space<hbm>> -> memref<80xi32, #tpu.memory_space<hbm>>
    tpu.enqueue_dma source(%dma_start3A_32 : memref<80xi32, #tpu.memory_space<hbm>>) target(%arg12 : memref<80xi32, #tpu.memory_space<vmem>>) target_semaphore(%arg21 : memref<!tpu.dma_semaphore, #tpu.memory_space<semaphore_mem>>)
    %dma_start3A_33 = arith.constant 1 : i32
    %dma_start3A_34 = arith.constant 0 : i32
    %dma_start3A_35 = tpu.memref_slice %arg4[%add3A, %dma_start3A_33, %dma_start3A_34] : memref<32x125x80xi32, #tpu.memory_space<hbm>> -> memref<1x1x80xi32, #tpu.memory_space<hbm>>
    %dma_start3A_36 = tpu.memref_squeeze %dma_start3A_35 : memref<1x1x80xi32, #tpu.memory_space<hbm>> -> memref<80xi32, #tpu.memory_space<hbm>>
    %dma_start3A_37 = arith.constant 0 : i32
    %dma_start3A_38 = tpu.memref_slice %arg4[%add3A, %dma_start3A_33, %dma_start3A_37] : memref<32x125x80xi32, #tpu.memory_space<hbm>> -> memref<1x1x80xi32, #tpu.memory_space<hbm>>
    %dma_start3A_39 = tpu.memref_squeeze %dma_start3A_38 : memref<1x1x80xi32, #tpu.memory_space<hbm>> -> memref<80xi32, #tpu.memory_space<hbm>>
    tpu.enqueue_dma source(%dma_start3A_39 : memref<80xi32, #tpu.memory_space<hbm>>) target(%arg11 : memref<80xi32, #tpu.memory_space<vmem>>) target_semaphore(%arg22 : memref<!tpu.dma_semaphore, #tpu.memory_space<semaphore_mem>>)
    %dma_start3A_40 = arith.constant 1 : i32
    %dma_start3A_41 = arith.constant 0 : i32
    %dma_start3A_42 = tpu.memref_slice %arg5[%add3A, %dma_start3A_40, %dma_start3A_41] : memref<32x125x80xi32, #tpu.memory_space<hbm>> -> memref<1x1x80xi32, #tpu.memory_space<hbm>>
    %dma_start3A_43 = tpu.memref_squeeze %dma_start3A_42 : memref<1x1x80xi32, #tpu.memory_space<hbm>> -> memref<80xi32, #tpu.memory_space<hbm>>
    %dma_start3A_44 = arith.constant 0 : i32
    %dma_start3A_45 = tpu.memref_slice %arg5[%add3A, %dma_start3A_40, %dma_start3A_44] : memref<32x125x80xi32, #tpu.memory_space<hbm>> -> memref<1x1x80xi32, #tpu.memory_space<hbm>>
    %dma_start3A_46 = tpu.memref_squeeze %dma_start3A_45 : memref<1x1x80xi32, #tpu.memory_space<hbm>> -> memref<80xi32, #tpu.memory_space<hbm>>
    tpu.enqueue_dma source(%dma_start3A_46 : memref<80xi32, #tpu.memory_space<hbm>>) target(%arg13 : memref<80xi32, #tpu.memory_space<vmem>>) target_semaphore(%arg22 : memref<!tpu.dma_semaphore, #tpu.memory_space<semaphore_mem>>)
    %dma_wait3A = arith.constant 0 : i32
    %dma_wait3A_47 = arith.constant 0 : i32
    %dma_wait3A_48 = tpu.memref_slice %arg4[%add3A, %dma_wait3A, %dma_wait3A_47] : memref<32x125x80xi32, #tpu.memory_space<hbm>> -> memref<1x1x80xi32, #tpu.memory_space<hbm>>
    %dma_wait3A_49 = tpu.memref_squeeze %dma_wait3A_48 : memref<1x1x80xi32, #tpu.memory_space<hbm>> -> memref<80xi32, #tpu.memory_space<hbm>>
    %dma_wait3A_50 = arith.constant 0 : i32
    %dma_wait3A_51 = tpu.memref_slice %arg4[%add3A, %dma_wait3A, %dma_wait3A_50] : memref<32x125x80xi32, #tpu.memory_space<hbm>> -> memref<1x1x80xi32, #tpu.memory_space<hbm>>
    %dma_wait3A_52 = tpu.memref_squeeze %dma_wait3A_51 : memref<1x1x80xi32, #tpu.memory_space<hbm>> -> memref<80xi32, #tpu.memory_space<hbm>>
    tpu.wait_dma2 semaphore(%arg21 : memref<!tpu.dma_semaphore, #tpu.memory_space<semaphore_mem>>) src(%dma_wait3A_52 : memref<80xi32, #tpu.memory_space<hbm>>) dst(%arg10 : memref<80xi32, #tpu.memory_space<vmem>>)
    %dma_wait3A_53 = arith.constant 0 : i32
    %dma_wait3A_54 = arith.constant 0 : i32
    %dma_wait3A_55 = tpu.memref_slice %arg5[%add3A, %dma_wait3A_53, %dma_wait3A_54] : memref<32x125x80xi32, #tpu.memory_space<hbm>> -> memref<1x1x80xi32, #tpu.memory_space<hbm>>
    %dma_wait3A_56 = tpu.memref_squeeze %dma_wait3A_55 : memref<1x1x80xi32, #tpu.memory_space<hbm>> -> memref<80xi32, #tpu.memory_space<hbm>>
    %dma_wait3A_57 = arith.constant 0 : i32
    %dma_wait3A_58 = tpu.memref_slice %arg5[%add3A, %dma_wait3A_53, %dma_wait3A_57] : memref<32x125x80xi32, #tpu.memory_space<hbm>> -> memref<1x1x80xi32, #tpu.memory_space<hbm>>
    %dma_wait3A_59 = tpu.memref_squeeze %dma_wait3A_58 : memref<1x1x80xi32, #tpu.memory_space<hbm>> -> memref<80xi32, #tpu.memory_space<hbm>>
    tpu.wait_dma2 semaphore(%arg21 : memref<!tpu.dma_semaphore, #tpu.memory_space<semaphore_mem>>) src(%dma_wait3A_59 : memref<80xi32, #tpu.memory_space<hbm>>) dst(%arg12 : memref<80xi32, #tpu.memory_space<vmem>>)
    %dma_start3A_60 = arith.constant 0 : i32
    %dma_start3A_61 = arith.constant 0 : i32
    %dma_start3A_62 = tpu.memref_slice %arg2[%dma_start3A_60, %dma_start3A_61] : memref<10000x144xf32, #tpu.memory_space<hbm>> -> memref<10000x144xf32, #tpu.memory_space<hbm>>
    tpu.enqueue_indirect_dma source(%dma_start3A_62 : memref<10000x144xf32, #tpu.memory_space<hbm>>) target(%arg16 : memref<80x144xf32, #tpu.memory_space<vmem>>) offsets(%arg10 : memref<80xi32, #tpu.memory_space<vmem>>) semaphore(%arg23 : memref<!tpu.dma_semaphore, #tpu.memory_space<semaphore_mem>>)
    %dma_start3A_63 = arith.constant 0 : i32
    %dma_start3A_64 = tpu.memref_slice %arg12[%dma_start3A_63] : memref<80xi32, #tpu.memory_space<vmem>> -> memref<40xi32, #tpu.memory_space<vmem>>
    %dma_start3A_65 = arith.constant 0 : i32
    %dma_start3A_66 = arith.constant 0 : i32
    %dma_start3A_67 = tpu.memref_slice %arg3[%dma_start3A_65, %dma_start3A_66] : memref<10000x128xf32, #tpu.memory_space<hbm>> -> memref<10000x128xf32, #tpu.memory_space<hbm>>
    tpu.enqueue_indirect_dma source(%dma_start3A_67 : memref<10000x128xf32, #tpu.memory_space<hbm>>) target(%arg18 : memref<40x128xf32, #tpu.memory_space<vmem>>) offsets(%dma_start3A_64 : memref<40xi32, #tpu.memory_space<vmem>>) semaphore(%arg25 : memref<!tpu.dma_semaphore, #tpu.memory_space<semaphore_mem>>)
    %dma_start3A_68 = arith.constant 40 : i32
    %dma_start3A_69 = tpu.memref_slice %arg12[%dma_start3A_68] : memref<80xi32, #tpu.memory_space<vmem>> -> memref<40xi32, #tpu.memory_space<vmem>>
    %dma_start3A_70 = arith.constant 0 : i32
    %dma_start3A_71 = arith.constant 0 : i32
    %dma_start3A_72 = tpu.memref_slice %arg3[%dma_start3A_70, %dma_start3A_71] : memref<10000x128xf32, #tpu.memory_space<hbm>> -> memref<10000x128xf32, #tpu.memory_space<hbm>>
    tpu.enqueue_indirect_dma source(%dma_start3A_72 : memref<10000x128xf32, #tpu.memory_space<hbm>>) target(%arg19 : memref<40x128xf32, #tpu.memory_space<vmem>>) offsets(%dma_start3A_69 : memref<40xi32, #tpu.memory_space<vmem>>) semaphore(%arg26 : memref<!tpu.dma_semaphore, #tpu.memory_space<semaphore_mem>>)
    %scan3A = arith.constant 0 : i32
    %scan3A_73 = arith.constant 62 : i32
    %scan3A_74 = arith.addi %scan3A, %scan3A_73 : i32
    %scan3A_75 = arith.constant 1 : i32
    scf.for %scan3A_202 = %scan3A to %scan3A_74 step %scan3A_75  : i32 {
      %mul3A_203 = arith.constant 2 : i32
      %mul3A_204 = arith.muli %scan3A_202, %mul3A_203 : i32
      %add3A_205 = arith.constant 0 : i32
      %add3A_206 = arith.addi %add3A_205, %mul3A_204 : i32
      %dma_wait3A_207 = arith.constant 0 : i32
      %dma_wait3A_208 = arith.constant 0 : i32
      %dma_wait3A_209 = tpu.memref_slice %arg4[%add3A, %dma_wait3A_207, %dma_wait3A_208] : memref<32x125x80xi32, #tpu.memory_space<hbm>> -> memref<1x1x80xi32, #tpu.memory_space<hbm>>
      %dma_wait3A_210 = tpu.memref_squeeze %dma_wait3A_209 : memref<1x1x80xi32, #tpu.memory_space<hbm>> -> memref<80xi32, #tpu.memory_space<hbm>>
      %dma_wait3A_211 = arith.constant 0 : i32
      %dma_wait3A_212 = tpu.memref_slice %arg4[%add3A, %dma_wait3A_207, %dma_wait3A_211] : memref<32x125x80xi32, #tpu.memory_space<hbm>> -> memref<1x1x80xi32, #tpu.memory_space<hbm>>
      %dma_wait3A_213 = tpu.memref_squeeze %dma_wait3A_212 : memref<1x1x80xi32, #tpu.memory_space<hbm>> -> memref<80xi32, #tpu.memory_space<hbm>>
      tpu.wait_dma2 semaphore(%arg22 : memref<!tpu.dma_semaphore, #tpu.memory_space<semaphore_mem>>) src(%dma_wait3A_213 : memref<80xi32, #tpu.memory_space<hbm>>) dst(%arg11 : memref<80xi32, #tpu.memory_space<vmem>>)
      %dma_wait3A_214 = arith.constant 0 : i32
      %dma_wait3A_215 = arith.constant 0 : i32
      %dma_wait3A_216 = tpu.memref_slice %arg5[%add3A, %dma_wait3A_214, %dma_wait3A_215] : memref<32x125x80xi32, #tpu.memory_space<hbm>> -> memref<1x1x80xi32, #tpu.memory_space<hbm>>
      %dma_wait3A_217 = tpu.memref_squeeze %dma_wait3A_216 : memref<1x1x80xi32, #tpu.memory_space<hbm>> -> memref<80xi32, #tpu.memory_space<hbm>>
      %dma_wait3A_218 = arith.constant 0 : i32
      %dma_wait3A_219 = tpu.memref_slice %arg5[%add3A, %dma_wait3A_214, %dma_wait3A_218] : memref<32x125x80xi32, #tpu.memory_space<hbm>> -> memref<1x1x80xi32, #tpu.memory_space<hbm>>
      %dma_wait3A_220 = tpu.memref_squeeze %dma_wait3A_219 : memref<1x1x80xi32, #tpu.memory_space<hbm>> -> memref<80xi32, #tpu.memory_space<hbm>>
      tpu.wait_dma2 semaphore(%arg22 : memref<!tpu.dma_semaphore, #tpu.memory_space<semaphore_mem>>) src(%dma_wait3A_220 : memref<80xi32, #tpu.memory_space<hbm>>) dst(%arg13 : memref<80xi32, #tpu.memory_space<vmem>>)
      %ge3A = arith.constant 1 : i32
      %ge3A_221 = arith.cmpi sge, %add3A_206, %ge3A : i32
      %convert_element_type3A = arith.extui %ge3A_221 : i1 to i32
      %cond3A = arith.constant 0 : i32
      %cond3A_222 = arith.cmpi ne, %convert_element_type3A, %cond3A : i32
      scf.if %cond3A_222 {
        %dma_wait3A_441 = arith.constant 0 : i32
        %dma_wait3A_442 = arith.constant 0 : i32
        %dma_wait3A_443 = arith.constant 0 : i32
        %dma_wait3A_444 = tpu.memref_slice %arg17[%dma_wait3A_442, %dma_wait3A_443] : memref<80x144xf32, #tpu.memory_space<vmem>> -> memref<40x144xf32, #tpu.memory_space<vmem>>
        %dma_wait3A_445 = arith.constant 0 : i32
        %dma_wait3A_446 = tpu.memref_slice %arg15[%dma_wait3A_441, %dma_wait3A_445] : memref<2x40xi32, #tpu.memory_space<vmem>> -> memref<1x40xi32, #tpu.memory_space<vmem>>
        %dma_wait3A_447 = tpu.memref_squeeze %dma_wait3A_446 : memref<1x40xi32, #tpu.memory_space<vmem>> -> memref<40xi32, #tpu.memory_space<vmem>>
        %dma_wait3A_448 = arith.constant 0 : i32
        %dma_wait3A_449 = arith.constant 0 : i32
        %dma_wait3A_450 = tpu.memref_slice %arg20[%dma_wait3A_448, %dma_wait3A_449] : memref<10000x144xf32, #tpu.memory_space<vmem_shared>> -> memref<10000x144xf32, #tpu.memory_space<vmem_shared>>
        tpu.wait_indirect_dma semaphore(%arg28 : memref<!tpu.dma_semaphore, #tpu.memory_space<semaphore_mem>>) src(%dma_wait3A_444 : memref<40x144xf32, #tpu.memory_space<vmem>>) dst(%dma_wait3A_450 : memref<10000x144xf32, #tpu.memory_space<vmem_shared>>)
        %dma_wait3A_451 = arith.constant 1 : i32
        %dma_wait3A_452 = arith.constant 40 : i32
        %dma_wait3A_453 = arith.constant 0 : i32
        %dma_wait3A_454 = tpu.memref_slice %arg17[%dma_wait3A_452, %dma_wait3A_453] : memref<80x144xf32, #tpu.memory_space<vmem>> -> memref<40x144xf32, #tpu.memory_space<vmem>>
        %dma_wait3A_455 = arith.constant 0 : i32
        %dma_wait3A_456 = tpu.memref_slice %arg15[%dma_wait3A_451, %dma_wait3A_455] : memref<2x40xi32, #tpu.memory_space<vmem>> -> memref<1x40xi32, #tpu.memory_space<vmem>>
        %dma_wait3A_457 = tpu.memref_squeeze %dma_wait3A_456 : memref<1x40xi32, #tpu.memory_space<vmem>> -> memref<40xi32, #tpu.memory_space<vmem>>
        %dma_wait3A_458 = arith.constant 0 : i32
        %dma_wait3A_459 = arith.constant 0 : i32
        %dma_wait3A_460 = tpu.memref_slice %arg20[%dma_wait3A_458, %dma_wait3A_459] : memref<10000x144xf32, #tpu.memory_space<vmem_shared>> -> memref<10000x144xf32, #tpu.memory_space<vmem_shared>>
        tpu.wait_indirect_dma semaphore(%arg28 : memref<!tpu.dma_semaphore, #tpu.memory_space<semaphore_mem>>) src(%dma_wait3A_454 : memref<40x144xf32, #tpu.memory_space<vmem>>) dst(%dma_wait3A_460 : memref<10000x144xf32, #tpu.memory_space<vmem_shared>>)
      } else {
      }
      %dma_start3A_223 = arith.constant 0 : i32
      %dma_start3A_224 = arith.constant 0 : i32
      %dma_start3A_225 = tpu.memref_slice %arg2[%dma_start3A_223, %dma_start3A_224] : memref<10000x144xf32, #tpu.memory_space<hbm>> -> memref<10000x144xf32, #tpu.memory_space<hbm>>
      tpu.enqueue_indirect_dma source(%dma_start3A_225 : memref<10000x144xf32, #tpu.memory_space<hbm>>) target(%arg17 : memref<80x144xf32, #tpu.memory_space<vmem>>) offsets(%arg11 : memref<80xi32, #tpu.memory_space<vmem>>) semaphore(%arg24 : memref<!tpu.dma_semaphore, #tpu.memory_space<semaphore_mem>>)
      %dma_wait3A_226 = arith.constant 0 : i32
      %dma_wait3A_227 = arith.constant 0 : i32
      %dma_wait3A_228 = tpu.memref_slice %arg2[%dma_wait3A_226, %dma_wait3A_227] : memref<10000x144xf32, #tpu.memory_space<hbm>> -> memref<10000x144xf32, #tpu.memory_space<hbm>>
      tpu.wait_indirect_dma semaphore(%arg23 : memref<!tpu.dma_semaphore, #tpu.memory_space<semaphore_mem>>) src(%dma_wait3A_228 : memref<10000x144xf32, #tpu.memory_space<hbm>>) dst(%arg16 : memref<80x144xf32, #tpu.memory_space<vmem>>)
      %get3A_229 = arith.constant 0 : index
      %get3A_230 = tpu.vector_load %arg12[%get3A_229] {strides = array<i32>} : memref<80xi32, #tpu.memory_space<vmem>>, vector<16xi32>,
      %swap3A_231 = arith.constant 0 : i32
      %swap3A_232 = arith.index_cast %swap3A_231 : i32 to index
      %swap3A_233 = arith.constant 0 : index
      %swap3A_234 = tpu.vector_load %arg14[%swap3A_232, %swap3A_233] {strides = array<i32>} : memref<2x40xi32, #tpu.memory_space<vmem>>, vector<16xi32>,
      tpu.vector_store %arg14[%swap3A_232, %swap3A_233], %get3A_230 {strides = array<i32>} : memref<2x40xi32, #tpu.memory_space<vmem>>, vector<16xi32>,
      %get3A_235 = arith.constant 16 : index
      %get3A_236 = tpu.vector_load %arg12[%get3A_235] {strides = array<i32>} : memref<80xi32, #tpu.memory_space<vmem>>, vector<16xi32>,
      %swap3A_237 = arith.constant 0 : i32
      %swap3A_238 = arith.index_cast %swap3A_237 : i32 to index
      %swap3A_239 = arith.constant 16 : index
      %swap3A_240 = tpu.vector_load %arg14[%swap3A_238, %swap3A_239] {strides = array<i32>} : memref<2x40xi32, #tpu.memory_space<vmem>>, vector<16xi32>,
      tpu.vector_store %arg14[%swap3A_238, %swap3A_239], %get3A_236 {strides = array<i32>} : memref<2x40xi32, #tpu.memory_space<vmem>>, vector<16xi32>,
      %get3A_241 = arith.constant 24 : index
      %get3A_242 = tpu.vector_load %arg12[%get3A_241] {strides = array<i32>} : memref<80xi32, #tpu.memory_space<vmem>>, vector<16xi32>,
      %swap3A_243 = arith.constant 0 : i32
      %swap3A_244 = arith.index_cast %swap3A_243 : i32 to index
      %swap3A_245 = arith.constant 24 : index
      %swap3A_246 = tpu.vector_load %arg14[%swap3A_244, %swap3A_245] {strides = array<i32>} : memref<2x40xi32, #tpu.memory_space<vmem>>, vector<16xi32>,
      tpu.vector_store %arg14[%swap3A_244, %swap3A_245], %get3A_242 {strides = array<i32>} : memref<2x40xi32, #tpu.memory_space<vmem>>, vector<16xi32>,
      %get3A_247 = arith.constant 40 : index
      %get3A_248 = tpu.vector_load %arg12[%get3A_247] {strides = array<i32>} : memref<80xi32, #tpu.memory_space<vmem>>, vector<16xi32>,
      %swap3A_249 = arith.constant 1 : i32
      %swap3A_250 = arith.index_cast %swap3A_249 : i32 to index
      %swap3A_251 = arith.constant 0 : index
      %swap3A_252 = tpu.vector_load %arg14[%swap3A_250, %swap3A_251] {strides = array<i32>} : memref<2x40xi32, #tpu.memory_space<vmem>>, vector<16xi32>,
      tpu.vector_store %arg14[%swap3A_250, %swap3A_251], %get3A_248 {strides = array<i32>} : memref<2x40xi32, #tpu.memory_space<vmem>>, vector<16xi32>,
      %get3A_253 = arith.constant 56 : index
      %get3A_254 = tpu.vector_load %arg12[%get3A_253] {strides = array<i32>} : memref<80xi32, #tpu.memory_space<vmem>>, vector<16xi32>,
      %swap3A_255 = arith.constant 1 : i32
      %swap3A_256 = arith.index_cast %swap3A_255 : i32 to index
      %swap3A_257 = arith.constant 16 : index
      %swap3A_258 = tpu.vector_load %arg14[%swap3A_256, %swap3A_257] {strides = array<i32>} : memref<2x40xi32, #tpu.memory_space<vmem>>, vector<16xi32>,
      tpu.vector_store %arg14[%swap3A_256, %swap3A_257], %get3A_254 {strides = array<i32>} : memref<2x40xi32, #tpu.memory_space<vmem>>, vector<16xi32>,
      %get3A_259 = arith.constant 64 : index
      %get3A_260 = tpu.vector_load %arg12[%get3A_259] {strides = array<i32>} : memref<80xi32, #tpu.memory_space<vmem>>, vector<16xi32>,
      %swap3A_261 = arith.constant 1 : i32
      %swap3A_262 = arith.index_cast %swap3A_261 : i32 to index
      %swap3A_263 = arith.constant 24 : index
      %swap3A_264 = tpu.vector_load %arg14[%swap3A_262, %swap3A_263] {strides = array<i32>} : memref<2x40xi32, #tpu.memory_space<vmem>>, vector<16xi32>,
      tpu.vector_store %arg14[%swap3A_262, %swap3A_263], %get3A_260 {strides = array<i32>} : memref<2x40xi32, #tpu.memory_space<vmem>>, vector<16xi32>,
      %dma_wait3A_265 = arith.constant 0 : i32
      %dma_wait3A_266 = tpu.memref_slice %arg12[%dma_wait3A_265] : memref<80xi32, #tpu.memory_space<vmem>> -> memref<40xi32, #tpu.memory_space<vmem>>
      %dma_wait3A_267 = arith.constant 0 : i32
      %dma_wait3A_268 = arith.constant 0 : i32
      %dma_wait3A_269 = tpu.memref_slice %arg3[%dma_wait3A_267, %dma_wait3A_268] : memref<10000x128xf32, #tpu.memory_space<hbm>> -> memref<10000x128xf32, #tpu.memory_space<hbm>>
      tpu.wait_indirect_dma semaphore(%arg25 : memref<!tpu.dma_semaphore, #tpu.memory_space<semaphore_mem>>) src(%dma_wait3A_269 : memref<10000x128xf32, #tpu.memory_space<hbm>>) dst(%arg18 : memref<40x128xf32, #tpu.memory_space<vmem>>)
      %scan3A_270 = arith.constant 0 : i32
      %scan3A_271 = arith.constant 0 : i32
      %scan3A_272 = arith.constant 40 : i32
      %scan3A_273 = arith.addi %scan3A_271, %scan3A_272 : i32
      %scan3A_274 = arith.constant 2 : i32
      scf.for %scan3A_441 = %scan3A_271 to %scan3A_273 step %scan3A_274  : i32 {
        %get3A_442 = arith.index_cast %scan3A_441 : i32 to index
        %get3A_443 = arith.constant 0 : index
        %get3A_444 = tpu.vector_load %arg16[%get3A_442, %get3A_443] {strides = array<i32>} : memref<80x144xf32, #tpu.memory_space<vmem>>, vector<16xf32>,
        %get3A_445 = arith.index_cast %scan3A_441 : i32 to index
        %get3A_446 = arith.constant 16 : index
        %get3A_447 = tpu.vector_load %arg16[%get3A_445, %get3A_446] {strides = array<i32>} : memref<80x144xf32, #tpu.memory_space<vmem>>, vector<16xf32>,
        %get3A_448 = arith.index_cast %scan3A_441 : i32 to index
        %get3A_449 = arith.constant 32 : index
        %get3A_450 = tpu.vector_load %arg16[%get3A_448, %get3A_449] {strides = array<i32>} : memref<80x144xf32, #tpu.memory_space<vmem>>, vector<16xf32>,
        %get3A_451 = arith.index_cast %scan3A_441 : i32 to index
        %get3A_452 = arith.constant 48 : index
        %get3A_453 = tpu.vector_load %arg16[%get3A_451, %get3A_452] {strides = array<i32>} : memref<80x144xf32, #tpu.memory_space<vmem>>, vector<16xf32>,
        %get3A_454 = arith.index_cast %scan3A_441 : i32 to index
        %get3A_455 = arith.constant 64 : index
        %get3A_456 = tpu.vector_load %arg16[%get3A_454, %get3A_455] {strides = array<i32>} : memref<80x144xf32, #tpu.memory_space<vmem>>, vector<16xf32>,
        %get3A_457 = arith.index_cast %scan3A_441 : i32 to index
        %get3A_458 = arith.constant 80 : index
        %get3A_459 = tpu.vector_load %arg16[%get3A_457, %get3A_458] {strides = array<i32>} : memref<80x144xf32, #tpu.memory_space<vmem>>, vector<16xf32>,
        %get3A_460 = arith.index_cast %scan3A_441 : i32 to index
        %get3A_461 = arith.constant 96 : index
        %get3A_462 = tpu.vector_load %arg16[%get3A_460, %get3A_461] {strides = array<i32>} : memref<80x144xf32, #tpu.memory_space<vmem>>, vector<16xf32>,
        %get3A_463 = arith.index_cast %scan3A_441 : i32 to index
        %get3A_464 = arith.constant 112 : index
        %get3A_465 = tpu.vector_load %arg16[%get3A_463, %get3A_464] {strides = array<i32>} : memref<80x144xf32, #tpu.memory_space<vmem>>, vector<16xf32>,
        %sub3A = arith.constant 0 : i32
        %sub3A_466 = arith.subi %scan3A_441, %sub3A : i32
        %get3A_467 = arith.index_cast %sub3A_466 : i32 to index
        %get3A_468 = arith.constant 0 : index
        %get3A_469 = tpu.vector_load %arg18[%get3A_467, %get3A_468] {strides = array<i32>} : memref<40x128xf32, #tpu.memory_space<vmem>>, vector<16xf32>,
        %add3A_470 = arith.addf %get3A_444, %get3A_469 : vector<16xf32>
        %mul3A_471 = arith.constant 2.000000e-01 : f32
        %mul3A_472 = vector.broadcast %mul3A_471 : f32 to vector<16xf32>
        %mul3A_473 = arith.mulf %mul3A_472, %add3A_470 : vector<16xf32>
        %max3A = arith.maximumf %add3A_470, %mul3A_473 : vector<16xf32>
        %mul3A_474 = arith.mulf %get3A_5, %max3A : vector<16xf32>
        %get3A_475 = arith.index_cast %sub3A_466 : i32 to index
        %get3A_476 = arith.constant 16 : index
        %get3A_477 = tpu.vector_load %arg18[%get3A_475, %get3A_476] {strides = array<i32>} : memref<40x128xf32, #tpu.memory_space<vmem>>, vector<16xf32>,
        %add3A_478 = arith.addf %get3A_447, %get3A_477 : vector<16xf32>
        %mul3A_479 = arith.constant 2.000000e-01 : f32
        %mul3A_480 = vector.broadcast %mul3A_479 : f32 to vector<16xf32>
        %mul3A_481 = arith.mulf %mul3A_480, %add3A_478 : vector<16xf32>
        %max3A_482 = arith.maximumf %add3A_478, %mul3A_481 : vector<16xf32>
        %mul3A_483 = arith.mulf %get3A_7, %max3A_482 : vector<16xf32>
        %get3A_484 = arith.index_cast %sub3A_466 : i32 to index
        %get3A_485 = arith.constant 32 : index
        %get3A_486 = tpu.vector_load %arg18[%get3A_484, %get3A_485] {strides = array<i32>} : memref<40x128xf32, #tpu.memory_space<vmem>>, vector<16xf32>,
        %add3A_487 = arith.addf %get3A_450, %get3A_486 : vector<16xf32>
        %mul3A_488 = arith.constant 2.000000e-01 : f32
        %mul3A_489 = vector.broadcast %mul3A_488 : f32 to vector<16xf32>
        %mul3A_490 = arith.mulf %mul3A_489, %add3A_487 : vector<16xf32>
        %max3A_491 = arith.maximumf %add3A_487, %mul3A_490 : vector<16xf32>
        %mul3A_492 = arith.mulf %get3A_9, %max3A_491 : vector<16xf32>
        %get3A_493 = arith.index_cast %sub3A_466 : i32 to index
        %get3A_494 = arith.constant 48 : index
        %get3A_495 = tpu.vector_load %arg18[%get3A_493, %get3A_494] {strides = array<i32>} : memref<40x128xf32, #tpu.memory_space<vmem>>, vector<16xf32>,
        %add3A_496 = arith.addf %get3A_453, %get3A_495 : vector<16xf32>
        %mul3A_497 = arith.constant 2.000000e-01 : f32
        %mul3A_498 = vector.broadcast %mul3A_497 : f32 to vector<16xf32>
        %mul3A_499 = arith.mulf %mul3A_498, %add3A_496 : vector<16xf32>
        %max3A_500 = arith.maximumf %add3A_496, %mul3A_499 : vector<16xf32>
        %mul3A_501 = arith.mulf %get3A_11, %max3A_500 : vector<16xf32>
        %get3A_502 = arith.index_cast %sub3A_466 : i32 to index
        %get3A_503 = arith.constant 64 : index
        %get3A_504 = tpu.vector_load %arg18[%get3A_502, %get3A_503] {strides = array<i32>} : memref<40x128xf32, #tpu.memory_space<vmem>>, vector<16xf32>,
        %add3A_505 = arith.addf %get3A_456, %get3A_504 : vector<16xf32>
        %mul3A_506 = arith.constant 2.000000e-01 : f32
        %mul3A_507 = vector.broadcast %mul3A_506 : f32 to vector<16xf32>
        %mul3A_508 = arith.mulf %mul3A_507, %add3A_505 : vector<16xf32>
        %max3A_509 = arith.maximumf %add3A_505, %mul3A_508 : vector<16xf32>
        %mul3A_510 = arith.mulf %get3A_13, %max3A_509 : vector<16xf32>
        %get3A_511 = arith.index_cast %sub3A_466 : i32 to index
        %get3A_512 = arith.constant 80 : index
        %get3A_513 = tpu.vector_load %arg18[%get3A_511, %get3A_512] {strides = array<i32>} : memref<40x128xf32, #tpu.memory_space<vmem>>, vector<16xf32>,
        %add3A_514 = arith.addf %get3A_459, %get3A_513 : vector<16xf32>
        %mul3A_515 = arith.constant 2.000000e-01 : f32
        %mul3A_516 = vector.broadcast %mul3A_515 : f32 to vector<16xf32>
        %mul3A_517 = arith.mulf %mul3A_516, %add3A_514 : vector<16xf32>
        %max3A_518 = arith.maximumf %add3A_514, %mul3A_517 : vector<16xf32>
        %mul3A_519 = arith.mulf %get3A_15, %max3A_518 : vector<16xf32>
        %get3A_520 = arith.index_cast %sub3A_466 : i32 to index
        %get3A_521 = arith.constant 96 : index
        %get3A_522 = tpu.vector_load %arg18[%get3A_520, %get3A_521] {strides = array<i32>} : memref<40x128xf32, #tpu.memory_space<vmem>>, vector<16xf32>,
        %add3A_523 = arith.addf %get3A_462, %get3A_522 : vector<16xf32>
        %mul3A_524 = arith.constant 2.000000e-01 : f32
        %mul3A_525 = vector.broadcast %mul3A_524 : f32 to vector<16xf32>
        %mul3A_526 = arith.mulf %mul3A_525, %add3A_523 : vector<16xf32>
        %max3A_527 = arith.maximumf %add3A_523, %mul3A_526 : vector<16xf32>
        %mul3A_528 = arith.mulf %get3A_17, %max3A_527 : vector<16xf32>
        %get3A_529 = arith.index_cast %sub3A_466 : i32 to index
        %get3A_530 = arith.constant 112 : index
        %get3A_531 = tpu.vector_load %arg18[%get3A_529, %get3A_530] {strides = array<i32>} : memref<40x128xf32, #tpu.memory_space<vmem>>, vector<16xf32>,
        %add3A_532 = arith.addf %get3A_465, %get3A_531 : vector<16xf32>
        %mul3A_533 = arith.constant 2.000000e-01 : f32
        %mul3A_534 = vector.broadcast %mul3A_533 : f32 to vector<16xf32>
        %mul3A_535 = arith.mulf %mul3A_534, %add3A_532 : vector<16xf32>
        %max3A_536 = arith.maximumf %add3A_532, %mul3A_535 : vector<16xf32>
        %mul3A_537 = arith.mulf %get3A_19, %max3A_536 : vector<16xf32>
        %add3A_538 = arith.addf %mul3A_474, %mul3A_483 : vector<16xf32>
        %add3A_539 = arith.addf %mul3A_492, %mul3A_501 : vector<16xf32>
        %add3A_540 = arith.addf %add3A_538, %add3A_539 : vector<16xf32>
        %add3A_541 = arith.addf %mul3A_510, %mul3A_519 : vector<16xf32>
        %add3A_542 = arith.addf %mul3A_528, %mul3A_537 : vector<16xf32>
        %add3A_543 = arith.addf %add3A_541, %add3A_542 : vector<16xf32>
        %add3A_544 = arith.addf %add3A_540, %add3A_543 : vector<16xf32>
        %reduce_sum3A = arith.constant true
        %reduce_sum3A_545 = vector.broadcast %reduce_sum3A : i1 to vector<16xi1>
        %reduce_sum3A_546 = tpu.scan <sum>, %add3A_544 masked %reduce_sum3A_545 : vector<16xf32>, vector<16xi1> -> vector<16xf32>
        %reduce_sum3A_547 = vector.extract %reduce_sum3A_546[15] : f32 from vector<16xf32>
        %broadcast_in_dim3A = vector.broadcast %reduce_sum3A_547 : f32 to vector<16xf32>
        %exp3A = math.exp %broadcast_in_dim3A : vector<16xf32>
        %mul3A_548 = arith.mulf %get3A_444, %exp3A : vector<16xf32>
        %swap3A_549 = arith.index_cast %scan3A_441 : i32 to index
        %swap3A_550 = arith.constant 0 : index
        %swap3A_551 = tpu.vector_load %arg16[%swap3A_549, %swap3A_550] {strides = array<i32>} : memref<80x144xf32, #tpu.memory_space<vmem>>, vector<16xf32>,
        tpu.vector_store %arg16[%swap3A_549, %swap3A_550], %mul3A_548 {strides = array<i32>} : memref<80x144xf32, #tpu.memory_space<vmem>>, vector<16xf32>,
        %mul3A_552 = arith.mulf %get3A_447, %exp3A : vector<16xf32>
        %swap3A_553 = arith.index_cast %scan3A_441 : i32 to index
        %swap3A_554 = arith.constant 16 : index
        %swap3A_555 = tpu.vector_load %arg16[%swap3A_553, %swap3A_554] {strides = array<i32>} : memref<80x144xf32, #tpu.memory_space<vmem>>, vector<16xf32>,
        tpu.vector_store %arg16[%swap3A_553, %swap3A_554], %mul3A_552 {strides = array<i32>} : memref<80x144xf32, #tpu.memory_space<vmem>>, vector<16xf32>,
        %mul3A_556 = arith.mulf %get3A_450, %exp3A : vector<16xf32>
        %swap3A_557 = arith.index_cast %scan3A_441 : i32 to index
        %swap3A_558 = arith.constant 32 : index
        %swap3A_559 = tpu.vector_load %arg16[%swap3A_557, %swap3A_558] {strides = array<i32>} : memref<80x144xf32, #tpu.memory_space<vmem>>, vector<16xf32>,
        tpu.vector_store %arg16[%swap3A_557, %swap3A_558], %mul3A_556 {strides = array<i32>} : memref<80x144xf32, #tpu.memory_space<vmem>>, vector<16xf32>,
        %mul3A_560 = arith.mulf %get3A_453, %exp3A : vector<16xf32>
        %swap3A_561 = arith.index_cast %scan3A_441 : i32 to index
        %swap3A_562 = arith.constant 48 : index
        %swap3A_563 = tpu.vector_load %arg16[%swap3A_561, %swap3A_562] {strides = array<i32>} : memref<80x144xf32, #tpu.memory_space<vmem>>, vector<16xf32>,
        tpu.vector_store %arg16[%swap3A_561, %swap3A_562], %mul3A_560 {strides = array<i32>} : memref<80x144xf32, #tpu.memory_space<vmem>>, vector<16xf32>,
        %mul3A_564 = arith.mulf %get3A_456, %exp3A : vector<16xf32>
        %swap3A_565 = arith.index_cast %scan3A_441 : i32 to index
        %swap3A_566 = arith.constant 64 : index
        %swap3A_567 = tpu.vector_load %arg16[%swap3A_565, %swap3A_566] {strides = array<i32>} : memref<80x144xf32, #tpu.memory_space<vmem>>, vector<16xf32>,
        tpu.vector_store %arg16[%swap3A_565, %swap3A_566], %mul3A_564 {strides = array<i32>} : memref<80x144xf32, #tpu.memory_space<vmem>>, vector<16xf32>,
        %mul3A_568 = arith.mulf %get3A_459, %exp3A : vector<16xf32>
        %swap3A_569 = arith.index_cast %scan3A_441 : i32 to index
        %swap3A_570 = arith.constant 80 : index
        %swap3A_571 = tpu.vector_load %arg16[%swap3A_569, %swap3A_570] {strides = array<i32>} : memref<80x144xf32, #tpu.memory_space<vmem>>, vector<16xf32>,
        tpu.vector_store %arg16[%swap3A_569, %swap3A_570], %mul3A_568 {strides = array<i32>} : memref<80x144xf32, #tpu.memory_space<vmem>>, vector<16xf32>,
        %mul3A_572 = arith.mulf %get3A_462, %exp3A : vector<16xf32>
        %swap3A_573 = arith.index_cast %scan3A_441 : i32 to index
        %swap3A_574 = arith.constant 96 : index
        %swap3A_575 = tpu.vector_load %arg16[%swap3A_573, %swap3A_574] {strides = array<i32>} : memref<80x144xf32, #tpu.memory_space<vmem>>, vector<16xf32>,
        tpu.vector_store %arg16[%swap3A_573, %swap3A_574], %mul3A_572 {strides = array<i32>} : memref<80x144xf32, #tpu.memory_space<vmem>>, vector<16xf32>,
        %mul3A_576 = arith.mulf %get3A_465, %exp3A : vector<16xf32>
        %swap3A_577 = arith.index_cast %scan3A_441 : i32 to index
        %swap3A_578 = arith.constant 112 : index
        %swap3A_579 = tpu.vector_load %arg16[%swap3A_577, %swap3A_578] {strides = array<i32>} : memref<80x144xf32, #tpu.memory_space<vmem>>, vector<16xf32>,
        tpu.vector_store %arg16[%swap3A_577, %swap3A_578], %mul3A_576 {strides = array<i32>} : memref<80x144xf32, #tpu.memory_space<vmem>>, vector<16xf32>,
        %swap3A_580 = arith.index_cast %scan3A_441 : i32 to index
        %swap3A_581 = arith.constant 128 : index
        %swap3A_582 = tpu.vector_load %arg16[%swap3A_580, %swap3A_581] {strides = array<i32>} : memref<80x144xf32, #tpu.memory_space<vmem>>, vector<16xf32>,
        tpu.vector_store %arg16[%swap3A_580, %swap3A_581], %exp3A {strides = array<i32>} : memref<80x144xf32, #tpu.memory_space<vmem>>, vector<16xf32>,
        %scan3A_583 = arith.constant 1 : i32
        %scan3A_584 = arith.addi %scan3A_441, %scan3A_583 : i32
        %get3A_585 = arith.index_cast %scan3A_584 : i32 to index
        %get3A_586 = arith.constant 0 : index
        %get3A_587 = tpu.vector_load %arg16[%get3A_585, %get3A_586] {strides = array<i32>} : memref<80x144xf32, #tpu.memory_space<vmem>>, vector<16xf32>,
        %get3A_588 = arith.index_cast %scan3A_584 : i32 to index
        %get3A_589 = arith.constant 16 : index
        %get3A_590 = tpu.vector_load %arg16[%get3A_588, %get3A_589] {strides = array<i32>} : memref<80x144xf32, #tpu.memory_space<vmem>>, vector<16xf32>,
        %get3A_591 = arith.index_cast %scan3A_584 : i32 to index
        %get3A_592 = arith.constant 32 : index
        %get3A_593 = tpu.vector_load %arg16[%get3A_591, %get3A_592] {strides = array<i32>} : memref<80x144xf32, #tpu.memory_space<vmem>>, vector<16xf32>,
        %get3A_594 = arith.index_cast %scan3A_584 : i32 to index
        %get3A_595 = arith.constant 48 : index
        %get3A_596 = tpu.vector_load %arg16[%get3A_594, %get3A_595] {strides = array<i32>} : memref<80x144xf32, #tpu.memory_space<vmem>>, vector<16xf32>,
        %get3A_597 = arith.index_cast %scan3A_584 : i32 to index
        %get3A_598 = arith.constant 64 : index
        %get3A_599 = tpu.vector_load %arg16[%get3A_597, %get3A_598] {strides = array<i32>} : memref<80x144xf32, #tpu.memory_space<vmem>>, vector<16xf32>,
        %get3A_600 = arith.index_cast %scan3A_584 : i32 to index
        %get3A_601 = arith.constant 80 : index
        %get3A_602 = tpu.vector_load %arg16[%get3A_600, %get3A_601] {strides = array<i32>} : memref<80x144xf32, #tpu.memory_space<vmem>>, vector<16xf32>,
        %get3A_603 = arith.index_cast %scan3A_584 : i32 to index
        %get3A_604 = arith.constant 96 : index
        %get3A_605 = tpu.vector_load %arg16[%get3A_603, %get3A_604] {strides = array<i32>} : memref<80x144xf32, #tpu.memory_space<vmem>>, vector<16xf32>,
        %get3A_606 = arith.index_cast %scan3A_584 : i32 to index
        %get3A_607 = arith.constant 112 : index
        %get3A_608 = tpu.vector_load %arg16[%get3A_606, %get3A_607] {strides = array<i32>} : memref<80x144xf32, #tpu.memory_space<vmem>>, vector<16xf32>,
        %sub3A_609 = arith.constant 0 : i32
        %sub3A_610 = arith.subi %scan3A_584, %sub3A_609 : i32
        %get3A_611 = arith.index_cast %sub3A_610 : i32 to index
        %get3A_612 = arith.constant 0 : index
        %get3A_613 = tpu.vector_load %arg18[%get3A_611, %get3A_612] {strides = array<i32>} : memref<40x128xf32, #tpu.memory_space<vmem>>, vector<16xf32>,
        %add3A_614 = arith.addf %get3A_587, %get3A_613 : vector<16xf32>
        %mul3A_615 = arith.constant 2.000000e-01 : f32
        %mul3A_616 = vector.broadcast %mul3A_615 : f32 to vector<16xf32>
        %mul3A_617 = arith.mulf %mul3A_616, %add3A_614 : vector<16xf32>
        %max3A_618 = arith.maximumf %add3A_614, %mul3A_617 : vector<16xf32>
        %mul3A_619 = arith.mulf %get3A_5, %max3A_618 : vector<16xf32>
        %get3A_620 = arith.index_cast %sub3A_610 : i32 to index
        %get3A_621 = arith.constant 16 : index
        %get3A_622 = tpu.vector_load %arg18[%get3A_620, %get3A_621] {strides = array<i32>} : memref<40x128xf32, #tpu.memory_space<vmem>>, vector<16xf32>,
        %add3A_623 = arith.addf %get3A_590, %get3A_622 : vector<16xf32>
        %mul3A_624 = arith.constant 2.000000e-01 : f32
        %mul3A_625 = vector.broadcast %mul3A_624 : f32 to vector<16xf32>
        %mul3A_626 = arith.mulf %mul3A_625, %add3A_623 : vector<16xf32>
        %max3A_627 = arith.maximumf %add3A_623, %mul3A_626 : vector<16xf32>
        %mul3A_628 = arith.mulf %get3A_7, %max3A_627 : vector<16xf32>
        %get3A_629 = arith.index_cast %sub3A_610 : i32 to index
        %get3A_630 = arith.constant 32 : index
        %get3A_631 = tpu.vector_load %arg18[%get3A_629, %get3A_630] {strides = array<i32>} : memref<40x128xf32, #tpu.memory_space<vmem>>, vector<16xf32>,
        %add3A_632 = arith.addf %get3A_593, %get3A_631 : vector<16xf32>
        %mul3A_633 = arith.constant 2.000000e-01 : f32
        %mul3A_634 = vector.broadcast %mul3A_633 : f32 to vector<16xf32>
        %mul3A_635 = arith.mulf %mul3A_634, %add3A_632 : vector<16xf32>
        %max3A_636 = arith.maximumf %add3A_632, %mul3A_635 : vector<16xf32>
        %mul3A_637 = arith.mulf %get3A_9, %max3A_636 : vector<16xf32>
        %get3A_638 = arith.index_cast %sub3A_610 : i32 to index
        %get3A_639 = arith.constant 48 : index
        %get3A_640 = tpu.vector_load %arg18[%get3A_638, %get3A_639] {strides = array<i32>} : memref<40x128xf32, #tpu.memory_space<vmem>>, vector<16xf32>,
        %add3A_641 = arith.addf %get3A_596, %get3A_640 : vector<16xf32>
        %mul3A_642 = arith.constant 2.000000e-01 : f32
        %mul3A_643 = vector.broadcast %mul3A_642 : f32 to vector<16xf32>
        %mul3A_644 = arith.mulf %mul3A_643, %add3A_641 : vector<16xf32>
        %max3A_645 = arith.maximumf %add3A_641, %mul3A_644 : vector<16xf32>
        %mul3A_646 = arith.mulf %get3A_11, %max3A_645 : vector<16xf32>
        %get3A_647 = arith.index_cast %sub3A_610 : i32 to index
        %get3A_648 = arith.constant 64 : index
        %get3A_649 = tpu.vector_load %arg18[%get3A_647, %get3A_648] {strides = array<i32>} : memref<40x128xf32, #tpu.memory_space<vmem>>, vector<16xf32>,
        %add3A_650 = arith.addf %get3A_599, %get3A_649 : vector<16xf32>
        %mul3A_651 = arith.constant 2.000000e-01 : f32
        %mul3A_652 = vector.broadcast %mul3A_651 : f32 to vector<16xf32>
        %mul3A_653 = arith.mulf %mul3A_652, %add3A_650 : vector<16xf32>
        %max3A_654 = arith.maximumf %add3A_650, %mul3A_653 : vector<16xf32>
        %mul3A_655 = arith.mulf %get3A_13, %max3A_654 : vector<16xf32>
        %get3A_656 = arith.index_cast %sub3A_610 : i32 to index
        %get3A_657 = arith.constant 80 : index
        %get3A_658 = tpu.vector_load %arg18[%get3A_656, %get3A_657] {strides = array<i32>} : memref<40x128xf32, #tpu.memory_space<vmem>>, vector<16xf32>,
        %add3A_659 = arith.addf %get3A_602, %get3A_658 : vector<16xf32>
        %mul3A_660 = arith.constant 2.000000e-01 : f32
        %mul3A_661 = vector.broadcast %mul3A_660 : f32 to vector<16xf32>
        %mul3A_662 = arith.mulf %mul3A_661, %add3A_659 : vector<16xf32>
        %max3A_663 = arith.maximumf %add3A_659, %mul3A_662 : vector<16xf32>
        %mul3A_664 = arith.mulf %get3A_15, %max3A_663 : vector<16xf32>
        %get3A_665 = arith.index_cast %sub3A_610 : i32 to index
        %get3A_666 = arith.constant 96 : index
        %get3A_667 = tpu.vector_load %arg18[%get3A_665, %get3A_666] {strides = array<i32>} : memref<40x128xf32, #tpu.memory_space<vmem>>, vector<16xf32>,
        %add3A_668 = arith.addf %get3A_605, %get3A_667 : vector<16xf32>
        %mul3A_669 = arith.constant 2.000000e-01 : f32
        %mul3A_670 = vector.broadcast %mul3A_669 : f32 to vector<16xf32>
        %mul3A_671 = arith.mulf %mul3A_670, %add3A_668 : vector<16xf32>
        %max3A_672 = arith.maximumf %add3A_668, %mul3A_671 : vector<16xf32>
        %mul3A_673 = arith.mulf %get3A_17, %max3A_672 : vector<16xf32>
        %get3A_674 = arith.index_cast %sub3A_610 : i32 to index
        %get3A_675 = arith.constant 112 : index
        %get3A_676 = tpu.vector_load %arg18[%get3A_674, %get3A_675] {strides = array<i32>} : memref<40x128xf32, #tpu.memory_space<vmem>>, vector<16xf32>,
        %add3A_677 = arith.addf %get3A_608, %get3A_676 : vector<16xf32>
        %mul3A_678 = arith.constant 2.000000e-01 : f32
        %mul3A_679 = vector.broadcast %mul3A_678 : f32 to vector<16xf32>
        %mul3A_680 = arith.mulf %mul3A_679, %add3A_677 : vector<16xf32>
        %max3A_681 = arith.maximumf %add3A_677, %mul3A_680 : vector<16xf32>
        %mul3A_682 = arith.mulf %get3A_19, %max3A_681 : vector<16xf32>
        %add3A_683 = arith.addf %mul3A_619, %mul3A_628 : vector<16xf32>
        %add3A_684 = arith.addf %mul3A_637, %mul3A_646 : vector<16xf32>
        %add3A_685 = arith.addf %add3A_683, %add3A_684 : vector<16xf32>
        %add3A_686 = arith.addf %mul3A_655, %mul3A_664 : vector<16xf32>
        %add3A_687 = arith.addf %mul3A_673, %mul3A_682 : vector<16xf32>
        %add3A_688 = arith.addf %add3A_686, %add3A_687 : vector<16xf32>
        %add3A_689 = arith.addf %add3A_685, %add3A_688 : vector<16xf32>
        %reduce_sum3A_690 = arith.constant true
        %reduce_sum3A_691 = vector.broadcast %reduce_sum3A_690 : i1 to vector<16xi1>
        %reduce_sum3A_692 = tpu.scan <sum>, %add3A_689 masked %reduce_sum3A_691 : vector<16xf32>, vector<16xi1> -> vector<16xf32>
        %reduce_sum3A_693 = vector.extract %reduce_sum3A_692[15] : f32 from vector<16xf32>
        %broadcast_in_dim3A_694 = vector.broadcast %reduce_sum3A_693 : f32 to vector<16xf32>
        %exp3A_695 = math.exp %broadcast_in_dim3A_694 : vector<16xf32>
        %mul3A_696 = arith.mulf %get3A_587, %exp3A_695 : vector<16xf32>
        %swap3A_697 = arith.index_cast %scan3A_584 : i32 to index
        %swap3A_698 = arith.constant 0 : index
        %swap3A_699 = tpu.vector_load %arg16[%swap3A_697, %swap3A_698] {strides = array<i32>} : memref<80x144xf32, #tpu.memory_space<vmem>>, vector<16xf32>,
        tpu.vector_store %arg16[%swap3A_697, %swap3A_698], %mul3A_696 {strides = array<i32>} : memref<80x144xf32, #tpu.memory_space<vmem>>, vector<16xf32>,
        %mul3A_700 = arith.mulf %get3A_590, %exp3A_695 : vector<16xf32>
        %swap3A_701 = arith.index_cast %scan3A_584 : i32 to index
        %swap3A_702 = arith.constant 16 : index
        %swap3A_703 = tpu.vector_load %arg16[%swap3A_701, %swap3A_702] {strides = array<i32>} : memref<80x144xf32, #tpu.memory_space<vmem>>, vector<16xf32>,
        tpu.vector_store %arg16[%swap3A_701, %swap3A_702], %mul3A_700 {strides = array<i32>} : memref<80x144xf32, #tpu.memory_space<vmem>>, vector<16xf32>,
        %mul3A_704 = arith.mulf %get3A_593, %exp3A_695 : vector<16xf32>
        %swap3A_705 = arith.index_cast %scan3A_584 : i32 to index
        %swap3A_706 = arith.constant 32 : index
        %swap3A_707 = tpu.vector_load %arg16[%swap3A_705, %swap3A_706] {strides = array<i32>} : memref<80x144xf32, #tpu.memory_space<vmem>>, vector<16xf32>,
        tpu.vector_store %arg16[%swap3A_705, %swap3A_706], %mul3A_704 {strides = array<i32>} : memref<80x144xf32, #tpu.memory_space<vmem>>, vector<16xf32>,
        %mul3A_708 = arith.mulf %get3A_596, %exp3A_695 : vector<16xf32>
        %swap3A_709 = arith.index_cast %scan3A_584 : i32 to index
        %swap3A_710 = arith.constant 48 : index
        %swap3A_711 = tpu.vector_load %arg16[%swap3A_709, %swap3A_710] {strides = array<i32>} : memref<80x144xf32, #tpu.memory_space<vmem>>, vector<16xf32>,
        tpu.vector_store %arg16[%swap3A_709, %swap3A_710], %mul3A_708 {strides = array<i32>} : memref<80x144xf32, #tpu.memory_space<vmem>>, vector<16xf32>,
        %mul3A_712 = arith.mulf %get3A_599, %exp3A_695 : vector<16xf32>
        %swap3A_713 = arith.index_cast %scan3A_584 : i32 to index
        %swap3A_714 = arith.constant 64 : index
        %swap3A_715 = tpu.vector_load %arg16[%swap3A_713, %swap3A_714] {strides = array<i32>} : memref<80x144xf32, #tpu.memory_space<vmem>>, vector<16xf32>,
        tpu.vector_store %arg16[%swap3A_713, %swap3A_714], %mul3A_712 {strides = array<i32>} : memref<80x144xf32, #tpu.memory_space<vmem>>, vector<16xf32>,
        %mul3A_716 = arith.mulf %get3A_602, %exp3A_695 : vector<16xf32>
        %swap3A_717 = arith.index_cast %scan3A_584 : i32 to index
        %swap3A_718 = arith.constant 80 : index
        %swap3A_719 = tpu.vector_load %arg16[%swap3A_717, %swap3A_718] {strides = array<i32>} : memref<80x144xf32, #tpu.memory_space<vmem>>, vector<16xf32>,
        tpu.vector_store %arg16[%swap3A_717, %swap3A_718], %mul3A_716 {strides = array<i32>} : memref<80x144xf32, #tpu.memory_space<vmem>>, vector<16xf32>,
        %mul3A_720 = arith.mulf %get3A_605, %exp3A_695 : vector<16xf32>
        %swap3A_721 = arith.index_cast %scan3A_584 : i32 to index
        %swap3A_722 = arith.constant 96 : index
        %swap3A_723 = tpu.vector_load %arg16[%swap3A_721, %swap3A_722] {strides = array<i32>} : memref<80x144xf32, #tpu.memory_space<vmem>>, vector<16xf32>,
        tpu.vector_store %arg16[%swap3A_721, %swap3A_722], %mul3A_720 {strides = array<i32>} : memref<80x144xf32, #tpu.memory_space<vmem>>, vector<16xf32>,
        %mul3A_724 = arith.mulf %get3A_608, %exp3A_695 : vector<16xf32>
        %swap3A_725 = arith.index_cast %scan3A_584 : i32 to index
        %swap3A_726 = arith.constant 112 : index
        %swap3A_727 = tpu.vector_load %arg16[%swap3A_725, %swap3A_726] {strides = array<i32>} : memref<80x144xf32, #tpu.memory_space<vmem>>, vector<16xf32>,
        tpu.vector_store %arg16[%swap3A_725, %swap3A_726], %mul3A_724 {strides = array<i32>} : memref<80x144xf32, #tpu.memory_space<vmem>>, vector<16xf32>,
        %swap3A_728 = arith.index_cast %scan3A_584 : i32 to index
        %swap3A_729 = arith.constant 128 : index
        %swap3A_730 = tpu.vector_load %arg16[%swap3A_728, %swap3A_729] {strides = array<i32>} : memref<80x144xf32, #tpu.memory_space<vmem>>, vector<16xf32>,
        tpu.vector_store %arg16[%swap3A_728, %swap3A_729], %exp3A_695 {strides = array<i32>} : memref<80x144xf32, #tpu.memory_space<vmem>>, vector<16xf32>,
      }
      %scan3A_275 = arith.constant 40 : i32
      %dma_start3A_276 = arith.constant 0 : i32
      %dma_start3A_277 = arith.constant 0 : i32
      %dma_start3A_278 = arith.constant 0 : i32
      %dma_start3A_279 = tpu.memref_slice %arg16[%dma_start3A_277, %dma_start3A_278] : memref<80x144xf32, #tpu.memory_space<vmem>> -> memref<40x144xf32, #tpu.memory_space<vmem>>
      %dma_start3A_280 = arith.constant 0 : i32
      %dma_start3A_281 = tpu.memref_slice %arg14[%dma_start3A_276, %dma_start3A_280] : memref<2x40xi32, #tpu.memory_space<vmem>> -> memref<1x40xi32, #tpu.memory_space<vmem>>
      %dma_start3A_282 = tpu.memref_squeeze %dma_start3A_281 : memref<1x40xi32, #tpu.memory_space<vmem>> -> memref<40xi32, #tpu.memory_space<vmem>>
      %dma_start3A_283 = arith.constant 0 : i32
      %dma_start3A_284 = arith.constant 0 : i32
      %dma_start3A_285 = tpu.memref_slice %arg20[%dma_start3A_283, %dma_start3A_284] : memref<10000x144xf32, #tpu.memory_space<vmem_shared>> -> memref<10000x144xf32, #tpu.memory_space<vmem_shared>>
      tpu.enqueue_indirect_dma source(%dma_start3A_279 : memref<40x144xf32, #tpu.memory_space<vmem>>) target(%dma_start3A_285 : memref<10000x144xf32, #tpu.memory_space<vmem_shared>>) offsets(%dma_start3A_282 : memref<40xi32, #tpu.memory_space<vmem>>) semaphore(%arg27 : memref<!tpu.dma_semaphore, #tpu.memory_space<semaphore_mem>>) {add = true}
      %dma_start3A_286 = arith.constant 0 : i32
      %dma_start3A_287 = tpu.memref_slice %arg13[%dma_start3A_286] : memref<80xi32, #tpu.memory_space<vmem>> -> memref<40xi32, #tpu.memory_space<vmem>>
      %dma_start3A_288 = arith.constant 0 : i32
      %dma_start3A_289 = arith.constant 0 : i32
      %dma_start3A_290 = tpu.memref_slice %arg3[%dma_start3A_288, %dma_start3A_289] : memref<10000x128xf32, #tpu.memory_space<hbm>> -> memref<10000x128xf32, #tpu.memory_space<hbm>>
      tpu.enqueue_indirect_dma source(%dma_start3A_290 : memref<10000x128xf32, #tpu.memory_space<hbm>>) target(%arg18 : memref<40x128xf32, #tpu.memory_space<vmem>>) offsets(%dma_start3A_287 : memref<40xi32, #tpu.memory_space<vmem>>) semaphore(%arg25 : memref<!tpu.dma_semaphore, #tpu.memory_space<semaphore_mem>>)
      %dma_wait3A_291 = arith.constant 40 : i32
      %dma_wait3A_292 = tpu.memref_slice %arg12[%dma_wait3A_291] : memref<80xi32, #tpu.memory_space<vmem>> -> memref<40xi32, #tpu.memory_space<vmem>>
      %dma_wait3A_293 = arith.constant 0 : i32
      %dma_wait3A_294 = arith.constant 0 : i32
      %dma_wait3A_295 = tpu.memref_slice %arg3[%dma_wait3A_293, %dma_wait3A_294] : memref<10000x128xf32, #tpu.memory_space<hbm>> -> memref<10000x128xf32, #tpu.memory_space<hbm>>
      tpu.wait_indirect_dma semaphore(%arg26 : memref<!tpu.dma_semaphore, #tpu.memory_space<semaphore_mem>>) src(%dma_wait3A_295 : memref<10000x128xf32, #tpu.memory_space<hbm>>) dst(%arg19 : memref<40x128xf32, #tpu.memory_space<vmem>>)
      %scan3A_296 = arith.constant 0 : i32
      %scan3A_297 = arith.constant 40 : i32
      %scan3A_298 = arith.constant 40 : i32
      %scan3A_299 = arith.addi %scan3A_297, %scan3A_298 : i32
      %scan3A_300 = arith.constant 2 : i32
      scf.for %scan3A_441 = %scan3A_297 to %scan3A_299 step %scan3A_300  : i32 {
        %get3A_442 = arith.index_cast %scan3A_441 : i32 to index
        %get3A_443 = arith.constant 0 : index
        %get3A_444 = tpu.vector_load %arg16[%get3A_442, %get3A_443] {strides = array<i32>} : memref<80x144xf32, #tpu.memory_space<vmem>>, vector<16xf32>,
        %get3A_445 = arith.index_cast %scan3A_441 : i32 to index
        %get3A_446 = arith.constant 16 : index
        %get3A_447 = tpu.vector_load %arg16[%get3A_445, %get3A_446] {strides = array<i32>} : memref<80x144xf32, #tpu.memory_space<vmem>>, vector<16xf32>,
        %get3A_448 = arith.index_cast %scan3A_441 : i32 to index
        %get3A_449 = arith.constant 32 : index
        %get3A_450 = tpu.vector_load %arg16[%get3A_448, %get3A_449] {strides = array<i32>} : memref<80x144xf32, #tpu.memory_space<vmem>>, vector<16xf32>,
        %get3A_451 = arith.index_cast %scan3A_441 : i32 to index
        %get3A_452 = arith.constant 48 : index
        %get3A_453 = tpu.vector_load %arg16[%get3A_451, %get3A_452] {strides = array<i32>} : memref<80x144xf32, #tpu.memory_space<vmem>>, vector<16xf32>,
        %get3A_454 = arith.index_cast %scan3A_441 : i32 to index
        %get3A_455 = arith.constant 64 : index
        %get3A_456 = tpu.vector_load %arg16[%get3A_454, %get3A_455] {strides = array<i32>} : memref<80x144xf32, #tpu.memory_space<vmem>>, vector<16xf32>,
        %get3A_457 = arith.index_cast %scan3A_441 : i32 to index
        %get3A_458 = arith.constant 80 : index
        %get3A_459 = tpu.vector_load %arg16[%get3A_457, %get3A_458] {strides = array<i32>} : memref<80x144xf32, #tpu.memory_space<vmem>>, vector<16xf32>,
        %get3A_460 = arith.index_cast %scan3A_441 : i32 to index
        %get3A_461 = arith.constant 96 : index
        %get3A_462 = tpu.vector_load %arg16[%get3A_460, %get3A_461] {strides = array<i32>} : memref<80x144xf32, #tpu.memory_space<vmem>>, vector<16xf32>,
        %get3A_463 = arith.index_cast %scan3A_441 : i32 to index
        %get3A_464 = arith.constant 112 : index
        %get3A_465 = tpu.vector_load %arg16[%get3A_463, %get3A_464] {strides = array<i32>} : memref<80x144xf32, #tpu.memory_space<vmem>>, vector<16xf32>,
        %sub3A = arith.constant 40 : i32
        %sub3A_466 = arith.subi %scan3A_441, %sub3A : i32
        %get3A_467 = arith.index_cast %sub3A_466 : i32 to index
        %get3A_468 = arith.constant 0 : index
        %get3A_469 = tpu.vector_load %arg19[%get3A_467, %get3A_468] {strides = array<i32>} : memref<40x128xf32, #tpu.memory_space<vmem>>, vector<16xf32>,
        %add3A_470 = arith.addf %get3A_444, %get3A_469 : vector<16xf32>
        %mul3A_471 = arith.constant 2.000000e-01 : f32
        %mul3A_472 = vector.broadcast %mul3A_471 : f32 to vector<16xf32>
        %mul3A_473 = arith.mulf %mul3A_472, %add3A_470 : vector<16xf32>
        %max3A = arith.maximumf %add3A_470, %mul3A_473 : vector<16xf32>
        %mul3A_474 = arith.mulf %get3A_5, %max3A : vector<16xf32>
        %get3A_475 = arith.index_cast %sub3A_466 : i32 to index
        %get3A_476 = arith.constant 16 : index
        %get3A_477 = tpu.vector_load %arg19[%get3A_475, %get3A_476] {strides = array<i32>} : memref<40x128xf32, #tpu.memory_space<vmem>>, vector<16xf32>,
        %add3A_478 = arith.addf %get3A_447, %get3A_477 : vector<16xf32>
        %mul3A_479 = arith.constant 2.000000e-01 : f32
        %mul3A_480 = vector.broadcast %mul3A_479 : f32 to vector<16xf32>
        %mul3A_481 = arith.mulf %mul3A_480, %add3A_478 : vector<16xf32>
        %max3A_482 = arith.maximumf %add3A_478, %mul3A_481 : vector<16xf32>
        %mul3A_483 = arith.mulf %get3A_7, %max3A_482 : vector<16xf32>
        %get3A_484 = arith.index_cast %sub3A_466 : i32 to index
        %get3A_485 = arith.constant 32 : index
        %get3A_486 = tpu.vector_load %arg19[%get3A_484, %get3A_485] {strides = array<i32>} : memref<40x128xf32, #tpu.memory_space<vmem>>, vector<16xf32>,
        %add3A_487 = arith.addf %get3A_450, %get3A_486 : vector<16xf32>
        %mul3A_488 = arith.constant 2.000000e-01 : f32
        %mul3A_489 = vector.broadcast %mul3A_488 : f32 to vector<16xf32>
        %mul3A_490 = arith.mulf %mul3A_489, %add3A_487 : vector<16xf32>
        %max3A_491 = arith.maximumf %add3A_487, %mul3A_490 : vector<16xf32>
        %mul3A_492 = arith.mulf %get3A_9, %max3A_491 : vector<16xf32>
        %get3A_493 = arith.index_cast %sub3A_466 : i32 to index
        %get3A_494 = arith.constant 48 : index
        %get3A_495 = tpu.vector_load %arg19[%get3A_493, %get3A_494] {strides = array<i32>} : memref<40x128xf32, #tpu.memory_space<vmem>>, vector<16xf32>,
        %add3A_496 = arith.addf %get3A_453, %get3A_495 : vector<16xf32>
        %mul3A_497 = arith.constant 2.000000e-01 : f32
        %mul3A_498 = vector.broadcast %mul3A_497 : f32 to vector<16xf32>
        %mul3A_499 = arith.mulf %mul3A_498, %add3A_496 : vector<16xf32>
        %max3A_500 = arith.maximumf %add3A_496, %mul3A_499 : vector<16xf32>
        %mul3A_501 = arith.mulf %get3A_11, %max3A_500 : vector<16xf32>
        %get3A_502 = arith.index_cast %sub3A_466 : i32 to index
        %get3A_503 = arith.constant 64 : index
        %get3A_504 = tpu.vector_load %arg19[%get3A_502, %get3A_503] {strides = array<i32>} : memref<40x128xf32, #tpu.memory_space<vmem>>, vector<16xf32>,
        %add3A_505 = arith.addf %get3A_456, %get3A_504 : vector<16xf32>
        %mul3A_506 = arith.constant 2.000000e-01 : f32
        %mul3A_507 = vector.broadcast %mul3A_506 : f32 to vector<16xf32>
        %mul3A_508 = arith.mulf %mul3A_507, %add3A_505 : vector<16xf32>
        %max3A_509 = arith.maximumf %add3A_505, %mul3A_508 : vector<16xf32>
        %mul3A_510 = arith.mulf %get3A_13, %max3A_509 : vector<16xf32>
        %get3A_511 = arith.index_cast %sub3A_466 : i32 to index
        %get3A_512 = arith.constant 80 : index
        %get3A_513 = tpu.vector_load %arg19[%get3A_511, %get3A_512] {strides = array<i32>} : memref<40x128xf32, #tpu.memory_space<vmem>>, vector<16xf32>,
        %add3A_514 = arith.addf %get3A_459, %get3A_513 : vector<16xf32>
        %mul3A_515 = arith.constant 2.000000e-01 : f32
        %mul3A_516 = vector.broadcast %mul3A_515 : f32 to vector<16xf32>
        %mul3A_517 = arith.mulf %mul3A_516, %add3A_514 : vector<16xf32>
        %max3A_518 = arith.maximumf %add3A_514, %mul3A_517 : vector<16xf32>
        %mul3A_519 = arith.mulf %get3A_15, %max3A_518 : vector<16xf32>
        %get3A_520 = arith.index_cast %sub3A_466 : i32 to index
        %get3A_521 = arith.constant 96 : index
        %get3A_522 = tpu.vector_load %arg19[%get3A_520, %get3A_521] {strides = array<i32>} : memref<40x128xf32, #tpu.memory_space<vmem>>, vector<16xf32>,
        %add3A_523 = arith.addf %get3A_462, %get3A_522 : vector<16xf32>
        %mul3A_524 = arith.constant 2.000000e-01 : f32
        %mul3A_525 = vector.broadcast %mul3A_524 : f32 to vector<16xf32>
        %mul3A_526 = arith.mulf %mul3A_525, %add3A_523 : vector<16xf32>
        %max3A_527 = arith.maximumf %add3A_523, %mul3A_526 : vector<16xf32>
        %mul3A_528 = arith.mulf %get3A_17, %max3A_527 : vector<16xf32>
        %get3A_529 = arith.index_cast %sub3A_466 : i32 to index
        %get3A_530 = arith.constant 112 : index
        %get3A_531 = tpu.vector_load %arg19[%get3A_529, %get3A_530] {strides = array<i32>} : memref<40x128xf32, #tpu.memory_space<vmem>>, vector<16xf32>,
        %add3A_532 = arith.addf %get3A_465, %get3A_531 : vector<16xf32>
        %mul3A_533 = arith.constant 2.000000e-01 : f32
        %mul3A_534 = vector.broadcast %mul3A_533 : f32 to vector<16xf32>
        %mul3A_535 = arith.mulf %mul3A_534, %add3A_532 : vector<16xf32>
        %max3A_536 = arith.maximumf %add3A_532, %mul3A_535 : vector<16xf32>
        %mul3A_537 = arith.mulf %get3A_19, %max3A_536 : vector<16xf32>
        %add3A_538 = arith.addf %mul3A_474, %mul3A_483 : vector<16xf32>
        %add3A_539 = arith.addf %mul3A_492, %mul3A_501 : vector<16xf32>
        %add3A_540 = arith.addf %add3A_538, %add3A_539 : vector<16xf32>
        %add3A_541 = arith.addf %mul3A_510, %mul3A_519 : vector<16xf32>
        %add3A_542 = arith.addf %mul3A_528, %mul3A_537 : vector<16xf32>
        %add3A_543 = arith.addf %add3A_541, %add3A_542 : vector<16xf32>
        %add3A_544 = arith.addf %add3A_540, %add3A_543 : vector<16xf32>
        %reduce_sum3A = arith.constant true
        %reduce_sum3A_545 = vector.broadcast %reduce_sum3A : i1 to vector<16xi1>
        %reduce_sum3A_546 = tpu.scan <sum>, %add3A_544 masked %reduce_sum3A_545 : vector<16xf32>, vector<16xi1> -> vector<16xf32>
        %reduce_sum3A_547 = vector.extract %reduce_sum3A_546[15] : f32 from vector<16xf32>
        %broadcast_in_dim3A = vector.broadcast %reduce_sum3A_547 : f32 to vector<16xf32>
        %exp3A = math.exp %broadcast_in_dim3A : vector<16xf32>
        %mul3A_548 = arith.mulf %get3A_444, %exp3A : vector<16xf32>
        %swap3A_549 = arith.index_cast %scan3A_441 : i32 to index
        %swap3A_550 = arith.constant 0 : index
        %swap3A_551 = tpu.vector_load %arg16[%swap3A_549, %swap3A_550] {strides = array<i32>} : memref<80x144xf32, #tpu.memory_space<vmem>>, vector<16xf32>,
        tpu.vector_store %arg16[%swap3A_549, %swap3A_550], %mul3A_548 {strides = array<i32>} : memref<80x144xf32, #tpu.memory_space<vmem>>, vector<16xf32>,
        %mul3A_552 = arith.mulf %get3A_447, %exp3A : vector<16xf32>
        %swap3A_553 = arith.index_cast %scan3A_441 : i32 to index
        %swap3A_554 = arith.constant 16 : index
        %swap3A_555 = tpu.vector_load %arg16[%swap3A_553, %swap3A_554] {strides = array<i32>} : memref<80x144xf32, #tpu.memory_space<vmem>>, vector<16xf32>,
        tpu.vector_store %arg16[%swap3A_553, %swap3A_554], %mul3A_552 {strides = array<i32>} : memref<80x144xf32, #tpu.memory_space<vmem>>, vector<16xf32>,
        %mul3A_556 = arith.mulf %get3A_450, %exp3A : vector<16xf32>
        %swap3A_557 = arith.index_cast %scan3A_441 : i32 to index
        %swap3A_558 = arith.constant 32 : index
        %swap3A_559 = tpu.vector_load %arg16[%swap3A_557, %swap3A_558] {strides = array<i32>} : memref<80x144xf32, #tpu.memory_space<vmem>>, vector<16xf32>,
        tpu.vector_store %arg16[%swap3A_557, %swap3A_558], %mul3A_556 {strides = array<i32>} : memref<80x144xf32, #tpu.memory_space<vmem>>, vector<16xf32>,
        %mul3A_560 = arith.mulf %get3A_453, %exp3A : vector<16xf32>
        %swap3A_561 = arith.index_cast %scan3A_441 : i32 to index
        %swap3A_562 = arith.constant 48 : index
        %swap3A_563 = tpu.vector_load %arg16[%swap3A_561, %swap3A_562] {strides = array<i32>} : memref<80x144xf32, #tpu.memory_space<vmem>>, vector<16xf32>,
        tpu.vector_store %arg16[%swap3A_561, %swap3A_562], %mul3A_560 {strides = array<i32>} : memref<80x144xf32, #tpu.memory_space<vmem>>, vector<16xf32>,
        %mul3A_564 = arith.mulf %get3A_456, %exp3A : vector<16xf32>
        %swap3A_565 = arith.index_cast %scan3A_441 : i32 to index
        %swap3A_566 = arith.constant 64 : index
        %swap3A_567 = tpu.vector_load %arg16[%swap3A_565, %swap3A_566] {strides = array<i32>} : memref<80x144xf32, #tpu.memory_space<vmem>>, vector<16xf32>,
        tpu.vector_store %arg16[%swap3A_565, %swap3A_566], %mul3A_564 {strides = array<i32>} : memref<80x144xf32, #tpu.memory_space<vmem>>, vector<16xf32>,
        %mul3A_568 = arith.mulf %get3A_459, %exp3A : vector<16xf32>
        %swap3A_569 = arith.index_cast %scan3A_441 : i32 to index
        %swap3A_570 = arith.constant 80 : index
        %swap3A_571 = tpu.vector_load %arg16[%swap3A_569, %swap3A_570] {strides = array<i32>} : memref<80x144xf32, #tpu.memory_space<vmem>>, vector<16xf32>,
        tpu.vector_store %arg16[%swap3A_569, %swap3A_570], %mul3A_568 {strides = array<i32>} : memref<80x144xf32, #tpu.memory_space<vmem>>, vector<16xf32>,
        %mul3A_572 = arith.mulf %get3A_462, %exp3A : vector<16xf32>
        %swap3A_573 = arith.index_cast %scan3A_441 : i32 to index
        %swap3A_574 = arith.constant 96 : index
        %swap3A_575 = tpu.vector_load %arg16[%swap3A_573, %swap3A_574] {strides = array<i32>} : memref<80x144xf32, #tpu.memory_space<vmem>>, vector<16xf32>,
        tpu.vector_store %arg16[%swap3A_573, %swap3A_574], %mul3A_572 {strides = array<i32>} : memref<80x144xf32, #tpu.memory_space<vmem>>, vector<16xf32>,
        %mul3A_576 = arith.mulf %get3A_465, %exp3A : vector<16xf32>
        %swap3A_577 = arith.index_cast %scan3A_441 : i32 to index
        %swap3A_578 = arith.constant 112 : index
        %swap3A_579 = tpu.vector_load %arg16[%swap3A_577, %swap3A_578] {strides = array<i32>} : memref<80x144xf32, #tpu.memory_space<vmem>>, vector<16xf32>,
        tpu.vector_store %arg16[%swap3A_577, %swap3A_578], %mul3A_576 {strides = array<i32>} : memref<80x144xf32, #tpu.memory_space<vmem>>, vector<16xf32>,
        %swap3A_580 = arith.index_cast %scan3A_441 : i32 to index
        %swap3A_581 = arith.constant 128 : index
        %swap3A_582 = tpu.vector_load %arg16[%swap3A_580, %swap3A_581] {strides = array<i32>} : memref<80x144xf32, #tpu.memory_space<vmem>>, vector<16xf32>,
        tpu.vector_store %arg16[%swap3A_580, %swap3A_581], %exp3A {strides = array<i32>} : memref<80x144xf32, #tpu.memory_space<vmem>>, vector<16xf32>,
        %scan3A_583 = arith.constant 1 : i32
        %scan3A_584 = arith.addi %scan3A_441, %scan3A_583 : i32
        %get3A_585 = arith.index_cast %scan3A_584 : i32 to index
        %get3A_586 = arith.constant 0 : index
        %get3A_587 = tpu.vector_load %arg16[%get3A_585, %get3A_586] {strides = array<i32>} : memref<80x144xf32, #tpu.memory_space<vmem>>, vector<16xf32>,
        %get3A_588 = arith.index_cast %scan3A_584 : i32 to index
        %get3A_589 = arith.constant 16 : index
        %get3A_590 = tpu.vector_load %arg16[%get3A_588, %get3A_589] {strides = array<i32>} : memref<80x144xf32, #tpu.memory_space<vmem>>, vector<16xf32>,
        %get3A_591 = arith.index_cast %scan3A_584 : i32 to index
        %get3A_592 = arith.constant 32 : index
        %get3A_593 = tpu.vector_load %arg16[%get3A_591, %get3A_592] {strides = array<i32>} : memref<80x144xf32, #tpu.memory_space<vmem>>, vector<16xf32>,
        %get3A_594 = arith.index_cast %scan3A_584 : i32 to index
        %get3A_595 = arith.constant 48 : index
        %get3A_596 = tpu.vector_load %arg16[%get3A_594, %get3A_595] {strides = array<i32>} : memref<80x144xf32, #tpu.memory_space<vmem>>, vector<16xf32>,
        %get3A_597 = arith.index_cast %scan3A_584 : i32 to index
        %get3A_598 = arith.constant 64 : index
        %get3A_599 = tpu.vector_load %arg16[%get3A_597, %get3A_598] {strides = array<i32>} : memref<80x144xf32, #tpu.memory_space<vmem>>, vector<16xf32>,
        %get3A_600 = arith.index_cast %scan3A_584 : i32 to index
        %get3A_601 = arith.constant 80 : index
        %get3A_602 = tpu.vector_load %arg16[%get3A_600, %get3A_601] {strides = array<i32>} : memref<80x144xf32, #tpu.memory_space<vmem>>, vector<16xf32>,
        %get3A_603 = arith.index_cast %scan3A_584 : i32 to index
        %get3A_604 = arith.constant 96 : index
        %get3A_605 = tpu.vector_load %arg16[%get3A_603, %get3A_604] {strides = array<i32>} : memref<80x144xf32, #tpu.memory_space<vmem>>, vector<16xf32>,
        %get3A_606 = arith.index_cast %scan3A_584 : i32 to index
        %get3A_607 = arith.constant 112 : index
        %get3A_608 = tpu.vector_load %arg16[%get3A_606, %get3A_607] {strides = array<i32>} : memref<80x144xf32, #tpu.memory_space<vmem>>, vector<16xf32>,
        %sub3A_609 = arith.constant 40 : i32
        %sub3A_610 = arith.subi %scan3A_584, %sub3A_609 : i32
        %get3A_611 = arith.index_cast %sub3A_610 : i32 to index
        %get3A_612 = arith.constant 0 : index
        %get3A_613 = tpu.vector_load %arg19[%get3A_611, %get3A_612] {strides = array<i32>} : memref<40x128xf32, #tpu.memory_space<vmem>>, vector<16xf32>,
        %add3A_614 = arith.addf %get3A_587, %get3A_613 : vector<16xf32>
        %mul3A_615 = arith.constant 2.000000e-01 : f32
        %mul3A_616 = vector.broadcast %mul3A_615 : f32 to vector<16xf32>
        %mul3A_617 = arith.mulf %mul3A_616, %add3A_614 : vector<16xf32>
        %max3A_618 = arith.maximumf %add3A_614, %mul3A_617 : vector<16xf32>
        %mul3A_619 = arith.mulf %get3A_5, %max3A_618 : vector<16xf32>
        %get3A_620 = arith.index_cast %sub3A_610 : i32 to index
        %get3A_621 = arith.constant 16 : index
        %get3A_622 = tpu.vector_load %arg19[%get3A_620, %get3A_621] {strides = array<i32>} : memref<40x128xf32, #tpu.memory_space<vmem>>, vector<16xf32>,
        %add3A_623 = arith.addf %get3A_590, %get3A_622 : vector<16xf32>
        %mul3A_624 = arith.constant 2.000000e-01 : f32
        %mul3A_625 = vector.broadcast %mul3A_624 : f32 to vector<16xf32>
        %mul3A_626 = arith.mulf %mul3A_625, %add3A_623 : vector<16xf32>
        %max3A_627 = arith.maximumf %add3A_623, %mul3A_626 : vector<16xf32>
        %mul3A_628 = arith.mulf %get3A_7, %max3A_627 : vector<16xf32>
        %get3A_629 = arith.index_cast %sub3A_610 : i32 to index
        %get3A_630 = arith.constant 32 : index
        %get3A_631 = tpu.vector_load %arg19[%get3A_629, %get3A_630] {strides = array<i32>} : memref<40x128xf32, #tpu.memory_space<vmem>>, vector<16xf32>,
        %add3A_632 = arith.addf %get3A_593, %get3A_631 : vector<16xf32>
        %mul3A_633 = arith.constant 2.000000e-01 : f32
        %mul3A_634 = vector.broadcast %mul3A_633 : f32 to vector<16xf32>
        %mul3A_635 = arith.mulf %mul3A_634, %add3A_632 : vector<16xf32>
        %max3A_636 = arith.maximumf %add3A_632, %mul3A_635 : vector<16xf32>
        %mul3A_637 = arith.mulf %get3A_9, %max3A_636 : vector<16xf32>
        %get3A_638 = arith.index_cast %sub3A_610 : i32 to index
        %get3A_639 = arith.constant 48 : index
        %get3A_640 = tpu.vector_load %arg19[%get3A_638, %get3A_639] {strides = array<i32>} : memref<40x128xf32, #tpu.memory_space<vmem>>, vector<16xf32>,
        %add3A_641 = arith.addf %get3A_596, %get3A_640 : vector<16xf32>
        %mul3A_642 = arith.constant 2.000000e-01 : f32
        %mul3A_643 = vector.broadcast %mul3A_642 : f32 to vector<16xf32>
        %mul3A_644 = arith.mulf %mul3A_643, %add3A_641 : vector<16xf32>
        %max3A_645 = arith.maximumf %add3A_641, %mul3A_644 : vector<16xf32>
        %mul3A_646 = arith.mulf %get3A_11, %max3A_645 : vector<16xf32>
        %get3A_647 = arith.index_cast %sub3A_610 : i32 to index
        %get3A_648 = arith.constant 64 : index
        %get3A_649 = tpu.vector_load %arg19[%get3A_647, %get3A_648] {strides = array<i32>} : memref<40x128xf32, #tpu.memory_space<vmem>>, vector<16xf32>,
        %add3A_650 = arith.addf %get3A_599, %get3A_649 : vector<16xf32>
        %mul3A_651 = arith.constant 2.000000e-01 : f32
        %mul3A_652 = vector.broadcast %mul3A_651 : f32 to vector<16xf32>
        %mul3A_653 = arith.mulf %mul3A_652, %add3A_650 : vector<16xf32>
        %max3A_654 = arith.maximumf %add3A_650, %mul3A_653 : vector<16xf32>
        %mul3A_655 = arith.mulf %get3A_13, %max3A_654 : vector<16xf32>
        %get3A_656 = arith.index_cast %sub3A_610 : i32 to index
        %get3A_657 = arith.constant 80 : index
        %get3A_658 = tpu.vector_load %arg19[%get3A_656, %get3A_657] {strides = array<i32>} : memref<40x128xf32, #tpu.memory_space<vmem>>, vector<16xf32>,
        %add3A_659 = arith.addf %get3A_602, %get3A_658 : vector<16xf32>
        %mul3A_660 = arith.constant 2.000000e-01 : f32
        %mul3A_661 = vector.broadcast %mul3A_660 : f32 to vector<16xf32>
        %mul3A_662 = arith.mulf %mul3A_661, %add3A_659 : vector<16xf32>
        %max3A_663 = arith.maximumf %add3A_659, %mul3A_662 : vector<16xf32>
        %mul3A_664 = arith.mulf %get3A_15, %max3A_663 : vector<16xf32>
        %get3A_665 = arith.index_cast %sub3A_610 : i32 to index
        %get3A_666 = arith.constant 96 : index
        %get3A_667 = tpu.vector_load %arg19[%get3A_665, %get3A_666] {strides = array<i32>} : memref<40x128xf32, #tpu.memory_space<vmem>>, vector<16xf32>,
        %add3A_668 = arith.addf %get3A_605, %get3A_667 : vector<16xf32>
        %mul3A_669 = arith.constant 2.000000e-01 : f32
        %mul3A_670 = vector.broadcast %mul3A_669 : f32 to vector<16xf32>
        %mul3A_671 = arith.mulf %mul3A_670, %add3A_668 : vector<16xf32>
        %max3A_672 = arith.maximumf %add3A_668, %mul3A_671 : vector<16xf32>
        %mul3A_673 = arith.mulf %get3A_17, %max3A_672 : vector<16xf32>
        %get3A_674 = arith.index_cast %sub3A_610 : i32 to index
        %get3A_675 = arith.constant 112 : index
        %get3A_676 = tpu.vector_load %arg19[%get3A_674, %get3A_675] {strides = array<i32>} : memref<40x128xf32, #tpu.memory_space<vmem>>, vector<16xf32>,
        %add3A_677 = arith.addf %get3A_608, %get3A_676 : vector<16xf32>
        %mul3A_678 = arith.constant 2.000000e-01 : f32
        %mul3A_679 = vector.broadcast %mul3A_678 : f32 to vector<16xf32>
        %mul3A_680 = arith.mulf %mul3A_679, %add3A_677 : vector<16xf32>
        %max3A_681 = arith.maximumf %add3A_677, %mul3A_680 : vector<16xf32>
        %mul3A_682 = arith.mulf %get3A_19, %max3A_681 : vector<16xf32>
        %add3A_683 = arith.addf %mul3A_619, %mul3A_628 : vector<16xf32>
        %add3A_684 = arith.addf %mul3A_637, %mul3A_646 : vector<16xf32>
        %add3A_685 = arith.addf %add3A_683, %add3A_684 : vector<16xf32>
        %add3A_686 = arith.addf %mul3A_655, %mul3A_664 : vector<16xf32>
        %add3A_687 = arith.addf %mul3A_673, %mul3A_682 : vector<16xf32>
        %add3A_688 = arith.addf %add3A_686, %add3A_687 : vector<16xf32>
        %add3A_689 = arith.addf %add3A_685, %add3A_688 : vector<16xf32>
        %reduce_sum3A_690 = arith.constant true
        %reduce_sum3A_691 = vector.broadcast %reduce_sum3A_690 : i1 to vector<16xi1>
        %reduce_sum3A_692 = tpu.scan <sum>, %add3A_689 masked %reduce_sum3A_691 : vector<16xf32>, vector<16xi1> -> vector<16xf32>
        %reduce_sum3A_693 = vector.extract %reduce_sum3A_692[15] : f32 from vector<16xf32>
        %broadcast_in_dim3A_694 = vector.broadcast %reduce_sum3A_693 : f32 to vector<16xf32>
        %exp3A_695 = math.exp %broadcast_in_dim3A_694 : vector<16xf32>
        %mul3A_696 = arith.mulf %get3A_587, %exp3A_695 : vector<16xf32>
        %swap3A_697 = arith.index_cast %scan3A_584 : i32 to index
        %swap3A_698 = arith.constant 0 : index
        %swap3A_699 = tpu.vector_load %arg16[%swap3A_697, %swap3A_698] {strides = array<i32>} : memref<80x144xf32, #tpu.memory_space<vmem>>, vector<16xf32>,
        tpu.vector_store %arg16[%swap3A_697, %swap3A_698], %mul3A_696 {strides = array<i32>} : memref<80x144xf32, #tpu.memory_space<vmem>>, vector<16xf32>,
        %mul3A_700 = arith.mulf %get3A_590, %exp3A_695 : vector<16xf32>
        %swap3A_701 = arith.index_cast %scan3A_584 : i32 to index
        %swap3A_702 = arith.constant 16 : index
        %swap3A_703 = tpu.vector_load %arg16[%swap3A_701, %swap3A_702] {strides = array<i32>} : memref<80x144xf32, #tpu.memory_space<vmem>>, vector<16xf32>,
        tpu.vector_store %arg16[%swap3A_701, %swap3A_702], %mul3A_700 {strides = array<i32>} : memref<80x144xf32, #tpu.memory_space<vmem>>, vector<16xf32>,
        %mul3A_704 = arith.mulf %get3A_593, %exp3A_695 : vector<16xf32>
        %swap3A_705 = arith.index_cast %scan3A_584 : i32 to index
        %swap3A_706 = arith.constant 32 : index
        %swap3A_707 = tpu.vector_load %arg16[%swap3A_705, %swap3A_706] {strides = array<i32>} : memref<80x144xf32, #tpu.memory_space<vmem>>, vector<16xf32>,
        tpu.vector_store %arg16[%swap3A_705, %swap3A_706], %mul3A_704 {strides = array<i32>} : memref<80x144xf32, #tpu.memory_space<vmem>>, vector<16xf32>,
        %mul3A_708 = arith.mulf %get3A_596, %exp3A_695 : vector<16xf32>
        %swap3A_709 = arith.index_cast %scan3A_584 : i32 to index
        %swap3A_710 = arith.constant 48 : index
        %swap3A_711 = tpu.vector_load %arg16[%swap3A_709, %swap3A_710] {strides = array<i32>} : memref<80x144xf32, #tpu.memory_space<vmem>>, vector<16xf32>,
        tpu.vector_store %arg16[%swap3A_709, %swap3A_710], %mul3A_708 {strides = array<i32>} : memref<80x144xf32, #tpu.memory_space<vmem>>, vector<16xf32>,
        %mul3A_712 = arith.mulf %get3A_599, %exp3A_695 : vector<16xf32>
        %swap3A_713 = arith.index_cast %scan3A_584 : i32 to index
        %swap3A_714 = arith.constant 64 : index
        %swap3A_715 = tpu.vector_load %arg16[%swap3A_713, %swap3A_714] {strides = array<i32>} : memref<80x144xf32, #tpu.memory_space<vmem>>, vector<16xf32>,
        tpu.vector_store %arg16[%swap3A_713, %swap3A_714], %mul3A_712 {strides = array<i32>} : memref<80x144xf32, #tpu.memory_space<vmem>>, vector<16xf32>,
        %mul3A_716 = arith.mulf %get3A_602, %exp3A_695 : vector<16xf32>
        %swap3A_717 = arith.index_cast %scan3A_584 : i32 to index
        %swap3A_718 = arith.constant 80 : index
        %swap3A_719 = tpu.vector_load %arg16[%swap3A_717, %swap3A_718] {strides = array<i32>} : memref<80x144xf32, #tpu.memory_space<vmem>>, vector<16xf32>,
        tpu.vector_store %arg16[%swap3A_717, %swap3A_718], %mul3A_716 {strides = array<i32>} : memref<80x144xf32, #tpu.memory_space<vmem>>, vector<16xf32>,
        %mul3A_720 = arith.mulf %get3A_605, %exp3A_695 : vector<16xf32>
        %swap3A_721 = arith.index_cast %scan3A_584 : i32 to index
        %swap3A_722 = arith.constant 96 : index
        %swap3A_723 = tpu.vector_load %arg16[%swap3A_721, %swap3A_722] {strides = array<i32>} : memref<80x144xf32, #tpu.memory_space<vmem>>, vector<16xf32>,
        tpu.vector_store %arg16[%swap3A_721, %swap3A_722], %mul3A_720 {strides = array<i32>} : memref<80x144xf32, #tpu.memory_space<vmem>>, vector<16xf32>,
        %mul3A_724 = arith.mulf %get3A_608, %exp3A_695 : vector<16xf32>
        %swap3A_725 = arith.index_cast %scan3A_584 : i32 to index
        %swap3A_726 = arith.constant 112 : index
        %swap3A_727 = tpu.vector_load %arg16[%swap3A_725, %swap3A_726] {strides = array<i32>} : memref<80x144xf32, #tpu.memory_space<vmem>>, vector<16xf32>,
        tpu.vector_store %arg16[%swap3A_725, %swap3A_726], %mul3A_724 {strides = array<i32>} : memref<80x144xf32, #tpu.memory_space<vmem>>, vector<16xf32>,
        %swap3A_728 = arith.index_cast %scan3A_584 : i32 to index
        %swap3A_729 = arith.constant 128 : index
        %swap3A_730 = tpu.vector_load %arg16[%swap3A_728, %swap3A_729] {strides = array<i32>} : memref<80x144xf32, #tpu.memory_space<vmem>>, vector<16xf32>,
        tpu.vector_store %arg16[%swap3A_728, %swap3A_729], %exp3A_695 {strides = array<i32>} : memref<80x144xf32, #tpu.memory_space<vmem>>, vector<16xf32>,
      }
      %scan3A_301 = arith.constant 40 : i32
      %dma_start3A_302 = arith.constant 1 : i32
      %dma_start3A_303 = arith.constant 40 : i32
      %dma_start3A_304 = arith.constant 0 : i32
      %dma_start3A_305 = tpu.memref_slice %arg16[%dma_start3A_303, %dma_start3A_304] : memref<80x144xf32, #tpu.memory_space<vmem>> -> memref<40x144xf32, #tpu.memory_space<vmem>>
      %dma_start3A_306 = arith.constant 0 : i32
      %dma_start3A_307 = tpu.memref_slice %arg14[%dma_start3A_302, %dma_start3A_306] : memref<2x40xi32, #tpu.memory_space<vmem>> -> memref<1x40xi32, #tpu.memory_space<vmem>>
      %dma_start3A_308 = tpu.memref_squeeze %dma_start3A_307 : memref<1x40xi32, #tpu.memory_space<vmem>> -> memref<40xi32, #tpu.memory_space<vmem>>
      %dma_start3A_309 = arith.constant 0 : i32
      %dma_start3A_310 = arith.constant 0 : i32
      %dma_start3A_311 = tpu.memref_slice %arg20[%dma_start3A_309, %dma_start3A_310] : memref<10000x144xf32, #tpu.memory_space<vmem_shared>> -> memref<10000x144xf32, #tpu.memory_space<vmem_shared>>
      tpu.enqueue_indirect_dma source(%dma_start3A_305 : memref<40x144xf32, #tpu.memory_space<vmem>>) target(%dma_start3A_311 : memref<10000x144xf32, #tpu.memory_space<vmem_shared>>) offsets(%dma_start3A_308 : memref<40xi32, #tpu.memory_space<vmem>>) semaphore(%arg27 : memref<!tpu.dma_semaphore, #tpu.memory_space<semaphore_mem>>) {add = true}
      %dma_start3A_312 = arith.constant 40 : i32
      %dma_start3A_313 = tpu.memref_slice %arg13[%dma_start3A_312] : memref<80xi32, #tpu.memory_space<vmem>> -> memref<40xi32, #tpu.memory_space<vmem>>
      %dma_start3A_314 = arith.constant 0 : i32
      %dma_start3A_315 = arith.constant 0 : i32
      %dma_start3A_316 = tpu.memref_slice %arg3[%dma_start3A_314, %dma_start3A_315] : memref<10000x128xf32, #tpu.memory_space<hbm>> -> memref<10000x128xf32, #tpu.memory_space<hbm>>
      tpu.enqueue_indirect_dma source(%dma_start3A_316 : memref<10000x128xf32, #tpu.memory_space<hbm>>) target(%arg19 : memref<40x128xf32, #tpu.memory_space<vmem>>) offsets(%dma_start3A_313 : memref<40xi32, #tpu.memory_space<vmem>>) semaphore(%arg26 : memref<!tpu.dma_semaphore, #tpu.memory_space<semaphore_mem>>)
      %le3A = arith.constant 122 : i32
      %le3A_317 = arith.cmpi sle, %add3A_206, %le3A : i32
      %convert_element_type3A_318 = arith.extui %le3A_317 : i1 to i32
      %cond3A_319 = arith.constant 0 : i32
      %cond3A_320 = arith.cmpi ne, %convert_element_type3A_318, %cond3A_319 : i32
      scf.if %cond3A_320 {
        %add3A_441 = arith.constant 2 : i32
        %add3A_442 = arith.addi %add3A_206, %add3A_441 : i32
        %dma_start3A_443 = arith.constant 0 : i32
        %dma_start3A_444 = tpu.memref_slice %arg4[%add3A, %add3A_442, %dma_start3A_443] : memref<32x125x80xi32, #tpu.memory_space<hbm>> -> memref<1x1x80xi32, #tpu.memory_space<hbm>>
        %dma_start3A_445 = tpu.memref_squeeze %dma_start3A_444 : memref<1x1x80xi32, #tpu.memory_space<hbm>> -> memref<80xi32, #tpu.memory_space<hbm>>
        %dma_start3A_446 = arith.constant 0 : i32
        %dma_start3A_447 = tpu.memref_slice %arg4[%add3A, %add3A_442, %dma_start3A_446] : memref<32x125x80xi32, #tpu.memory_space<hbm>> -> memref<1x1x80xi32, #tpu.memory_space<hbm>>
        %dma_start3A_448 = tpu.memref_squeeze %dma_start3A_447 : memref<1x1x80xi32, #tpu.memory_space<hbm>> -> memref<80xi32, #tpu.memory_space<hbm>>
        tpu.enqueue_dma source(%dma_start3A_448 : memref<80xi32, #tpu.memory_space<hbm>>) target(%arg10 : memref<80xi32, #tpu.memory_space<vmem>>) target_semaphore(%arg21 : memref<!tpu.dma_semaphore, #tpu.memory_space<semaphore_mem>>)
        %dma_start3A_449 = arith.constant 0 : i32
        %dma_start3A_450 = tpu.memref_slice %arg5[%add3A, %add3A_442, %dma_start3A_449] : memref<32x125x80xi32, #tpu.memory_space<hbm>> -> memref<1x1x80xi32, #tpu.memory_space<hbm>>
        %dma_start3A_451 = tpu.memref_squeeze %dma_start3A_450 : memref<1x1x80xi32, #tpu.memory_space<hbm>> -> memref<80xi32, #tpu.memory_space<hbm>>
        %dma_start3A_452 = arith.constant 0 : i32
        %dma_start3A_453 = tpu.memref_slice %arg5[%add3A, %add3A_442, %dma_start3A_452] : memref<32x125x80xi32, #tpu.memory_space<hbm>> -> memref<1x1x80xi32, #tpu.memory_space<hbm>>
        %dma_start3A_454 = tpu.memref_squeeze %dma_start3A_453 : memref<1x1x80xi32, #tpu.memory_space<hbm>> -> memref<80xi32, #tpu.memory_space<hbm>>
        tpu.enqueue_dma source(%dma_start3A_454 : memref<80xi32, #tpu.memory_space<hbm>>) target(%arg12 : memref<80xi32, #tpu.memory_space<vmem>>) target_semaphore(%arg21 : memref<!tpu.dma_semaphore, #tpu.memory_space<semaphore_mem>>)
      } else {
      }
      %add3A_321 = arith.constant 1 : i32
      %add3A_322 = arith.addi %add3A_206, %add3A_321 : i32
      %dma_wait3A_323 = arith.constant 0 : i32
      %dma_wait3A_324 = arith.constant 0 : i32
      %dma_wait3A_325 = tpu.memref_slice %arg4[%add3A, %dma_wait3A_323, %dma_wait3A_324] : memref<32x125x80xi32, #tpu.memory_space<hbm>> -> memref<1x1x80xi32, #tpu.memory_space<hbm>>
      %dma_wait3A_326 = tpu.memref_squeeze %dma_wait3A_325 : memref<1x1x80xi32, #tpu.memory_space<hbm>> -> memref<80xi32, #tpu.memory_space<hbm>>
      %dma_wait3A_327 = arith.constant 0 : i32
      %dma_wait3A_328 = tpu.memref_slice %arg4[%add3A, %dma_wait3A_323, %dma_wait3A_327] : memref<32x125x80xi32, #tpu.memory_space<hbm>> -> memref<1x1x80xi32, #tpu.memory_space<hbm>>
      %dma_wait3A_329 = tpu.memref_squeeze %dma_wait3A_328 : memref<1x1x80xi32, #tpu.memory_space<hbm>> -> memref<80xi32, #tpu.memory_space<hbm>>
      tpu.wait_dma2 semaphore(%arg21 : memref<!tpu.dma_semaphore, #tpu.memory_space<semaphore_mem>>) src(%dma_wait3A_329 : memref<80xi32, #tpu.memory_space<hbm>>) dst(%arg10 : memref<80xi32, #tpu.memory_space<vmem>>)
      %dma_wait3A_330 = arith.constant 0 : i32
      %dma_wait3A_331 = arith.constant 0 : i32
      %dma_wait3A_332 = tpu.memref_slice %arg5[%add3A, %dma_wait3A_330, %dma_wait3A_331] : memref<32x125x80xi32, #tpu.memory_space<hbm>> -> memref<1x1x80xi32, #tpu.memory_space<hbm>>
      %dma_wait3A_333 = tpu.memref_squeeze %dma_wait3A_332 : memref<1x1x80xi32, #tpu.memory_space<hbm>> -> memref<80xi32, #tpu.memory_space<hbm>>
      %dma_wait3A_334 = arith.constant 0 : i32
      %dma_wait3A_335 = tpu.memref_slice %arg5[%add3A, %dma_wait3A_330, %dma_wait3A_334] : memref<32x125x80xi32, #tpu.memory_space<hbm>> -> memref<1x1x80xi32, #tpu.memory_space<hbm>>
      %dma_wait3A_336 = tpu.memref_squeeze %dma_wait3A_335 : memref<1x1x80xi32, #tpu.memory_space<hbm>> -> memref<80xi32, #tpu.memory_space<hbm>>
      tpu.wait_dma2 semaphore(%arg21 : memref<!tpu.dma_semaphore, #tpu.memory_space<semaphore_mem>>) src(%dma_wait3A_336 : memref<80xi32, #tpu.memory_space<hbm>>) dst(%arg12 : memref<80xi32, #tpu.memory_space<vmem>>)
      %ge3A_337 = arith.constant 1 : i32
      %ge3A_338 = arith.cmpi sge, %add3A_322, %ge3A_337 : i32
      %convert_element_type3A_339 = arith.extui %ge3A_338 : i1 to i32
      %cond3A_340 = arith.constant 0 : i32
      %cond3A_341 = arith.cmpi ne, %convert_element_type3A_339, %cond3A_340 : i32
      scf.if %cond3A_341 {
        %dma_wait3A_441 = arith.constant 0 : i32
        %dma_wait3A_442 = arith.constant 0 : i32
        %dma_wait3A_443 = arith.constant 0 : i32
        %dma_wait3A_444 = tpu.memref_slice %arg16[%dma_wait3A_442, %dma_wait3A_443] : memref<80x144xf32, #tpu.memory_space<vmem>> -> memref<40x144xf32, #tpu.memory_space<vmem>>
        %dma_wait3A_445 = arith.constant 0 : i32
        %dma_wait3A_446 = tpu.memref_slice %arg14[%dma_wait3A_441, %dma_wait3A_445] : memref<2x40xi32, #tpu.memory_space<vmem>> -> memref<1x40xi32, #tpu.memory_space<vmem>>
        %dma_wait3A_447 = tpu.memref_squeeze %dma_wait3A_446 : memref<1x40xi32, #tpu.memory_space<vmem>> -> memref<40xi32, #tpu.memory_space<vmem>>
        %dma_wait3A_448 = arith.constant 0 : i32
        %dma_wait3A_449 = arith.constant 0 : i32
        %dma_wait3A_450 = tpu.memref_slice %arg20[%dma_wait3A_448, %dma_wait3A_449] : memref<10000x144xf32, #tpu.memory_space<vmem_shared>> -> memref<10000x144xf32, #tpu.memory_space<vmem_shared>>
        tpu.wait_indirect_dma semaphore(%arg27 : memref<!tpu.dma_semaphore, #tpu.memory_space<semaphore_mem>>) src(%dma_wait3A_444 : memref<40x144xf32, #tpu.memory_space<vmem>>) dst(%dma_wait3A_450 : memref<10000x144xf32, #tpu.memory_space<vmem_shared>>)
        %dma_wait3A_451 = arith.constant 1 : i32
        %dma_wait3A_452 = arith.constant 40 : i32
        %dma_wait3A_453 = arith.constant 0 : i32
        %dma_wait3A_454 = tpu.memref_slice %arg16[%dma_wait3A_452, %dma_wait3A_453] : memref<80x144xf32, #tpu.memory_space<vmem>> -> memref<40x144xf32, #tpu.memory_space<vmem>>
        %dma_wait3A_455 = arith.constant 0 : i32
        %dma_wait3A_456 = tpu.memref_slice %arg14[%dma_wait3A_451, %dma_wait3A_455] : memref<2x40xi32, #tpu.memory_space<vmem>> -> memref<1x40xi32, #tpu.memory_space<vmem>>
        %dma_wait3A_457 = tpu.memref_squeeze %dma_wait3A_456 : memref<1x40xi32, #tpu.memory_space<vmem>> -> memref<40xi32, #tpu.memory_space<vmem>>
        %dma_wait3A_458 = arith.constant 0 : i32
        %dma_wait3A_459 = arith.constant 0 : i32
        %dma_wait3A_460 = tpu.memref_slice %arg20[%dma_wait3A_458, %dma_wait3A_459] : memref<10000x144xf32, #tpu.memory_space<vmem_shared>> -> memref<10000x144xf32, #tpu.memory_space<vmem_shared>>
        tpu.wait_indirect_dma semaphore(%arg27 : memref<!tpu.dma_semaphore, #tpu.memory_space<semaphore_mem>>) src(%dma_wait3A_454 : memref<40x144xf32, #tpu.memory_space<vmem>>) dst(%dma_wait3A_460 : memref<10000x144xf32, #tpu.memory_space<vmem_shared>>)
      } else {
      }
      %dma_start3A_342 = arith.constant 0 : i32
      %dma_start3A_343 = arith.constant 0 : i32
      %dma_start3A_344 = tpu.memref_slice %arg2[%dma_start3A_342, %dma_start3A_343] : memref<10000x144xf32, #tpu.memory_space<hbm>> -> memref<10000x144xf32, #tpu.memory_space<hbm>>
      tpu.enqueue_indirect_dma source(%dma_start3A_344 : memref<10000x144xf32, #tpu.memory_space<hbm>>) target(%arg16 : memref<80x144xf32, #tpu.memory_space<vmem>>) offsets(%arg10 : memref<80xi32, #tpu.memory_space<vmem>>) semaphore(%arg23 : memref<!tpu.dma_semaphore, #tpu.memory_space<semaphore_mem>>)
      %dma_wait3A_345 = arith.constant 0 : i32
      %dma_wait3A_346 = arith.constant 0 : i32
      %dma_wait3A_347 = tpu.memref_slice %arg2[%dma_wait3A_345, %dma_wait3A_346] : memref<10000x144xf32, #tpu.memory_space<hbm>> -> memref<10000x144xf32, #tpu.memory_space<hbm>>
      tpu.wait_indirect_dma semaphore(%arg24 : memref<!tpu.dma_semaphore, #tpu.memory_space<semaphore_mem>>) src(%dma_wait3A_347 : memref<10000x144xf32, #tpu.memory_space<hbm>>) dst(%arg17 : memref<80x144xf32, #tpu.memory_space<vmem>>)
      %get3A_348 = arith.constant 0 : index
      %get3A_349 = tpu.vector_load %arg13[%get3A_348] {strides = array<i32>} : memref<80xi32, #tpu.memory_space<vmem>>, vector<16xi32>,
      %swap3A_350 = arith.constant 0 : i32
      %swap3A_351 = arith.index_cast %swap3A_350 : i32 to index
      %swap3A_352 = arith.constant 0 : index
      %swap3A_353 = tpu.vector_load %arg15[%swap3A_351, %swap3A_352] {strides = array<i32>} : memref<2x40xi32, #tpu.memory_space<vmem>>, vector<16xi32>,
      tpu.vector_store %arg15[%swap3A_351, %swap3A_352], %get3A_349 {strides = array<i32>} : memref<2x40xi32, #tpu.memory_space<vmem>>, vector<16xi32>,
      %get3A_354 = arith.constant 16 : index
      %get3A_355 = tpu.vector_load %arg13[%get3A_354] {strides = array<i32>} : memref<80xi32, #tpu.memory_space<vmem>>, vector<16xi32>,
      %swap3A_356 = arith.constant 0 : i32
      %swap3A_357 = arith.index_cast %swap3A_356 : i32 to index
      %swap3A_358 = arith.constant 16 : index
      %swap3A_359 = tpu.vector_load %arg15[%swap3A_357, %swap3A_358] {strides = array<i32>} : memref<2x40xi32, #tpu.memory_space<vmem>>, vector<16xi32>,
      tpu.vector_store %arg15[%swap3A_357, %swap3A_358], %get3A_355 {strides = array<i32>} : memref<2x40xi32, #tpu.memory_space<vmem>>, vector<16xi32>,
      %get3A_360 = arith.constant 24 : index
      %get3A_361 = tpu.vector_load %arg13[%get3A_360] {strides = array<i32>} : memref<80xi32, #tpu.memory_space<vmem>>, vector<16xi32>,
      %swap3A_362 = arith.constant 0 : i32
      %swap3A_363 = arith.index_cast %swap3A_362 : i32 to index
      %swap3A_364 = arith.constant 24 : index
      %swap3A_365 = tpu.vector_load %arg15[%swap3A_363, %swap3A_364] {strides = array<i32>} : memref<2x40xi32, #tpu.memory_space<vmem>>, vector<16xi32>,
      tpu.vector_store %arg15[%swap3A_363, %swap3A_364], %get3A_361 {strides = array<i32>} : memref<2x40xi32, #tpu.memory_space<vmem>>, vector<16xi32>,
      %get3A_366 = arith.constant 40 : index
      %get3A_367 = tpu.vector_load %arg13[%get3A_366] {strides = array<i32>} : memref<80xi32, #tpu.memory_space<vmem>>, vector<16xi32>,
      %swap3A_368 = arith.constant 1 : i32
      %swap3A_369 = arith.index_cast %swap3A_368 : i32 to index
      %swap3A_370 = arith.constant 0 : index
      %swap3A_371 = tpu.vector_load %arg15[%swap3A_369, %swap3A_370] {strides = array<i32>} : memref<2x40xi32, #tpu.memory_space<vmem>>, vector<16xi32>,
      tpu.vector_store %arg15[%swap3A_369, %swap3A_370], %get3A_367 {strides = array<i32>} : memref<2x40xi32, #tpu.memory_space<vmem>>, vector<16xi32>,
      %get3A_372 = arith.constant 56 : index
      %get3A_373 = tpu.vector_load %arg13[%get3A_372] {strides = array<i32>} : memref<80xi32, #tpu.memory_space<vmem>>, vector<16xi32>,
      %swap3A_374 = arith.constant 1 : i32
      %swap3A_375 = arith.index_cast %swap3A_374 : i32 to index
      %swap3A_376 = arith.constant 16 : index
      %swap3A_377 = tpu.vector_load %arg15[%swap3A_375, %swap3A_376] {strides = array<i32>} : memref<2x40xi32, #tpu.memory_space<vmem>>, vector<16xi32>,
      tpu.vector_store %arg15[%swap3A_375, %swap3A_376], %get3A_373 {strides = array<i32>} : memref<2x40xi32, #tpu.memory_space<vmem>>, vector<16xi32>,
      %get3A_378 = arith.constant 64 : index
      %get3A_379 = tpu.vector_load %arg13[%get3A_378] {strides = array<i32>} : memref<80xi32, #tpu.memory_space<vmem>>, vector<16xi32>,
      %swap3A_380 = arith.constant 1 : i32
      %swap3A_381 = arith.index_cast %swap3A_380 : i32 to index
      %swap3A_382 = arith.constant 24 : index
      %swap3A_383 = tpu.vector_load %arg15[%swap3A_381, %swap3A_382] {strides = array<i32>} : memref<2x40xi32, #tpu.memory_space<vmem>>, vector<16xi32>,
      tpu.vector_store %arg15[%swap3A_381, %swap3A_382], %get3A_379 {strides = array<i32>} : memref<2x40xi32, #tpu.memory_space<vmem>>, vector<16xi32>,
      %dma_wait3A_384 = arith.constant 0 : i32
      %dma_wait3A_385 = tpu.memref_slice %arg13[%dma_wait3A_384] : memref<80xi32, #tpu.memory_space<vmem>> -> memref<40xi32, #tpu.memory_space<vmem>>
      %dma_wait3A_386 = arith.constant 0 : i32
      %dma_wait3A_387 = arith.constant 0 : i32
      %dma_wait3A_388 = tpu.memref_slice %arg3[%dma_wait3A_386, %dma_wait3A_387] : memref<10000x128xf32, #tpu.memory_space<hbm>> -> memref<10000x128xf32, #tpu.memory_space<hbm>>
      tpu.wait_indirect_dma semaphore(%arg25 : memref<!tpu.dma_semaphore, #tpu.memory_space<semaphore_mem>>) src(%dma_wait3A_388 : memref<10000x128xf32, #tpu.memory_space<hbm>>) dst(%arg18 : memref<40x128xf32, #tpu.memory_space<vmem>>)
      %scan3A_389 = arith.constant 0 : i32
      %scan3A_390 = arith.constant 0 : i32
      %scan3A_391 = arith.constant 40 : i32
      %scan3A_392 = arith.addi %scan3A_390, %scan3A_391 : i32
      %scan3A_393 = arith.constant 2 : i32
      scf.for %scan3A_441 = %scan3A_390 to %scan3A_392 step %scan3A_393  : i32 {
        %get3A_442 = arith.index_cast %scan3A_441 : i32 to index
        %get3A_443 = arith.constant 0 : index
        %get3A_444 = tpu.vector_load %arg17[%get3A_442, %get3A_443] {strides = array<i32>} : memref<80x144xf32, #tpu.memory_space<vmem>>, vector<16xf32>,
        %get3A_445 = arith.index_cast %scan3A_441 : i32 to index
        %get3A_446 = arith.constant 16 : index
        %get3A_447 = tpu.vector_load %arg17[%get3A_445, %get3A_446] {strides = array<i32>} : memref<80x144xf32, #tpu.memory_space<vmem>>, vector<16xf32>,
        %get3A_448 = arith.index_cast %scan3A_441 : i32 to index
        %get3A_449 = arith.constant 32 : index
        %get3A_450 = tpu.vector_load %arg17[%get3A_448, %get3A_449] {strides = array<i32>} : memref<80x144xf32, #tpu.memory_space<vmem>>, vector<16xf32>,
        %get3A_451 = arith.index_cast %scan3A_441 : i32 to index
        %get3A_452 = arith.constant 48 : index
        %get3A_453 = tpu.vector_load %arg17[%get3A_451, %get3A_452] {strides = array<i32>} : memref<80x144xf32, #tpu.memory_space<vmem>>, vector<16xf32>,
        %get3A_454 = arith.index_cast %scan3A_441 : i32 to index
        %get3A_455 = arith.constant 64 : index
        %get3A_456 = tpu.vector_load %arg17[%get3A_454, %get3A_455] {strides = array<i32>} : memref<80x144xf32, #tpu.memory_space<vmem>>, vector<16xf32>,
        %get3A_457 = arith.index_cast %scan3A_441 : i32 to index
        %get3A_458 = arith.constant 80 : index
        %get3A_459 = tpu.vector_load %arg17[%get3A_457, %get3A_458] {strides = array<i32>} : memref<80x144xf32, #tpu.memory_space<vmem>>, vector<16xf32>,
        %get3A_460 = arith.index_cast %scan3A_441 : i32 to index
        %get3A_461 = arith.constant 96 : index
        %get3A_462 = tpu.vector_load %arg17[%get3A_460, %get3A_461] {strides = array<i32>} : memref<80x144xf32, #tpu.memory_space<vmem>>, vector<16xf32>,
        %get3A_463 = arith.index_cast %scan3A_441 : i32 to index
        %get3A_464 = arith.constant 112 : index
        %get3A_465 = tpu.vector_load %arg17[%get3A_463, %get3A_464] {strides = array<i32>} : memref<80x144xf32, #tpu.memory_space<vmem>>, vector<16xf32>,
        %sub3A = arith.constant 0 : i32
        %sub3A_466 = arith.subi %scan3A_441, %sub3A : i32
        %get3A_467 = arith.index_cast %sub3A_466 : i32 to index
        %get3A_468 = arith.constant 0 : index
        %get3A_469 = tpu.vector_load %arg18[%get3A_467, %get3A_468] {strides = array<i32>} : memref<40x128xf32, #tpu.memory_space<vmem>>, vector<16xf32>,
        %add3A_470 = arith.addf %get3A_444, %get3A_469 : vector<16xf32>
        %mul3A_471 = arith.constant 2.000000e-01 : f32
        %mul3A_472 = vector.broadcast %mul3A_471 : f32 to vector<16xf32>
        %mul3A_473 = arith.mulf %mul3A_472, %add3A_470 : vector<16xf32>
        %max3A = arith.maximumf %add3A_470, %mul3A_473 : vector<16xf32>
        %mul3A_474 = arith.mulf %get3A_5, %max3A : vector<16xf32>
        %get3A_475 = arith.index_cast %sub3A_466 : i32 to index
        %get3A_476 = arith.constant 16 : index
        %get3A_477 = tpu.vector_load %arg18[%get3A_475, %get3A_476] {strides = array<i32>} : memref<40x128xf32, #tpu.memory_space<vmem>>, vector<16xf32>,
        %add3A_478 = arith.addf %get3A_447, %get3A_477 : vector<16xf32>
        %mul3A_479 = arith.constant 2.000000e-01 : f32
        %mul3A_480 = vector.broadcast %mul3A_479 : f32 to vector<16xf32>
        %mul3A_481 = arith.mulf %mul3A_480, %add3A_478 : vector<16xf32>
        %max3A_482 = arith.maximumf %add3A_478, %mul3A_481 : vector<16xf32>
        %mul3A_483 = arith.mulf %get3A_7, %max3A_482 : vector<16xf32>
        %get3A_484 = arith.index_cast %sub3A_466 : i32 to index
        %get3A_485 = arith.constant 32 : index
        %get3A_486 = tpu.vector_load %arg18[%get3A_484, %get3A_485] {strides = array<i32>} : memref<40x128xf32, #tpu.memory_space<vmem>>, vector<16xf32>,
        %add3A_487 = arith.addf %get3A_450, %get3A_486 : vector<16xf32>
        %mul3A_488 = arith.constant 2.000000e-01 : f32
        %mul3A_489 = vector.broadcast %mul3A_488 : f32 to vector<16xf32>
        %mul3A_490 = arith.mulf %mul3A_489, %add3A_487 : vector<16xf32>
        %max3A_491 = arith.maximumf %add3A_487, %mul3A_490 : vector<16xf32>
        %mul3A_492 = arith.mulf %get3A_9, %max3A_491 : vector<16xf32>
        %get3A_493 = arith.index_cast %sub3A_466 : i32 to index
        %get3A_494 = arith.constant 48 : index
        %get3A_495 = tpu.vector_load %arg18[%get3A_493, %get3A_494] {strides = array<i32>} : memref<40x128xf32, #tpu.memory_space<vmem>>, vector<16xf32>,
        %add3A_496 = arith.addf %get3A_453, %get3A_495 : vector<16xf32>
        %mul3A_497 = arith.constant 2.000000e-01 : f32
        %mul3A_498 = vector.broadcast %mul3A_497 : f32 to vector<16xf32>
        %mul3A_499 = arith.mulf %mul3A_498, %add3A_496 : vector<16xf32>
        %max3A_500 = arith.maximumf %add3A_496, %mul3A_499 : vector<16xf32>
        %mul3A_501 = arith.mulf %get3A_11, %max3A_500 : vector<16xf32>
        %get3A_502 = arith.index_cast %sub3A_466 : i32 to index
        %get3A_503 = arith.constant 64 : index
        %get3A_504 = tpu.vector_load %arg18[%get3A_502, %get3A_503] {strides = array<i32>} : memref<40x128xf32, #tpu.memory_space<vmem>>, vector<16xf32>,
        %add3A_505 = arith.addf %get3A_456, %get3A_504 : vector<16xf32>
        %mul3A_506 = arith.constant 2.000000e-01 : f32
        %mul3A_507 = vector.broadcast %mul3A_506 : f32 to vector<16xf32>
        %mul3A_508 = arith.mulf %mul3A_507, %add3A_505 : vector<16xf32>
        %max3A_509 = arith.maximumf %add3A_505, %mul3A_508 : vector<16xf32>
        %mul3A_510 = arith.mulf %get3A_13, %max3A_509 : vector<16xf32>
        %get3A_511 = arith.index_cast %sub3A_466 : i32 to index
        %get3A_512 = arith.constant 80 : index
        %get3A_513 = tpu.vector_load %arg18[%get3A_511, %get3A_512] {strides = array<i32>} : memref<40x128xf32, #tpu.memory_space<vmem>>, vector<16xf32>,
        %add3A_514 = arith.addf %get3A_459, %get3A_513 : vector<16xf32>
        %mul3A_515 = arith.constant 2.000000e-01 : f32
        %mul3A_516 = vector.broadcast %mul3A_515 : f32 to vector<16xf32>
        %mul3A_517 = arith.mulf %mul3A_516, %add3A_514 : vector<16xf32>
        %max3A_518 = arith.maximumf %add3A_514, %mul3A_517 : vector<16xf32>
        %mul3A_519 = arith.mulf %get3A_15, %max3A_518 : vector<16xf32>
        %get3A_520 = arith.index_cast %sub3A_466 : i32 to index
        %get3A_521 = arith.constant 96 : index
        %get3A_522 = tpu.vector_load %arg18[%get3A_520, %get3A_521] {strides = array<i32>} : memref<40x128xf32, #tpu.memory_space<vmem>>, vector<16xf32>,
        %add3A_523 = arith.addf %get3A_462, %get3A_522 : vector<16xf32>
        %mul3A_524 = arith.constant 2.000000e-01 : f32
        %mul3A_525 = vector.broadcast %mul3A_524 : f32 to vector<16xf32>
        %mul3A_526 = arith.mulf %mul3A_525, %add3A_523 : vector<16xf32>
        %max3A_527 = arith.maximumf %add3A_523, %mul3A_526 : vector<16xf32>
        %mul3A_528 = arith.mulf %get3A_17, %max3A_527 : vector<16xf32>
        %get3A_529 = arith.index_cast %sub3A_466 : i32 to index
        %get3A_530 = arith.constant 112 : index
        %get3A_531 = tpu.vector_load %arg18[%get3A_529, %get3A_530] {strides = array<i32>} : memref<40x128xf32, #tpu.memory_space<vmem>>, vector<16xf32>,
        %add3A_532 = arith.addf %get3A_465, %get3A_531 : vector<16xf32>
        %mul3A_533 = arith.constant 2.000000e-01 : f32
        %mul3A_534 = vector.broadcast %mul3A_533 : f32 to vector<16xf32>
        %mul3A_535 = arith.mulf %mul3A_534, %add3A_532 : vector<16xf32>
        %max3A_536 = arith.maximumf %add3A_532, %mul3A_535 : vector<16xf32>
        %mul3A_537 = arith.mulf %get3A_19, %max3A_536 : vector<16xf32>
        %add3A_538 = arith.addf %mul3A_474, %mul3A_483 : vector<16xf32>
        %add3A_539 = arith.addf %mul3A_492, %mul3A_501 : vector<16xf32>
        %add3A_540 = arith.addf %add3A_538, %add3A_539 : vector<16xf32>
        %add3A_541 = arith.addf %mul3A_510, %mul3A_519 : vector<16xf32>
        %add3A_542 = arith.addf %mul3A_528, %mul3A_537 : vector<16xf32>
        %add3A_543 = arith.addf %add3A_541, %add3A_542 : vector<16xf32>
        %add3A_544 = arith.addf %add3A_540, %add3A_543 : vector<16xf32>
        %reduce_sum3A = arith.constant true
        %reduce_sum3A_545 = vector.broadcast %reduce_sum3A : i1 to vector<16xi1>
        %reduce_sum3A_546 = tpu.scan <sum>, %add3A_544 masked %reduce_sum3A_545 : vector<16xf32>, vector<16xi1> -> vector<16xf32>
        %reduce_sum3A_547 = vector.extract %reduce_sum3A_546[15] : f32 from vector<16xf32>
        %broadcast_in_dim3A = vector.broadcast %reduce_sum3A_547 : f32 to vector<16xf32>
        %exp3A = math.exp %broadcast_in_dim3A : vector<16xf32>
        %mul3A_548 = arith.mulf %get3A_444, %exp3A : vector<16xf32>
        %swap3A_549 = arith.index_cast %scan3A_441 : i32 to index
        %swap3A_550 = arith.constant 0 : index
        %swap3A_551 = tpu.vector_load %arg17[%swap3A_549, %swap3A_550] {strides = array<i32>} : memref<80x144xf32, #tpu.memory_space<vmem>>, vector<16xf32>,
        tpu.vector_store %arg17[%swap3A_549, %swap3A_550], %mul3A_548 {strides = array<i32>} : memref<80x144xf32, #tpu.memory_space<vmem>>, vector<16xf32>,
        %mul3A_552 = arith.mulf %get3A_447, %exp3A : vector<16xf32>
        %swap3A_553 = arith.index_cast %scan3A_441 : i32 to index
        %swap3A_554 = arith.constant 16 : index
        %swap3A_555 = tpu.vector_load %arg17[%swap3A_553, %swap3A_554] {strides = array<i32>} : memref<80x144xf32, #tpu.memory_space<vmem>>, vector<16xf32>,
        tpu.vector_store %arg17[%swap3A_553, %swap3A_554], %mul3A_552 {strides = array<i32>} : memref<80x144xf32, #tpu.memory_space<vmem>>, vector<16xf32>,
        %mul3A_556 = arith.mulf %get3A_450, %exp3A : vector<16xf32>
        %swap3A_557 = arith.index_cast %scan3A_441 : i32 to index
        %swap3A_558 = arith.constant 32 : index
        %swap3A_559 = tpu.vector_load %arg17[%swap3A_557, %swap3A_558] {strides = array<i32>} : memref<80x144xf32, #tpu.memory_space<vmem>>, vector<16xf32>,
        tpu.vector_store %arg17[%swap3A_557, %swap3A_558], %mul3A_556 {strides = array<i32>} : memref<80x144xf32, #tpu.memory_space<vmem>>, vector<16xf32>,
        %mul3A_560 = arith.mulf %get3A_453, %exp3A : vector<16xf32>
        %swap3A_561 = arith.index_cast %scan3A_441 : i32 to index
        %swap3A_562 = arith.constant 48 : index
        %swap3A_563 = tpu.vector_load %arg17[%swap3A_561, %swap3A_562] {strides = array<i32>} : memref<80x144xf32, #tpu.memory_space<vmem>>, vector<16xf32>,
        tpu.vector_store %arg17[%swap3A_561, %swap3A_562], %mul3A_560 {strides = array<i32>} : memref<80x144xf32, #tpu.memory_space<vmem>>, vector<16xf32>,
        %mul3A_564 = arith.mulf %get3A_456, %exp3A : vector<16xf32>
        %swap3A_565 = arith.index_cast %scan3A_441 : i32 to index
        %swap3A_566 = arith.constant 64 : index
        %swap3A_567 = tpu.vector_load %arg17[%swap3A_565, %swap3A_566] {strides = array<i32>} : memref<80x144xf32, #tpu.memory_space<vmem>>, vector<16xf32>,
        tpu.vector_store %arg17[%swap3A_565, %swap3A_566], %mul3A_564 {strides = array<i32>} : memref<80x144xf32, #tpu.memory_space<vmem>>, vector<16xf32>,
        %mul3A_568 = arith.mulf %get3A_459, %exp3A : vector<16xf32>
        %swap3A_569 = arith.index_cast %scan3A_441 : i32 to index
        %swap3A_570 = arith.constant 80 : index
        %swap3A_571 = tpu.vector_load %arg17[%swap3A_569, %swap3A_570] {strides = array<i32>} : memref<80x144xf32, #tpu.memory_space<vmem>>, vector<16xf32>,
        tpu.vector_store %arg17[%swap3A_569, %swap3A_570], %mul3A_568 {strides = array<i32>} : memref<80x144xf32, #tpu.memory_space<vmem>>, vector<16xf32>,
        %mul3A_572 = arith.mulf %get3A_462, %exp3A : vector<16xf32>
        %swap3A_573 = arith.index_cast %scan3A_441 : i32 to index
        %swap3A_574 = arith.constant 96 : index
        %swap3A_575 = tpu.vector_load %arg17[%swap3A_573, %swap3A_574] {strides = array<i32>} : memref<80x144xf32, #tpu.memory_space<vmem>>, vector<16xf32>,
        tpu.vector_store %arg17[%swap3A_573, %swap3A_574], %mul3A_572 {strides = array<i32>} : memref<80x144xf32, #tpu.memory_space<vmem>>, vector<16xf32>,
        %mul3A_576 = arith.mulf %get3A_465, %exp3A : vector<16xf32>
        %swap3A_577 = arith.index_cast %scan3A_441 : i32 to index
        %swap3A_578 = arith.constant 112 : index
        %swap3A_579 = tpu.vector_load %arg17[%swap3A_577, %swap3A_578] {strides = array<i32>} : memref<80x144xf32, #tpu.memory_space<vmem>>, vector<16xf32>,
        tpu.vector_store %arg17[%swap3A_577, %swap3A_578], %mul3A_576 {strides = array<i32>} : memref<80x144xf32, #tpu.memory_space<vmem>>, vector<16xf32>,
        %swap3A_580 = arith.index_cast %scan3A_441 : i32 to index
        %swap3A_581 = arith.constant 128 : index
        %swap3A_582 = tpu.vector_load %arg17[%swap3A_580, %swap3A_581] {strides = array<i32>} : memref<80x144xf32, #tpu.memory_space<vmem>>, vector<16xf32>,
        tpu.vector_store %arg17[%swap3A_580, %swap3A_581], %exp3A {strides = array<i32>} : memref<80x144xf32, #tpu.memory_space<vmem>>, vector<16xf32>,
        %scan3A_583 = arith.constant 1 : i32
        %scan3A_584 = arith.addi %scan3A_441, %scan3A_583 : i32
        %get3A_585 = arith.index_cast %scan3A_584 : i32 to index
        %get3A_586 = arith.constant 0 : index
        %get3A_587 = tpu.vector_load %arg17[%get3A_585, %get3A_586] {strides = array<i32>} : memref<80x144xf32, #tpu.memory_space<vmem>>, vector<16xf32>,
        %get3A_588 = arith.index_cast %scan3A_584 : i32 to index
        %get3A_589 = arith.constant 16 : index
        %get3A_590 = tpu.vector_load %arg17[%get3A_588, %get3A_589] {strides = array<i32>} : memref<80x144xf32, #tpu.memory_space<vmem>>, vector<16xf32>,
        %get3A_591 = arith.index_cast %scan3A_584 : i32 to index
        %get3A_592 = arith.constant 32 : index
        %get3A_593 = tpu.vector_load %arg17[%get3A_591, %get3A_592] {strides = array<i32>} : memref<80x144xf32, #tpu.memory_space<vmem>>, vector<16xf32>,
        %get3A_594 = arith.index_cast %scan3A_584 : i32 to index
        %get3A_595 = arith.constant 48 : index
        %get3A_596 = tpu.vector_load %arg17[%get3A_594, %get3A_595] {strides = array<i32>} : memref<80x144xf32, #tpu.memory_space<vmem>>, vector<16xf32>,
        %get3A_597 = arith.index_cast %scan3A_584 : i32 to index
        %get3A_598 = arith.constant 64 : index
        %get3A_599 = tpu.vector_load %arg17[%get3A_597, %get3A_598] {strides = array<i32>} : memref<80x144xf32, #tpu.memory_space<vmem>>, vector<16xf32>,
        %get3A_600 = arith.index_cast %scan3A_584 : i32 to index
        %get3A_601 = arith.constant 80 : index
        %get3A_602 = tpu.vector_load %arg17[%get3A_600, %get3A_601] {strides = array<i32>} : memref<80x144xf32, #tpu.memory_space<vmem>>, vector<16xf32>,
        %get3A_603 = arith.index_cast %scan3A_584 : i32 to index
        %get3A_604 = arith.constant 96 : index
        %get3A_605 = tpu.vector_load %arg17[%get3A_603, %get3A_604] {strides = array<i32>} : memref<80x144xf32, #tpu.memory_space<vmem>>, vector<16xf32>,
        %get3A_606 = arith.index_cast %scan3A_584 : i32 to index
        %get3A_607 = arith.constant 112 : index
        %get3A_608 = tpu.vector_load %arg17[%get3A_606, %get3A_607] {strides = array<i32>} : memref<80x144xf32, #tpu.memory_space<vmem>>, vector<16xf32>,
        %sub3A_609 = arith.constant 0 : i32
        %sub3A_610 = arith.subi %scan3A_584, %sub3A_609 : i32
        %get3A_611 = arith.index_cast %sub3A_610 : i32 to index
        %get3A_612 = arith.constant 0 : index
        %get3A_613 = tpu.vector_load %arg18[%get3A_611, %get3A_612] {strides = array<i32>} : memref<40x128xf32, #tpu.memory_space<vmem>>, vector<16xf32>,
        %add3A_614 = arith.addf %get3A_587, %get3A_613 : vector<16xf32>
        %mul3A_615 = arith.constant 2.000000e-01 : f32
        %mul3A_616 = vector.broadcast %mul3A_615 : f32 to vector<16xf32>
        %mul3A_617 = arith.mulf %mul3A_616, %add3A_614 : vector<16xf32>
        %max3A_618 = arith.maximumf %add3A_614, %mul3A_617 : vector<16xf32>
        %mul3A_619 = arith.mulf %get3A_5, %max3A_618 : vector<16xf32>
        %get3A_620 = arith.index_cast %sub3A_610 : i32 to index
        %get3A_621 = arith.constant 16 : index
        %get3A_622 = tpu.vector_load %arg18[%get3A_620, %get3A_621] {strides = array<i32>} : memref<40x128xf32, #tpu.memory_space<vmem>>, vector<16xf32>,
        %add3A_623 = arith.addf %get3A_590, %get3A_622 : vector<16xf32>
        %mul3A_624 = arith.constant 2.000000e-01 : f32
        %mul3A_625 = vector.broadcast %mul3A_624 : f32 to vector<16xf32>
        %mul3A_626 = arith.mulf %mul3A_625, %add3A_623 : vector<16xf32>
        %max3A_627 = arith.maximumf %add3A_623, %mul3A_626 : vector<16xf32>
        %mul3A_628 = arith.mulf %get3A_7, %max3A_627 : vector<16xf32>
        %get3A_629 = arith.index_cast %sub3A_610 : i32 to index
        %get3A_630 = arith.constant 32 : index
        %get3A_631 = tpu.vector_load %arg18[%get3A_629, %get3A_630] {strides = array<i32>} : memref<40x128xf32, #tpu.memory_space<vmem>>, vector<16xf32>,
        %add3A_632 = arith.addf %get3A_593, %get3A_631 : vector<16xf32>
        %mul3A_633 = arith.constant 2.000000e-01 : f32
        %mul3A_634 = vector.broadcast %mul3A_633 : f32 to vector<16xf32>
        %mul3A_635 = arith.mulf %mul3A_634, %add3A_632 : vector<16xf32>
        %max3A_636 = arith.maximumf %add3A_632, %mul3A_635 : vector<16xf32>
        %mul3A_637 = arith.mulf %get3A_9, %max3A_636 : vector<16xf32>
        %get3A_638 = arith.index_cast %sub3A_610 : i32 to index
        %get3A_639 = arith.constant 48 : index
        %get3A_640 = tpu.vector_load %arg18[%get3A_638, %get3A_639] {strides = array<i32>} : memref<40x128xf32, #tpu.memory_space<vmem>>, vector<16xf32>,
        %add3A_641 = arith.addf %get3A_596, %get3A_640 : vector<16xf32>
        %mul3A_642 = arith.constant 2.000000e-01 : f32
        %mul3A_643 = vector.broadcast %mul3A_642 : f32 to vector<16xf32>
        %mul3A_644 = arith.mulf %mul3A_643, %add3A_641 : vector<16xf32>
        %max3A_645 = arith.maximumf %add3A_641, %mul3A_644 : vector<16xf32>
        %mul3A_646 = arith.mulf %get3A_11, %max3A_645 : vector<16xf32>
        %get3A_647 = arith.index_cast %sub3A_610 : i32 to index
        %get3A_648 = arith.constant 64 : index
        %get3A_649 = tpu.vector_load %arg18[%get3A_647, %get3A_648] {strides = array<i32>} : memref<40x128xf32, #tpu.memory_space<vmem>>, vector<16xf32>,
        %add3A_650 = arith.addf %get3A_599, %get3A_649 : vector<16xf32>
        %mul3A_651 = arith.constant 2.000000e-01 : f32
        %mul3A_652 = vector.broadcast %mul3A_651 : f32 to vector<16xf32>
        %mul3A_653 = arith.mulf %mul3A_652, %add3A_650 : vector<16xf32>
        %max3A_654 = arith.maximumf %add3A_650, %mul3A_653 : vector<16xf32>
        %mul3A_655 = arith.mulf %get3A_13, %max3A_654 : vector<16xf32>
        %get3A_656 = arith.index_cast %sub3A_610 : i32 to index
        %get3A_657 = arith.constant 80 : index
        %get3A_658 = tpu.vector_load %arg18[%get3A_656, %get3A_657] {strides = array<i32>} : memref<40x128xf32, #tpu.memory_space<vmem>>, vector<16xf32>,
        %add3A_659 = arith.addf %get3A_602, %get3A_658 : vector<16xf32>
        %mul3A_660 = arith.constant 2.000000e-01 : f32
        %mul3A_661 = vector.broadcast %mul3A_660 : f32 to vector<16xf32>
        %mul3A_662 = arith.mulf %mul3A_661, %add3A_659 : vector<16xf32>
        %max3A_663 = arith.maximumf %add3A_659, %mul3A_662 : vector<16xf32>
        %mul3A_664 = arith.mulf %get3A_15, %max3A_663 : vector<16xf32>
        %get3A_665 = arith.index_cast %sub3A_610 : i32 to index
        %get3A_666 = arith.constant 96 : index
        %get3A_667 = tpu.vector_load %arg18[%get3A_665, %get3A_666] {strides = array<i32>} : memref<40x128xf32, #tpu.memory_space<vmem>>, vector<16xf32>,
        %add3A_668 = arith.addf %get3A_605, %get3A_667 : vector<16xf32>
        %mul3A_669 = arith.constant 2.000000e-01 : f32
        %mul3A_670 = vector.broadcast %mul3A_669 : f32 to vector<16xf32>
        %mul3A_671 = arith.mulf %mul3A_670, %add3A_668 : vector<16xf32>
        %max3A_672 = arith.maximumf %add3A_668, %mul3A_671 : vector<16xf32>
        %mul3A_673 = arith.mulf %get3A_17, %max3A_672 : vector<16xf32>
        %get3A_674 = arith.index_cast %sub3A_610 : i32 to index
        %get3A_675 = arith.constant 112 : index
        %get3A_676 = tpu.vector_load %arg18[%get3A_674, %get3A_675] {strides = array<i32>} : memref<40x128xf32, #tpu.memory_space<vmem>>, vector<16xf32>,
        %add3A_677 = arith.addf %get3A_608, %get3A_676 : vector<16xf32>
        %mul3A_678 = arith.constant 2.000000e-01 : f32
        %mul3A_679 = vector.broadcast %mul3A_678 : f32 to vector<16xf32>
        %mul3A_680 = arith.mulf %mul3A_679, %add3A_677 : vector<16xf32>
        %max3A_681 = arith.maximumf %add3A_677, %mul3A_680 : vector<16xf32>
        %mul3A_682 = arith.mulf %get3A_19, %max3A_681 : vector<16xf32>
        %add3A_683 = arith.addf %mul3A_619, %mul3A_628 : vector<16xf32>
        %add3A_684 = arith.addf %mul3A_637, %mul3A_646 : vector<16xf32>
        %add3A_685 = arith.addf %add3A_683, %add3A_684 : vector<16xf32>
        %add3A_686 = arith.addf %mul3A_655, %mul3A_664 : vector<16xf32>
        %add3A_687 = arith.addf %mul3A_673, %mul3A_682 : vector<16xf32>
        %add3A_688 = arith.addf %add3A_686, %add3A_687 : vector<16xf32>
        %add3A_689 = arith.addf %add3A_685, %add3A_688 : vector<16xf32>
        %reduce_sum3A_690 = arith.constant true
        %reduce_sum3A_691 = vector.broadcast %reduce_sum3A_690 : i1 to vector<16xi1>
        %reduce_sum3A_692 = tpu.scan <sum>, %add3A_689 masked %reduce_sum3A_691 : vector<16xf32>, vector<16xi1> -> vector<16xf32>
        %reduce_sum3A_693 = vector.extract %reduce_sum3A_692[15] : f32 from vector<16xf32>
        %broadcast_in_dim3A_694 = vector.broadcast %reduce_sum3A_693 : f32 to vector<16xf32>
        %exp3A_695 = math.exp %broadcast_in_dim3A_694 : vector<16xf32>
        %mul3A_696 = arith.mulf %get3A_587, %exp3A_695 : vector<16xf32>
        %swap3A_697 = arith.index_cast %scan3A_584 : i32 to index
        %swap3A_698 = arith.constant 0 : index
        %swap3A_699 = tpu.vector_load %arg17[%swap3A_697, %swap3A_698] {strides = array<i32>} : memref<80x144xf32, #tpu.memory_space<vmem>>, vector<16xf32>,
        tpu.vector_store %arg17[%swap3A_697, %swap3A_698], %mul3A_696 {strides = array<i32>} : memref<80x144xf32, #tpu.memory_space<vmem>>, vector<16xf32>,
        %mul3A_700 = arith.mulf %get3A_590, %exp3A_695 : vector<16xf32>
        %swap3A_701 = arith.index_cast %scan3A_584 : i32 to index
        %swap3A_702 = arith.constant 16 : index
        %swap3A_703 = tpu.vector_load %arg17[%swap3A_701, %swap3A_702] {strides = array<i32>} : memref<80x144xf32, #tpu.memory_space<vmem>>, vector<16xf32>,
        tpu.vector_store %arg17[%swap3A_701, %swap3A_702], %mul3A_700 {strides = array<i32>} : memref<80x144xf32, #tpu.memory_space<vmem>>, vector<16xf32>,
        %mul3A_704 = arith.mulf %get3A_593, %exp3A_695 : vector<16xf32>
        %swap3A_705 = arith.index_cast %scan3A_584 : i32 to index
        %swap3A_706 = arith.constant 32 : index
        %swap3A_707 = tpu.vector_load %arg17[%swap3A_705, %swap3A_706] {strides = array<i32>} : memref<80x144xf32, #tpu.memory_space<vmem>>, vector<16xf32>,
        tpu.vector_store %arg17[%swap3A_705, %swap3A_706], %mul3A_704 {strides = array<i32>} : memref<80x144xf32, #tpu.memory_space<vmem>>, vector<16xf32>,
        %mul3A_708 = arith.mulf %get3A_596, %exp3A_695 : vector<16xf32>
        %swap3A_709 = arith.index_cast %scan3A_584 : i32 to index
        %swap3A_710 = arith.constant 48 : index
        %swap3A_711 = tpu.vector_load %arg17[%swap3A_709, %swap3A_710] {strides = array<i32>} : memref<80x144xf32, #tpu.memory_space<vmem>>, vector<16xf32>,
        tpu.vector_store %arg17[%swap3A_709, %swap3A_710], %mul3A_708 {strides = array<i32>} : memref<80x144xf32, #tpu.memory_space<vmem>>, vector<16xf32>,
        %mul3A_712 = arith.mulf %get3A_599, %exp3A_695 : vector<16xf32>
        %swap3A_713 = arith.index_cast %scan3A_584 : i32 to index
        %swap3A_714 = arith.constant 64 : index
        %swap3A_715 = tpu.vector_load %arg17[%swap3A_713, %swap3A_714] {strides = array<i32>} : memref<80x144xf32, #tpu.memory_space<vmem>>, vector<16xf32>,
        tpu.vector_store %arg17[%swap3A_713, %swap3A_714], %mul3A_712 {strides = array<i32>} : memref<80x144xf32, #tpu.memory_space<vmem>>, vector<16xf32>,
        %mul3A_716 = arith.mulf %get3A_602, %exp3A_695 : vector<16xf32>
        %swap3A_717 = arith.index_cast %scan3A_584 : i32 to index
        %swap3A_718 = arith.constant 80 : index
        %swap3A_719 = tpu.vector_load %arg17[%swap3A_717, %swap3A_718] {strides = array<i32>} : memref<80x144xf32, #tpu.memory_space<vmem>>, vector<16xf32>,
        tpu.vector_store %arg17[%swap3A_717, %swap3A_718], %mul3A_716 {strides = array<i32>} : memref<80x144xf32, #tpu.memory_space<vmem>>, vector<16xf32>,
        %mul3A_720 = arith.mulf %get3A_605, %exp3A_695 : vector<16xf32>
        %swap3A_721 = arith.index_cast %scan3A_584 : i32 to index
        %swap3A_722 = arith.constant 96 : index
        %swap3A_723 = tpu.vector_load %arg17[%swap3A_721, %swap3A_722] {strides = array<i32>} : memref<80x144xf32, #tpu.memory_space<vmem>>, vector<16xf32>,
        tpu.vector_store %arg17[%swap3A_721, %swap3A_722], %mul3A_720 {strides = array<i32>} : memref<80x144xf32, #tpu.memory_space<vmem>>, vector<16xf32>,
        %mul3A_724 = arith.mulf %get3A_608, %exp3A_695 : vector<16xf32>
        %swap3A_725 = arith.index_cast %scan3A_584 : i32 to index
        %swap3A_726 = arith.constant 112 : index
        %swap3A_727 = tpu.vector_load %arg17[%swap3A_725, %swap3A_726] {strides = array<i32>} : memref<80x144xf32, #tpu.memory_space<vmem>>, vector<16xf32>,
        tpu.vector_store %arg17[%swap3A_725, %swap3A_726], %mul3A_724 {strides = array<i32>} : memref<80x144xf32, #tpu.memory_space<vmem>>, vector<16xf32>,
        %swap3A_728 = arith.index_cast %scan3A_584 : i32 to index
        %swap3A_729 = arith.constant 128 : index
        %swap3A_730 = tpu.vector_load %arg17[%swap3A_728, %swap3A_729] {strides = array<i32>} : memref<80x144xf32, #tpu.memory_space<vmem>>, vector<16xf32>,
        tpu.vector_store %arg17[%swap3A_728, %swap3A_729], %exp3A_695 {strides = array<i32>} : memref<80x144xf32, #tpu.memory_space<vmem>>, vector<16xf32>,
      }
      %scan3A_394 = arith.constant 40 : i32
      %dma_start3A_395 = arith.constant 0 : i32
      %dma_start3A_396 = arith.constant 0 : i32
      %dma_start3A_397 = arith.constant 0 : i32
      %dma_start3A_398 = tpu.memref_slice %arg17[%dma_start3A_396, %dma_start3A_397] : memref<80x144xf32, #tpu.memory_space<vmem>> -> memref<40x144xf32, #tpu.memory_space<vmem>>
      %dma_start3A_399 = arith.constant 0 : i32
      %dma_start3A_400 = tpu.memref_slice %arg15[%dma_start3A_395, %dma_start3A_399] : memref<2x40xi32, #tpu.memory_space<vmem>> -> memref<1x40xi32, #tpu.memory_space<vmem>>
      %dma_start3A_401 = tpu.memref_squeeze %dma_start3A_400 : memref<1x40xi32, #tpu.memory_space<vmem>> -> memref<40xi32, #tpu.memory_space<vmem>>
      %dma_start3A_402 = arith.constant 0 : i32
      %dma_start3A_403 = arith.constant 0 : i32
      %dma_start3A_404 = tpu.memref_slice %arg20[%dma_start3A_402, %dma_start3A_403] : memref<10000x144xf32, #tpu.memory_space<vmem_shared>> -> memref<10000x144xf32, #tpu.memory_space<vmem_shared>>
      tpu.enqueue_indirect_dma source(%dma_start3A_398 : memref<40x144xf32, #tpu.memory_space<vmem>>) target(%dma_start3A_404 : memref<10000x144xf32, #tpu.memory_space<vmem_shared>>) offsets(%dma_start3A_401 : memref<40xi32, #tpu.memory_space<vmem>>) semaphore(%arg28 : memref<!tpu.dma_semaphore, #tpu.memory_space<semaphore_mem>>) {add = true}
      %dma_start3A_405 = arith.constant 0 : i32
      %dma_start3A_406 = tpu.memref_slice %arg12[%dma_start3A_405] : memref<80xi32, #tpu.memory_space<vmem>> -> memref<40xi32, #tpu.memory_space<vmem>>
      %dma_start3A_407 = arith.constant 0 : i32
      %dma_start3A_408 = arith.constant 0 : i32
      %dma_start3A_409 = tpu.memref_slice %arg3[%dma_start3A_407, %dma_start3A_408] : memref<10000x128xf32, #tpu.memory_space<hbm>> -> memref<10000x128xf32, #tpu.memory_space<hbm>>
      tpu.enqueue_indirect_dma source(%dma_start3A_409 : memref<10000x128xf32, #tpu.memory_space<hbm>>) target(%arg18 : memref<40x128xf32, #tpu.memory_space<vmem>>) offsets(%dma_start3A_406 : memref<40xi32, #tpu.memory_space<vmem>>) semaphore(%arg25 : memref<!tpu.dma_semaphore, #tpu.memory_space<semaphore_mem>>)
      %dma_wait3A_410 = arith.constant 40 : i32
      %dma_wait3A_411 = tpu.memref_slice %arg13[%dma_wait3A_410] : memref<80xi32, #tpu.memory_space<vmem>> -> memref<40xi32, #tpu.memory_space<vmem>>
      %dma_wait3A_412 = arith.constant 0 : i32
      %dma_wait3A_413 = arith.constant 0 : i32
      %dma_wait3A_414 = tpu.memref_slice %arg3[%dma_wait3A_412, %dma_wait3A_413] : memref<10000x128xf32, #tpu.memory_space<hbm>> -> memref<10000x128xf32, #tpu.memory_space<hbm>>
      tpu.wait_indirect_dma semaphore(%arg26 : memref<!tpu.dma_semaphore, #tpu.memory_space<semaphore_mem>>) src(%dma_wait3A_414 : memref<10000x128xf32, #tpu.memory_space<hbm>>) dst(%arg19 : memref<40x128xf32, #tpu.memory_space<vmem>>)
      %scan3A_415 = arith.constant 0 : i32
      %scan3A_416 = arith.constant 40 : i32
      %scan3A_417 = arith.constant 40 : i32
      %scan3A_418 = arith.addi %scan3A_416, %scan3A_417 : i32
      %scan3A_419 = arith.constant 2 : i32
      scf.for %scan3A_441 = %scan3A_416 to %scan3A_418 step %scan3A_419  : i32 {
        %get3A_442 = arith.index_cast %scan3A_441 : i32 to index
        %get3A_443 = arith.constant 0 : index
        %get3A_444 = tpu.vector_load %arg17[%get3A_442, %get3A_443] {strides = array<i32>} : memref<80x144xf32, #tpu.memory_space<vmem>>, vector<16xf32>,
        %get3A_445 = arith.index_cast %scan3A_441 : i32 to index
        %get3A_446 = arith.constant 16 : index
        %get3A_447 = tpu.vector_load %arg17[%get3A_445, %get3A_446] {strides = array<i32>} : memref<80x144xf32, #tpu.memory_space<vmem>>, vector<16xf32>,
        %get3A_448 = arith.index_cast %scan3A_441 : i32 to index
        %get3A_449 = arith.constant 32 : index
        %get3A_450 = tpu.vector_load %arg17[%get3A_448, %get3A_449] {strides = array<i32>} : memref<80x144xf32, #tpu.memory_space<vmem>>, vector<16xf32>,
        %get3A_451 = arith.index_cast %scan3A_441 : i32 to index
        %get3A_452 = arith.constant 48 : index
        %get3A_453 = tpu.vector_load %arg17[%get3A_451, %get3A_452] {strides = array<i32>} : memref<80x144xf32, #tpu.memory_space<vmem>>, vector<16xf32>,
        %get3A_454 = arith.index_cast %scan3A_441 : i32 to index
        %get3A_455 = arith.constant 64 : index
        %get3A_456 = tpu.vector_load %arg17[%get3A_454, %get3A_455] {strides = array<i32>} : memref<80x144xf32, #tpu.memory_space<vmem>>, vector<16xf32>,
        %get3A_457 = arith.index_cast %scan3A_441 : i32 to index
        %get3A_458 = arith.constant 80 : index
        %get3A_459 = tpu.vector_load %arg17[%get3A_457, %get3A_458] {strides = array<i32>} : memref<80x144xf32, #tpu.memory_space<vmem>>, vector<16xf32>,
        %get3A_460 = arith.index_cast %scan3A_441 : i32 to index
        %get3A_461 = arith.constant 96 : index
        %get3A_462 = tpu.vector_load %arg17[%get3A_460, %get3A_461] {strides = array<i32>} : memref<80x144xf32, #tpu.memory_space<vmem>>, vector<16xf32>,
        %get3A_463 = arith.index_cast %scan3A_441 : i32 to index
        %get3A_464 = arith.constant 112 : index
        %get3A_465 = tpu.vector_load %arg17[%get3A_463, %get3A_464] {strides = array<i32>} : memref<80x144xf32, #tpu.memory_space<vmem>>, vector<16xf32>,
        %sub3A = arith.constant 40 : i32
        %sub3A_466 = arith.subi %scan3A_441, %sub3A : i32
        %get3A_467 = arith.index_cast %sub3A_466 : i32 to index
        %get3A_468 = arith.constant 0 : index
        %get3A_469 = tpu.vector_load %arg19[%get3A_467, %get3A_468] {strides = array<i32>} : memref<40x128xf32, #tpu.memory_space<vmem>>, vector<16xf32>,
        %add3A_470 = arith.addf %get3A_444, %get3A_469 : vector<16xf32>
        %mul3A_471 = arith.constant 2.000000e-01 : f32
        %mul3A_472 = vector.broadcast %mul3A_471 : f32 to vector<16xf32>
        %mul3A_473 = arith.mulf %mul3A_472, %add3A_470 : vector<16xf32>
        %max3A = arith.maximumf %add3A_470, %mul3A_473 : vector<16xf32>
        %mul3A_474 = arith.mulf %get3A_5, %max3A : vector<16xf32>
        %get3A_475 = arith.index_cast %sub3A_466 : i32 to index
        %get3A_476 = arith.constant 16 : index
        %get3A_477 = tpu.vector_load %arg19[%get3A_475, %get3A_476] {strides = array<i32>} : memref<40x128xf32, #tpu.memory_space<vmem>>, vector<16xf32>,
        %add3A_478 = arith.addf %get3A_447, %get3A_477 : vector<16xf32>
        %mul3A_479 = arith.constant 2.000000e-01 : f32
        %mul3A_480 = vector.broadcast %mul3A_479 : f32 to vector<16xf32>
        %mul3A_481 = arith.mulf %mul3A_480, %add3A_478 : vector<16xf32>
        %max3A_482 = arith.maximumf %add3A_478, %mul3A_481 : vector<16xf32>
        %mul3A_483 = arith.mulf %get3A_7, %max3A_482 : vector<16xf32>
        %get3A_484 = arith.index_cast %sub3A_466 : i32 to index
        %get3A_485 = arith.constant 32 : index
        %get3A_486 = tpu.vector_load %arg19[%get3A_484, %get3A_485] {strides = array<i32>} : memref<40x128xf32, #tpu.memory_space<vmem>>, vector<16xf32>,
        %add3A_487 = arith.addf %get3A_450, %get3A_486 : vector<16xf32>
        %mul3A_488 = arith.constant 2.000000e-01 : f32
        %mul3A_489 = vector.broadcast %mul3A_488 : f32 to vector<16xf32>
        %mul3A_490 = arith.mulf %mul3A_489, %add3A_487 : vector<16xf32>
        %max3A_491 = arith.maximumf %add3A_487, %mul3A_490 : vector<16xf32>
        %mul3A_492 = arith.mulf %get3A_9, %max3A_491 : vector<16xf32>
        %get3A_493 = arith.index_cast %sub3A_466 : i32 to index
        %get3A_494 = arith.constant 48 : index
        %get3A_495 = tpu.vector_load %arg19[%get3A_493, %get3A_494] {strides = array<i32>} : memref<40x128xf32, #tpu.memory_space<vmem>>, vector<16xf32>,
        %add3A_496 = arith.addf %get3A_453, %get3A_495 : vector<16xf32>
        %mul3A_497 = arith.constant 2.000000e-01 : f32
        %mul3A_498 = vector.broadcast %mul3A_497 : f32 to vector<16xf32>
        %mul3A_499 = arith.mulf %mul3A_498, %add3A_496 : vector<16xf32>
        %max3A_500 = arith.maximumf %add3A_496, %mul3A_499 : vector<16xf32>
        %mul3A_501 = arith.mulf %get3A_11, %max3A_500 : vector<16xf32>
        %get3A_502 = arith.index_cast %sub3A_466 : i32 to index
        %get3A_503 = arith.constant 64 : index
        %get3A_504 = tpu.vector_load %arg19[%get3A_502, %get3A_503] {strides = array<i32>} : memref<40x128xf32, #tpu.memory_space<vmem>>, vector<16xf32>,
        %add3A_505 = arith.addf %get3A_456, %get3A_504 : vector<16xf32>
        %mul3A_506 = arith.constant 2.000000e-01 : f32
        %mul3A_507 = vector.broadcast %mul3A_506 : f32 to vector<16xf32>
        %mul3A_508 = arith.mulf %mul3A_507, %add3A_505 : vector<16xf32>
        %max3A_509 = arith.maximumf %add3A_505, %mul3A_508 : vector<16xf32>
        %mul3A_510 = arith.mulf %get3A_13, %max3A_509 : vector<16xf32>
        %get3A_511 = arith.index_cast %sub3A_466 : i32 to index
        %get3A_512 = arith.constant 80 : index
        %get3A_513 = tpu.vector_load %arg19[%get3A_511, %get3A_512] {strides = array<i32>} : memref<40x128xf32, #tpu.memory_space<vmem>>, vector<16xf32>,
        %add3A_514 = arith.addf %get3A_459, %get3A_513 : vector<16xf32>
        %mul3A_515 = arith.constant 2.000000e-01 : f32
        %mul3A_516 = vector.broadcast %mul3A_515 : f32 to vector<16xf32>
        %mul3A_517 = arith.mulf %mul3A_516, %add3A_514 : vector<16xf32>
        %max3A_518 = arith.maximumf %add3A_514, %mul3A_517 : vector<16xf32>
        %mul3A_519 = arith.mulf %get3A_15, %max3A_518 : vector<16xf32>
        %get3A_520 = arith.index_cast %sub3A_466 : i32 to index
        %get3A_521 = arith.constant 96 : index
        %get3A_522 = tpu.vector_load %arg19[%get3A_520, %get3A_521] {strides = array<i32>} : memref<40x128xf32, #tpu.memory_space<vmem>>, vector<16xf32>,
        %add3A_523 = arith.addf %get3A_462, %get3A_522 : vector<16xf32>
        %mul3A_524 = arith.constant 2.000000e-01 : f32
        %mul3A_525 = vector.broadcast %mul3A_524 : f32 to vector<16xf32>
        %mul3A_526 = arith.mulf %mul3A_525, %add3A_523 : vector<16xf32>
        %max3A_527 = arith.maximumf %add3A_523, %mul3A_526 : vector<16xf32>
        %mul3A_528 = arith.mulf %get3A_17, %max3A_527 : vector<16xf32>
        %get3A_529 = arith.index_cast %sub3A_466 : i32 to index
        %get3A_530 = arith.constant 112 : index
        %get3A_531 = tpu.vector_load %arg19[%get3A_529, %get3A_530] {strides = array<i32>} : memref<40x128xf32, #tpu.memory_space<vmem>>, vector<16xf32>,
        %add3A_532 = arith.addf %get3A_465, %get3A_531 : vector<16xf32>
        %mul3A_533 = arith.constant 2.000000e-01 : f32
        %mul3A_534 = vector.broadcast %mul3A_533 : f32 to vector<16xf32>
        %mul3A_535 = arith.mulf %mul3A_534, %add3A_532 : vector<16xf32>
        %max3A_536 = arith.maximumf %add3A_532, %mul3A_535 : vector<16xf32>
        %mul3A_537 = arith.mulf %get3A_19, %max3A_536 : vector<16xf32>
        %add3A_538 = arith.addf %mul3A_474, %mul3A_483 : vector<16xf32>
        %add3A_539 = arith.addf %mul3A_492, %mul3A_501 : vector<16xf32>
        %add3A_540 = arith.addf %add3A_538, %add3A_539 : vector<16xf32>
        %add3A_541 = arith.addf %mul3A_510, %mul3A_519 : vector<16xf32>
        %add3A_542 = arith.addf %mul3A_528, %mul3A_537 : vector<16xf32>
        %add3A_543 = arith.addf %add3A_541, %add3A_542 : vector<16xf32>
        %add3A_544 = arith.addf %add3A_540, %add3A_543 : vector<16xf32>
        %reduce_sum3A = arith.constant true
        %reduce_sum3A_545 = vector.broadcast %reduce_sum3A : i1 to vector<16xi1>
        %reduce_sum3A_546 = tpu.scan <sum>, %add3A_544 masked %reduce_sum3A_545 : vector<16xf32>, vector<16xi1> -> vector<16xf32>
        %reduce_sum3A_547 = vector.extract %reduce_sum3A_546[15] : f32 from vector<16xf32>
        %broadcast_in_dim3A = vector.broadcast %reduce_sum3A_547 : f32 to vector<16xf32>
        %exp3A = math.exp %broadcast_in_dim3A : vector<16xf32>
        %mul3A_548 = arith.mulf %get3A_444, %exp3A : vector<16xf32>
        %swap3A_549 = arith.index_cast %scan3A_441 : i32 to index
        %swap3A_550 = arith.constant 0 : index
        %swap3A_551 = tpu.vector_load %arg17[%swap3A_549, %swap3A_550] {strides = array<i32>} : memref<80x144xf32, #tpu.memory_space<vmem>>, vector<16xf32>,
        tpu.vector_store %arg17[%swap3A_549, %swap3A_550], %mul3A_548 {strides = array<i32>} : memref<80x144xf32, #tpu.memory_space<vmem>>, vector<16xf32>,
        %mul3A_552 = arith.mulf %get3A_447, %exp3A : vector<16xf32>
        %swap3A_553 = arith.index_cast %scan3A_441 : i32 to index
        %swap3A_554 = arith.constant 16 : index
        %swap3A_555 = tpu.vector_load %arg17[%swap3A_553, %swap3A_554] {strides = array<i32>} : memref<80x144xf32, #tpu.memory_space<vmem>>, vector<16xf32>,
        tpu.vector_store %arg17[%swap3A_553, %swap3A_554], %mul3A_552 {strides = array<i32>} : memref<80x144xf32, #tpu.memory_space<vmem>>, vector<16xf32>,
        %mul3A_556 = arith.mulf %get3A_450, %exp3A : vector<16xf32>
        %swap3A_557 = arith.index_cast %scan3A_441 : i32 to index
        %swap3A_558 = arith.constant 32 : index
        %swap3A_559 = tpu.vector_load %arg17[%swap3A_557, %swap3A_558] {strides = array<i32>} : memref<80x144xf32, #tpu.memory_space<vmem>>, vector<16xf32>,
        tpu.vector_store %arg17[%swap3A_557, %swap3A_558], %mul3A_556 {strides = array<i32>} : memref<80x144xf32, #tpu.memory_space<vmem>>, vector<16xf32>,
        %mul3A_560 = arith.mulf %get3A_453, %exp3A : vector<16xf32>
        %swap3A_561 = arith.index_cast %scan3A_441 : i32 to index
        %swap3A_562 = arith.constant 48 : index
        %swap3A_563 = tpu.vector_load %arg17[%swap3A_561, %swap3A_562] {strides = array<i32>} : memref<80x144xf32, #tpu.memory_space<vmem>>, vector<16xf32>,
        tpu.vector_store %arg17[%swap3A_561, %swap3A_562], %mul3A_560 {strides = array<i32>} : memref<80x144xf32, #tpu.memory_space<vmem>>, vector<16xf32>,
        %mul3A_564 = arith.mulf %get3A_456, %exp3A : vector<16xf32>
        %swap3A_565 = arith.index_cast %scan3A_441 : i32 to index
        %swap3A_566 = arith.constant 64 : index
        %swap3A_567 = tpu.vector_load %arg17[%swap3A_565, %swap3A_566] {strides = array<i32>} : memref<80x144xf32, #tpu.memory_space<vmem>>, vector<16xf32>,
        tpu.vector_store %arg17[%swap3A_565, %swap3A_566], %mul3A_564 {strides = array<i32>} : memref<80x144xf32, #tpu.memory_space<vmem>>, vector<16xf32>,
        %mul3A_568 = arith.mulf %get3A_459, %exp3A : vector<16xf32>
        %swap3A_569 = arith.index_cast %scan3A_441 : i32 to index
        %swap3A_570 = arith.constant 80 : index
        %swap3A_571 = tpu.vector_load %arg17[%swap3A_569, %swap3A_570] {strides = array<i32>} : memref<80x144xf32, #tpu.memory_space<vmem>>, vector<16xf32>,
        tpu.vector_store %arg17[%swap3A_569, %swap3A_570], %mul3A_568 {strides = array<i32>} : memref<80x144xf32, #tpu.memory_space<vmem>>, vector<16xf32>,
        %mul3A_572 = arith.mulf %get3A_462, %exp3A : vector<16xf32>
        %swap3A_573 = arith.index_cast %scan3A_441 : i32 to index
        %swap3A_574 = arith.constant 96 : index
        %swap3A_575 = tpu.vector_load %arg17[%swap3A_573, %swap3A_574] {strides = array<i32>} : memref<80x144xf32, #tpu.memory_space<vmem>>, vector<16xf32>,
        tpu.vector_store %arg17[%swap3A_573, %swap3A_574], %mul3A_572 {strides = array<i32>} : memref<80x144xf32, #tpu.memory_space<vmem>>, vector<16xf32>,
        %mul3A_576 = arith.mulf %get3A_465, %exp3A : vector<16xf32>
        %swap3A_577 = arith.index_cast %scan3A_441 : i32 to index
        %swap3A_578 = arith.constant 112 : index
        %swap3A_579 = tpu.vector_load %arg17[%swap3A_577, %swap3A_578] {strides = array<i32>} : memref<80x144xf32, #tpu.memory_space<vmem>>, vector<16xf32>,
        tpu.vector_store %arg17[%swap3A_577, %swap3A_578], %mul3A_576 {strides = array<i32>} : memref<80x144xf32, #tpu.memory_space<vmem>>, vector<16xf32>,
        %swap3A_580 = arith.index_cast %scan3A_441 : i32 to index
        %swap3A_581 = arith.constant 128 : index
        %swap3A_582 = tpu.vector_load %arg17[%swap3A_580, %swap3A_581] {strides = array<i32>} : memref<80x144xf32, #tpu.memory_space<vmem>>, vector<16xf32>,
        tpu.vector_store %arg17[%swap3A_580, %swap3A_581], %exp3A {strides = array<i32>} : memref<80x144xf32, #tpu.memory_space<vmem>>, vector<16xf32>,
        %scan3A_583 = arith.constant 1 : i32
        %scan3A_584 = arith.addi %scan3A_441, %scan3A_583 : i32
        %get3A_585 = arith.index_cast %scan3A_584 : i32 to index
        %get3A_586 = arith.constant 0 : index
        %get3A_587 = tpu.vector_load %arg17[%get3A_585, %get3A_586] {strides = array<i32>} : memref<80x144xf32, #tpu.memory_space<vmem>>, vector<16xf32>,
        %get3A_588 = arith.index_cast %scan3A_584 : i32 to index
        %get3A_589 = arith.constant 16 : index
        %get3A_590 = tpu.vector_load %arg17[%get3A_588, %get3A_589] {strides = array<i32>} : memref<80x144xf32, #tpu.memory_space<vmem>>, vector<16xf32>,
        %get3A_591 = arith.index_cast %scan3A_584 : i32 to index
        %get3A_592 = arith.constant 32 : index
        %get3A_593 = tpu.vector_load %arg17[%get3A_591, %get3A_592] {strides = array<i32>} : memref<80x144xf32, #tpu.memory_space<vmem>>, vector<16xf32>,
        %get3A_594 = arith.index_cast %scan3A_584 : i32 to index
        %get3A_595 = arith.constant 48 : index
        %get3A_596 = tpu.vector_load %arg17[%get3A_594, %get3A_595] {strides = array<i32>} : memref<80x144xf32, #tpu.memory_space<vmem>>, vector<16xf32>,
        %get3A_597 = arith.index_cast %scan3A_584 : i32 to index
        %get3A_598 = arith.constant 64 : index
        %get3A_599 = tpu.vector_load %arg17[%get3A_597, %get3A_598] {strides = array<i32>} : memref<80x144xf32, #tpu.memory_space<vmem>>, vector<16xf32>,
        %get3A_600 = arith.index_cast %scan3A_584 : i32 to index
        %get3A_601 = arith.constant 80 : index
        %get3A_602 = tpu.vector_load %arg17[%get3A_600, %get3A_601] {strides = array<i32>} : memref<80x144xf32, #tpu.memory_space<vmem>>, vector<16xf32>,
        %get3A_603 = arith.index_cast %scan3A_584 : i32 to index
        %get3A_604 = arith.constant 96 : index
        %get3A_605 = tpu.vector_load %arg17[%get3A_603, %get3A_604] {strides = array<i32>} : memref<80x144xf32, #tpu.memory_space<vmem>>, vector<16xf32>,
        %get3A_606 = arith.index_cast %scan3A_584 : i32 to index
        %get3A_607 = arith.constant 112 : index
        %get3A_608 = tpu.vector_load %arg17[%get3A_606, %get3A_607] {strides = array<i32>} : memref<80x144xf32, #tpu.memory_space<vmem>>, vector<16xf32>,
        %sub3A_609 = arith.constant 40 : i32
        %sub3A_610 = arith.subi %scan3A_584, %sub3A_609 : i32
        %get3A_611 = arith.index_cast %sub3A_610 : i32 to index
        %get3A_612 = arith.constant 0 : index
        %get3A_613 = tpu.vector_load %arg19[%get3A_611, %get3A_612] {strides = array<i32>} : memref<40x128xf32, #tpu.memory_space<vmem>>, vector<16xf32>,
        %add3A_614 = arith.addf %get3A_587, %get3A_613 : vector<16xf32>
        %mul3A_615 = arith.constant 2.000000e-01 : f32
        %mul3A_616 = vector.broadcast %mul3A_615 : f32 to vector<16xf32>
        %mul3A_617 = arith.mulf %mul3A_616, %add3A_614 : vector<16xf32>
        %max3A_618 = arith.maximumf %add3A_614, %mul3A_617 : vector<16xf32>
        %mul3A_619 = arith.mulf %get3A_5, %max3A_618 : vector<16xf32>
        %get3A_620 = arith.index_cast %sub3A_610 : i32 to index
        %get3A_621 = arith.constant 16 : index
        %get3A_622 = tpu.vector_load %arg19[%get3A_620, %get3A_621] {strides = array<i32>} : memref<40x128xf32, #tpu.memory_space<vmem>>, vector<16xf32>,
        %add3A_623 = arith.addf %get3A_590, %get3A_622 : vector<16xf32>
        %mul3A_624 = arith.constant 2.000000e-01 : f32
        %mul3A_625 = vector.broadcast %mul3A_624 : f32 to vector<16xf32>
        %mul3A_626 = arith.mulf %mul3A_625, %add3A_623 : vector<16xf32>
        %max3A_627 = arith.maximumf %add3A_623, %mul3A_626 : vector<16xf32>
        %mul3A_628 = arith.mulf %get3A_7, %max3A_627 : vector<16xf32>
        %get3A_629 = arith.index_cast %sub3A_610 : i32 to index
        %get3A_630 = arith.constant 32 : index
        %get3A_631 = tpu.vector_load %arg19[%get3A_629, %get3A_630] {strides = array<i32>} : memref<40x128xf32, #tpu.memory_space<vmem>>, vector<16xf32>,
        %add3A_632 = arith.addf %get3A_593, %get3A_631 : vector<16xf32>
        %mul3A_633 = arith.constant 2.000000e-01 : f32
        %mul3A_634 = vector.broadcast %mul3A_633 : f32 to vector<16xf32>
        %mul3A_635 = arith.mulf %mul3A_634, %add3A_632 : vector<16xf32>
        %max3A_636 = arith.maximumf %add3A_632, %mul3A_635 : vector<16xf32>
        %mul3A_637 = arith.mulf %get3A_9, %max3A_636 : vector<16xf32>
        %get3A_638 = arith.index_cast %sub3A_610 : i32 to index
        %get3A_639 = arith.constant 48 : index
        %get3A_640 = tpu.vector_load %arg19[%get3A_638, %get3A_639] {strides = array<i32>} : memref<40x128xf32, #tpu.memory_space<vmem>>, vector<16xf32>,
        %add3A_641 = arith.addf %get3A_596, %get3A_640 : vector<16xf32>
        %mul3A_642 = arith.constant 2.000000e-01 : f32
        %mul3A_643 = vector.broadcast %mul3A_642 : f32 to vector<16xf32>
        %mul3A_644 = arith.mulf %mul3A_643, %add3A_641 : vector<16xf32>
        %max3A_645 = arith.maximumf %add3A_641, %mul3A_644 : vector<16xf32>
        %mul3A_646 = arith.mulf %get3A_11, %max3A_645 : vector<16xf32>
        %get3A_647 = arith.index_cast %sub3A_610 : i32 to index
        %get3A_648 = arith.constant 64 : index
        %get3A_649 = tpu.vector_load %arg19[%get3A_647, %get3A_648] {strides = array<i32>} : memref<40x128xf32, #tpu.memory_space<vmem>>, vector<16xf32>,
        %add3A_650 = arith.addf %get3A_599, %get3A_649 : vector<16xf32>
        %mul3A_651 = arith.constant 2.000000e-01 : f32
        %mul3A_652 = vector.broadcast %mul3A_651 : f32 to vector<16xf32>
        %mul3A_653 = arith.mulf %mul3A_652, %add3A_650 : vector<16xf32>
        %max3A_654 = arith.maximumf %add3A_650, %mul3A_653 : vector<16xf32>
        %mul3A_655 = arith.mulf %get3A_13, %max3A_654 : vector<16xf32>
        %get3A_656 = arith.index_cast %sub3A_610 : i32 to index
        %get3A_657 = arith.constant 80 : index
        %get3A_658 = tpu.vector_load %arg19[%get3A_656, %get3A_657] {strides = array<i32>} : memref<40x128xf32, #tpu.memory_space<vmem>>, vector<16xf32>,
        %add3A_659 = arith.addf %get3A_602, %get3A_658 : vector<16xf32>
        %mul3A_660 = arith.constant 2.000000e-01 : f32
        %mul3A_661 = vector.broadcast %mul3A_660 : f32 to vector<16xf32>
        %mul3A_662 = arith.mulf %mul3A_661, %add3A_659 : vector<16xf32>
        %max3A_663 = arith.maximumf %add3A_659, %mul3A_662 : vector<16xf32>
        %mul3A_664 = arith.mulf %get3A_15, %max3A_663 : vector<16xf32>
        %get3A_665 = arith.index_cast %sub3A_610 : i32 to index
        %get3A_666 = arith.constant 96 : index
        %get3A_667 = tpu.vector_load %arg19[%get3A_665, %get3A_666] {strides = array<i32>} : memref<40x128xf32, #tpu.memory_space<vmem>>, vector<16xf32>,
        %add3A_668 = arith.addf %get3A_605, %get3A_667 : vector<16xf32>
        %mul3A_669 = arith.constant 2.000000e-01 : f32
        %mul3A_670 = vector.broadcast %mul3A_669 : f32 to vector<16xf32>
        %mul3A_671 = arith.mulf %mul3A_670, %add3A_668 : vector<16xf32>
        %max3A_672 = arith.maximumf %add3A_668, %mul3A_671 : vector<16xf32>
        %mul3A_673 = arith.mulf %get3A_17, %max3A_672 : vector<16xf32>
        %get3A_674 = arith.index_cast %sub3A_610 : i32 to index
        %get3A_675 = arith.constant 112 : index
        %get3A_676 = tpu.vector_load %arg19[%get3A_674, %get3A_675] {strides = array<i32>} : memref<40x128xf32, #tpu.memory_space<vmem>>, vector<16xf32>,
        %add3A_677 = arith.addf %get3A_608, %get3A_676 : vector<16xf32>
        %mul3A_678 = arith.constant 2.000000e-01 : f32
        %mul3A_679 = vector.broadcast %mul3A_678 : f32 to vector<16xf32>
        %mul3A_680 = arith.mulf %mul3A_679, %add3A_677 : vector<16xf32>
        %max3A_681 = arith.maximumf %add3A_677, %mul3A_680 : vector<16xf32>
        %mul3A_682 = arith.mulf %get3A_19, %max3A_681 : vector<16xf32>
        %add3A_683 = arith.addf %mul3A_619, %mul3A_628 : vector<16xf32>
        %add3A_684 = arith.addf %mul3A_637, %mul3A_646 : vector<16xf32>
        %add3A_685 = arith.addf %add3A_683, %add3A_684 : vector<16xf32>
        %add3A_686 = arith.addf %mul3A_655, %mul3A_664 : vector<16xf32>
        %add3A_687 = arith.addf %mul3A_673, %mul3A_682 : vector<16xf32>
        %add3A_688 = arith.addf %add3A_686, %add3A_687 : vector<16xf32>
        %add3A_689 = arith.addf %add3A_685, %add3A_688 : vector<16xf32>
        %reduce_sum3A_690 = arith.constant true
        %reduce_sum3A_691 = vector.broadcast %reduce_sum3A_690 : i1 to vector<16xi1>
        %reduce_sum3A_692 = tpu.scan <sum>, %add3A_689 masked %reduce_sum3A_691 : vector<16xf32>, vector<16xi1> -> vector<16xf32>
        %reduce_sum3A_693 = vector.extract %reduce_sum3A_692[15] : f32 from vector<16xf32>
        %broadcast_in_dim3A_694 = vector.broadcast %reduce_sum3A_693 : f32 to vector<16xf32>
        %exp3A_695 = math.exp %broadcast_in_dim3A_694 : vector<16xf32>
        %mul3A_696 = arith.mulf %get3A_587, %exp3A_695 : vector<16xf32>
        %swap3A_697 = arith.index_cast %scan3A_584 : i32 to index
        %swap3A_698 = arith.constant 0 : index
        %swap3A_699 = tpu.vector_load %arg17[%swap3A_697, %swap3A_698] {strides = array<i32>} : memref<80x144xf32, #tpu.memory_space<vmem>>, vector<16xf32>,
        tpu.vector_store %arg17[%swap3A_697, %swap3A_698], %mul3A_696 {strides = array<i32>} : memref<80x144xf32, #tpu.memory_space<vmem>>, vector<16xf32>,
        %mul3A_700 = arith.mulf %get3A_590, %exp3A_695 : vector<16xf32>
        %swap3A_701 = arith.index_cast %scan3A_584 : i32 to index
        %swap3A_702 = arith.constant 16 : index
        %swap3A_703 = tpu.vector_load %arg17[%swap3A_701, %swap3A_702] {strides = array<i32>} : memref<80x144xf32, #tpu.memory_space<vmem>>, vector<16xf32>,
        tpu.vector_store %arg17[%swap3A_701, %swap3A_702], %mul3A_700 {strides = array<i32>} : memref<80x144xf32, #tpu.memory_space<vmem>>, vector<16xf32>,
        %mul3A_704 = arith.mulf %get3A_593, %exp3A_695 : vector<16xf32>
        %swap3A_705 = arith.index_cast %scan3A_584 : i32 to index
        %swap3A_706 = arith.constant 32 : index
        %swap3A_707 = tpu.vector_load %arg17[%swap3A_705, %swap3A_706] {strides = array<i32>} : memref<80x144xf32, #tpu.memory_space<vmem>>, vector<16xf32>,
        tpu.vector_store %arg17[%swap3A_705, %swap3A_706], %mul3A_704 {strides = array<i32>} : memref<80x144xf32, #tpu.memory_space<vmem>>, vector<16xf32>,
        %mul3A_708 = arith.mulf %get3A_596, %exp3A_695 : vector<16xf32>
        %swap3A_709 = arith.index_cast %scan3A_584 : i32 to index
        %swap3A_710 = arith.constant 48 : index
        %swap3A_711 = tpu.vector_load %arg17[%swap3A_709, %swap3A_710] {strides = array<i32>} : memref<80x144xf32, #tpu.memory_space<vmem>>, vector<16xf32>,
        tpu.vector_store %arg17[%swap3A_709, %swap3A_710], %mul3A_708 {strides = array<i32>} : memref<80x144xf32, #tpu.memory_space<vmem>>, vector<16xf32>,
        %mul3A_712 = arith.mulf %get3A_599, %exp3A_695 : vector<16xf32>
        %swap3A_713 = arith.index_cast %scan3A_584 : i32 to index
        %swap3A_714 = arith.constant 64 : index
        %swap3A_715 = tpu.vector_load %arg17[%swap3A_713, %swap3A_714] {strides = array<i32>} : memref<80x144xf32, #tpu.memory_space<vmem>>, vector<16xf32>,
        tpu.vector_store %arg17[%swap3A_713, %swap3A_714], %mul3A_712 {strides = array<i32>} : memref<80x144xf32, #tpu.memory_space<vmem>>, vector<16xf32>,
        %mul3A_716 = arith.mulf %get3A_602, %exp3A_695 : vector<16xf32>
        %swap3A_717 = arith.index_cast %scan3A_584 : i32 to index
        %swap3A_718 = arith.constant 80 : index
        %swap3A_719 = tpu.vector_load %arg17[%swap3A_717, %swap3A_718] {strides = array<i32>} : memref<80x144xf32, #tpu.memory_space<vmem>>, vector<16xf32>,
        tpu.vector_store %arg17[%swap3A_717, %swap3A_718], %mul3A_716 {strides = array<i32>} : memref<80x144xf32, #tpu.memory_space<vmem>>, vector<16xf32>,
        %mul3A_720 = arith.mulf %get3A_605, %exp3A_695 : vector<16xf32>
        %swap3A_721 = arith.index_cast %scan3A_584 : i32 to index
        %swap3A_722 = arith.constant 96 : index
        %swap3A_723 = tpu.vector_load %arg17[%swap3A_721, %swap3A_722] {strides = array<i32>} : memref<80x144xf32, #tpu.memory_space<vmem>>, vector<16xf32>,
        tpu.vector_store %arg17[%swap3A_721, %swap3A_722], %mul3A_720 {strides = array<i32>} : memref<80x144xf32, #tpu.memory_space<vmem>>, vector<16xf32>,
        %mul3A_724 = arith.mulf %get3A_608, %exp3A_695 : vector<16xf32>
        %swap3A_725 = arith.index_cast %scan3A_584 : i32 to index
        %swap3A_726 = arith.constant 112 : index
        %swap3A_727 = tpu.vector_load %arg17[%swap3A_725, %swap3A_726] {strides = array<i32>} : memref<80x144xf32, #tpu.memory_space<vmem>>, vector<16xf32>,
        tpu.vector_store %arg17[%swap3A_725, %swap3A_726], %mul3A_724 {strides = array<i32>} : memref<80x144xf32, #tpu.memory_space<vmem>>, vector<16xf32>,
        %swap3A_728 = arith.index_cast %scan3A_584 : i32 to index
        %swap3A_729 = arith.constant 128 : index
        %swap3A_730 = tpu.vector_load %arg17[%swap3A_728, %swap3A_729] {strides = array<i32>} : memref<80x144xf32, #tpu.memory_space<vmem>>, vector<16xf32>,
        tpu.vector_store %arg17[%swap3A_728, %swap3A_729], %exp3A_695 {strides = array<i32>} : memref<80x144xf32, #tpu.memory_space<vmem>>, vector<16xf32>,
      }
      %scan3A_420 = arith.constant 40 : i32
      %dma_start3A_421 = arith.constant 1 : i32
      %dma_start3A_422 = arith.constant 40 : i32
      %dma_start3A_423 = arith.constant 0 : i32
      %dma_start3A_424 = tpu.memref_slice %arg17[%dma_start3A_422, %dma_start3A_423] : memref<80x144xf32, #tpu.memory_space<vmem>> -> memref<40x144xf32, #tpu.memory_space<vmem>>
      %dma_start3A_425 = arith.constant 0 : i32
      %dma_start3A_426 = tpu.memref_slice %arg15[%dma_start3A_421, %dma_start3A_425] : memref<2x40xi32, #tpu.memory_space<vmem>> -> memref<1x40xi32, #tpu.memory_space<vmem>>
      %dma_start3A_427 = tpu.memref_squeeze %dma_start3A_426 : memref<1x40xi32, #tpu.memory_space<vmem>> -> memref<40xi32, #tpu.memory_space<vmem>>
      %dma_start3A_428 = arith.constant 0 : i32
      %dma_start3A_429 = arith.constant 0 : i32
      %dma_start3A_430 = tpu.memref_slice %arg20[%dma_start3A_428, %dma_start3A_429] : memref<10000x144xf32, #tpu.memory_space<vmem_shared>> -> memref<10000x144xf32, #tpu.memory_space<vmem_shared>>
      tpu.enqueue_indirect_dma source(%dma_start3A_424 : memref<40x144xf32, #tpu.memory_space<vmem>>) target(%dma_start3A_430 : memref<10000x144xf32, #tpu.memory_space<vmem_shared>>) offsets(%dma_start3A_427 : memref<40xi32, #tpu.memory_space<vmem>>) semaphore(%arg28 : memref<!tpu.dma_semaphore, #tpu.memory_space<semaphore_mem>>) {add = true}
      %dma_start3A_431 = arith.constant 40 : i32
      %dma_start3A_432 = tpu.memref_slice %arg12[%dma_start3A_431] : memref<80xi32, #tpu.memory_space<vmem>> -> memref<40xi32, #tpu.memory_space<vmem>>
      %dma_start3A_433 = arith.constant 0 : i32
      %dma_start3A_434 = arith.constant 0 : i32
      %dma_start3A_435 = tpu.memref_slice %arg3[%dma_start3A_433, %dma_start3A_434] : memref<10000x128xf32, #tpu.memory_space<hbm>> -> memref<10000x128xf32, #tpu.memory_space<hbm>>
      tpu.enqueue_indirect_dma source(%dma_start3A_435 : memref<10000x128xf32, #tpu.memory_space<hbm>>) target(%arg19 : memref<40x128xf32, #tpu.memory_space<vmem>>) offsets(%dma_start3A_432 : memref<40xi32, #tpu.memory_space<vmem>>) semaphore(%arg26 : memref<!tpu.dma_semaphore, #tpu.memory_space<semaphore_mem>>)
      %le3A_436 = arith.constant 122 : i32
      %le3A_437 = arith.cmpi sle, %add3A_322, %le3A_436 : i32
      %convert_element_type3A_438 = arith.extui %le3A_437 : i1 to i32
      %cond3A_439 = arith.constant 0 : i32
      %cond3A_440 = arith.cmpi ne, %convert_element_type3A_438, %cond3A_439 : i32
      scf.if %cond3A_440 {
        %add3A_441 = arith.constant 2 : i32
        %add3A_442 = arith.addi %add3A_322, %add3A_441 : i32
        %dma_start3A_443 = arith.constant 0 : i32
        %dma_start3A_444 = tpu.memref_slice %arg4[%add3A, %add3A_442, %dma_start3A_443] : memref<32x125x80xi32, #tpu.memory_space<hbm>> -> memref<1x1x80xi32, #tpu.memory_space<hbm>>
        %dma_start3A_445 = tpu.memref_squeeze %dma_start3A_444 : memref<1x1x80xi32, #tpu.memory_space<hbm>> -> memref<80xi32, #tpu.memory_space<hbm>>
        %dma_start3A_446 = arith.constant 0 : i32
        %dma_start3A_447 = tpu.memref_slice %arg4[%add3A, %add3A_442, %dma_start3A_446] : memref<32x125x80xi32, #tpu.memory_space<hbm>> -> memref<1x1x80xi32, #tpu.memory_space<hbm>>
        %dma_start3A_448 = tpu.memref_squeeze %dma_start3A_447 : memref<1x1x80xi32, #tpu.memory_space<hbm>> -> memref<80xi32, #tpu.memory_space<hbm>>
        tpu.enqueue_dma source(%dma_start3A_448 : memref<80xi32, #tpu.memory_space<hbm>>) target(%arg11 : memref<80xi32, #tpu.memory_space<vmem>>) target_semaphore(%arg22 : memref<!tpu.dma_semaphore, #tpu.memory_space<semaphore_mem>>)
        %dma_start3A_449 = arith.constant 0 : i32
        %dma_start3A_450 = tpu.memref_slice %arg5[%add3A, %add3A_442, %dma_start3A_449] : memref<32x125x80xi32, #tpu.memory_space<hbm>> -> memref<1x1x80xi32, #tpu.memory_space<hbm>>
        %dma_start3A_451 = tpu.memref_squeeze %dma_start3A_450 : memref<1x1x80xi32, #tpu.memory_space<hbm>> -> memref<80xi32, #tpu.memory_space<hbm>>
        %dma_start3A_452 = arith.constant 0 : i32
        %dma_start3A_453 = tpu.memref_slice %arg5[%add3A, %add3A_442, %dma_start3A_452] : memref<32x125x80xi32, #tpu.memory_space<hbm>> -> memref<1x1x80xi32, #tpu.memory_space<hbm>>
        %dma_start3A_454 = tpu.memref_squeeze %dma_start3A_453 : memref<1x1x80xi32, #tpu.memory_space<hbm>> -> memref<80xi32, #tpu.memory_space<hbm>>
        tpu.enqueue_dma source(%dma_start3A_454 : memref<80xi32, #tpu.memory_space<hbm>>) target(%arg13 : memref<80xi32, #tpu.memory_space<vmem>>) target_semaphore(%arg22 : memref<!tpu.dma_semaphore, #tpu.memory_space<semaphore_mem>>)
      } else {
      }
    }
    %scan3A_76 = arith.constant 62 : i32
    %dma_wait3A_77 = arith.constant 0 : i32
    %dma_wait3A_78 = arith.constant 0 : i32
    %dma_wait3A_79 = arith.constant 0 : i32
    %dma_wait3A_80 = tpu.memref_slice %arg17[%dma_wait3A_78, %dma_wait3A_79] : memref<80x144xf32, #tpu.memory_space<vmem>> -> memref<40x144xf32, #tpu.memory_space<vmem>>
    %dma_wait3A_81 = arith.constant 0 : i32
    %dma_wait3A_82 = tpu.memref_slice %arg15[%dma_wait3A_77, %dma_wait3A_81] : memref<2x40xi32, #tpu.memory_space<vmem>> -> memref<1x40xi32, #tpu.memory_space<vmem>>
    %dma_wait3A_83 = tpu.memref_squeeze %dma_wait3A_82 : memref<1x40xi32, #tpu.memory_space<vmem>> -> memref<40xi32, #tpu.memory_space<vmem>>
    %dma_wait3A_84 = arith.constant 0 : i32
    %dma_wait3A_85 = arith.constant 0 : i32
    %dma_wait3A_86 = tpu.memref_slice %arg20[%dma_wait3A_84, %dma_wait3A_85] : memref<10000x144xf32, #tpu.memory_space<vmem_shared>> -> memref<10000x144xf32, #tpu.memory_space<vmem_shared>>
    tpu.wait_indirect_dma semaphore(%arg28 : memref<!tpu.dma_semaphore, #tpu.memory_space<semaphore_mem>>) src(%dma_wait3A_80 : memref<40x144xf32, #tpu.memory_space<vmem>>) dst(%dma_wait3A_86 : memref<10000x144xf32, #tpu.memory_space<vmem_shared>>)
    %dma_wait3A_87 = arith.constant 1 : i32
    %dma_wait3A_88 = arith.constant 40 : i32
    %dma_wait3A_89 = arith.constant 0 : i32
    %dma_wait3A_90 = tpu.memref_slice %arg17[%dma_wait3A_88, %dma_wait3A_89] : memref<80x144xf32, #tpu.memory_space<vmem>> -> memref<40x144xf32, #tpu.memory_space<vmem>>
    %dma_wait3A_91 = arith.constant 0 : i32
    %dma_wait3A_92 = tpu.memref_slice %arg15[%dma_wait3A_87, %dma_wait3A_91] : memref<2x40xi32, #tpu.memory_space<vmem>> -> memref<1x40xi32, #tpu.memory_space<vmem>>
    %dma_wait3A_93 = tpu.memref_squeeze %dma_wait3A_92 : memref<1x40xi32, #tpu.memory_space<vmem>> -> memref<40xi32, #tpu.memory_space<vmem>>
    %dma_wait3A_94 = arith.constant 0 : i32
    %dma_wait3A_95 = arith.constant 0 : i32
    %dma_wait3A_96 = tpu.memref_slice %arg20[%dma_wait3A_94, %dma_wait3A_95] : memref<10000x144xf32, #tpu.memory_space<vmem_shared>> -> memref<10000x144xf32, #tpu.memory_space<vmem_shared>>
    tpu.wait_indirect_dma semaphore(%arg28 : memref<!tpu.dma_semaphore, #tpu.memory_space<semaphore_mem>>) src(%dma_wait3A_90 : memref<40x144xf32, #tpu.memory_space<vmem>>) dst(%dma_wait3A_96 : memref<10000x144xf32, #tpu.memory_space<vmem_shared>>)
    %dma_wait3A_97 = arith.constant 0 : i32
    %dma_wait3A_98 = arith.constant 0 : i32
    %dma_wait3A_99 = tpu.memref_slice %arg2[%dma_wait3A_97, %dma_wait3A_98] : memref<10000x144xf32, #tpu.memory_space<hbm>> -> memref<10000x144xf32, #tpu.memory_space<hbm>>
    tpu.wait_indirect_dma semaphore(%arg23 : memref<!tpu.dma_semaphore, #tpu.memory_space<semaphore_mem>>) src(%dma_wait3A_99 : memref<10000x144xf32, #tpu.memory_space<hbm>>) dst(%arg16 : memref<80x144xf32, #tpu.memory_space<vmem>>)
    %get3A_100 = arith.constant 0 : index
    %get3A_101 = tpu.vector_load %arg12[%get3A_100] {strides = array<i32>} : memref<80xi32, #tpu.memory_space<vmem>>, vector<16xi32>,
    %swap3A = arith.constant 0 : i32
    %swap3A_102 = arith.index_cast %swap3A : i32 to index
    %swap3A_103 = arith.constant 0 : index
    %swap3A_104 = tpu.vector_load %arg14[%swap3A_102, %swap3A_103] {strides = array<i32>} : memref<2x40xi32, #tpu.memory_space<vmem>>, vector<16xi32>,
    tpu.vector_store %arg14[%swap3A_102, %swap3A_103], %get3A_101 {strides = array<i32>} : memref<2x40xi32, #tpu.memory_space<vmem>>, vector<16xi32>,
    %get3A_105 = arith.constant 16 : index
    %get3A_106 = tpu.vector_load %arg12[%get3A_105] {strides = array<i32>} : memref<80xi32, #tpu.memory_space<vmem>>, vector<16xi32>,
    %swap3A_107 = arith.constant 0 : i32
    %swap3A_108 = arith.index_cast %swap3A_107 : i32 to index
    %swap3A_109 = arith.constant 16 : index
    %swap3A_110 = tpu.vector_load %arg14[%swap3A_108, %swap3A_109] {strides = array<i32>} : memref<2x40xi32, #tpu.memory_space<vmem>>, vector<16xi32>,
    tpu.vector_store %arg14[%swap3A_108, %swap3A_109], %get3A_106 {strides = array<i32>} : memref<2x40xi32, #tpu.memory_space<vmem>>, vector<16xi32>,
    %get3A_111 = arith.constant 24 : index
    %get3A_112 = tpu.vector_load %arg12[%get3A_111] {strides = array<i32>} : memref<80xi32, #tpu.memory_space<vmem>>, vector<16xi32>,
    %swap3A_113 = arith.constant 0 : i32
    %swap3A_114 = arith.index_cast %swap3A_113 : i32 to index
    %swap3A_115 = arith.constant 24 : index
    %swap3A_116 = tpu.vector_load %arg14[%swap3A_114, %swap3A_115] {strides = array<i32>} : memref<2x40xi32, #tpu.memory_space<vmem>>, vector<16xi32>,
    tpu.vector_store %arg14[%swap3A_114, %swap3A_115], %get3A_112 {strides = array<i32>} : memref<2x40xi32, #tpu.memory_space<vmem>>, vector<16xi32>,
    %get3A_117 = arith.constant 40 : index
    %get3A_118 = tpu.vector_load %arg12[%get3A_117] {strides = array<i32>} : memref<80xi32, #tpu.memory_space<vmem>>, vector<16xi32>,
    %swap3A_119 = arith.constant 1 : i32
    %swap3A_120 = arith.index_cast %swap3A_119 : i32 to index
    %swap3A_121 = arith.constant 0 : index
    %swap3A_122 = tpu.vector_load %arg14[%swap3A_120, %swap3A_121] {strides = array<i32>} : memref<2x40xi32, #tpu.memory_space<vmem>>, vector<16xi32>,
    tpu.vector_store %arg14[%swap3A_120, %swap3A_121], %get3A_118 {strides = array<i32>} : memref<2x40xi32, #tpu.memory_space<vmem>>, vector<16xi32>,
    %get3A_123 = arith.constant 56 : index
    %get3A_124 = tpu.vector_load %arg12[%get3A_123] {strides = array<i32>} : memref<80xi32, #tpu.memory_space<vmem>>, vector<16xi32>,
    %swap3A_125 = arith.constant 1 : i32
    %swap3A_126 = arith.index_cast %swap3A_125 : i32 to index
    %swap3A_127 = arith.constant 16 : index
    %swap3A_128 = tpu.vector_load %arg14[%swap3A_126, %swap3A_127] {strides = array<i32>} : memref<2x40xi32, #tpu.memory_space<vmem>>, vector<16xi32>,
    tpu.vector_store %arg14[%swap3A_126, %swap3A_127], %get3A_124 {strides = array<i32>} : memref<2x40xi32, #tpu.memory_space<vmem>>, vector<16xi32>,
    %get3A_129 = arith.constant 64 : index
    %get3A_130 = tpu.vector_load %arg12[%get3A_129] {strides = array<i32>} : memref<80xi32, #tpu.memory_space<vmem>>, vector<16xi32>,
    %swap3A_131 = arith.constant 1 : i32
    %swap3A_132 = arith.index_cast %swap3A_131 : i32 to index
    %swap3A_133 = arith.constant 24 : index
    %swap3A_134 = tpu.vector_load %arg14[%swap3A_132, %swap3A_133] {strides = array<i32>} : memref<2x40xi32, #tpu.memory_space<vmem>>, vector<16xi32>,
    tpu.vector_store %arg14[%swap3A_132, %swap3A_133], %get3A_130 {strides = array<i32>} : memref<2x40xi32, #tpu.memory_space<vmem>>, vector<16xi32>,
    %dma_wait3A_135 = arith.constant 0 : i32
    %dma_wait3A_136 = tpu.memref_slice %arg12[%dma_wait3A_135] : memref<80xi32, #tpu.memory_space<vmem>> -> memref<40xi32, #tpu.memory_space<vmem>>
    %dma_wait3A_137 = arith.constant 0 : i32
    %dma_wait3A_138 = arith.constant 0 : i32
    %dma_wait3A_139 = tpu.memref_slice %arg3[%dma_wait3A_137, %dma_wait3A_138] : memref<10000x128xf32, #tpu.memory_space<hbm>> -> memref<10000x128xf32, #tpu.memory_space<hbm>>
    tpu.wait_indirect_dma semaphore(%arg25 : memref<!tpu.dma_semaphore, #tpu.memory_space<semaphore_mem>>) src(%dma_wait3A_139 : memref<10000x128xf32, #tpu.memory_space<hbm>>) dst(%arg18 : memref<40x128xf32, #tpu.memory_space<vmem>>)
    %scan3A_140 = arith.constant 0 : i32
    %scan3A_141 = arith.constant 0 : i32
    %scan3A_142 = arith.constant 40 : i32
    %scan3A_143 = arith.addi %scan3A_141, %scan3A_142 : i32
    %scan3A_144 = arith.constant 2 : i32
    scf.for %scan3A_202 = %scan3A_141 to %scan3A_143 step %scan3A_144  : i32 {
      %get3A_203 = arith.index_cast %scan3A_202 : i32 to index
      %get3A_204 = arith.constant 0 : index
      %get3A_205 = tpu.vector_load %arg16[%get3A_203, %get3A_204] {strides = array<i32>} : memref<80x144xf32, #tpu.memory_space<vmem>>, vector<16xf32>,
      %get3A_206 = arith.index_cast %scan3A_202 : i32 to index
      %get3A_207 = arith.constant 16 : index
      %get3A_208 = tpu.vector_load %arg16[%get3A_206, %get3A_207] {strides = array<i32>} : memref<80x144xf32, #tpu.memory_space<vmem>>, vector<16xf32>,
      %get3A_209 = arith.index_cast %scan3A_202 : i32 to index
      %get3A_210 = arith.constant 32 : index
      %get3A_211 = tpu.vector_load %arg16[%get3A_209, %get3A_210] {strides = array<i32>} : memref<80x144xf32, #tpu.memory_space<vmem>>, vector<16xf32>,
      %get3A_212 = arith.index_cast %scan3A_202 : i32 to index
      %get3A_213 = arith.constant 48 : index
      %get3A_214 = tpu.vector_load %arg16[%get3A_212, %get3A_213] {strides = array<i32>} : memref<80x144xf32, #tpu.memory_space<vmem>>, vector<16xf32>,
      %get3A_215 = arith.index_cast %scan3A_202 : i32 to index
      %get3A_216 = arith.constant 64 : index
      %get3A_217 = tpu.vector_load %arg16[%get3A_215, %get3A_216] {strides = array<i32>} : memref<80x144xf32, #tpu.memory_space<vmem>>, vector<16xf32>,
      %get3A_218 = arith.index_cast %scan3A_202 : i32 to index
      %get3A_219 = arith.constant 80 : index
      %get3A_220 = tpu.vector_load %arg16[%get3A_218, %get3A_219] {strides = array<i32>} : memref<80x144xf32, #tpu.memory_space<vmem>>, vector<16xf32>,
      %get3A_221 = arith.index_cast %scan3A_202 : i32 to index
      %get3A_222 = arith.constant 96 : index
      %get3A_223 = tpu.vector_load %arg16[%get3A_221, %get3A_222] {strides = array<i32>} : memref<80x144xf32, #tpu.memory_space<vmem>>, vector<16xf32>,
      %get3A_224 = arith.index_cast %scan3A_202 : i32 to index
      %get3A_225 = arith.constant 112 : index
      %get3A_226 = tpu.vector_load %arg16[%get3A_224, %get3A_225] {strides = array<i32>} : memref<80x144xf32, #tpu.memory_space<vmem>>, vector<16xf32>,
      %sub3A = arith.constant 0 : i32
      %sub3A_227 = arith.subi %scan3A_202, %sub3A : i32
      %get3A_228 = arith.index_cast %sub3A_227 : i32 to index
      %get3A_229 = arith.constant 0 : index
      %get3A_230 = tpu.vector_load %arg18[%get3A_228, %get3A_229] {strides = array<i32>} : memref<40x128xf32, #tpu.memory_space<vmem>>, vector<16xf32>,
      %add3A_231 = arith.addf %get3A_205, %get3A_230 : vector<16xf32>
      %mul3A_232 = arith.constant 2.000000e-01 : f32
      %mul3A_233 = vector.broadcast %mul3A_232 : f32 to vector<16xf32>
      %mul3A_234 = arith.mulf %mul3A_233, %add3A_231 : vector<16xf32>
      %max3A = arith.maximumf %add3A_231, %mul3A_234 : vector<16xf32>
      %mul3A_235 = arith.mulf %get3A_5, %max3A : vector<16xf32>
      %get3A_236 = arith.index_cast %sub3A_227 : i32 to index
      %get3A_237 = arith.constant 16 : index
      %get3A_238 = tpu.vector_load %arg18[%get3A_236, %get3A_237] {strides = array<i32>} : memref<40x128xf32, #tpu.memory_space<vmem>>, vector<16xf32>,
      %add3A_239 = arith.addf %get3A_208, %get3A_238 : vector<16xf32>
      %mul3A_240 = arith.constant 2.000000e-01 : f32
      %mul3A_241 = vector.broadcast %mul3A_240 : f32 to vector<16xf32>
      %mul3A_242 = arith.mulf %mul3A_241, %add3A_239 : vector<16xf32>
      %max3A_243 = arith.maximumf %add3A_239, %mul3A_242 : vector<16xf32>
      %mul3A_244 = arith.mulf %get3A_7, %max3A_243 : vector<16xf32>
      %get3A_245 = arith.index_cast %sub3A_227 : i32 to index
      %get3A_246 = arith.constant 32 : index
      %get3A_247 = tpu.vector_load %arg18[%get3A_245, %get3A_246] {strides = array<i32>} : memref<40x128xf32, #tpu.memory_space<vmem>>, vector<16xf32>,
      %add3A_248 = arith.addf %get3A_211, %get3A_247 : vector<16xf32>
      %mul3A_249 = arith.constant 2.000000e-01 : f32
      %mul3A_250 = vector.broadcast %mul3A_249 : f32 to vector<16xf32>
      %mul3A_251 = arith.mulf %mul3A_250, %add3A_248 : vector<16xf32>
      %max3A_252 = arith.maximumf %add3A_248, %mul3A_251 : vector<16xf32>
      %mul3A_253 = arith.mulf %get3A_9, %max3A_252 : vector<16xf32>
      %get3A_254 = arith.index_cast %sub3A_227 : i32 to index
      %get3A_255 = arith.constant 48 : index
      %get3A_256 = tpu.vector_load %arg18[%get3A_254, %get3A_255] {strides = array<i32>} : memref<40x128xf32, #tpu.memory_space<vmem>>, vector<16xf32>,
      %add3A_257 = arith.addf %get3A_214, %get3A_256 : vector<16xf32>
      %mul3A_258 = arith.constant 2.000000e-01 : f32
      %mul3A_259 = vector.broadcast %mul3A_258 : f32 to vector<16xf32>
      %mul3A_260 = arith.mulf %mul3A_259, %add3A_257 : vector<16xf32>
      %max3A_261 = arith.maximumf %add3A_257, %mul3A_260 : vector<16xf32>
      %mul3A_262 = arith.mulf %get3A_11, %max3A_261 : vector<16xf32>
      %get3A_263 = arith.index_cast %sub3A_227 : i32 to index
      %get3A_264 = arith.constant 64 : index
      %get3A_265 = tpu.vector_load %arg18[%get3A_263, %get3A_264] {strides = array<i32>} : memref<40x128xf32, #tpu.memory_space<vmem>>, vector<16xf32>,
      %add3A_266 = arith.addf %get3A_217, %get3A_265 : vector<16xf32>
      %mul3A_267 = arith.constant 2.000000e-01 : f32
      %mul3A_268 = vector.broadcast %mul3A_267 : f32 to vector<16xf32>
      %mul3A_269 = arith.mulf %mul3A_268, %add3A_266 : vector<16xf32>
      %max3A_270 = arith.maximumf %add3A_266, %mul3A_269 : vector<16xf32>
      %mul3A_271 = arith.mulf %get3A_13, %max3A_270 : vector<16xf32>
      %get3A_272 = arith.index_cast %sub3A_227 : i32 to index
      %get3A_273 = arith.constant 80 : index
      %get3A_274 = tpu.vector_load %arg18[%get3A_272, %get3A_273] {strides = array<i32>} : memref<40x128xf32, #tpu.memory_space<vmem>>, vector<16xf32>,
      %add3A_275 = arith.addf %get3A_220, %get3A_274 : vector<16xf32>
      %mul3A_276 = arith.constant 2.000000e-01 : f32
      %mul3A_277 = vector.broadcast %mul3A_276 : f32 to vector<16xf32>
      %mul3A_278 = arith.mulf %mul3A_277, %add3A_275 : vector<16xf32>
      %max3A_279 = arith.maximumf %add3A_275, %mul3A_278 : vector<16xf32>
      %mul3A_280 = arith.mulf %get3A_15, %max3A_279 : vector<16xf32>
      %get3A_281 = arith.index_cast %sub3A_227 : i32 to index
      %get3A_282 = arith.constant 96 : index
      %get3A_283 = tpu.vector_load %arg18[%get3A_281, %get3A_282] {strides = array<i32>} : memref<40x128xf32, #tpu.memory_space<vmem>>, vector<16xf32>,
      %add3A_284 = arith.addf %get3A_223, %get3A_283 : vector<16xf32>
      %mul3A_285 = arith.constant 2.000000e-01 : f32
      %mul3A_286 = vector.broadcast %mul3A_285 : f32 to vector<16xf32>
      %mul3A_287 = arith.mulf %mul3A_286, %add3A_284 : vector<16xf32>
      %max3A_288 = arith.maximumf %add3A_284, %mul3A_287 : vector<16xf32>
      %mul3A_289 = arith.mulf %get3A_17, %max3A_288 : vector<16xf32>
      %get3A_290 = arith.index_cast %sub3A_227 : i32 to index
      %get3A_291 = arith.constant 112 : index
      %get3A_292 = tpu.vector_load %arg18[%get3A_290, %get3A_291] {strides = array<i32>} : memref<40x128xf32, #tpu.memory_space<vmem>>, vector<16xf32>,
      %add3A_293 = arith.addf %get3A_226, %get3A_292 : vector<16xf32>
      %mul3A_294 = arith.constant 2.000000e-01 : f32
      %mul3A_295 = vector.broadcast %mul3A_294 : f32 to vector<16xf32>
      %mul3A_296 = arith.mulf %mul3A_295, %add3A_293 : vector<16xf32>
      %max3A_297 = arith.maximumf %add3A_293, %mul3A_296 : vector<16xf32>
      %mul3A_298 = arith.mulf %get3A_19, %max3A_297 : vector<16xf32>
      %add3A_299 = arith.addf %mul3A_235, %mul3A_244 : vector<16xf32>
      %add3A_300 = arith.addf %mul3A_253, %mul3A_262 : vector<16xf32>
      %add3A_301 = arith.addf %add3A_299, %add3A_300 : vector<16xf32>
      %add3A_302 = arith.addf %mul3A_271, %mul3A_280 : vector<16xf32>
      %add3A_303 = arith.addf %mul3A_289, %mul3A_298 : vector<16xf32>
      %add3A_304 = arith.addf %add3A_302, %add3A_303 : vector<16xf32>
      %add3A_305 = arith.addf %add3A_301, %add3A_304 : vector<16xf32>
      %reduce_sum3A = arith.constant true
      %reduce_sum3A_306 = vector.broadcast %reduce_sum3A : i1 to vector<16xi1>
      %reduce_sum3A_307 = tpu.scan <sum>, %add3A_305 masked %reduce_sum3A_306 : vector<16xf32>, vector<16xi1> -> vector<16xf32>
      %reduce_sum3A_308 = vector.extract %reduce_sum3A_307[15] : f32 from vector<16xf32>
      %broadcast_in_dim3A = vector.broadcast %reduce_sum3A_308 : f32 to vector<16xf32>
      %exp3A = math.exp %broadcast_in_dim3A : vector<16xf32>
      %mul3A_309 = arith.mulf %get3A_205, %exp3A : vector<16xf32>
      %swap3A_310 = arith.index_cast %scan3A_202 : i32 to index
      %swap3A_311 = arith.constant 0 : index
      %swap3A_312 = tpu.vector_load %arg16[%swap3A_310, %swap3A_311] {strides = array<i32>} : memref<80x144xf32, #tpu.memory_space<vmem>>, vector<16xf32>,
      tpu.vector_store %arg16[%swap3A_310, %swap3A_311], %mul3A_309 {strides = array<i32>} : memref<80x144xf32, #tpu.memory_space<vmem>>, vector<16xf32>,
      %mul3A_313 = arith.mulf %get3A_208, %exp3A : vector<16xf32>
      %swap3A_314 = arith.index_cast %scan3A_202 : i32 to index
      %swap3A_315 = arith.constant 16 : index
      %swap3A_316 = tpu.vector_load %arg16[%swap3A_314, %swap3A_315] {strides = array<i32>} : memref<80x144xf32, #tpu.memory_space<vmem>>, vector<16xf32>,
      tpu.vector_store %arg16[%swap3A_314, %swap3A_315], %mul3A_313 {strides = array<i32>} : memref<80x144xf32, #tpu.memory_space<vmem>>, vector<16xf32>,
      %mul3A_317 = arith.mulf %get3A_211, %exp3A : vector<16xf32>
      %swap3A_318 = arith.index_cast %scan3A_202 : i32 to index
      %swap3A_319 = arith.constant 32 : index
      %swap3A_320 = tpu.vector_load %arg16[%swap3A_318, %swap3A_319] {strides = array<i32>} : memref<80x144xf32, #tpu.memory_space<vmem>>, vector<16xf32>,
      tpu.vector_store %arg16[%swap3A_318, %swap3A_319], %mul3A_317 {strides = array<i32>} : memref<80x144xf32, #tpu.memory_space<vmem>>, vector<16xf32>,
      %mul3A_321 = arith.mulf %get3A_214, %exp3A : vector<16xf32>
      %swap3A_322 = arith.index_cast %scan3A_202 : i32 to index
      %swap3A_323 = arith.constant 48 : index
      %swap3A_324 = tpu.vector_load %arg16[%swap3A_322, %swap3A_323] {strides = array<i32>} : memref<80x144xf32, #tpu.memory_space<vmem>>, vector<16xf32>,
      tpu.vector_store %arg16[%swap3A_322, %swap3A_323], %mul3A_321 {strides = array<i32>} : memref<80x144xf32, #tpu.memory_space<vmem>>, vector<16xf32>,
      %mul3A_325 = arith.mulf %get3A_217, %exp3A : vector<16xf32>
      %swap3A_326 = arith.index_cast %scan3A_202 : i32 to index
      %swap3A_327 = arith.constant 64 : index
      %swap3A_328 = tpu.vector_load %arg16[%swap3A_326, %swap3A_327] {strides = array<i32>} : memref<80x144xf32, #tpu.memory_space<vmem>>, vector<16xf32>,
      tpu.vector_store %arg16[%swap3A_326, %swap3A_327], %mul3A_325 {strides = array<i32>} : memref<80x144xf32, #tpu.memory_space<vmem>>, vector<16xf32>,
      %mul3A_329 = arith.mulf %get3A_220, %exp3A : vector<16xf32>
      %swap3A_330 = arith.index_cast %scan3A_202 : i32 to index
      %swap3A_331 = arith.constant 80 : index
      %swap3A_332 = tpu.vector_load %arg16[%swap3A_330, %swap3A_331] {strides = array<i32>} : memref<80x144xf32, #tpu.memory_space<vmem>>, vector<16xf32>,
      tpu.vector_store %arg16[%swap3A_330, %swap3A_331], %mul3A_329 {strides = array<i32>} : memref<80x144xf32, #tpu.memory_space<vmem>>, vector<16xf32>,
      %mul3A_333 = arith.mulf %get3A_223, %exp3A : vector<16xf32>
      %swap3A_334 = arith.index_cast %scan3A_202 : i32 to index
      %swap3A_335 = arith.constant 96 : index
      %swap3A_336 = tpu.vector_load %arg16[%swap3A_334, %swap3A_335] {strides = array<i32>} : memref<80x144xf32, #tpu.memory_space<vmem>>, vector<16xf32>,
      tpu.vector_store %arg16[%swap3A_334, %swap3A_335], %mul3A_333 {strides = array<i32>} : memref<80x144xf32, #tpu.memory_space<vmem>>, vector<16xf32>,
      %mul3A_337 = arith.mulf %get3A_226, %exp3A : vector<16xf32>
      %swap3A_338 = arith.index_cast %scan3A_202 : i32 to index
      %swap3A_339 = arith.constant 112 : index
      %swap3A_340 = tpu.vector_load %arg16[%swap3A_338, %swap3A_339] {strides = array<i32>} : memref<80x144xf32, #tpu.memory_space<vmem>>, vector<16xf32>,
      tpu.vector_store %arg16[%swap3A_338, %swap3A_339], %mul3A_337 {strides = array<i32>} : memref<80x144xf32, #tpu.memory_space<vmem>>, vector<16xf32>,
      %swap3A_341 = arith.index_cast %scan3A_202 : i32 to index
      %swap3A_342 = arith.constant 128 : index
      %swap3A_343 = tpu.vector_load %arg16[%swap3A_341, %swap3A_342] {strides = array<i32>} : memref<80x144xf32, #tpu.memory_space<vmem>>, vector<16xf32>,
      tpu.vector_store %arg16[%swap3A_341, %swap3A_342], %exp3A {strides = array<i32>} : memref<80x144xf32, #tpu.memory_space<vmem>>, vector<16xf32>,
      %scan3A_344 = arith.constant 1 : i32
      %scan3A_345 = arith.addi %scan3A_202, %scan3A_344 : i32
      %get3A_346 = arith.index_cast %scan3A_345 : i32 to index
      %get3A_347 = arith.constant 0 : index
      %get3A_348 = tpu.vector_load %arg16[%get3A_346, %get3A_347] {strides = array<i32>} : memref<80x144xf32, #tpu.memory_space<vmem>>, vector<16xf32>,
      %get3A_349 = arith.index_cast %scan3A_345 : i32 to index
      %get3A_350 = arith.constant 16 : index
      %get3A_351 = tpu.vector_load %arg16[%get3A_349, %get3A_350] {strides = array<i32>} : memref<80x144xf32, #tpu.memory_space<vmem>>, vector<16xf32>,
      %get3A_352 = arith.index_cast %scan3A_345 : i32 to index
      %get3A_353 = arith.constant 32 : index
      %get3A_354 = tpu.vector_load %arg16[%get3A_352, %get3A_353] {strides = array<i32>} : memref<80x144xf32, #tpu.memory_space<vmem>>, vector<16xf32>,
      %get3A_355 = arith.index_cast %scan3A_345 : i32 to index
      %get3A_356 = arith.constant 48 : index
      %get3A_357 = tpu.vector_load %arg16[%get3A_355, %get3A_356] {strides = array<i32>} : memref<80x144xf32, #tpu.memory_space<vmem>>, vector<16xf32>,
      %get3A_358 = arith.index_cast %scan3A_345 : i32 to index
      %get3A_359 = arith.constant 64 : index
      %get3A_360 = tpu.vector_load %arg16[%get3A_358, %get3A_359] {strides = array<i32>} : memref<80x144xf32, #tpu.memory_space<vmem>>, vector<16xf32>,
      %get3A_361 = arith.index_cast %scan3A_345 : i32 to index
      %get3A_362 = arith.constant 80 : index
      %get3A_363 = tpu.vector_load %arg16[%get3A_361, %get3A_362] {strides = array<i32>} : memref<80x144xf32, #tpu.memory_space<vmem>>, vector<16xf32>,
      %get3A_364 = arith.index_cast %scan3A_345 : i32 to index
      %get3A_365 = arith.constant 96 : index
      %get3A_366 = tpu.vector_load %arg16[%get3A_364, %get3A_365] {strides = array<i32>} : memref<80x144xf32, #tpu.memory_space<vmem>>, vector<16xf32>,
      %get3A_367 = arith.index_cast %scan3A_345 : i32 to index
      %get3A_368 = arith.constant 112 : index
      %get3A_369 = tpu.vector_load %arg16[%get3A_367, %get3A_368] {strides = array<i32>} : memref<80x144xf32, #tpu.memory_space<vmem>>, vector<16xf32>,
      %sub3A_370 = arith.constant 0 : i32
      %sub3A_371 = arith.subi %scan3A_345, %sub3A_370 : i32
      %get3A_372 = arith.index_cast %sub3A_371 : i32 to index
      %get3A_373 = arith.constant 0 : index
      %get3A_374 = tpu.vector_load %arg18[%get3A_372, %get3A_373] {strides = array<i32>} : memref<40x128xf32, #tpu.memory_space<vmem>>, vector<16xf32>,
      %add3A_375 = arith.addf %get3A_348, %get3A_374 : vector<16xf32>
      %mul3A_376 = arith.constant 2.000000e-01 : f32
      %mul3A_377 = vector.broadcast %mul3A_376 : f32 to vector<16xf32>
      %mul3A_378 = arith.mulf %mul3A_377, %add3A_375 : vector<16xf32>
      %max3A_379 = arith.maximumf %add3A_375, %mul3A_378 : vector<16xf32>
      %mul3A_380 = arith.mulf %get3A_5, %max3A_379 : vector<16xf32>
      %get3A_381 = arith.index_cast %sub3A_371 : i32 to index
      %get3A_382 = arith.constant 16 : index
      %get3A_383 = tpu.vector_load %arg18[%get3A_381, %get3A_382] {strides = array<i32>} : memref<40x128xf32, #tpu.memory_space<vmem>>, vector<16xf32>,
      %add3A_384 = arith.addf %get3A_351, %get3A_383 : vector<16xf32>
      %mul3A_385 = arith.constant 2.000000e-01 : f32
      %mul3A_386 = vector.broadcast %mul3A_385 : f32 to vector<16xf32>
      %mul3A_387 = arith.mulf %mul3A_386, %add3A_384 : vector<16xf32>
      %max3A_388 = arith.maximumf %add3A_384, %mul3A_387 : vector<16xf32>
      %mul3A_389 = arith.mulf %get3A_7, %max3A_388 : vector<16xf32>
      %get3A_390 = arith.index_cast %sub3A_371 : i32 to index
      %get3A_391 = arith.constant 32 : index
      %get3A_392 = tpu.vector_load %arg18[%get3A_390, %get3A_391] {strides = array<i32>} : memref<40x128xf32, #tpu.memory_space<vmem>>, vector<16xf32>,
      %add3A_393 = arith.addf %get3A_354, %get3A_392 : vector<16xf32>
      %mul3A_394 = arith.constant 2.000000e-01 : f32
      %mul3A_395 = vector.broadcast %mul3A_394 : f32 to vector<16xf32>
      %mul3A_396 = arith.mulf %mul3A_395, %add3A_393 : vector<16xf32>
      %max3A_397 = arith.maximumf %add3A_393, %mul3A_396 : vector<16xf32>
      %mul3A_398 = arith.mulf %get3A_9, %max3A_397 : vector<16xf32>
      %get3A_399 = arith.index_cast %sub3A_371 : i32 to index
      %get3A_400 = arith.constant 48 : index
      %get3A_401 = tpu.vector_load %arg18[%get3A_399, %get3A_400] {strides = array<i32>} : memref<40x128xf32, #tpu.memory_space<vmem>>, vector<16xf32>,
      %add3A_402 = arith.addf %get3A_357, %get3A_401 : vector<16xf32>
      %mul3A_403 = arith.constant 2.000000e-01 : f32
      %mul3A_404 = vector.broadcast %mul3A_403 : f32 to vector<16xf32>
      %mul3A_405 = arith.mulf %mul3A_404, %add3A_402 : vector<16xf32>
      %max3A_406 = arith.maximumf %add3A_402, %mul3A_405 : vector<16xf32>
      %mul3A_407 = arith.mulf %get3A_11, %max3A_406 : vector<16xf32>
      %get3A_408 = arith.index_cast %sub3A_371 : i32 to index
      %get3A_409 = arith.constant 64 : index
      %get3A_410 = tpu.vector_load %arg18[%get3A_408, %get3A_409] {strides = array<i32>} : memref<40x128xf32, #tpu.memory_space<vmem>>, vector<16xf32>,
      %add3A_411 = arith.addf %get3A_360, %get3A_410 : vector<16xf32>
      %mul3A_412 = arith.constant 2.000000e-01 : f32
      %mul3A_413 = vector.broadcast %mul3A_412 : f32 to vector<16xf32>
      %mul3A_414 = arith.mulf %mul3A_413, %add3A_411 : vector<16xf32>
      %max3A_415 = arith.maximumf %add3A_411, %mul3A_414 : vector<16xf32>
      %mul3A_416 = arith.mulf %get3A_13, %max3A_415 : vector<16xf32>
      %get3A_417 = arith.index_cast %sub3A_371 : i32 to index
      %get3A_418 = arith.constant 80 : index
      %get3A_419 = tpu.vector_load %arg18[%get3A_417, %get3A_418] {strides = array<i32>} : memref<40x128xf32, #tpu.memory_space<vmem>>, vector<16xf32>,
      %add3A_420 = arith.addf %get3A_363, %get3A_419 : vector<16xf32>
      %mul3A_421 = arith.constant 2.000000e-01 : f32
      %mul3A_422 = vector.broadcast %mul3A_421 : f32 to vector<16xf32>
      %mul3A_423 = arith.mulf %mul3A_422, %add3A_420 : vector<16xf32>
      %max3A_424 = arith.maximumf %add3A_420, %mul3A_423 : vector<16xf32>
      %mul3A_425 = arith.mulf %get3A_15, %max3A_424 : vector<16xf32>
      %get3A_426 = arith.index_cast %sub3A_371 : i32 to index
      %get3A_427 = arith.constant 96 : index
      %get3A_428 = tpu.vector_load %arg18[%get3A_426, %get3A_427] {strides = array<i32>} : memref<40x128xf32, #tpu.memory_space<vmem>>, vector<16xf32>,
      %add3A_429 = arith.addf %get3A_366, %get3A_428 : vector<16xf32>
      %mul3A_430 = arith.constant 2.000000e-01 : f32
      %mul3A_431 = vector.broadcast %mul3A_430 : f32 to vector<16xf32>
      %mul3A_432 = arith.mulf %mul3A_431, %add3A_429 : vector<16xf32>
      %max3A_433 = arith.maximumf %add3A_429, %mul3A_432 : vector<16xf32>
      %mul3A_434 = arith.mulf %get3A_17, %max3A_433 : vector<16xf32>
      %get3A_435 = arith.index_cast %sub3A_371 : i32 to index
      %get3A_436 = arith.constant 112 : index
      %get3A_437 = tpu.vector_load %arg18[%get3A_435, %get3A_436] {strides = array<i32>} : memref<40x128xf32, #tpu.memory_space<vmem>>, vector<16xf32>,
      %add3A_438 = arith.addf %get3A_369, %get3A_437 : vector<16xf32>
      %mul3A_439 = arith.constant 2.000000e-01 : f32
      %mul3A_440 = vector.broadcast %mul3A_439 : f32 to vector<16xf32>
      %mul3A_441 = arith.mulf %mul3A_440, %add3A_438 : vector<16xf32>
      %max3A_442 = arith.maximumf %add3A_438, %mul3A_441 : vector<16xf32>
      %mul3A_443 = arith.mulf %get3A_19, %max3A_442 : vector<16xf32>
      %add3A_444 = arith.addf %mul3A_380, %mul3A_389 : vector<16xf32>
      %add3A_445 = arith.addf %mul3A_398, %mul3A_407 : vector<16xf32>
      %add3A_446 = arith.addf %add3A_444, %add3A_445 : vector<16xf32>
      %add3A_447 = arith.addf %mul3A_416, %mul3A_425 : vector<16xf32>
      %add3A_448 = arith.addf %mul3A_434, %mul3A_443 : vector<16xf32>
      %add3A_449 = arith.addf %add3A_447, %add3A_448 : vector<16xf32>
      %add3A_450 = arith.addf %add3A_446, %add3A_449 : vector<16xf32>
      %reduce_sum3A_451 = arith.constant true
      %reduce_sum3A_452 = vector.broadcast %reduce_sum3A_451 : i1 to vector<16xi1>
      %reduce_sum3A_453 = tpu.scan <sum>, %add3A_450 masked %reduce_sum3A_452 : vector<16xf32>, vector<16xi1> -> vector<16xf32>
      %reduce_sum3A_454 = vector.extract %reduce_sum3A_453[15] : f32 from vector<16xf32>
      %broadcast_in_dim3A_455 = vector.broadcast %reduce_sum3A_454 : f32 to vector<16xf32>
      %exp3A_456 = math.exp %broadcast_in_dim3A_455 : vector<16xf32>
      %mul3A_457 = arith.mulf %get3A_348, %exp3A_456 : vector<16xf32>
      %swap3A_458 = arith.index_cast %scan3A_345 : i32 to index
      %swap3A_459 = arith.constant 0 : index
      %swap3A_460 = tpu.vector_load %arg16[%swap3A_458, %swap3A_459] {strides = array<i32>} : memref<80x144xf32, #tpu.memory_space<vmem>>, vector<16xf32>,
      tpu.vector_store %arg16[%swap3A_458, %swap3A_459], %mul3A_457 {strides = array<i32>} : memref<80x144xf32, #tpu.memory_space<vmem>>, vector<16xf32>,
      %mul3A_461 = arith.mulf %get3A_351, %exp3A_456 : vector<16xf32>
      %swap3A_462 = arith.index_cast %scan3A_345 : i32 to index
      %swap3A_463 = arith.constant 16 : index
      %swap3A_464 = tpu.vector_load %arg16[%swap3A_462, %swap3A_463] {strides = array<i32>} : memref<80x144xf32, #tpu.memory_space<vmem>>, vector<16xf32>,
      tpu.vector_store %arg16[%swap3A_462, %swap3A_463], %mul3A_461 {strides = array<i32>} : memref<80x144xf32, #tpu.memory_space<vmem>>, vector<16xf32>,
      %mul3A_465 = arith.mulf %get3A_354, %exp3A_456 : vector<16xf32>
      %swap3A_466 = arith.index_cast %scan3A_345 : i32 to index
      %swap3A_467 = arith.constant 32 : index
      %swap3A_468 = tpu.vector_load %arg16[%swap3A_466, %swap3A_467] {strides = array<i32>} : memref<80x144xf32, #tpu.memory_space<vmem>>, vector<16xf32>,
      tpu.vector_store %arg16[%swap3A_466, %swap3A_467], %mul3A_465 {strides = array<i32>} : memref<80x144xf32, #tpu.memory_space<vmem>>, vector<16xf32>,
      %mul3A_469 = arith.mulf %get3A_357, %exp3A_456 : vector<16xf32>
      %swap3A_470 = arith.index_cast %scan3A_345 : i32 to index
      %swap3A_471 = arith.constant 48 : index
      %swap3A_472 = tpu.vector_load %arg16[%swap3A_470, %swap3A_471] {strides = array<i32>} : memref<80x144xf32, #tpu.memory_space<vmem>>, vector<16xf32>,
      tpu.vector_store %arg16[%swap3A_470, %swap3A_471], %mul3A_469 {strides = array<i32>} : memref<80x144xf32, #tpu.memory_space<vmem>>, vector<16xf32>,
      %mul3A_473 = arith.mulf %get3A_360, %exp3A_456 : vector<16xf32>
      %swap3A_474 = arith.index_cast %scan3A_345 : i32 to index
      %swap3A_475 = arith.constant 64 : index
      %swap3A_476 = tpu.vector_load %arg16[%swap3A_474, %swap3A_475] {strides = array<i32>} : memref<80x144xf32, #tpu.memory_space<vmem>>, vector<16xf32>,
      tpu.vector_store %arg16[%swap3A_474, %swap3A_475], %mul3A_473 {strides = array<i32>} : memref<80x144xf32, #tpu.memory_space<vmem>>, vector<16xf32>,
      %mul3A_477 = arith.mulf %get3A_363, %exp3A_456 : vector<16xf32>
      %swap3A_478 = arith.index_cast %scan3A_345 : i32 to index
      %swap3A_479 = arith.constant 80 : index
      %swap3A_480 = tpu.vector_load %arg16[%swap3A_478, %swap3A_479] {strides = array<i32>} : memref<80x144xf32, #tpu.memory_space<vmem>>, vector<16xf32>,
      tpu.vector_store %arg16[%swap3A_478, %swap3A_479], %mul3A_477 {strides = array<i32>} : memref<80x144xf32, #tpu.memory_space<vmem>>, vector<16xf32>,
      %mul3A_481 = arith.mulf %get3A_366, %exp3A_456 : vector<16xf32>
      %swap3A_482 = arith.index_cast %scan3A_345 : i32 to index
      %swap3A_483 = arith.constant 96 : index
      %swap3A_484 = tpu.vector_load %arg16[%swap3A_482, %swap3A_483] {strides = array<i32>} : memref<80x144xf32, #tpu.memory_space<vmem>>, vector<16xf32>,
      tpu.vector_store %arg16[%swap3A_482, %swap3A_483], %mul3A_481 {strides = array<i32>} : memref<80x144xf32, #tpu.memory_space<vmem>>, vector<16xf32>,
      %mul3A_485 = arith.mulf %get3A_369, %exp3A_456 : vector<16xf32>
      %swap3A_486 = arith.index_cast %scan3A_345 : i32 to index
      %swap3A_487 = arith.constant 112 : index
      %swap3A_488 = tpu.vector_load %arg16[%swap3A_486, %swap3A_487] {strides = array<i32>} : memref<80x144xf32, #tpu.memory_space<vmem>>, vector<16xf32>,
      tpu.vector_store %arg16[%swap3A_486, %swap3A_487], %mul3A_485 {strides = array<i32>} : memref<80x144xf32, #tpu.memory_space<vmem>>, vector<16xf32>,
      %swap3A_489 = arith.index_cast %scan3A_345 : i32 to index
      %swap3A_490 = arith.constant 128 : index
      %swap3A_491 = tpu.vector_load %arg16[%swap3A_489, %swap3A_490] {strides = array<i32>} : memref<80x144xf32, #tpu.memory_space<vmem>>, vector<16xf32>,
      tpu.vector_store %arg16[%swap3A_489, %swap3A_490], %exp3A_456 {strides = array<i32>} : memref<80x144xf32, #tpu.memory_space<vmem>>, vector<16xf32>,
    }
    %scan3A_145 = arith.constant 40 : i32
    %dma_start3A_146 = arith.constant 0 : i32
    %dma_start3A_147 = arith.constant 0 : i32
    %dma_start3A_148 = arith.constant 0 : i32
    %dma_start3A_149 = tpu.memref_slice %arg16[%dma_start3A_147, %dma_start3A_148] : memref<80x144xf32, #tpu.memory_space<vmem>> -> memref<40x144xf32, #tpu.memory_space<vmem>>
    %dma_start3A_150 = arith.constant 0 : i32
    %dma_start3A_151 = tpu.memref_slice %arg14[%dma_start3A_146, %dma_start3A_150] : memref<2x40xi32, #tpu.memory_space<vmem>> -> memref<1x40xi32, #tpu.memory_space<vmem>>
    %dma_start3A_152 = tpu.memref_squeeze %dma_start3A_151 : memref<1x40xi32, #tpu.memory_space<vmem>> -> memref<40xi32, #tpu.memory_space<vmem>>
    %dma_start3A_153 = arith.constant 0 : i32
    %dma_start3A_154 = arith.constant 0 : i32
    %dma_start3A_155 = tpu.memref_slice %arg20[%dma_start3A_153, %dma_start3A_154] : memref<10000x144xf32, #tpu.memory_space<vmem_shared>> -> memref<10000x144xf32, #tpu.memory_space<vmem_shared>>
    tpu.enqueue_indirect_dma source(%dma_start3A_149 : memref<40x144xf32, #tpu.memory_space<vmem>>) target(%dma_start3A_155 : memref<10000x144xf32, #tpu.memory_space<vmem_shared>>) offsets(%dma_start3A_152 : memref<40xi32, #tpu.memory_space<vmem>>) semaphore(%arg27 : memref<!tpu.dma_semaphore, #tpu.memory_space<semaphore_mem>>) {add = true}
    %dma_wait3A_156 = arith.constant 40 : i32
    %dma_wait3A_157 = tpu.memref_slice %arg12[%dma_wait3A_156] : memref<80xi32, #tpu.memory_space<vmem>> -> memref<40xi32, #tpu.memory_space<vmem>>
    %dma_wait3A_158 = arith.constant 0 : i32
    %dma_wait3A_159 = arith.constant 0 : i32
    %dma_wait3A_160 = tpu.memref_slice %arg3[%dma_wait3A_158, %dma_wait3A_159] : memref<10000x128xf32, #tpu.memory_space<hbm>> -> memref<10000x128xf32, #tpu.memory_space<hbm>>
    tpu.wait_indirect_dma semaphore(%arg26 : memref<!tpu.dma_semaphore, #tpu.memory_space<semaphore_mem>>) src(%dma_wait3A_160 : memref<10000x128xf32, #tpu.memory_space<hbm>>) dst(%arg19 : memref<40x128xf32, #tpu.memory_space<vmem>>)
    %scan3A_161 = arith.constant 0 : i32
    %scan3A_162 = arith.constant 40 : i32
    %scan3A_163 = arith.constant 40 : i32
    %scan3A_164 = arith.addi %scan3A_162, %scan3A_163 : i32
    %scan3A_165 = arith.constant 2 : i32
    scf.for %scan3A_202 = %scan3A_162 to %scan3A_164 step %scan3A_165  : i32 {
      %get3A_203 = arith.index_cast %scan3A_202 : i32 to index
      %get3A_204 = arith.constant 0 : index
      %get3A_205 = tpu.vector_load %arg16[%get3A_203, %get3A_204] {strides = array<i32>} : memref<80x144xf32, #tpu.memory_space<vmem>>, vector<16xf32>,
      %get3A_206 = arith.index_cast %scan3A_202 : i32 to index
      %get3A_207 = arith.constant 16 : index
      %get3A_208 = tpu.vector_load %arg16[%get3A_206, %get3A_207] {strides = array<i32>} : memref<80x144xf32, #tpu.memory_space<vmem>>, vector<16xf32>,
      %get3A_209 = arith.index_cast %scan3A_202 : i32 to index
      %get3A_210 = arith.constant 32 : index
      %get3A_211 = tpu.vector_load %arg16[%get3A_209, %get3A_210] {strides = array<i32>} : memref<80x144xf32, #tpu.memory_space<vmem>>, vector<16xf32>,
      %get3A_212 = arith.index_cast %scan3A_202 : i32 to index
      %get3A_213 = arith.constant 48 : index
      %get3A_214 = tpu.vector_load %arg16[%get3A_212, %get3A_213] {strides = array<i32>} : memref<80x144xf32, #tpu.memory_space<vmem>>, vector<16xf32>,
      %get3A_215 = arith.index_cast %scan3A_202 : i32 to index
      %get3A_216 = arith.constant 64 : index
      %get3A_217 = tpu.vector_load %arg16[%get3A_215, %get3A_216] {strides = array<i32>} : memref<80x144xf32, #tpu.memory_space<vmem>>, vector<16xf32>,
      %get3A_218 = arith.index_cast %scan3A_202 : i32 to index
      %get3A_219 = arith.constant 80 : index
      %get3A_220 = tpu.vector_load %arg16[%get3A_218, %get3A_219] {strides = array<i32>} : memref<80x144xf32, #tpu.memory_space<vmem>>, vector<16xf32>,
      %get3A_221 = arith.index_cast %scan3A_202 : i32 to index
      %get3A_222 = arith.constant 96 : index
      %get3A_223 = tpu.vector_load %arg16[%get3A_221, %get3A_222] {strides = array<i32>} : memref<80x144xf32, #tpu.memory_space<vmem>>, vector<16xf32>,
      %get3A_224 = arith.index_cast %scan3A_202 : i32 to index
      %get3A_225 = arith.constant 112 : index
      %get3A_226 = tpu.vector_load %arg16[%get3A_224, %get3A_225] {strides = array<i32>} : memref<80x144xf32, #tpu.memory_space<vmem>>, vector<16xf32>,
      %sub3A = arith.constant 40 : i32
      %sub3A_227 = arith.subi %scan3A_202, %sub3A : i32
      %get3A_228 = arith.index_cast %sub3A_227 : i32 to index
      %get3A_229 = arith.constant 0 : index
      %get3A_230 = tpu.vector_load %arg19[%get3A_228, %get3A_229] {strides = array<i32>} : memref<40x128xf32, #tpu.memory_space<vmem>>, vector<16xf32>,
      %add3A_231 = arith.addf %get3A_205, %get3A_230 : vector<16xf32>
      %mul3A_232 = arith.constant 2.000000e-01 : f32
      %mul3A_233 = vector.broadcast %mul3A_232 : f32 to vector<16xf32>
      %mul3A_234 = arith.mulf %mul3A_233, %add3A_231 : vector<16xf32>
      %max3A = arith.maximumf %add3A_231, %mul3A_234 : vector<16xf32>
      %mul3A_235 = arith.mulf %get3A_5, %max3A : vector<16xf32>
      %get3A_236 = arith.index_cast %sub3A_227 : i32 to index
      %get3A_237 = arith.constant 16 : index
      %get3A_238 = tpu.vector_load %arg19[%get3A_236, %get3A_237] {strides = array<i32>} : memref<40x128xf32, #tpu.memory_space<vmem>>, vector<16xf32>,
      %add3A_239 = arith.addf %get3A_208, %get3A_238 : vector<16xf32>
      %mul3A_240 = arith.constant 2.000000e-01 : f32
      %mul3A_241 = vector.broadcast %mul3A_240 : f32 to vector<16xf32>
      %mul3A_242 = arith.mulf %mul3A_241, %add3A_239 : vector<16xf32>
      %max3A_243 = arith.maximumf %add3A_239, %mul3A_242 : vector<16xf32>
      %mul3A_244 = arith.mulf %get3A_7, %max3A_243 : vector<16xf32>
      %get3A_245 = arith.index_cast %sub3A_227 : i32 to index
      %get3A_246 = arith.constant 32 : index
      %get3A_247 = tpu.vector_load %arg19[%get3A_245, %get3A_246] {strides = array<i32>} : memref<40x128xf32, #tpu.memory_space<vmem>>, vector<16xf32>,
      %add3A_248 = arith.addf %get3A_211, %get3A_247 : vector<16xf32>
      %mul3A_249 = arith.constant 2.000000e-01 : f32
      %mul3A_250 = vector.broadcast %mul3A_249 : f32 to vector<16xf32>
      %mul3A_251 = arith.mulf %mul3A_250, %add3A_248 : vector<16xf32>
      %max3A_252 = arith.maximumf %add3A_248, %mul3A_251 : vector<16xf32>
      %mul3A_253 = arith.mulf %get3A_9, %max3A_252 : vector<16xf32>
      %get3A_254 = arith.index_cast %sub3A_227 : i32 to index
      %get3A_255 = arith.constant 48 : index
      %get3A_256 = tpu.vector_load %arg19[%get3A_254, %get3A_255] {strides = array<i32>} : memref<40x128xf32, #tpu.memory_space<vmem>>, vector<16xf32>,
      %add3A_257 = arith.addf %get3A_214, %get3A_256 : vector<16xf32>
      %mul3A_258 = arith.constant 2.000000e-01 : f32
      %mul3A_259 = vector.broadcast %mul3A_258 : f32 to vector<16xf32>
      %mul3A_260 = arith.mulf %mul3A_259, %add3A_257 : vector<16xf32>
      %max3A_261 = arith.maximumf %add3A_257, %mul3A_260 : vector<16xf32>
      %mul3A_262 = arith.mulf %get3A_11, %max3A_261 : vector<16xf32>
      %get3A_263 = arith.index_cast %sub3A_227 : i32 to index
      %get3A_264 = arith.constant 64 : index
      %get3A_265 = tpu.vector_load %arg19[%get3A_263, %get3A_264] {strides = array<i32>} : memref<40x128xf32, #tpu.memory_space<vmem>>, vector<16xf32>,
      %add3A_266 = arith.addf %get3A_217, %get3A_265 : vector<16xf32>
      %mul3A_267 = arith.constant 2.000000e-01 : f32
      %mul3A_268 = vector.broadcast %mul3A_267 : f32 to vector<16xf32>
      %mul3A_269 = arith.mulf %mul3A_268, %add3A_266 : vector<16xf32>
      %max3A_270 = arith.maximumf %add3A_266, %mul3A_269 : vector<16xf32>
      %mul3A_271 = arith.mulf %get3A_13, %max3A_270 : vector<16xf32>
      %get3A_272 = arith.index_cast %sub3A_227 : i32 to index
      %get3A_273 = arith.constant 80 : index
      %get3A_274 = tpu.vector_load %arg19[%get3A_272, %get3A_273] {strides = array<i32>} : memref<40x128xf32, #tpu.memory_space<vmem>>, vector<16xf32>,
      %add3A_275 = arith.addf %get3A_220, %get3A_274 : vector<16xf32>
      %mul3A_276 = arith.constant 2.000000e-01 : f32
      %mul3A_277 = vector.broadcast %mul3A_276 : f32 to vector<16xf32>
      %mul3A_278 = arith.mulf %mul3A_277, %add3A_275 : vector<16xf32>
      %max3A_279 = arith.maximumf %add3A_275, %mul3A_278 : vector<16xf32>
      %mul3A_280 = arith.mulf %get3A_15, %max3A_279 : vector<16xf32>
      %get3A_281 = arith.index_cast %sub3A_227 : i32 to index
      %get3A_282 = arith.constant 96 : index
      %get3A_283 = tpu.vector_load %arg19[%get3A_281, %get3A_282] {strides = array<i32>} : memref<40x128xf32, #tpu.memory_space<vmem>>, vector<16xf32>,
      %add3A_284 = arith.addf %get3A_223, %get3A_283 : vector<16xf32>
      %mul3A_285 = arith.constant 2.000000e-01 : f32
      %mul3A_286 = vector.broadcast %mul3A_285 : f32 to vector<16xf32>
      %mul3A_287 = arith.mulf %mul3A_286, %add3A_284 : vector<16xf32>
      %max3A_288 = arith.maximumf %add3A_284, %mul3A_287 : vector<16xf32>
      %mul3A_289 = arith.mulf %get3A_17, %max3A_288 : vector<16xf32>
      %get3A_290 = arith.index_cast %sub3A_227 : i32 to index
      %get3A_291 = arith.constant 112 : index
      %get3A_292 = tpu.vector_load %arg19[%get3A_290, %get3A_291] {strides = array<i32>} : memref<40x128xf32, #tpu.memory_space<vmem>>, vector<16xf32>,
      %add3A_293 = arith.addf %get3A_226, %get3A_292 : vector<16xf32>
      %mul3A_294 = arith.constant 2.000000e-01 : f32
      %mul3A_295 = vector.broadcast %mul3A_294 : f32 to vector<16xf32>
      %mul3A_296 = arith.mulf %mul3A_295, %add3A_293 : vector<16xf32>
      %max3A_297 = arith.maximumf %add3A_293, %mul3A_296 : vector<16xf32>
      %mul3A_298 = arith.mulf %get3A_19, %max3A_297 : vector<16xf32>
      %add3A_299 = arith.addf %mul3A_235, %mul3A_244 : vector<16xf32>
      %add3A_300 = arith.addf %mul3A_253, %mul3A_262 : vector<16xf32>
      %add3A_301 = arith.addf %add3A_299, %add3A_300 : vector<16xf32>
      %add3A_302 = arith.addf %mul3A_271, %mul3A_280 : vector<16xf32>
      %add3A_303 = arith.addf %mul3A_289, %mul3A_298 : vector<16xf32>
      %add3A_304 = arith.addf %add3A_302, %add3A_303 : vector<16xf32>
      %add3A_305 = arith.addf %add3A_301, %add3A_304 : vector<16xf32>
      %reduce_sum3A = arith.constant true
      %reduce_sum3A_306 = vector.broadcast %reduce_sum3A : i1 to vector<16xi1>
      %reduce_sum3A_307 = tpu.scan <sum>, %add3A_305 masked %reduce_sum3A_306 : vector<16xf32>, vector<16xi1> -> vector<16xf32>
      %reduce_sum3A_308 = vector.extract %reduce_sum3A_307[15] : f32 from vector<16xf32>
      %broadcast_in_dim3A = vector.broadcast %reduce_sum3A_308 : f32 to vector<16xf32>
      %exp3A = math.exp %broadcast_in_dim3A : vector<16xf32>
      %mul3A_309 = arith.mulf %get3A_205, %exp3A : vector<16xf32>
      %swap3A_310 = arith.index_cast %scan3A_202 : i32 to index
      %swap3A_311 = arith.constant 0 : index
      %swap3A_312 = tpu.vector_load %arg16[%swap3A_310, %swap3A_311] {strides = array<i32>} : memref<80x144xf32, #tpu.memory_space<vmem>>, vector<16xf32>,
      tpu.vector_store %arg16[%swap3A_310, %swap3A_311], %mul3A_309 {strides = array<i32>} : memref<80x144xf32, #tpu.memory_space<vmem>>, vector<16xf32>,
      %mul3A_313 = arith.mulf %get3A_208, %exp3A : vector<16xf32>
      %swap3A_314 = arith.index_cast %scan3A_202 : i32 to index
      %swap3A_315 = arith.constant 16 : index
      %swap3A_316 = tpu.vector_load %arg16[%swap3A_314, %swap3A_315] {strides = array<i32>} : memref<80x144xf32, #tpu.memory_space<vmem>>, vector<16xf32>,
      tpu.vector_store %arg16[%swap3A_314, %swap3A_315], %mul3A_313 {strides = array<i32>} : memref<80x144xf32, #tpu.memory_space<vmem>>, vector<16xf32>,
      %mul3A_317 = arith.mulf %get3A_211, %exp3A : vector<16xf32>
      %swap3A_318 = arith.index_cast %scan3A_202 : i32 to index
      %swap3A_319 = arith.constant 32 : index
      %swap3A_320 = tpu.vector_load %arg16[%swap3A_318, %swap3A_319] {strides = array<i32>} : memref<80x144xf32, #tpu.memory_space<vmem>>, vector<16xf32>,
      tpu.vector_store %arg16[%swap3A_318, %swap3A_319], %mul3A_317 {strides = array<i32>} : memref<80x144xf32, #tpu.memory_space<vmem>>, vector<16xf32>,
      %mul3A_321 = arith.mulf %get3A_214, %exp3A : vector<16xf32>
      %swap3A_322 = arith.index_cast %scan3A_202 : i32 to index
      %swap3A_323 = arith.constant 48 : index
      %swap3A_324 = tpu.vector_load %arg16[%swap3A_322, %swap3A_323] {strides = array<i32>} : memref<80x144xf32, #tpu.memory_space<vmem>>, vector<16xf32>,
      tpu.vector_store %arg16[%swap3A_322, %swap3A_323], %mul3A_321 {strides = array<i32>} : memref<80x144xf32, #tpu.memory_space<vmem>>, vector<16xf32>,
      %mul3A_325 = arith.mulf %get3A_217, %exp3A : vector<16xf32>
      %swap3A_326 = arith.index_cast %scan3A_202 : i32 to index
      %swap3A_327 = arith.constant 64 : index
      %swap3A_328 = tpu.vector_load %arg16[%swap3A_326, %swap3A_327] {strides = array<i32>} : memref<80x144xf32, #tpu.memory_space<vmem>>, vector<16xf32>,
      tpu.vector_store %arg16[%swap3A_326, %swap3A_327], %mul3A_325 {strides = array<i32>} : memref<80x144xf32, #tpu.memory_space<vmem>>, vector<16xf32>,
      %mul3A_329 = arith.mulf %get3A_220, %exp3A : vector<16xf32>
      %swap3A_330 = arith.index_cast %scan3A_202 : i32 to index
      %swap3A_331 = arith.constant 80 : index
      %swap3A_332 = tpu.vector_load %arg16[%swap3A_330, %swap3A_331] {strides = array<i32>} : memref<80x144xf32, #tpu.memory_space<vmem>>, vector<16xf32>,
      tpu.vector_store %arg16[%swap3A_330, %swap3A_331], %mul3A_329 {strides = array<i32>} : memref<80x144xf32, #tpu.memory_space<vmem>>, vector<16xf32>,
      %mul3A_333 = arith.mulf %get3A_223, %exp3A : vector<16xf32>
      %swap3A_334 = arith.index_cast %scan3A_202 : i32 to index
      %swap3A_335 = arith.constant 96 : index
      %swap3A_336 = tpu.vector_load %arg16[%swap3A_334, %swap3A_335] {strides = array<i32>} : memref<80x144xf32, #tpu.memory_space<vmem>>, vector<16xf32>,
      tpu.vector_store %arg16[%swap3A_334, %swap3A_335], %mul3A_333 {strides = array<i32>} : memref<80x144xf32, #tpu.memory_space<vmem>>, vector<16xf32>,
      %mul3A_337 = arith.mulf %get3A_226, %exp3A : vector<16xf32>
      %swap3A_338 = arith.index_cast %scan3A_202 : i32 to index
      %swap3A_339 = arith.constant 112 : index
      %swap3A_340 = tpu.vector_load %arg16[%swap3A_338, %swap3A_339] {strides = array<i32>} : memref<80x144xf32, #tpu.memory_space<vmem>>, vector<16xf32>,
      tpu.vector_store %arg16[%swap3A_338, %swap3A_339], %mul3A_337 {strides = array<i32>} : memref<80x144xf32, #tpu.memory_space<vmem>>, vector<16xf32>,
      %swap3A_341 = arith.index_cast %scan3A_202 : i32 to index
      %swap3A_342 = arith.constant 128 : index
      %swap3A_343 = tpu.vector_load %arg16[%swap3A_341, %swap3A_342] {strides = array<i32>} : memref<80x144xf32, #tpu.memory_space<vmem>>, vector<16xf32>,
      tpu.vector_store %arg16[%swap3A_341, %swap3A_342], %exp3A {strides = array<i32>} : memref<80x144xf32, #tpu.memory_space<vmem>>, vector<16xf32>,
      %scan3A_344 = arith.constant 1 : i32
      %scan3A_345 = arith.addi %scan3A_202, %scan3A_344 : i32
      %get3A_346 = arith.index_cast %scan3A_345 : i32 to index
      %get3A_347 = arith.constant 0 : index
      %get3A_348 = tpu.vector_load %arg16[%get3A_346, %get3A_347] {strides = array<i32>} : memref<80x144xf32, #tpu.memory_space<vmem>>, vector<16xf32>,
      %get3A_349 = arith.index_cast %scan3A_345 : i32 to index
      %get3A_350 = arith.constant 16 : index
      %get3A_351 = tpu.vector_load %arg16[%get3A_349, %get3A_350] {strides = array<i32>} : memref<80x144xf32, #tpu.memory_space<vmem>>, vector<16xf32>,
      %get3A_352 = arith.index_cast %scan3A_345 : i32 to index
      %get3A_353 = arith.constant 32 : index
      %get3A_354 = tpu.vector_load %arg16[%get3A_352, %get3A_353] {strides = array<i32>} : memref<80x144xf32, #tpu.memory_space<vmem>>, vector<16xf32>,
      %get3A_355 = arith.index_cast %scan3A_345 : i32 to index
      %get3A_356 = arith.constant 48 : index
      %get3A_357 = tpu.vector_load %arg16[%get3A_355, %get3A_356] {strides = array<i32>} : memref<80x144xf32, #tpu.memory_space<vmem>>, vector<16xf32>,
      %get3A_358 = arith.index_cast %scan3A_345 : i32 to index
      %get3A_359 = arith.constant 64 : index
      %get3A_360 = tpu.vector_load %arg16[%get3A_358, %get3A_359] {strides = array<i32>} : memref<80x144xf32, #tpu.memory_space<vmem>>, vector<16xf32>,
      %get3A_361 = arith.index_cast %scan3A_345 : i32 to index
      %get3A_362 = arith.constant 80 : index
      %get3A_363 = tpu.vector_load %arg16[%get3A_361, %get3A_362] {strides = array<i32>} : memref<80x144xf32, #tpu.memory_space<vmem>>, vector<16xf32>,
      %get3A_364 = arith.index_cast %scan3A_345 : i32 to index
      %get3A_365 = arith.constant 96 : index
      %get3A_366 = tpu.vector_load %arg16[%get3A_364, %get3A_365] {strides = array<i32>} : memref<80x144xf32, #tpu.memory_space<vmem>>, vector<16xf32>,
      %get3A_367 = arith.index_cast %scan3A_345 : i32 to index
      %get3A_368 = arith.constant 112 : index
      %get3A_369 = tpu.vector_load %arg16[%get3A_367, %get3A_368] {strides = array<i32>} : memref<80x144xf32, #tpu.memory_space<vmem>>, vector<16xf32>,
      %sub3A_370 = arith.constant 40 : i32
      %sub3A_371 = arith.subi %scan3A_345, %sub3A_370 : i32
      %get3A_372 = arith.index_cast %sub3A_371 : i32 to index
      %get3A_373 = arith.constant 0 : index
      %get3A_374 = tpu.vector_load %arg19[%get3A_372, %get3A_373] {strides = array<i32>} : memref<40x128xf32, #tpu.memory_space<vmem>>, vector<16xf32>,
      %add3A_375 = arith.addf %get3A_348, %get3A_374 : vector<16xf32>
      %mul3A_376 = arith.constant 2.000000e-01 : f32
      %mul3A_377 = vector.broadcast %mul3A_376 : f32 to vector<16xf32>
      %mul3A_378 = arith.mulf %mul3A_377, %add3A_375 : vector<16xf32>
      %max3A_379 = arith.maximumf %add3A_375, %mul3A_378 : vector<16xf32>
      %mul3A_380 = arith.mulf %get3A_5, %max3A_379 : vector<16xf32>
      %get3A_381 = arith.index_cast %sub3A_371 : i32 to index
      %get3A_382 = arith.constant 16 : index
      %get3A_383 = tpu.vector_load %arg19[%get3A_381, %get3A_382] {strides = array<i32>} : memref<40x128xf32, #tpu.memory_space<vmem>>, vector<16xf32>,
      %add3A_384 = arith.addf %get3A_351, %get3A_383 : vector<16xf32>
      %mul3A_385 = arith.constant 2.000000e-01 : f32
      %mul3A_386 = vector.broadcast %mul3A_385 : f32 to vector<16xf32>
      %mul3A_387 = arith.mulf %mul3A_386, %add3A_384 : vector<16xf32>
      %max3A_388 = arith.maximumf %add3A_384, %mul3A_387 : vector<16xf32>
      %mul3A_389 = arith.mulf %get3A_7, %max3A_388 : vector<16xf32>
      %get3A_390 = arith.index_cast %sub3A_371 : i32 to index
      %get3A_391 = arith.constant 32 : index
      %get3A_392 = tpu.vector_load %arg19[%get3A_390, %get3A_391] {strides = array<i32>} : memref<40x128xf32, #tpu.memory_space<vmem>>, vector<16xf32>,
      %add3A_393 = arith.addf %get3A_354, %get3A_392 : vector<16xf32>
      %mul3A_394 = arith.constant 2.000000e-01 : f32
      %mul3A_395 = vector.broadcast %mul3A_394 : f32 to vector<16xf32>
      %mul3A_396 = arith.mulf %mul3A_395, %add3A_393 : vector<16xf32>
      %max3A_397 = arith.maximumf %add3A_393, %mul3A_396 : vector<16xf32>
      %mul3A_398 = arith.mulf %get3A_9, %max3A_397 : vector<16xf32>
      %get3A_399 = arith.index_cast %sub3A_371 : i32 to index
      %get3A_400 = arith.constant 48 : index
      %get3A_401 = tpu.vector_load %arg19[%get3A_399, %get3A_400] {strides = array<i32>} : memref<40x128xf32, #tpu.memory_space<vmem>>, vector<16xf32>,
      %add3A_402 = arith.addf %get3A_357, %get3A_401 : vector<16xf32>
      %mul3A_403 = arith.constant 2.000000e-01 : f32
      %mul3A_404 = vector.broadcast %mul3A_403 : f32 to vector<16xf32>
      %mul3A_405 = arith.mulf %mul3A_404, %add3A_402 : vector<16xf32>
      %max3A_406 = arith.maximumf %add3A_402, %mul3A_405 : vector<16xf32>
      %mul3A_407 = arith.mulf %get3A_11, %max3A_406 : vector<16xf32>
      %get3A_408 = arith.index_cast %sub3A_371 : i32 to index
      %get3A_409 = arith.constant 64 : index
      %get3A_410 = tpu.vector_load %arg19[%get3A_408, %get3A_409] {strides = array<i32>} : memref<40x128xf32, #tpu.memory_space<vmem>>, vector<16xf32>,
      %add3A_411 = arith.addf %get3A_360, %get3A_410 : vector<16xf32>
      %mul3A_412 = arith.constant 2.000000e-01 : f32
      %mul3A_413 = vector.broadcast %mul3A_412 : f32 to vector<16xf32>
      %mul3A_414 = arith.mulf %mul3A_413, %add3A_411 : vector<16xf32>
      %max3A_415 = arith.maximumf %add3A_411, %mul3A_414 : vector<16xf32>
      %mul3A_416 = arith.mulf %get3A_13, %max3A_415 : vector<16xf32>
      %get3A_417 = arith.index_cast %sub3A_371 : i32 to index
      %get3A_418 = arith.constant 80 : index
      %get3A_419 = tpu.vector_load %arg19[%get3A_417, %get3A_418] {strides = array<i32>} : memref<40x128xf32, #tpu.memory_space<vmem>>, vector<16xf32>,
      %add3A_420 = arith.addf %get3A_363, %get3A_419 : vector<16xf32>
      %mul3A_421 = arith.constant 2.000000e-01 : f32
      %mul3A_422 = vector.broadcast %mul3A_421 : f32 to vector<16xf32>
      %mul3A_423 = arith.mulf %mul3A_422, %add3A_420 : vector<16xf32>
      %max3A_424 = arith.maximumf %add3A_420, %mul3A_423 : vector<16xf32>
      %mul3A_425 = arith.mulf %get3A_15, %max3A_424 : vector<16xf32>
      %get3A_426 = arith.index_cast %sub3A_371 : i32 to index
      %get3A_427 = arith.constant 96 : index
      %get3A_428 = tpu.vector_load %arg19[%get3A_426, %get3A_427] {strides = array<i32>} : memref<40x128xf32, #tpu.memory_space<vmem>>, vector<16xf32>,
      %add3A_429 = arith.addf %get3A_366, %get3A_428 : vector<16xf32>
      %mul3A_430 = arith.constant 2.000000e-01 : f32
      %mul3A_431 = vector.broadcast %mul3A_430 : f32 to vector<16xf32>
      %mul3A_432 = arith.mulf %mul3A_431, %add3A_429 : vector<16xf32>
      %max3A_433 = arith.maximumf %add3A_429, %mul3A_432 : vector<16xf32>
      %mul3A_434 = arith.mulf %get3A_17, %max3A_433 : vector<16xf32>
      %get3A_435 = arith.index_cast %sub3A_371 : i32 to index
      %get3A_436 = arith.constant 112 : index
      %get3A_437 = tpu.vector_load %arg19[%get3A_435, %get3A_436] {strides = array<i32>} : memref<40x128xf32, #tpu.memory_space<vmem>>, vector<16xf32>,
      %add3A_438 = arith.addf %get3A_369, %get3A_437 : vector<16xf32>
      %mul3A_439 = arith.constant 2.000000e-01 : f32
      %mul3A_440 = vector.broadcast %mul3A_439 : f32 to vector<16xf32>
      %mul3A_441 = arith.mulf %mul3A_440, %add3A_438 : vector<16xf32>
      %max3A_442 = arith.maximumf %add3A_438, %mul3A_441 : vector<16xf32>
      %mul3A_443 = arith.mulf %get3A_19, %max3A_442 : vector<16xf32>
      %add3A_444 = arith.addf %mul3A_380, %mul3A_389 : vector<16xf32>
      %add3A_445 = arith.addf %mul3A_398, %mul3A_407 : vector<16xf32>
      %add3A_446 = arith.addf %add3A_444, %add3A_445 : vector<16xf32>
      %add3A_447 = arith.addf %mul3A_416, %mul3A_425 : vector<16xf32>
      %add3A_448 = arith.addf %mul3A_434, %mul3A_443 : vector<16xf32>
      %add3A_449 = arith.addf %add3A_447, %add3A_448 : vector<16xf32>
      %add3A_450 = arith.addf %add3A_446, %add3A_449 : vector<16xf32>
      %reduce_sum3A_451 = arith.constant true
      %reduce_sum3A_452 = vector.broadcast %reduce_sum3A_451 : i1 to vector<16xi1>
      %reduce_sum3A_453 = tpu.scan <sum>, %add3A_450 masked %reduce_sum3A_452 : vector<16xf32>, vector<16xi1> -> vector<16xf32>
      %reduce_sum3A_454 = vector.extract %reduce_sum3A_453[15] : f32 from vector<16xf32>
      %broadcast_in_dim3A_455 = vector.broadcast %reduce_sum3A_454 : f32 to vector<16xf32>
      %exp3A_456 = math.exp %broadcast_in_dim3A_455 : vector<16xf32>
      %mul3A_457 = arith.mulf %get3A_348, %exp3A_456 : vector<16xf32>
      %swap3A_458 = arith.index_cast %scan3A_345 : i32 to index
      %swap3A_459 = arith.constant 0 : index
      %swap3A_460 = tpu.vector_load %arg16[%swap3A_458, %swap3A_459] {strides = array<i32>} : memref<80x144xf32, #tpu.memory_space<vmem>>, vector<16xf32>,
      tpu.vector_store %arg16[%swap3A_458, %swap3A_459], %mul3A_457 {strides = array<i32>} : memref<80x144xf32, #tpu.memory_space<vmem>>, vector<16xf32>,
      %mul3A_461 = arith.mulf %get3A_351, %exp3A_456 : vector<16xf32>
      %swap3A_462 = arith.index_cast %scan3A_345 : i32 to index
      %swap3A_463 = arith.constant 16 : index
      %swap3A_464 = tpu.vector_load %arg16[%swap3A_462, %swap3A_463] {strides = array<i32>} : memref<80x144xf32, #tpu.memory_space<vmem>>, vector<16xf32>,
      tpu.vector_store %arg16[%swap3A_462, %swap3A_463], %mul3A_461 {strides = array<i32>} : memref<80x144xf32, #tpu.memory_space<vmem>>, vector<16xf32>,
      %mul3A_465 = arith.mulf %get3A_354, %exp3A_456 : vector<16xf32>
      %swap3A_466 = arith.index_cast %scan3A_345 : i32 to index
      %swap3A_467 = arith.constant 32 : index
      %swap3A_468 = tpu.vector_load %arg16[%swap3A_466, %swap3A_467] {strides = array<i32>} : memref<80x144xf32, #tpu.memory_space<vmem>>, vector<16xf32>,
      tpu.vector_store %arg16[%swap3A_466, %swap3A_467], %mul3A_465 {strides = array<i32>} : memref<80x144xf32, #tpu.memory_space<vmem>>, vector<16xf32>,
      %mul3A_469 = arith.mulf %get3A_357, %exp3A_456 : vector<16xf32>
      %swap3A_470 = arith.index_cast %scan3A_345 : i32 to index
      %swap3A_471 = arith.constant 48 : index
      %swap3A_472 = tpu.vector_load %arg16[%swap3A_470, %swap3A_471] {strides = array<i32>} : memref<80x144xf32, #tpu.memory_space<vmem>>, vector<16xf32>,
      tpu.vector_store %arg16[%swap3A_470, %swap3A_471], %mul3A_469 {strides = array<i32>} : memref<80x144xf32, #tpu.memory_space<vmem>>, vector<16xf32>,
      %mul3A_473 = arith.mulf %get3A_360, %exp3A_456 : vector<16xf32>
      %swap3A_474 = arith.index_cast %scan3A_345 : i32 to index
      %swap3A_475 = arith.constant 64 : index
      %swap3A_476 = tpu.vector_load %arg16[%swap3A_474, %swap3A_475] {strides = array<i32>} : memref<80x144xf32, #tpu.memory_space<vmem>>, vector<16xf32>,
      tpu.vector_store %arg16[%swap3A_474, %swap3A_475], %mul3A_473 {strides = array<i32>} : memref<80x144xf32, #tpu.memory_space<vmem>>, vector<16xf32>,
      %mul3A_477 = arith.mulf %get3A_363, %exp3A_456 : vector<16xf32>
      %swap3A_478 = arith.index_cast %scan3A_345 : i32 to index
      %swap3A_479 = arith.constant 80 : index
      %swap3A_480 = tpu.vector_load %arg16[%swap3A_478, %swap3A_479] {strides = array<i32>} : memref<80x144xf32, #tpu.memory_space<vmem>>, vector<16xf32>,
      tpu.vector_store %arg16[%swap3A_478, %swap3A_479], %mul3A_477 {strides = array<i32>} : memref<80x144xf32, #tpu.memory_space<vmem>>, vector<16xf32>,
      %mul3A_481 = arith.mulf %get3A_366, %exp3A_456 : vector<16xf32>
      %swap3A_482 = arith.index_cast %scan3A_345 : i32 to index
      %swap3A_483 = arith.constant 96 : index
      %swap3A_484 = tpu.vector_load %arg16[%swap3A_482, %swap3A_483] {strides = array<i32>} : memref<80x144xf32, #tpu.memory_space<vmem>>, vector<16xf32>,
      tpu.vector_store %arg16[%swap3A_482, %swap3A_483], %mul3A_481 {strides = array<i32>} : memref<80x144xf32, #tpu.memory_space<vmem>>, vector<16xf32>,
      %mul3A_485 = arith.mulf %get3A_369, %exp3A_456 : vector<16xf32>
      %swap3A_486 = arith.index_cast %scan3A_345 : i32 to index
      %swap3A_487 = arith.constant 112 : index
      %swap3A_488 = tpu.vector_load %arg16[%swap3A_486, %swap3A_487] {strides = array<i32>} : memref<80x144xf32, #tpu.memory_space<vmem>>, vector<16xf32>,
      tpu.vector_store %arg16[%swap3A_486, %swap3A_487], %mul3A_485 {strides = array<i32>} : memref<80x144xf32, #tpu.memory_space<vmem>>, vector<16xf32>,
      %swap3A_489 = arith.index_cast %scan3A_345 : i32 to index
      %swap3A_490 = arith.constant 128 : index
      %swap3A_491 = tpu.vector_load %arg16[%swap3A_489, %swap3A_490] {strides = array<i32>} : memref<80x144xf32, #tpu.memory_space<vmem>>, vector<16xf32>,
      tpu.vector_store %arg16[%swap3A_489, %swap3A_490], %exp3A_456 {strides = array<i32>} : memref<80x144xf32, #tpu.memory_space<vmem>>, vector<16xf32>,
    }
    %scan3A_166 = arith.constant 40 : i32
    %dma_start3A_167 = arith.constant 1 : i32
    %dma_start3A_168 = arith.constant 40 : i32
    %dma_start3A_169 = arith.constant 0 : i32
    %dma_start3A_170 = tpu.memref_slice %arg16[%dma_start3A_168, %dma_start3A_169] : memref<80x144xf32, #tpu.memory_space<vmem>> -> memref<40x144xf32, #tpu.memory_space<vmem>>
    %dma_start3A_171 = arith.constant 0 : i32
    %dma_start3A_172 = tpu.memref_slice %arg14[%dma_start3A_167, %dma_start3A_171] : memref<2x40xi32, #tpu.memory_space<vmem>> -> memref<1x40xi32, #tpu.memory_space<vmem>>
    %dma_start3A_173 = tpu.memref_squeeze %dma_start3A_172 : memref<1x40xi32, #tpu.memory_space<vmem>> -> memref<40xi32, #tpu.memory_space<vmem>>
    %dma_start3A_174 = arith.constant 0 : i32
    %dma_start3A_175 = arith.constant 0 : i32
    %dma_start3A_176 = tpu.memref_slice %arg20[%dma_start3A_174, %dma_start3A_175] : memref<10000x144xf32, #tpu.memory_space<vmem_shared>> -> memref<10000x144xf32, #tpu.memory_space<vmem_shared>>
    tpu.enqueue_indirect_dma source(%dma_start3A_170 : memref<40x144xf32, #tpu.memory_space<vmem>>) target(%dma_start3A_176 : memref<10000x144xf32, #tpu.memory_space<vmem_shared>>) offsets(%dma_start3A_173 : memref<40xi32, #tpu.memory_space<vmem>>) semaphore(%arg27 : memref<!tpu.dma_semaphore, #tpu.memory_space<semaphore_mem>>) {add = true}
    %dma_wait3A_177 = arith.constant 0 : i32
    %dma_wait3A_178 = arith.constant 0 : i32
    %dma_wait3A_179 = arith.constant 0 : i32
    %dma_wait3A_180 = tpu.memref_slice %arg16[%dma_wait3A_178, %dma_wait3A_179] : memref<80x144xf32, #tpu.memory_space<vmem>> -> memref<40x144xf32, #tpu.memory_space<vmem>>
    %dma_wait3A_181 = arith.constant 0 : i32
    %dma_wait3A_182 = tpu.memref_slice %arg14[%dma_wait3A_177, %dma_wait3A_181] : memref<2x40xi32, #tpu.memory_space<vmem>> -> memref<1x40xi32, #tpu.memory_space<vmem>>
    %dma_wait3A_183 = tpu.memref_squeeze %dma_wait3A_182 : memref<1x40xi32, #tpu.memory_space<vmem>> -> memref<40xi32, #tpu.memory_space<vmem>>
    %dma_wait3A_184 = arith.constant 0 : i32
    %dma_wait3A_185 = arith.constant 0 : i32
    %dma_wait3A_186 = tpu.memref_slice %arg20[%dma_wait3A_184, %dma_wait3A_185] : memref<10000x144xf32, #tpu.memory_space<vmem_shared>> -> memref<10000x144xf32, #tpu.memory_space<vmem_shared>>
    tpu.wait_indirect_dma semaphore(%arg27 : memref<!tpu.dma_semaphore, #tpu.memory_space<semaphore_mem>>) src(%dma_wait3A_180 : memref<40x144xf32, #tpu.memory_space<vmem>>) dst(%dma_wait3A_186 : memref<10000x144xf32, #tpu.memory_space<vmem_shared>>)
    %dma_wait3A_187 = arith.constant 1 : i32
    %dma_wait3A_188 = arith.constant 40 : i32
    %dma_wait3A_189 = arith.constant 0 : i32
    %dma_wait3A_190 = tpu.memref_slice %arg16[%dma_wait3A_188, %dma_wait3A_189] : memref<80x144xf32, #tpu.memory_space<vmem>> -> memref<40x144xf32, #tpu.memory_space<vmem>>
    %dma_wait3A_191 = arith.constant 0 : i32
    %dma_wait3A_192 = tpu.memref_slice %arg14[%dma_wait3A_187, %dma_wait3A_191] : memref<2x40xi32, #tpu.memory_space<vmem>> -> memref<1x40xi32, #tpu.memory_space<vmem>>
    %dma_wait3A_193 = tpu.memref_squeeze %dma_wait3A_192 : memref<1x40xi32, #tpu.memory_space<vmem>> -> memref<40xi32, #tpu.memory_space<vmem>>
    %dma_wait3A_194 = arith.constant 0 : i32
    %dma_wait3A_195 = arith.constant 0 : i32
    %dma_wait3A_196 = tpu.memref_slice %arg20[%dma_wait3A_194, %dma_wait3A_195] : memref<10000x144xf32, #tpu.memory_space<vmem_shared>> -> memref<10000x144xf32, #tpu.memory_space<vmem_shared>>
    tpu.wait_indirect_dma semaphore(%arg27 : memref<!tpu.dma_semaphore, #tpu.memory_space<semaphore_mem>>) src(%dma_wait3A_190 : memref<40x144xf32, #tpu.memory_space<vmem>>) dst(%dma_wait3A_196 : memref<10000x144xf32, #tpu.memory_space<vmem_shared>>)
    %barrier3A_197 = arith.constant 0 : index
    tpu.barrier barrier_id(%barrier3A_197)
    %mul3A_198 = arith.constant 625 : i32
    %mul3A_199 = arith.muli %arg1, %mul3A_198 : i32
    %mul3A_200 = arith.constant 625 : i32
    %mul3A_201 = arith.muli %arg1, %mul3A_200 : i32
    "tpu.region"() ({
      %run_scoped3A = tpu.sem_alloc : memref<!tpu.dma_semaphore, #tpu.memory_space<semaphore_mem>>
      %dma_start3A_202 = arith.constant 0 : i32
      %dma_start3A_203 = tpu.memref_slice %arg8[%arg0, %mul3A_201, %dma_start3A_202] : memref<2x10000x144xf32, #tpu.memory_space<hbm>> -> memref<1x625x144xf32, #tpu.memory_space<hbm>>
      %dma_start3A_204 = tpu.memref_squeeze %dma_start3A_203 : memref<1x625x144xf32, #tpu.memory_space<hbm>> -> memref<625x144xf32, #tpu.memory_space<hbm>>
      %dma_start3A_205 = arith.constant 0 : i32
      %dma_start3A_206 = tpu.memref_slice %arg20[%mul3A_199, %dma_start3A_205] : memref<10000x144xf32, #tpu.memory_space<vmem_shared>> -> memref<625x144xf32, #tpu.memory_space<vmem_shared>>
      tpu.enqueue_dma source(%dma_start3A_206 : memref<625x144xf32, #tpu.memory_space<vmem_shared>>) target(%dma_start3A_204 : memref<625x144xf32, #tpu.memory_space<hbm>>) target_semaphore(%run_scoped3A : memref<!tpu.dma_semaphore, #tpu.memory_space<semaphore_mem>>)
      %dma_wait3A_207 = arith.constant 0 : i32
      %dma_wait3A_208 = tpu.memref_slice %arg8[%arg0, %mul3A_201, %dma_wait3A_207] : memref<2x10000x144xf32, #tpu.memory_space<hbm>> -> memref<1x625x144xf32, #tpu.memory_space<hbm>>
      %dma_wait3A_209 = tpu.memref_squeeze %dma_wait3A_208 : memref<1x625x144xf32, #tpu.memory_space<hbm>> -> memref<625x144xf32, #tpu.memory_space<hbm>>
      %dma_wait3A_210 = arith.constant 0 : i32
      %dma_wait3A_211 = tpu.memref_slice %arg20[%mul3A_199, %dma_wait3A_210] : memref<10000x144xf32, #tpu.memory_space<vmem_shared>> -> memref<625x144xf32, #tpu.memory_space<vmem_shared>>
      tpu.wait_dma2 semaphore(%run_scoped3A : memref<!tpu.dma_semaphore, #tpu.memory_space<semaphore_mem>>) src(%dma_wait3A_211 : memref<625x144xf32, #tpu.memory_space<vmem_shared>>) dst(%dma_wait3A_209 : memref<625x144xf32, #tpu.memory_space<hbm>>)
      tpu.yield
    }) : () -> ()
    return
  }
}

</mosaic_0001>

<sc_bundles>
// kernel: _edge_phase.3.cloned.1.call-start
scs
__scs_entry_jumppad:
0x0: {  	(pc) =	sbr.rel $0x88, $3  }
0x1: {  	(tag) =	ssettag $0x0;
	lr =	simm.s32 $0x1  }
0x2: {  	[smem:$0x3F9B] =	sst lr;
	_ =	strace $0xD0000000  }
0x3: {  	_ = 	snop  }
0x4: {  	_ = 	snop  }
0x5: {  	_ = 	snop  }
0x6: {  	_ = 	snop  }
0x7: {  	_ = 	snop  }
__scs_overlays_trampoline_lowered:
0x8: {  	[smem:$0x3FAA] =	sst s0  }
0x9: {  	[smem:$0x3FAB] =	sst s1  }
0xa: {  	[smem:$0x3FAC] =	sst s2  }
0xb: {  	[smem:$0x3FAD] =	sst s3  }
0xc: {  	[smem:$0x3FAE] =	sst s4  }
0xd: {  	[smem:$0x3FAF] =	sst s5  }
0xe: {  	[smem:$0x3FB0] =	sst s6  }
0xf: {  	[smem:$0x3FB1] =	sst s7  }
0x10: {  	[smem:$0x3FB2] =	sst s8  }
0x11: {  	[smem:$0x3FB3] =	sst s9;
	s0 =	simm.s32 @!p0 $0x0  }
0x12: {  	s1 =	sld [smem:$0x3F99];
	s0 =	simm.s32 @p0 $0x1  }
0x13: {  	[smem:$0x3FB4] =	sst s0;
	s0 =	simm.s32 @!p1 $0x0  }
0x14: {  	s2 =	sld [smem:$0x3F98];
	s0 =	simm.s32 @p1 $0x1  }
0x15: {  	[smem:$0x3FB5] =	sst s0;
	s0 =	simm.s32 @!p2 $0x0  }
0x16: {  	s3 =	sld [smem:$0x3FDB];
	s0 =	simm.s32 @p2 $0x1  }
0x17: {  	s4 =	simm.s32 $0x1BF5;
	[smem:$0x3FB7] =	sst s0  }
0x18: {  	s0 =	sld [smem:$0x3F9A];
	_ =	swait.ge [sflag:s4], $0x0  }
0x19: {  	s7 =	sld [smem:$0x3F9B]  }
0x1a: {  	s8 =	sadd.s32 $0xFFFFE003, lr  }
0x1b: {  	s9 =	sadd.s32 $0xFFFFFEF7, lr;
	s5 =	simm.s32 $0xFFFFFFFF;
	p2 =	slt.u32 s8, $0xFFFFF086  }
0x1c: {  	p1 =	slt.u32 s9, $0xF7A;
	s5 =	simm.s32 @!p2 $0x0  }
0x1d: {  	s5 =	simm.s32 @p1 $0x1;
	p0 =	seq.s32 s7, s2  }
0x1e: {  	s7 =	smul.u32 @!p0 $0xF7A, s2;
	p2 =	seq.s32 @!p0 s5, $0x0  }
0x1f: {  	s9 =	smul.u32 $0xF7A, s1;
	s8 =	simm.s32 @!p0 $0x1BF5;
	p2 =	por !p2, p0  }
0x20: {  	[sflag:s8] =	ssyncset.s32 @!p0 $0xFFFFF086;
	s6 =	sadd.s32 @!p0 s3, s7;
	s7 =	simm.s32 @!p0 $0x108  }
0x21: {  	s3 =	sadd.s32 s3, s9;
	s6 =	sadd.s32 @!p0 $0x88, s6;
	s7 =	simm.s32 @p2 $0x1082  }
0x22: {  	[simem:s7], [sflag:s8] =	dma.local @!p0 [hbm:s6], $0xF7A  }
0x23: {  	s9 =	sor.u32 $0xD0000000, s2;
	s6 =	simm.s32 $0x108;
	_ =	swait.ge @!p0 [sflag:s8], $0x0  }
0x24: {  	s3 =	sadd.s32 $0x88, s3;
	s6 =	simm.s32 @!p1 $0x1082;
	[sflag:s4] =	ssyncset.s32 $0xFFFFF086  }
0x25: {  	[simem:s6], [sflag:s4] =	dma.local [hbm:s3], $0xF7A  }
0x26: {  	[smem:$0x3F9B] =	sst s1;
	(tag) =	ssettag s2;
	_ =	strace s9  }
0x27: {  	s1 =	sld [smem:$0x3FAB]  }
0x28: {  	s2 =	sld [smem:$0x3FAC]  }
0x29: {  	s4 =	sld [smem:$0x3FAE]  }
0x2a: {  	p0 =	seq.s32 s5, $0x0;
	s5 =	sld [smem:$0x3FAF]  }
0x2b: {  	s6 =	sld [smem:$0x3FB0]  }
0x2c: {  	s7 =	sld [smem:$0x3FB1]  }
0x2d: {  	s3 =	simm.s32 $0x108;
	s8 =	sld [smem:$0x3FB2]  }
0x2e: {  	s3 =	simm.s32 @!p0 $0x1082;
	s9 =	sld [smem:$0x3FB3]  }
0x2f: {  	lr =	sadd.s32 s0, s3;
	s0 =	sld [smem:$0x3FAA]  }
0x30: {  	s3 =	sld [smem:$0x3FAD]  }
0x31: {  	[smem:$0x3FB6] =	sst s10  }
0x32: {  	s10 =	sld [smem:$0x3FB4];
	_ =	sdelay $0x3  }
0x33: {  	p0 =	seq.s32 s10, $0x1;
	s10 =	sld [smem:$0x3FB6];
	_ =	sdelay $0x3  }
0x34: {  	[smem:$0x3FB6] =	sst s10  }
0x35: {  	s10 =	sld [smem:$0x3FB5];
	_ =	sdelay $0x3  }
0x36: {  	p1 =	seq.s32 s10, $0x1;
	s10 =	sld [smem:$0x3FB6];
	_ =	sdelay $0x3  }
0x37: {  	[smem:$0x3FB6] =	sst s10  }
0x38: {  	s10 =	sld [smem:$0x3FB7]  }
0x39: {  	_ = 	snop;
	(pc) =	sbr.ind lr, $3  }
0x3a: {  	_ = 	snop  }
0x3b: {  	_ = 	snop  }
0x3c: {  	p2 =	seq.s32 s10, $0x1;
	s10 =	sld [smem:$0x3FB6]  }
0x3d: {  	_ =	shalt  }
0x3e: {  	_ =	shalt  }
0x3f: {  	_ =	shalt  }
0x40: {  	_ =	shalt  }
0x41: {  	_ =	shalt  }
0x42: {  	_ =	shalt  }
0x43: {  	_ =	shalt  }
0x44: {  	_ =	shalt  }
0x45: {  	_ =	shalt  }
0x46: {  	_ =	shalt  }
0x47: {  	_ =	shalt  }
0x48: {  	_ =	shalt  }
0x49: {  	_ =	shalt  }
0x4a: {  	_ =	shalt  }
0x4b: {  	_ =	shalt  }
0x4c: {  	_ =	shalt  }
0x4d: {  	_ =	shalt  }
0x4e: {  	_ =	shalt  }
0x4f: {  	_ =	shalt  }
0x50: {  	_ =	shalt  }
0x51: {  	_ =	shalt  }
0x52: {  	_ =	shalt  }
0x53: {  	_ =	shalt  }
0x54: {  	_ =	shalt  }
0x55: {  	_ =	shalt  }
0x56: {  	_ =	shalt  }
0x57: {  	_ =	shalt  }
0x58: {  	_ =	shalt  }
0x59: {  	_ =	shalt  }
0x5a: {  	_ =	shalt  }
0x5b: {  	_ =	shalt  }
0x5c: {  	_ =	shalt  }
0x5d: {  	_ =	shalt  }
0x5e: {  	_ =	shalt  }
0x5f: {  	_ =	shalt  }
0x60: {  	_ =	shalt  }
0x61: {  	_ =	shalt  }
0x62: {  	_ =	shalt  }
0x63: {  	_ =	shalt  }
0x64: {  	_ =	shalt  }
0x65: {  	_ =	shalt  }
0x66: {  	_ =	shalt  }
0x67: {  	_ =	shalt  }
0x68: {  	_ =	shalt  }
0x69: {  	_ =	shalt  }
0x6a: {  	_ =	shalt  }
0x6b: {  	_ =	shalt  }
0x6c: {  	_ =	shalt  }
0x6d: {  	_ =	shalt  }
0x6e: {  	_ =	shalt  }
0x6f: {  	_ =	shalt  }
0x70: {  	_ =	shalt  }
0x71: {  	_ =	shalt  }
0x72: {  	_ =	shalt  }
0x73: {  	_ =	shalt  }
0x74: {  	_ =	shalt  }
0x75: {  	_ =	shalt  }
0x76: {  	_ =	shalt  }
0x77: {  	_ =	shalt  }
0x78: {  	_ =	shalt  }
0x79: {  	_ =	shalt  }
0x7a: {  	_ =	shalt  }
0x7b: {  	_ =	shalt  }
0x7c: {  	_ =	shalt  }
0x7d: {  	_ =	shalt  }
0x7e: {  	_ =	shalt  }
0x7f: {  	_ =	shalt  }
0x80: {  	_ =	shalt  }
0x81: {  	_ =	shalt  }
0x82: {  	_ =	shalt  }
0x83: {  	_ =	shalt  }
0x84: {  	_ =	shalt  }
0x85: {  	_ =	shalt  }
0x86: {  	_ =	shalt  }
0x87: {  	_ =	shalt  }
.Lfunc_end0:
.L_simem_size_0:
called_computation_lowered:
.L_overlay_start_0:
0x88: {  	s2 =	sld [smem:$0x3FD9]  }
0x89: {  	s3 =	sld [smem:$0x3FFE];
	_ =	sdelay $0x1  }
0x8a: {  	s1 =	srdreg.scid  }
0x8b: {  	s0 =	sand.u32 $0x1, s1  }
0x8c: {  	s17 =	sshll.u32 s0, $0xA;
	s2 =	sadd.s32 s3, s2  }
0x8d: {  	s2 =	sadd.s32 s2, s17  }
0x8e: {  	[smem:$0x3FC2] =	sst s2  }
0x8f: {  	_ = 	snop  }
0x90: {  	s2 =	sld [smem:$0x3FC8]  }
0x91: {  	s18 =	sld [smem:$0x3FC5]  }
0x92: {  	s4 =	sld [smem:$0x3FD0];
	(tm) =	ssettm $0x1  }
0x93: {  	s5 =	sld [smem:$0x3FFB];
	_ =	sdelay $0x3  }
0x94: {  	_ =	strace s5  }
0x95: {  	s5 =	sld [smem:$0x3FFC];
	_ =	sdelay $0x3  }
0x96: {  	_ =	strace s5  }
0x97: {  	s5 =	sld [smem:$0x3FFD];
	_ =	sdelay $0x3  }
0x98: {  	_ =	strace s5  }
0x99: {  	_ =	strace $0x8FFFFFFF  }
0x9a: {  	s19 =	sld [smem:$0x3FDB];
	_ =	sdelay $0x1  }
0x9b: {  	s6 =	simm.s32 $_scs_section_size  }
0x9c: {  	s7 =	simm.s32 $_size__tile_overlayer_lowered;
	s8 =	simm.s32 $_tile_overlayer_lowered  }
0x9d: {  	s22 =	simm.s32 $0x1BFF;
	s21 =	sshll.u32 s8, $0x1;
	s5 =	sadd.s32 s6, s19  }
0x9e: {  	s9 =	simm.s32 $0x0;
	s20 =	sshll.u32 s7, $0x1;
	s7 =	sadd.s32 s21, s5  }
0x9f: {  	[timem:s9], [sflag:s22] =	dma.local [hbm:s7], s20  }
0xa0: {  	_ =	swait.ge [sflag:s22], s20  }
0xa1: {  	s6 =	ssub.s32 $0x0, s20;
	[sflag:s22] =	ssyncset.done $0x0  }
0xa2: {  	[sflag:s22] =	ssyncadd.s32 s6;
	_ =	sdelay $0x1  }
0xa3: {  	s23 =	simm.s32 $0x1B8B  }
0xa4: {  	_ =	swait.ge [sflag:s23], $0x1  }
0xa5: {  	[sflag:s23] =	ssyncset.done $0x0  }
0xa6: {  	s25 =	simm.s32 $0x1B8E;
	s24 =	sld [smem:$0x3FFE];
	[sflag:s23] =	ssyncadd.s32 $0xFFFFFFFF  }
0xa7: {  	s26 =	simm.s32 $execute0_lowered;
	[smem:$0x3FD2] =	sst s25  }
0xa8: {  	s7 =	sshll.u32 s26, $0x1;
	_ =	strace $0x80000046;
	[dreg:$0x1] =	wrdreg $0xFFFFFFFF  }
0xa9: {  	s28 =	simm.s32 $_size_execute0_lowered;
	s5 =	sadd.s32 s5, s7;
	[dreg:$0x0] =	wrdreg $0x0  }
0xaa: {  	s7 =	sshll.u32 s28, $0x1;
	[dreg:$0x2] =	wrdreg s5  }
0xab: {  	[dreg:$0x3] =	wrdreg s7  }
0xac: {  	[dreg:$0x4] =	wrdreg $0xC0  }
0xad: {  	_ =	task [dreg:s9], $0x5FFFF  }
0xae: {  	[dreg:$0x1] =	wrdreg $0xFFFFFFFF  }
0xaf: {  	[dreg:$0x0] =	wrdreg $0x60  }
0xb0: {  	[dreg:$0x2] =	wrdreg s24  }
0xb1: {  	[dreg:$0x3] =	wrdreg s2  }
0xb2: {  	[dreg:$0x4] =	wrdreg s18  }
0xb3: {  	[dreg:$0x5] =	wrdreg s4  }
0xb4: {  	[dreg:$0x6] =	wrdreg $0x84600  }
0xb5: {  	[dreg:$0x7] =	wrdreg $0x9  }
0xb6: {  	_ =	task.clear_ibuf [dreg:s9], $0x8FFFF;
	_ =	strace $0x90000046  }
0xb7: {  	s29 =	simm.s32 $0x9;
	_ =	strace $0x80000048  }
0xb8: {  	_ =	swait.ge [sflag:s29], $0x1  }
0xb9: {  	[sflag:s29] =	ssyncadd.s32 $0xFFFFFFFF  }
0xba: {  	_ =	strace $0x90000048  }
0xbb: {  	_ =	sfence  }
0xbc: {  	s30 =	sld [smem:$0x0];
	_ =	sdelay $0x2  }
0xbd: {  	s31 =	sshll.u32 s1, $0xD;
	s1 =	sshrl.u32 s1, $0x2  }
0xbe: {  	s3 =	sand.u32 $0x4000, s31;
	s1 =	sadd.s32 s1, s30  }
0xbf: {  	s0 =	sor.u32 s3, s0;
	s1 =	sshll.u32 s1, $0x11  }
0xc0: {  	s0 =	sor.u32 s1, s0  }
0xc1: {  	s0 =	sadd.s32 $0x8F2B, s0  }
0xc2: {  	[sflag:s0] =	ssyncadd.remote.s32 $0x1  }
0xc3: {  	_ =	sfence.sel $0xFFFF  }
0xc4: {  	[dreg:$0x0] =	wrdreg $0xFFFFFFFF;
	(pc) =	sbr.abs _section_cstart, $3  }
0xc5: {  	[dreg:$0x1] =	wrdreg $0xFFFFFFFF  }
0xc6: {  	_ =	task.clear_ibuf [dreg:s9], $0x2FFFF;
	_ =	strace $0x9FFFFFFF  }
0xc7: {  	(tm) =	ssettm $0x7FFFFFFF  }
tec
execute0_lowered:
.L_overlay_start_1:
0x0: {  	(tag) =	ssettag $0x1  }
0x1: {  	s0 =	rddreg [dreg:$0x0]  }
0x2: {  	s1 =	rddreg [dreg:$0x1]  }
0x3: {  	s2 =	rddreg [dreg:$0x3]  }
0x4: {  	s3 =	rddreg [dreg:$0x4];
	s4 =	simm.s32 $0x0  }
0x5: {  	s5 =	srdreg.scid;
	s14 =	stileid.u32;
	s28 =	simm.s32 $0x260  }
0x6: {  	s29 =	simm.s32 $0x28;
	s30 =	simm.s32 $0x5C60;
	s17 =	simm.s32 $0x18E0  }
0x7: {  	[smem:$0x7FF] =	sst s4;
	s6 =	sadd.s32 $0x15200, s0;
	s5 =	sand.u32 $0x1, s5  }
0x8: {  	s7 =	sadd.s32 $0x1600, s0;
	s9 =	smul.u32 $0x15F90, s14;
	s8 =	sadd.s32 $0xB400, s0  }
0x9: {  	s20 =	sshll.u32 s14, $0x6;
	_ =	strace $0x80000047;
	s10 =	sshll.u32 s5, $0x4  }
0xa: {  	s11 =	ssub.s32 $0x2, s5;
	s5 =	smul.u32 $0x15F900, s5;
	s18 =	sor.u32 $0x1C09, s20  }
0xb: {  	s10 =	sor.u32 s14, s10;
	s12 =	sshrl.u32 s9, $0x3;
	s13 =	sshrl.u32 s11, $0x1  }
0xc: {  	s19 =	sadd.s32 s9, s3;
	s14 =	simm.s32 $0x1E8;
	[dreg:$0x7] =	wrdreg s18  }
0xd: {  	s10 =	smul.u32 $0x2710, s10;
	s0 =	sadd.s32 s12, s0;
	s11 =	ssub.s32 s11, s13  }
0xe: {  	s5 =	sadd.s32 s9, s5;
	s20 =	sshrl.u32 s19, $0x3;
	s9 =	simm.s32 $0x3  }
0xf: {  	s13 =	simm.s32 $0x6;
	s19 =	simm.s32 $0x4;
	s0 =	sadd.s32 $0x41200, s0  }
0x10: {  	s26 =	sshrl.u32 s5, $0x3;
	s31 =	smax.u32 s11, $0x1;
	s5 =	simm.s32 $0x2  }
0x11: {  	s11 =	simm.s32 $0x5;
	[dreg:$0xe] =	wrdreg s20;
	s21 =	sshrl.u32 s10, $0x3  }
0x12: {  	[dreg:$0x6] =	wrdreg s0;
	s15 =	sadd.s32 $0xA0, s10;
	s16 =	sadd.s32 $0xF0, s10  }
0x13: {  	[dreg:$0xd] =	wrdreg s31;
	s10 =	simm.s32 $0x7;
	s22 =	sadd.s32 s7, s21  }
0x14: {  	s23 =	sadd.s32 s8, s21;
	s24 =	sadd.s32 $0xA, s21;
	[dreg:$0x8] =	wrdreg s22  }
0x15: {  	s21 =	simm.s32 $0x80;
	[dreg:$0x9] =	wrdreg s23;
	s25 =	sadd.s32 s7, s24  }
0x16: {  	s0 =	sadd.s32 s8, s24;
	s23 =	simm.s32 $0x9;
	[dreg:$0xa] =	wrdreg s25  }
0x17: {  	s22 =	simm.s32 $0x120;
	s24 =	simm.s32 $0x0;
	[dreg:$0xb] =	wrdreg s0  }
0x18: {  	s0 =	sadd.s32 s2, s26;
	s25 =	simm.s32 $0x1;
	s26 =	simm.s32 $0x50  }
0x19: {  	s2 =	simm.s32 $0x2F60;
	[dreg:$0xc] =	wrdreg s0;
	s0 =	simm.s32 $0x7060  }
.LBB2_1:
0x1a: {  	[dreg:$0xf] =	wrdreg s24  }
0x1b: {  	s12 =	rddreg [dreg:$0x6]  }
0x1c: {  	[spmem:s20], [sflag:s18] =	dma.local [hbm:s12], $0x2BF2  }
0x1d: {  	_ =	swait.ge [sflag:s23], $0x2BF2  }
0x1e: {  	[sflag:s23] =	ssyncset.done $0x0  }
0x1f: {  	[sflag:s23] =	ssyncadd.s32 $0xFFFFD40E  }
0x20: {  	s20 =	rddreg [dreg:$0x2]  }
0x21: {  	[tilespmem:s4], [sflag:$0x9] =	stream.linear.gather [hbm4b:s20+s4], $0x80, $0x38;
	[tilespmem:$0x1E3F0] =	vst v63  }
0x22: {  	_ =	swait.ge [sflag:s23], $0x80  }
0x23: {  	[sflag:s23] =	ssyncset.done $0x0  }
0x24: {  	[sflag:s23] =	ssyncadd.s32 $0xFFFFFF80  }
0x25: {  	[bflag:$0x0] =	sbarrier.arrive $0xFFFF  }
0x26: {  	v0 =	vld [tilespmem:$0x0]  }
0x27: {  	v1 =	vld [tilespmem:$0x10]  }
0x28: {  	v2 =	vld [tilespmem:$0x20]  }
0x29: {  	v3 =	vld [tilespmem:$0x30]  }
0x2a: {  	v4 =	vld [tilespmem:$0x40]  }
0x2b: {  	v5 =	vld [tilespmem:$0x50]  }
0x2c: {  	v6 =	vld [tilespmem:$0x60];
	s24 =	rddreg [dreg:$0x8]  }
0x2d: {  	v7 =	vld [tilespmem:$0x70];
	[tilespmem:s21], [sflag:$0x1] =	stream.linear.gather [hbm4b:s24+s4], $0x50, $0x38  }
0x2e: {  	s31 =	rddreg [dreg:$0x9]  }
0x2f: {  	[tilespmem:s22], [sflag:$0x1] =	stream.linear.gather [hbm4b:s31+s4], $0x50, $0x38;
	[tilespmem:$0x1E3F0] =	vst v63  }
0x30: {  	s20 =	simm.s32 $0xD0;
	s18 =	rddreg [dreg:$0xa]  }
0x31: {  	[tilespmem:s20], [sflag:$0x2] =	stream.linear.gather [hbm4b:s18+s4], $0x50, $0x38;
	[tilespmem:$0x1E3F0] =	vst v63  }
0x32: {  	s23 =	rddreg [dreg:$0xb];
	s24 =	simm.s32 $0x170  }
0x33: {  	[tilespmem:s24], [sflag:$0x2] =	stream.linear.gather [hbm4b:s23+s4], $0x50, $0x38;
	[tilespmem:$0x1E3F0] =	vst v63  }
0x34: {  	_ =	swait.ge [sflag:s25], $0x50  }
0x35: {  	[sflag:s25] =	ssyncset.done $0x0  }
0x36: {  	[sflag:s25] =	ssyncadd.s32 $0xFFFFFFB0  }
0x37: {  	_ =	swait.ge [sflag:s25], $0x50  }
0x38: {  	[sflag:s25] =	ssyncset.done $0x0  }
0x39: {  	[sflag:s25] =	ssyncadd.s32 $0xFFFFFFB0  }
0x3a: {  	[tilespmem:s28], [sflag:$0x3] =	stream.indirect.gather [hbm4b:s6+s26], $0x90, s21, s26, $0xb8;
	[tilespmem:$0x1E3F0] =	vst v63  }
0x3b: {  	_ = 	snop  }
0x3c: {  	[tilespmem:s30], [sflag:$0x5] =	stream.indirect.gather [hbm4b:s1+s29], $0x80, s22, s29, $0xb8;
	[tilespmem:$0x1E3F0] =	vst v63  }
0x3d: {  	s31 =	simm.s32 $0x148;
	s18 =	simm.s32 $0x0  }
0x3e: {  	[tilespmem:s0], [sflag:$0x6] =	stream.indirect.gather [hbm4b:s1+s29], $0x80, s31, s29, $0xb8;
	[tilespmem:$0x1E3F0] =	vst v63  }
.LBB2_2:
0x3f: {  	_ =	swait.ge [sflag:s5], $0x50  }
0x40: {  	[sflag:s5] =	ssyncset.done $0x0  }
0x41: {  	[sflag:s5] =	ssyncadd.s32 $0xFFFFFFB0  }
0x42: {  	_ =	swait.ge [sflag:s5], $0x50  }
0x43: {  	p0 =	seq.s32 s18, $0x0;
	[sflag:s5] =	ssyncset.done $0x0  }
0x44: {  	s12 =	simm.s32 @!p0 $0x8;
	[sflag:s5] =	ssyncadd.s32 $0xFFFFFFB0  }
0x45: {  	_ =	swait.ge @!p0 [sflag:s12], $0x1680  }
0x46: {  	[sflag:s12] =	ssyncset.done @!p0 $0x0  }
0x47: {  	[sflag:s12] =	ssyncadd.s32 @!p0 $0xFFFFE980  }
0x48: {  	_ =	swait.ge @!p0 [sflag:s12], $0x1680  }
0x49: {  	[sflag:s12] =	ssyncset.done @!p0 $0x0  }
0x4a: {  	s24 =	simm.s32 $0xD0;
	[sflag:s12] =	ssyncadd.s32 @!p0 $0xFFFFE980  }
0x4b: {  	[tilespmem:s2], [sflag:$0x4] =	stream.indirect.gather [hbm4b:s6+s26], $0x90, s24, s26, $0xb8;
	[tilespmem:$0x1E3F0] =	vst v63  }
0x4c: {  	_ =	swait.ge [sflag:s9], $0x2D00  }
0x4d: {  	[sflag:s9] =	ssyncset.done $0x0  }
0x4e: {  	[sflag:s9] =	ssyncadd.s32 $0xFFFFD300  }
0x4f: {  	v8 =	vld [tilespmem:$0x120]  }
0x50: {  	v9 =	vld [tilespmem:$0x130]  }
0x51: {  	v11 =	vld [tilespmem:$0x148]  }
0x52: {  	v12 =	vld [tilespmem:$0x158]  }
0x53: {  	v10 =	vld [tilespmem:$0x138]  }
0x54: {  	[tilespmem:$0x1C0] =	vst v8;
	v8 =	vld [tilespmem:$0x160]  }
0x55: {  	[tilespmem:$0x1D0] =	vst v9  }
0x56: {  	[tilespmem:$0x1E8] =	vst v11  }
0x57: {  	[tilespmem:$0x1F8] =	vst v12  }
0x58: {  	[tilespmem:$0x1D8] =	vst v10  }
0x59: {  	[tilespmem:$0x200] =	vst v8  }
0x5a: {  	_ =	swait.ge [sflag:s11], $0x1400  }
0x5b: {  	[sflag:s11] =	ssyncset.done $0x0  }
0x5c: {  	s20 =	simm.s32 $0x2F0;
	[sflag:s11] =	ssyncadd.s32 $0xFFFFEC00  }
0x5d: {  	v8 =	vld [tilespmem:s20+$0xFFFFFFA0]  }
0x5e: {  	v9 =	vld [tilespmem:s20+$0xFFFFFFD0]  }
0x5f: {  	v11 =	vld [tilespmem:s20+$0xFFFFFFC0]  }
0x60: {  	v12 =	vld [tilespmem:s20+$0xFFFFFF80]  }
0x61: {  	v10 =	vld [tilespmem:s20+$0xFFFFFF90]  }
0x62: {  	v13 =	vld [tilespmem:s20+$0xFFFFFF70]  }
0x63: {  	v14 =	vld [tilespmem:s20+$0xFFFFFFE0]  }
0x64: {  	s23 =	simm.s32 $0x5CE0;
	v15 =	vld [tilespmem:s20+$0xFFFFFFB0]  }
0x65: {  	v16 =	vld [tilespmem:s23+$0xFFFFFFC0]  }
0x66: {  	v17 =	vld [tilespmem:s23+$0xFFFFFF90]  }
0x67: {  	v18 =	vld [tilespmem:s23+$0xFFFFFFF0]  }
0x68: {  	v19 =	vld [tilespmem:s23+$0xFFFFFF80]  }
0x69: {  	v20 =	vld [tilespmem:s23+$0xFFFFFFA0]  }
0x6a: {  	v22 =	vld [tilespmem:s23+$0xFFFFFFE0]  }
0x6b: {  	v23 =	vld [tilespmem:s23+$0xFFFFFFB0]  }
0x6c: {  	v21 =	vld [tilespmem:s23+$0xFFFFFFD0]  }
0x6d: {  	v16 =	vadd.f32 v16, v15;
	v18 =	vadd.f32 v18, v14  }
0x6e: {  	v19 =	vadd.f32 v19, v13;
	v20 =	vadd.f32 v20, v10  }
0x6f: {  	v17 =	vadd.f32 v17, v12;
	v22 =	vadd.f32 v22, v9;
	v24 =	vmul.f32 $2.000000030e-01, v16  }
0x70: {  	v23 =	vadd.f32 v23, v8;
	v25 =	vmul.f32 $2.000000030e-01, v18;
	v26 =	vmul.f32 $2.000000030e-01, v19  }
0x71: {  	v21 =	vadd.f32 v21, v11;
	v27 =	vmul.f32 $2.000000030e-01, v20;
	v43 =	vmul.f32 $2.000000030e-01, v17  }
0x72: {  	v44 =	vmul.f32 $2.000000030e-01, v22;
	v45 =	vmul.f32 $2.000000030e-01, v23  }
0x73: {  	v46 =	vmul.f32 $2.000000030e-01, v21;
	v16 =	vmax.f32 v16, v24;
	v20 =	vmax.f32 v20, v27  }
0x74: {  	v18 =	vmax.f32 v18, v25;
	v17 =	vmax.f32 v17, v43;
	v19 =	vmax.f32 v19, v26  }
0x75: {  	v22 =	vmax.f32 v22, v44;
	v16 =	vmul.f32 v16, v4;
	v20 =	vmul.f32 v20, v2  }
0x76: {  	v23 =	vmax.f32 v23, v45;
	v17 =	vmul.f32 v17, v1;
	v18 =	vmul.f32 v18, v7  }
0x77: {  	v21 =	vmax.f32 v21, v46;
	v19 =	vmul.f32 v19, v0;
	v22 =	vmul.f32 v22, v6  }
0x78: {  	v23 =	vmul.f32 v23, v3;
	v21 =	vmul.f32 v21, v5  }
0x79: {  	v17 =	vadd.f32 v17, v19;
	v18 =	vadd.f32 v18, v22  }
0x7a: {  	v47 =	vadd.f32 v23, v20;
	v16 =	vadd.f32 v21, v16;
	_ =	sdelay $0x1  }
0x7b: {  	v17 =	vadd.f32 v47, v17;
	v16 =	vadd.f32 v18, v16;
	_ =	sdelay $0x1  }
0x7c: {  	v16 =	vadd.f32 v16, v17;
	_ =	sdelay $0x1  }
0x7d: {  	(xrf2) =	vadd.scan.msk.f32 $0xffff, v16;
	_ =	sdelay $0x9  }
0x7e: {  	v16, _, _ =	vpop (xrf2)  }
0x7f: {  	v16 =	vmul.f32 $1.442695020e+00, v16;
	_ =	sdelay $0x1  }
0x80: {  	v16 =	vbroadcast v16, $0xF;
	_ =	sdelay $0x1  }
0x81: {  	(erf) = vpow2.f32 v16;
	_ =	sdelay $0x8  }
0x82: {  	v16 =	vpop (erf)  }
0x83: {  	v13 =	vmul.f32 v16, v13  }
0x84: {  	[tilespmem:s20+$0xFFFFFFF0] =	vst v16;
	v10 =	vmul.f32 v16, v10  }
0x85: {  	v17 =	vmul.f32 v16, v8;
	[tilespmem:s20+$0xFFFFFF70] =	vst v13  }
0x86: {  	v8 =	vld [tilespmem:s20+$0x40];
	v14 =	vmul.f32 v16, v14;
	[tilespmem:s20+$0xFFFFFF90] =	vst v10  }
0x87: {  	v13 =	vmul.f32 v16, v15;
	[tilespmem:s20+$0xFFFFFFA0] =	vst v17;
	v10 =	vld [tilespmem:s20+$0x30]  }
0x88: {  	v15 =	vmul.f32 v16, v9;
	v9 =	vld [tilespmem:s20+$0x70];
	[tilespmem:s20+$0xFFFFFFE0] =	vst v14  }
0x89: {  	v14 =	vld [tilespmem:s20+$0x0];
	[tilespmem:s20+$0xFFFFFFB0] =	vst v13;
	v13 =	vmul.f32 v16, v12  }
0x8a: {  	v12 =	vld [tilespmem:s20+$0x20];
	v16 =	vmul.f32 v16, v11;
	[tilespmem:s20+$0xFFFFFFD0] =	vst v15  }
0x8b: {  	v11 =	vld [tilespmem:s20+$0x60];
	[tilespmem:s20+$0xFFFFFF80] =	vst v13  }
0x8c: {  	[tilespmem:s20+$0xFFFFFFC0] =	vst v16;
	v13 =	vld [tilespmem:s20+$0x10]  }
0x8d: {  	v15 =	vld [tilespmem:s23+$0x0]  }
0x8e: {  	v16 =	vld [tilespmem:s23+$0x10]  }
0x8f: {  	v17 =	vld [tilespmem:s23+$0x60]  }
0x90: {  	v48 =	vld [tilespmem:s23+$0x70]  }
0x91: {  	v49 =	vld [tilespmem:s23+$0x20]  }
0x92: {  	v50 =	vld [tilespmem:s23+$0x40]  }
0x93: {  	v52 =	vld [tilespmem:s23+$0x30];
	_ =	sdelay $0x1  }
0x94: {  	v53 =	vld [tilespmem:s23+$0x50];
	v51 =	vadd.f32 v15, v14;
	v16 =	vadd.f32 v16, v13  }
0x95: {  	v17 =	vadd.f32 v17, v11;
	v15 =	vld [tilespmem:s20+$0x50];
	v18 =	vadd.f32 v48, v9  }
0x96: {  	v19 =	vadd.f32 v49, v12;
	v20 =	vadd.f32 v50, v8;
	v54 =	vmul.f32 $2.000000030e-01, v51  }
0x97: {  	v22 =	vadd.f32 v52, v10;
	v55 =	vmul.f32 $2.000000030e-01, v16;
	v56 =	vmul.f32 $2.000000030e-01, v17  }
0x98: {  	v57 =	vmul.f32 $2.000000030e-01, v18;
	v58 =	vmul.f32 $2.000000030e-01, v19  }
0x99: {  	v59 =	vmul.f32 $2.000000030e-01, v22;
	v60 =	vmul.f32 $2.000000030e-01, v20;
	v21 =	vmax.f32 v51, v54  }
0x9a: {  	v16 =	vmax.f32 v16, v55;
	v17 =	vmax.f32 v17, v56;
	v23 =	vadd.f32 v53, v15  }
0x9b: {  	v18 =	vmax.f32 v18, v57;
	v22 =	vmax.f32 v22, v59;
	v16 =	vmul.f32 v16, v1  }
0x9c: {  	v19 =	vmax.f32 v19, v58;
	v17 =	vmul.f32 v17, v6;
	v61 =	vmul.f32 $2.000000030e-01, v23  }
0x9d: {  	v20 =	vmax.f32 v20, v60;
	v21 =	vmul.f32 v21, v0;
	v18 =	vmul.f32 v18, v7  }
0x9e: {  	v22 =	vmul.f32 v22, v3;
	v19 =	vmul.f32 v19, v2;
	v23 =	vmax.f32 v23, v61  }
0x9f: {  	v20 =	vmul.f32 v20, v4;
	v23 =	vmul.f32 v23, v5  }
0xa0: {  	v16 =	vadd.f32 v16, v21;
	v17 =	vadd.f32 v18, v17  }
0xa1: {  	v62 =	vadd.f32 v22, v19;
	v63 =	vadd.f32 v23, v20;
	_ =	sdelay $0x1  }
0xa2: {  	v16 =	vadd.f32 v62, v16;
	v17 =	vadd.f32 v17, v63;
	_ =	sdelay $0x1  }
0xa3: {  	v16 =	vadd.f32 v17, v16;
	_ =	sdelay $0x1  }
0xa4: {  	s31 =	simm.s32 $0x0;
	s24 =	simm.s32 $0x2F0;
	(xrf2) =	vadd.scan.msk.f32 $0xffff, v16  }
.LBB2_3:
0xa5: {  	_ =	sdelay $0x6  }
0xa6: {  	s31 =	sadd.s32 $0x2, s31;
	s20 =	sadd.s32 $0x120, s20;
	s23 =	sadd.s32 $0x100, s23  }
0xa7: {  	p0 =	slt.u32 s31, $0x26  }
0xa8: {  	v16, _, _ =	vpop (xrf2)  }
0xa9: {  	v16 =	vmul.f32 $1.442695020e+00, v16;
	_ =	sdelay $0x1  }
0xaa: {  	v16 =	vbroadcast v16, $0xF;
	_ =	sdelay $0x1  }
0xab: {  	(erf) = vpow2.f32 v16;
	_ =	sdelay $0x8  }
0xac: {  	v16 =	vpop (erf)  }
0xad: {  	v14 =	vmul.f32 v16, v14;
	v13 =	vmul.f32 v16, v13;
	[tilespmem:s24+$0x80] =	vst v16  }
0xae: {  	v12 =	vmul.f32 v16, v12;
	v17 =	vmul.f32 v16, v10  }
0xaf: {  	v15 =	vmul.f32 v16, v15;
	v10 =	vld [tilespmem:s20+$0xFFFFFFA0];
	[tilespmem:s24+$0x0] =	vst v14;
	v14 =	vmul.f32 v16, v8  }
0xb0: {  	v11 =	vmul.f32 v16, v11;
	v16 =	vmul.f32 v16, v9;
	v8 =	vld [tilespmem:s20+$0xFFFFFFD0];
	[tilespmem:s24+$0x30] =	vst v17  }
0xb1: {  	v9 =	vld [tilespmem:s20+$0xFFFFFFC0];
	[tilespmem:s24+$0x40] =	vst v14  }
0xb2: {  	v14 =	vld [tilespmem:s20+$0xFFFFFF80];
	[tilespmem:s24+$0x50] =	vst v15  }
0xb3: {  	v15 =	vld [tilespmem:s20+$0xFFFFFF90];
	[tilespmem:s24+$0x70] =	vst v16  }
0xb4: {  	v16 =	vld [tilespmem:s20+$0xFFFFFF70];
	[tilespmem:s24+$0x60] =	vst v11  }
0xb5: {  	v11 =	vld [tilespmem:s20+$0xFFFFFFE0];
	[tilespmem:s24+$0x10] =	vst v13  }
0xb6: {  	v13 =	vld [tilespmem:s20+$0xFFFFFFB0];
	[tilespmem:s24+$0x20] =	vst v12;
	s24 =	smov.u32 s20  }
0xb7: {  	v12 =	vld [tilespmem:s23+$0xFFFFFFC0]  }
0xb8: {  	v17 =	vld [tilespmem:s23+$0xFFFFFF90]  }
0xb9: {  	v18 =	vld [tilespmem:s23+$0xFFFFFFF0]  }
0xba: {  	v19 =	vld [tilespmem:s23+$0xFFFFFF80]  }
0xbb: {  	v20 =	vld [tilespmem:s23+$0xFFFFFFA0]  }
0xbc: {  	v21 =	vld [tilespmem:s23+$0xFFFFFFD0]  }
0xbd: {  	v22 =	vld [tilespmem:s23+$0xFFFFFFE0]  }
0xbe: {  	v12 =	vadd.f32 v12, v13;
	v23 =	vld [tilespmem:s23+$0xFFFFFFB0];
	v18 =	vadd.f32 v18, v11  }
0xbf: {  	v19 =	vadd.f32 v19, v16  }
0xc0: {  	v24 =	vmul.f32 $2.000000030e-01, v12;
	v20 =	vadd.f32 v20, v15;
	v25 =	vmul.f32 $2.000000030e-01, v18  }
0xc1: {  	v17 =	vadd.f32 v17, v14;
	v26 =	vmul.f32 $2.000000030e-01, v19;
	v21 =	vadd.f32 v21, v9  }
0xc2: {  	v12 =	vmax.f32 v12, v24;
	v27 =	vmul.f32 $2.000000030e-01, v20;
	v22 =	vadd.f32 v22, v8  }
0xc3: {  	v24 =	vmul.f32 $2.000000030e-01, v17;
	v12 =	vmul.f32 v12, v4;
	v23 =	vadd.f32 v23, v10  }
0xc4: {  	v18 =	vmax.f32 v18, v25;
	v20 =	vmax.f32 v20, v27;
	v27 =	vmul.f32 $2.000000030e-01, v22  }
0xc5: {  	v17 =	vmax.f32 v17, v24;
	v20 =	vmul.f32 v20, v2;
	v24 =	vmul.f32 $2.000000030e-01, v23  }
0xc6: {  	v19 =	vmax.f32 v19, v26;
	v17 =	vmul.f32 v17, v1;
	v22 =	vmax.f32 v22, v27  }
0xc7: {  	v18 =	vmul.f32 v18, v7;
	v23 =	vmax.f32 v23, v24;
	v24 =	vmul.f32 $2.000000030e-01, v21  }
0xc8: {  	v19 =	vmul.f32 v19, v0;
	v22 =	vmul.f32 v22, v6  }
0xc9: {  	v23 =	vmul.f32 v23, v3;
	v21 =	vmax.f32 v21, v24  }
0xca: {  	v17 =	vadd.f32 v17, v19;
	v18 =	vadd.f32 v18, v22;
	v21 =	vmul.f32 v21, v5  }
0xcb: {  	v19 =	vadd.f32 v23, v20  }
0xcc: {  	v12 =	vadd.f32 v21, v12  }
0xcd: {  	v17 =	vadd.f32 v19, v17  }
0xce: {  	v12 =	vadd.f32 v18, v12;
	_ =	sdelay $0x1  }
0xcf: {  	v12 =	vadd.f32 v12, v17;
	_ =	sdelay $0x1  }
0xd0: {  	(xrf2) =	vadd.scan.msk.f32 $0xffff, v12;
	_ =	sdelay $0x9  }
0xd1: {  	v12, _, _ =	vpop (xrf2)  }
0xd2: {  	v12 =	vmul.f32 $1.442695020e+00, v12;
	_ =	sdelay $0x1  }
0xd3: {  	v12 =	vbroadcast v12, $0xF;
	_ =	sdelay $0x1  }
0xd4: {  	(erf) = vpow2.f32 v12;
	_ =	sdelay $0x8  }
0xd5: {  	v12 =	vpop (erf)  }
0xd6: {  	v16 =	vmul.f32 v12, v16;
	v14 =	vmul.f32 v12, v14;
	[tilespmem:s20+$0xFFFFFFF0] =	vst v12  }
0xd7: {  	v15 =	vmul.f32 v12, v15;
	v10 =	vmul.f32 v12, v10  }
0xd8: {  	v13 =	vmul.f32 v12, v13;
	v11 =	vmul.f32 v12, v11;
	[tilespmem:s20+$0xFFFFFF70] =	vst v16  }
0xd9: {  	v16 =	vmul.f32 v12, v8;
	[tilespmem:s20+$0xFFFFFF90] =	vst v15;
	v15 =	vmul.f32 v12, v9;
	v8 =	vld [tilespmem:s20+$0x40]  }
0xda: {  	[tilespmem:s20+$0xFFFFFFA0] =	vst v10;
	v10 =	vld [tilespmem:s20+$0x30]  }
0xdb: {  	[tilespmem:s20+$0xFFFFFFB0] =	vst v13;
	v9 =	vld [tilespmem:s20+$0x70]  }
0xdc: {  	[tilespmem:s20+$0xFFFFFFE0] =	vst v11;
	v12 =	vld [tilespmem:s20+$0x20]  }
0xdd: {  	[tilespmem:s20+$0xFFFFFF80] =	vst v14;
	v11 =	vld [tilespmem:s20+$0x60]  }
0xde: {  	[tilespmem:s20+$0xFFFFFFD0] =	vst v16;
	v14 =	vld [tilespmem:s20+$0x0]  }
0xdf: {  	[tilespmem:s20+$0xFFFFFFC0] =	vst v15;
	v13 =	vld [tilespmem:s20+$0x10]  }
0xe0: {  	v15 =	vld [tilespmem:s23+$0x0]  }
0xe1: {  	v16 =	vld [tilespmem:s23+$0x10]  }
0xe2: {  	v17 =	vld [tilespmem:s23+$0x60]  }
0xe3: {  	v18 =	vld [tilespmem:s23+$0x70]  }
0xe4: {  	v19 =	vld [tilespmem:s23+$0x20]  }
0xe5: {  	v20 =	vadd.f32 v15, v14;
	v21 =	vld [tilespmem:s23+$0x40]  }
0xe6: {  	v16 =	vadd.f32 v16, v13;
	v22 =	vld [tilespmem:s23+$0x30]  }
0xe7: {  	v23 =	vmul.f32 $2.000000030e-01, v20;
	v24 =	vld [tilespmem:s23+$0x50];
	v17 =	vadd.f32 v17, v11  }
0xe8: {  	v15 =	vld [tilespmem:s20+$0x50];
	v25 =	vmul.f32 $2.000000030e-01, v16;
	v18 =	vadd.f32 v18, v9  }
0xe9: {  	v20 =	vmax.f32 v20, v23;
	v19 =	vadd.f32 v19, v12;
	v23 =	vmul.f32 $2.000000030e-01, v17  }
0xea: {  	v16 =	vmax.f32 v16, v25;
	v21 =	vadd.f32 v21, v8;
	v25 =	vmul.f32 $2.000000030e-01, v18  }
0xeb: {  	v16 =	vmul.f32 v16, v1;
	v22 =	vadd.f32 v22, v10;
	v17 =	vmax.f32 v17, v23  }
0xec: {  	v23 =	vmul.f32 $2.000000030e-01, v19;
	v17 =	vmul.f32 v17, v6;
	v18 =	vmax.f32 v18, v25  }
0xed: {  	v25 =	vmul.f32 $2.000000030e-01, v22;
	v24 =	vadd.f32 v24, v15  }
0xee: {  	v20 =	vmul.f32 v20, v0;
	v19 =	vmax.f32 v19, v23;
	v23 =	vmul.f32 $2.000000030e-01, v21  }
0xef: {  	v18 =	vmul.f32 v18, v7;
	v22 =	vmax.f32 v22, v25;
	v25 =	vmul.f32 $2.000000030e-01, v24  }
0xf0: {  	v16 =	vadd.f32 v16, v20;
	v21 =	vmax.f32 v21, v23;
	v22 =	vmul.f32 v22, v3  }
0xf1: {  	v19 =	vmul.f32 v19, v2;
	v17 =	vadd.f32 v18, v17;
	v20 =	vmax.f32 v24, v25  }
0xf2: {  	v18 =	vmul.f32 v21, v4;
	v20 =	vmul.f32 v20, v5  }
0xf3: {  	v19 =	vadd.f32 v22, v19  }
0xf4: {  	v18 =	vadd.f32 v20, v18  }
0xf5: {  	v16 =	vadd.f32 v19, v16  }
.Ltmp0:
0xf6: {  	v17 =	vadd.f32 v17, v18;
	(pc) =	sbr.rel @p0 .LBB2_3-.Ltmp0, $3  }
0xf7: {  	_ = 	snop  }
0xf8: {  	v16 =	vadd.f32 v17, v16;
	_ =	sdelay $0x1  }
0xf9: {  	(xrf2) =	vadd.scan.msk.f32 $0xffff, v16  }
0xfa: {  	_ =	sdelay $0x8  }
0xfb: {  	v16, _, _ =	vpop (xrf2)  }
0xfc: {  	v16 =	vmul.f32 $1.442695020e+00, v16;
	_ =	sdelay $0x1  }
0xfd: {  	v16 =	vbroadcast v16, $0xF;
	_ =	sdelay $0x1  }
0xfe: {  	(erf) = vpow2.f32 v16;
	_ =	sdelay $0x8  }
0xff: {  	v16 =	vpop (erf)  }
0x100: {  	v14 =	vmul.f32 v16, v14  }
0x101: {  	[tilespmem:s24+$0x80] =	vst v16;
	v10 =	vmul.f32 v16, v10  }
0x102: {  	v8 =	vmul.f32 v16, v8;
	[tilespmem:s24+$0x0] =	vst v14  }
0x103: {  	v9 =	vmul.f32 v16, v9;
	[tilespmem:s24+$0x30] =	vst v10  }
0x104: {  	v14 =	vmul.f32 v16, v15;
	[tilespmem:s24+$0x40] =	vst v8  }
0x105: {  	v8 =	vmul.f32 v16, v11;
	[tilespmem:s24+$0x70] =	vst v9  }
0x106: {  	v10 =	vmul.f32 v16, v13;
	[tilespmem:s24+$0x50] =	vst v14  }
0x107: {  	v9 =	vmul.f32 v16, v12;
	[tilespmem:s24+$0x60] =	vst v8  }
0x108: {  	[tilespmem:s24+$0x10] =	vst v10  }
0x109: {  	s12 =	simm.s32 $0x1C0;
	[tilespmem:s24+$0x20] =	vst v9  }
0x10a: {  	[spmem:s3] =	stream.indirect.scatter.add.f32 [tilespmem:s28], [sflag:$0x7], $0x90, s12, s29, $0xb8;
	[tilespmem:$0x1E3F0] =	vst v63  }
0x10b: {  	s24 =	simm.s32 $0x170  }
0x10c: {  	[tilespmem:s30], [sflag:$0x5] =	stream.indirect.gather [hbm4b:s1+s29], $0x80, s24, s29, $0xb8;
	[tilespmem:$0x1E3F0] =	vst v63  }
0x10d: {  	_ =	swait.ge [sflag:s13], $0x1400  }
0x10e: {  	[sflag:s13] =	ssyncset.done $0x0  }
0x10f: {  	s20 =	simm.s32 $0x18E0;
	[sflag:s13] =	ssyncadd.s32 $0xFFFFEC00  }
0x110: {  	v8 =	vld [tilespmem:s20+$0x30]  }
0x111: {  	v9 =	vld [tilespmem:s20+$0x60]  }
0x112: {  	v11 =	vld [tilespmem:s20+$0x50]  }
0x113: {  	v12 =	vld [tilespmem:s20+$0x10]  }
0x114: {  	v10 =	vld [tilespmem:s20+$0x20]  }
0x115: {  	v13 =	vld [tilespmem:s20+$0x0]  }
0x116: {  	v14 =	vld [tilespmem:s20+$0x70]  }
0x117: {  	s23 =	simm.s32 $0x70E0;
	v15 =	vld [tilespmem:s20+$0x40]  }
0x118: {  	v16 =	vld [tilespmem:s23+$0xFFFFFFC0]  }
0x119: {  	v17 =	vld [tilespmem:s23+$0xFFFFFF90]  }
0x11a: {  	v18 =	vld [tilespmem:s23+$0xFFFFFFF0]  }
0x11b: {  	v19 =	vld [tilespmem:s23+$0xFFFFFF80]  }
0x11c: {  	v20 =	vld [tilespmem:s23+$0xFFFFFFA0]  }
0x11d: {  	v22 =	vld [tilespmem:s23+$0xFFFFFFE0]  }
0x11e: {  	v23 =	vld [tilespmem:s23+$0xFFFFFFB0]  }
0x11f: {  	v21 =	vld [tilespmem:s23+$0xFFFFFFD0]  }
0x120: {  	v16 =	vadd.f32 v16, v15;
	v18 =	vadd.f32 v18, v14  }
0x121: {  	v19 =	vadd.f32 v19, v13;
	v20 =	vadd.f32 v20, v10  }
0x122: {  	v17 =	vadd.f32 v17, v12;
	v22 =	vadd.f32 v22, v9;
	v24 =	vmul.f32 $2.000000030e-01, v16  }
0x123: {  	v23 =	vadd.f32 v23, v8;
	v25 =	vmul.f32 $2.000000030e-01, v18;
	v26 =	vmul.f32 $2.000000030e-01, v19  }
0x124: {  	v21 =	vadd.f32 v21, v11;
	v27 =	vmul.f32 $2.000000030e-01, v20;
	v43 =	vmul.f32 $2.000000030e-01, v17  }
0x125: {  	v44 =	vmul.f32 $2.000000030e-01, v22;
	v45 =	vmul.f32 $2.000000030e-01, v23  }
0x126: {  	v46 =	vmul.f32 $2.000000030e-01, v21;
	v16 =	vmax.f32 v16, v24;
	v20 =	vmax.f32 v20, v27  }
0x127: {  	v18 =	vmax.f32 v18, v25;
	v17 =	vmax.f32 v17, v43;
	v19 =	vmax.f32 v19, v26  }
0x128: {  	v22 =	vmax.f32 v22, v44;
	v16 =	vmul.f32 v16, v4;
	v20 =	vmul.f32 v20, v2  }
0x129: {  	v23 =	vmax.f32 v23, v45;
	v17 =	vmul.f32 v17, v1;
	v18 =	vmul.f32 v18, v7  }
0x12a: {  	v21 =	vmax.f32 v21, v46;
	v19 =	vmul.f32 v19, v0;
	v22 =	vmul.f32 v22, v6  }
0x12b: {  	v23 =	vmul.f32 v23, v3;
	v21 =	vmul.f32 v21, v5  }
0x12c: {  	v17 =	vadd.f32 v17, v19;
	v18 =	vadd.f32 v18, v22  }
0x12d: {  	v47 =	vadd.f32 v23, v20;
	v16 =	vadd.f32 v21, v16;
	_ =	sdelay $0x1  }
0x12e: {  	v17 =	vadd.f32 v47, v17;
	v16 =	vadd.f32 v18, v16;
	_ =	sdelay $0x1  }
0x12f: {  	v16 =	vadd.f32 v16, v17;
	_ =	sdelay $0x1  }
0x130: {  	(xrf2) =	vadd.scan.msk.f32 $0xffff, v16;
	_ =	sdelay $0x9  }
0x131: {  	v16, _, _ =	vpop (xrf2)  }
0x132: {  	v16 =	vmul.f32 $1.442695020e+00, v16;
	_ =	sdelay $0x1  }
0x133: {  	v16 =	vbroadcast v16, $0xF;
	_ =	sdelay $0x1  }
0x134: {  	(erf) = vpow2.f32 v16;
	_ =	sdelay $0x8  }
0x135: {  	v16 =	vpop (erf)  }
0x136: {  	v13 =	vmul.f32 v16, v13  }
0x137: {  	[tilespmem:s20+$0x80] =	vst v16;
	v10 =	vmul.f32 v16, v10  }
0x138: {  	v17 =	vmul.f32 v16, v8;
	[tilespmem:s20+$0x0] =	vst v13  }
0x139: {  	v8 =	vld [tilespmem:s20+$0xD0];
	v14 =	vmul.f32 v16, v14;
	[tilespmem:s20+$0x20] =	vst v10  }
0x13a: {  	v13 =	vmul.f32 v16, v15;
	[tilespmem:s20+$0x30] =	vst v17;
	v10 =	vld [tilespmem:s20+$0xC0]  }
0x13b: {  	v15 =	vmul.f32 v16, v9;
	v9 =	vld [tilespmem:s20+$0x100];
	[tilespmem:s20+$0x70] =	vst v14  }
0x13c: {  	v14 =	vld [tilespmem:s20+$0x90];
	[tilespmem:s20+$0x40] =	vst v13;
	v13 =	vmul.f32 v16, v12  }
0x13d: {  	v12 =	vld [tilespmem:s20+$0xB0];
	v16 =	vmul.f32 v16, v11;
	[tilespmem:s20+$0x60] =	vst v15  }
0x13e: {  	v11 =	vld [tilespmem:s20+$0xF0];
	[tilespmem:s20+$0x10] =	vst v13  }
0x13f: {  	[tilespmem:s20+$0x50] =	vst v16;
	v13 =	vld [tilespmem:s20+$0xA0]  }
0x140: {  	v15 =	vld [tilespmem:s23+$0x0]  }
0x141: {  	v16 =	vld [tilespmem:s23+$0x10]  }
0x142: {  	v17 =	vld [tilespmem:s23+$0x60]  }
0x143: {  	v48 =	vld [tilespmem:s23+$0x70]  }
0x144: {  	v49 =	vld [tilespmem:s23+$0x20]  }
0x145: {  	v50 =	vld [tilespmem:s23+$0x40]  }
0x146: {  	v52 =	vld [tilespmem:s23+$0x30];
	_ =	sdelay $0x1  }
0x147: {  	v53 =	vld [tilespmem:s23+$0x50];
	v51 =	vadd.f32 v15, v14;
	v16 =	vadd.f32 v16, v13  }
0x148: {  	v17 =	vadd.f32 v17, v11;
	v15 =	vld [tilespmem:s20+$0xE0];
	v18 =	vadd.f32 v48, v9  }
0x149: {  	v19 =	vadd.f32 v49, v12;
	v20 =	vadd.f32 v50, v8;
	v54 =	vmul.f32 $2.000000030e-01, v51  }
0x14a: {  	v22 =	vadd.f32 v52, v10;
	v55 =	vmul.f32 $2.000000030e-01, v16;
	v56 =	vmul.f32 $2.000000030e-01, v17  }
0x14b: {  	v57 =	vmul.f32 $2.000000030e-01, v18;
	v58 =	vmul.f32 $2.000000030e-01, v19  }
0x14c: {  	v59 =	vmul.f32 $2.000000030e-01, v22;
	v60 =	vmul.f32 $2.000000030e-01, v20;
	v21 =	vmax.f32 v51, v54  }
0x14d: {  	v16 =	vmax.f32 v16, v55;
	v17 =	vmax.f32 v17, v56;
	v23 =	vadd.f32 v53, v15  }
0x14e: {  	v18 =	vmax.f32 v18, v57;
	v22 =	vmax.f32 v22, v59;
	v16 =	vmul.f32 v16, v1  }
0x14f: {  	v19 =	vmax.f32 v19, v58;
	v17 =	vmul.f32 v17, v6;
	v61 =	vmul.f32 $2.000000030e-01, v23  }
0x150: {  	v20 =	vmax.f32 v20, v60;
	v21 =	vmul.f32 v21, v0;
	v18 =	vmul.f32 v18, v7  }
0x151: {  	v22 =	vmul.f32 v22, v3;
	v19 =	vmul.f32 v19, v2;
	v23 =	vmax.f32 v23, v61  }
0x152: {  	v20 =	vmul.f32 v20, v4;
	v23 =	vmul.f32 v23, v5  }
0x153: {  	v16 =	vadd.f32 v16, v21;
	v17 =	vadd.f32 v18, v17  }
0x154: {  	v62 =	vadd.f32 v22, v19;
	v63 =	vadd.f32 v23, v20;
	_ =	sdelay $0x1  }
0x155: {  	v16 =	vadd.f32 v62, v16;
	v17 =	vadd.f32 v17, v63;
	_ =	sdelay $0x1  }
0x156: {  	v16 =	vadd.f32 v17, v16;
	_ =	sdelay $0x1  }
0x157: {  	s31 =	simm.s32 $0x28;
	s24 =	simm.s32 $0x18E0;
	(xrf2) =	vadd.scan.msk.f32 $0xffff, v16  }
.LBB2_5:
0x158: {  	_ =	sdelay $0x6  }
0x159: {  	s31 =	sadd.s32 $0x2, s31;
	s23 =	sadd.s32 $0x100, s23;
	s20 =	sadd.s32 $0x120, s20  }
0x15a: {  	p0 =	slt.u32 s31, $0x4E  }
0x15b: {  	v16, _, _ =	vpop (xrf2)  }
0x15c: {  	v16 =	vmul.f32 $1.442695020e+00, v16;
	_ =	sdelay $0x1  }
0x15d: {  	v16 =	vbroadcast v16, $0xF;
	_ =	sdelay $0x1  }
0x15e: {  	(erf) = vpow2.f32 v16;
	_ =	sdelay $0x8  }
0x15f: {  	v16 =	vpop (erf)  }
0x160: {  	v14 =	vmul.f32 v16, v14;
	v13 =	vmul.f32 v16, v13;
	[tilespmem:s24+$0x110] =	vst v16  }
0x161: {  	v12 =	vmul.f32 v16, v12;
	v17 =	vmul.f32 v16, v10  }
0x162: {  	v15 =	vmul.f32 v16, v15;
	v10 =	vld [tilespmem:s20+$0x30];
	[tilespmem:s24+$0x90] =	vst v14;
	v14 =	vmul.f32 v16, v8  }
0x163: {  	v11 =	vmul.f32 v16, v11;
	v16 =	vmul.f32 v16, v9;
	v8 =	vld [tilespmem:s20+$0x60];
	[tilespmem:s24+$0xC0] =	vst v17  }
0x164: {  	v9 =	vld [tilespmem:s20+$0x50];
	[tilespmem:s24+$0xD0] =	vst v14  }
0x165: {  	v14 =	vld [tilespmem:s20+$0x10];
	[tilespmem:s24+$0xE0] =	vst v15  }
0x166: {  	v15 =	vld [tilespmem:s20+$0x20];
	[tilespmem:s24+$0x100] =	vst v16  }
0x167: {  	v16 =	vld [tilespmem:s20+$0x0];
	[tilespmem:s24+$0xF0] =	vst v11  }
0x168: {  	v11 =	vld [tilespmem:s20+$0x70];
	[tilespmem:s24+$0xA0] =	vst v13  }
0x169: {  	v13 =	vld [tilespmem:s20+$0x40];
	[tilespmem:s24+$0xB0] =	vst v12;
	s24 =	smov.u32 s20  }
0x16a: {  	v12 =	vld [tilespmem:s23+$0xFFFFFFC0]  }
0x16b: {  	v17 =	vld [tilespmem:s23+$0xFFFFFF90]  }
0x16c: {  	v18 =	vld [tilespmem:s23+$0xFFFFFFF0]  }
0x16d: {  	v19 =	vld [tilespmem:s23+$0xFFFFFF80]  }
0x16e: {  	v20 =	vld [tilespmem:s23+$0xFFFFFFA0]  }
0x16f: {  	v21 =	vld [tilespmem:s23+$0xFFFFFFD0]  }
0x170: {  	v22 =	vld [tilespmem:s23+$0xFFFFFFE0]  }
0x171: {  	v12 =	vadd.f32 v12, v13;
	v23 =	vld [tilespmem:s23+$0xFFFFFFB0];
	v18 =	vadd.f32 v18, v11  }
0x172: {  	v19 =	vadd.f32 v19, v16  }
0x173: {  	v24 =	vmul.f32 $2.000000030e-01, v12;
	v20 =	vadd.f32 v20, v15;
	v25 =	vmul.f32 $2.000000030e-01, v18  }
0x174: {  	v17 =	vadd.f32 v17, v14;
	v26 =	vmul.f32 $2.000000030e-01, v19;
	v21 =	vadd.f32 v21, v9  }
0x175: {  	v12 =	vmax.f32 v12, v24;
	v27 =	vmul.f32 $2.000000030e-01, v20;
	v22 =	vadd.f32 v22, v8  }
0x176: {  	v24 =	vmul.f32 $2.000000030e-01, v17;
	v12 =	vmul.f32 v12, v4;
	v23 =	vadd.f32 v23, v10  }
0x177: {  	v18 =	vmax.f32 v18, v25;
	v20 =	vmax.f32 v20, v27;
	v27 =	vmul.f32 $2.000000030e-01, v22  }
0x178: {  	v17 =	vmax.f32 v17, v24;
	v20 =	vmul.f32 v20, v2;
	v24 =	vmul.f32 $2.000000030e-01, v23  }
0x179: {  	v19 =	vmax.f32 v19, v26;
	v17 =	vmul.f32 v17, v1;
	v22 =	vmax.f32 v22, v27  }
0x17a: {  	v18 =	vmul.f32 v18, v7;
	v23 =	vmax.f32 v23, v24;
	v24 =	vmul.f32 $2.000000030e-01, v21  }
0x17b: {  	v19 =	vmul.f32 v19, v0;
	v22 =	vmul.f32 v22, v6  }
0x17c: {  	v23 =	vmul.f32 v23, v3;
	v21 =	vmax.f32 v21, v24  }
0x17d: {  	v17 =	vadd.f32 v17, v19;
	v18 =	vadd.f32 v18, v22;
	v21 =	vmul.f32 v21, v5  }
0x17e: {  	v19 =	vadd.f32 v23, v20  }
0x17f: {  	v12 =	vadd.f32 v21, v12  }
0x180: {  	v17 =	vadd.f32 v19, v17  }
0x181: {  	v12 =	vadd.f32 v18, v12;
	_ =	sdelay $0x1  }
0x182: {  	v12 =	vadd.f32 v12, v17;
	_ =	sdelay $0x1  }
0x183: {  	(xrf2) =	vadd.scan.msk.f32 $0xffff, v12;
	_ =	sdelay $0x9  }
0x184: {  	v12, _, _ =	vpop (xrf2)  }
0x185: {  	v12 =	vmul.f32 $1.442695020e+00, v12;
	_ =	sdelay $0x1  }
0x186: {  	v12 =	vbroadcast v12, $0xF;
	_ =	sdelay $0x1  }
0x187: {  	(erf) = vpow2.f32 v12;
	_ =	sdelay $0x8  }
0x188: {  	v12 =	vpop (erf)  }
0x189: {  	v16 =	vmul.f32 v12, v16;
	v14 =	vmul.f32 v12, v14;
	[tilespmem:s20+$0x80] =	vst v12  }
0x18a: {  	v15 =	vmul.f32 v12, v15;
	v10 =	vmul.f32 v12, v10  }
0x18b: {  	v13 =	vmul.f32 v12, v13;
	v11 =	vmul.f32 v12, v11;
	[tilespmem:s20+$0x0] =	vst v16  }
0x18c: {  	v16 =	vmul.f32 v12, v8;
	[tilespmem:s20+$0x20] =	vst v15;
	v15 =	vmul.f32 v12, v9;
	v8 =	vld [tilespmem:s20+$0xD0]  }
0x18d: {  	[tilespmem:s20+$0x30] =	vst v10;
	v10 =	vld [tilespmem:s20+$0xC0]  }
0x18e: {  	[tilespmem:s20+$0x40] =	vst v13;
	v9 =	vld [tilespmem:s20+$0x100]  }
0x18f: {  	[tilespmem:s20+$0x70] =	vst v11;
	v12 =	vld [tilespmem:s20+$0xB0]  }
0x190: {  	[tilespmem:s20+$0x10] =	vst v14;
	v11 =	vld [tilespmem:s20+$0xF0]  }
0x191: {  	[tilespmem:s20+$0x60] =	vst v16;
	v14 =	vld [tilespmem:s20+$0x90]  }
0x192: {  	[tilespmem:s20+$0x50] =	vst v15;
	v13 =	vld [tilespmem:s20+$0xA0]  }
0x193: {  	v15 =	vld [tilespmem:s23+$0x0]  }
0x194: {  	v16 =	vld [tilespmem:s23+$0x10]  }
0x195: {  	v17 =	vld [tilespmem:s23+$0x60]  }
0x196: {  	v18 =	vld [tilespmem:s23+$0x70]  }
0x197: {  	v19 =	vld [tilespmem:s23+$0x20]  }
0x198: {  	v20 =	vadd.f32 v15, v14;
	v21 =	vld [tilespmem:s23+$0x40]  }
0x199: {  	v16 =	vadd.f32 v16, v13;
	v22 =	vld [tilespmem:s23+$0x30]  }
0x19a: {  	v23 =	vmul.f32 $2.000000030e-01, v20;
	v24 =	vld [tilespmem:s23+$0x50];
	v17 =	vadd.f32 v17, v11  }
0x19b: {  	v15 =	vld [tilespmem:s20+$0xE0];
	v25 =	vmul.f32 $2.000000030e-01, v16;
	v18 =	vadd.f32 v18, v9  }
0x19c: {  	v20 =	vmax.f32 v20, v23;
	v19 =	vadd.f32 v19, v12;
	v23 =	vmul.f32 $2.000000030e-01, v17  }
0x19d: {  	v16 =	vmax.f32 v16, v25;
	v21 =	vadd.f32 v21, v8;
	v25 =	vmul.f32 $2.000000030e-01, v18  }
0x19e: {  	v16 =	vmul.f32 v16, v1;
	v22 =	vadd.f32 v22, v10;
	v17 =	vmax.f32 v17, v23  }
0x19f: {  	v23 =	vmul.f32 $2.000000030e-01, v19;
	v17 =	vmul.f32 v17, v6;
	v18 =	vmax.f32 v18, v25  }
0x1a0: {  	v25 =	vmul.f32 $2.000000030e-01, v22;
	v24 =	vadd.f32 v24, v15  }
0x1a1: {  	v20 =	vmul.f32 v20, v0;
	v19 =	vmax.f32 v19, v23;
	v23 =	vmul.f32 $2.000000030e-01, v21  }
0x1a2: {  	v18 =	vmul.f32 v18, v7;
	v22 =	vmax.f32 v22, v25;
	v25 =	vmul.f32 $2.000000030e-01, v24  }
0x1a3: {  	v16 =	vadd.f32 v16, v20;
	v21 =	vmax.f32 v21, v23;
	v22 =	vmul.f32 v22, v3  }
0x1a4: {  	v19 =	vmul.f32 v19, v2;
	v17 =	vadd.f32 v18, v17;
	v20 =	vmax.f32 v24, v25  }
0x1a5: {  	v18 =	vmul.f32 v21, v4;
	v20 =	vmul.f32 v20, v5  }
0x1a6: {  	v19 =	vadd.f32 v22, v19  }
0x1a7: {  	v18 =	vadd.f32 v20, v18  }
0x1a8: {  	v16 =	vadd.f32 v19, v16  }
.Ltmp1:
0x1a9: {  	v17 =	vadd.f32 v17, v18;
	(pc) =	sbr.rel @p0 .LBB2_5-.Ltmp1, $3  }
0x1aa: {  	_ = 	snop  }
0x1ab: {  	v16 =	vadd.f32 v17, v16;
	_ =	sdelay $0x1  }
0x1ac: {  	(xrf2) =	vadd.scan.msk.f32 $0xffff, v16  }
0x1ad: {  	_ =	sdelay $0x8  }
0x1ae: {  	v16, _, _ =	vpop (xrf2)  }
0x1af: {  	v16 =	vmul.f32 $1.442695020e+00, v16;
	_ =	sdelay $0x1  }
0x1b0: {  	v16 =	vbroadcast v16, $0xF;
	_ =	sdelay $0x1  }
0x1b1: {  	(erf) = vpow2.f32 v16;
	_ =	sdelay $0x8  }
0x1b2: {  	v16 =	vpop (erf)  }
0x1b3: {  	v14 =	vmul.f32 v16, v14  }
0x1b4: {  	[tilespmem:s24+$0x110] =	vst v16;
	v10 =	vmul.f32 v16, v10  }
0x1b5: {  	v8 =	vmul.f32 v16, v8;
	[tilespmem:s24+$0x90] =	vst v14  }
0x1b6: {  	v9 =	vmul.f32 v16, v9;
	[tilespmem:s24+$0xC0] =	vst v10  }
0x1b7: {  	v14 =	vmul.f32 v16, v15;
	[tilespmem:s24+$0xD0] =	vst v8  }
0x1b8: {  	v8 =	vmul.f32 v16, v11;
	[tilespmem:s24+$0x100] =	vst v9  }
0x1b9: {  	v10 =	vmul.f32 v16, v13;
	[tilespmem:s24+$0xE0] =	vst v14  }
0x1ba: {  	v9 =	vmul.f32 v16, v12;
	[tilespmem:s24+$0xF0] =	vst v8  }
0x1bb: {  	[tilespmem:s24+$0xA0] =	vst v10  }
0x1bc: {  	s20 =	smul.u32 $0xA0, s18;
	[tilespmem:s24+$0xB0] =	vst v9  }
0x1bd: {  	[spmem:s3] =	stream.indirect.scatter.add.f32 [tilespmem:s17], [sflag:$0x7], $0x90, s14, s29, $0xb8;
	[tilespmem:$0x1E3F0] =	vst v63  }
0x1be: {  	s12 =	simm.s32 $0x198;
	s24 =	sadd.s32 s20, s15  }
0x1bf: {  	[tilespmem:s0], [sflag:$0x6] =	stream.indirect.gather [hbm4b:s1+s29], $0x80, s12, s29, $0xb8;
	[tilespmem:$0x1E3F0] =	vst v63  }
0x1c0: {  	s12 =	sshrl.u32 s24, $0x3  }
0x1c1: {  	s23 =	sadd.s32 s7, s12  }
0x1c2: {  	[tilespmem:s21], [sflag:$0x1] =	stream.linear.gather [hbm4b:s23+s4], $0x50, $0x38;
	[tilespmem:$0x1E3F0] =	vst v63  }
0x1c3: {  	s12 =	sadd.s32 s8, s12  }
0x1c4: {  	[tilespmem:s22], [sflag:$0x1] =	stream.linear.gather [hbm4b:s12+s4], $0x50, $0x38;
	[tilespmem:$0x1E3F0] =	vst v63  }
0x1c5: {  	_ =	swait.ge [sflag:s25], $0x50  }
0x1c6: {  	[sflag:s25] =	ssyncset.done $0x0  }
0x1c7: {  	[sflag:s25] =	ssyncadd.s32 $0xFFFFFFB0  }
0x1c8: {  	_ =	swait.ge [sflag:s25], $0x50  }
0x1c9: {  	[sflag:s25] =	ssyncset.done $0x0  }
0x1ca: {  	[sflag:s25] =	ssyncadd.s32 $0xFFFFFFB0  }
0x1cb: {  	_ =	swait.ge [sflag:s10], $0x1680  }
0x1cc: {  	[sflag:s10] =	ssyncset.done $0x0  }
0x1cd: {  	[sflag:s10] =	ssyncadd.s32 $0xFFFFE980  }
0x1ce: {  	_ =	swait.ge [sflag:s10], $0x1680  }
0x1cf: {  	[sflag:s10] =	ssyncset.done $0x0  }
0x1d0: {  	[sflag:s10] =	ssyncadd.s32 $0xFFFFE980  }
0x1d1: {  	[tilespmem:s28], [sflag:$0x3] =	stream.indirect.gather [hbm4b:s6+s26], $0x90, s21, s26, $0xb8;
	[tilespmem:$0x1E3F0] =	vst v63  }
0x1d2: {  	_ =	swait.ge [sflag:s19], $0x2D00  }
0x1d3: {  	[sflag:s19] =	ssyncset.done $0x0  }
0x1d4: {  	[sflag:s19] =	ssyncadd.s32 $0xFFFFD300  }
0x1d5: {  	v8 =	vld [tilespmem:$0x170]  }
0x1d6: {  	v9 =	vld [tilespmem:$0x180]  }
0x1d7: {  	v11 =	vld [tilespmem:$0x198]  }
0x1d8: {  	v12 =	vld [tilespmem:$0x1A8]  }
0x1d9: {  	v10 =	vld [tilespmem:$0x188]  }
0x1da: {  	[tilespmem:$0x210] =	vst v8;
	v8 =	vld [tilespmem:$0x1B0]  }
0x1db: {  	[tilespmem:$0x220] =	vst v9  }
0x1dc: {  	[tilespmem:$0x238] =	vst v11  }
0x1dd: {  	[tilespmem:$0x248] =	vst v12  }
0x1de: {  	[tilespmem:$0x228] =	vst v10  }
0x1df: {  	[tilespmem:$0x250] =	vst v8  }
0x1e0: {  	_ =	swait.ge [sflag:s11], $0x1400  }
0x1e1: {  	[sflag:s11] =	ssyncset.done $0x0  }
0x1e2: {  	s23 =	simm.s32 $0x2FF0;
	[sflag:s11] =	ssyncadd.s32 $0xFFFFEC00  }
0x1e3: {  	v8 =	vld [tilespmem:s23+$0xFFFFFFA0]  }
0x1e4: {  	v9 =	vld [tilespmem:s23+$0xFFFFFFD0]  }
0x1e5: {  	v11 =	vld [tilespmem:s23+$0xFFFFFFC0]  }
0x1e6: {  	v12 =	vld [tilespmem:s23+$0xFFFFFF80]  }
0x1e7: {  	v10 =	vld [tilespmem:s23+$0xFFFFFF90]  }
0x1e8: {  	v13 =	vld [tilespmem:s23+$0xFFFFFF70]  }
0x1e9: {  	v14 =	vld [tilespmem:s23+$0xFFFFFFE0]  }
0x1ea: {  	s24 =	simm.s32 $0x5CE0;
	v15 =	vld [tilespmem:s23+$0xFFFFFFB0]  }
0x1eb: {  	v16 =	vld [tilespmem:s24+$0xFFFFFFC0]  }
0x1ec: {  	v17 =	vld [tilespmem:s24+$0xFFFFFF90]  }
0x1ed: {  	v18 =	vld [tilespmem:s24+$0xFFFFFFF0]  }
0x1ee: {  	v19 =	vld [tilespmem:s24+$0xFFFFFF80]  }
0x1ef: {  	v20 =	vld [tilespmem:s24+$0xFFFFFFA0]  }
0x1f0: {  	v22 =	vld [tilespmem:s24+$0xFFFFFFE0]  }
0x1f1: {  	v23 =	vld [tilespmem:s24+$0xFFFFFFB0]  }
0x1f2: {  	v21 =	vld [tilespmem:s24+$0xFFFFFFD0]  }
0x1f3: {  	v16 =	vadd.f32 v16, v15;
	v18 =	vadd.f32 v18, v14  }
0x1f4: {  	v19 =	vadd.f32 v19, v13;
	v20 =	vadd.f32 v20, v10  }
0x1f5: {  	v17 =	vadd.f32 v17, v12;
	v22 =	vadd.f32 v22, v9;
	v24 =	vmul.f32 $2.000000030e-01, v16  }
0x1f6: {  	v23 =	vadd.f32 v23, v8;
	v25 =	vmul.f32 $2.000000030e-01, v18;
	v26 =	vmul.f32 $2.000000030e-01, v19  }
0x1f7: {  	v21 =	vadd.f32 v21, v11;
	v27 =	vmul.f32 $2.000000030e-01, v20;
	v43 =	vmul.f32 $2.000000030e-01, v17  }
0x1f8: {  	v44 =	vmul.f32 $2.000000030e-01, v22;
	v45 =	vmul.f32 $2.000000030e-01, v23  }
0x1f9: {  	v46 =	vmul.f32 $2.000000030e-01, v21;
	v16 =	vmax.f32 v16, v24;
	v20 =	vmax.f32 v20, v27  }
0x1fa: {  	v18 =	vmax.f32 v18, v25;
	v17 =	vmax.f32 v17, v43;
	v19 =	vmax.f32 v19, v26  }
0x1fb: {  	v22 =	vmax.f32 v22, v44;
	v16 =	vmul.f32 v16, v4;
	v20 =	vmul.f32 v20, v2  }
0x1fc: {  	v23 =	vmax.f32 v23, v45;
	v17 =	vmul.f32 v17, v1;
	v18 =	vmul.f32 v18, v7  }
0x1fd: {  	v21 =	vmax.f32 v21, v46;
	v19 =	vmul.f32 v19, v0;
	v22 =	vmul.f32 v22, v6  }
0x1fe: {  	v23 =	vmul.f32 v23, v3;
	v21 =	vmul.f32 v21, v5  }
0x1ff: {  	v17 =	vadd.f32 v17, v19;
	v18 =	vadd.f32 v18, v22  }
0x200: {  	v47 =	vadd.f32 v23, v20;
	v16 =	vadd.f32 v21, v16;
	_ =	sdelay $0x1  }
0x201: {  	v17 =	vadd.f32 v47, v17;
	v16 =	vadd.f32 v18, v16;
	_ =	sdelay $0x1  }
0x202: {  	v16 =	vadd.f32 v16, v17;
	_ =	sdelay $0x1  }
0x203: {  	(xrf2) =	vadd.scan.msk.f32 $0xffff, v16;
	_ =	sdelay $0x9  }
0x204: {  	v16, _, _ =	vpop (xrf2)  }
0x205: {  	v16 =	vmul.f32 $1.442695020e+00, v16;
	_ =	sdelay $0x1  }
0x206: {  	v16 =	vbroadcast v16, $0xF;
	_ =	sdelay $0x1  }
0x207: {  	(erf) = vpow2.f32 v16;
	_ =	sdelay $0x8  }
0x208: {  	v16 =	vpop (erf)  }
0x209: {  	v13 =	vmul.f32 v16, v13  }
0x20a: {  	[tilespmem:s23+$0xFFFFFFF0] =	vst v16;
	v10 =	vmul.f32 v16, v10  }
0x20b: {  	v17 =	vmul.f32 v16, v8;
	[tilespmem:s23+$0xFFFFFF70] =	vst v13  }
0x20c: {  	v8 =	vld [tilespmem:s23+$0x40];
	v14 =	vmul.f32 v16, v14;
	[tilespmem:s23+$0xFFFFFF90] =	vst v10  }
0x20d: {  	v13 =	vmul.f32 v16, v15;
	[tilespmem:s23+$0xFFFFFFA0] =	vst v17;
	v10 =	vld [tilespmem:s23+$0x30]  }
0x20e: {  	v15 =	vmul.f32 v16, v9;
	v9 =	vld [tilespmem:s23+$0x70];
	[tilespmem:s23+$0xFFFFFFE0] =	vst v14  }
0x20f: {  	v14 =	vld [tilespmem:s23+$0x0];
	[tilespmem:s23+$0xFFFFFFB0] =	vst v13;
	v13 =	vmul.f32 v16, v12  }
0x210: {  	v12 =	vld [tilespmem:s23+$0x20];
	v16 =	vmul.f32 v16, v11;
	[tilespmem:s23+$0xFFFFFFD0] =	vst v15  }
0x211: {  	v11 =	vld [tilespmem:s23+$0x60];
	[tilespmem:s23+$0xFFFFFF80] =	vst v13  }
0x212: {  	[tilespmem:s23+$0xFFFFFFC0] =	vst v16;
	v13 =	vld [tilespmem:s23+$0x10]  }
0x213: {  	v15 =	vld [tilespmem:s24+$0x0]  }
0x214: {  	v16 =	vld [tilespmem:s24+$0x10]  }
0x215: {  	v17 =	vld [tilespmem:s24+$0x60]  }
0x216: {  	v48 =	vld [tilespmem:s24+$0x70]  }
0x217: {  	v49 =	vld [tilespmem:s24+$0x20]  }
0x218: {  	v50 =	vld [tilespmem:s24+$0x40]  }
0x219: {  	v52 =	vld [tilespmem:s24+$0x30];
	_ =	sdelay $0x1  }
0x21a: {  	v53 =	vld [tilespmem:s24+$0x50];
	v51 =	vadd.f32 v15, v14;
	v16 =	vadd.f32 v16, v13  }
0x21b: {  	v17 =	vadd.f32 v17, v11;
	v15 =	vld [tilespmem:s23+$0x50];
	v18 =	vadd.f32 v48, v9  }
0x21c: {  	v19 =	vadd.f32 v49, v12;
	v20 =	vadd.f32 v50, v8;
	v54 =	vmul.f32 $2.000000030e-01, v51  }
0x21d: {  	v22 =	vadd.f32 v52, v10;
	v55 =	vmul.f32 $2.000000030e-01, v16;
	v56 =	vmul.f32 $2.000000030e-01, v17  }
0x21e: {  	v57 =	vmul.f32 $2.000000030e-01, v18;
	v58 =	vmul.f32 $2.000000030e-01, v19  }
0x21f: {  	v59 =	vmul.f32 $2.000000030e-01, v22;
	v60 =	vmul.f32 $2.000000030e-01, v20;
	v21 =	vmax.f32 v51, v54  }
0x220: {  	v16 =	vmax.f32 v16, v55;
	v17 =	vmax.f32 v17, v56;
	v23 =	vadd.f32 v53, v15  }
0x221: {  	v18 =	vmax.f32 v18, v57;
	v22 =	vmax.f32 v22, v59;
	v16 =	vmul.f32 v16, v1  }
0x222: {  	v19 =	vmax.f32 v19, v58;
	v17 =	vmul.f32 v17, v6;
	v61 =	vmul.f32 $2.000000030e-01, v23  }
0x223: {  	v20 =	vmax.f32 v20, v60;
	v21 =	vmul.f32 v21, v0;
	v18 =	vmul.f32 v18, v7  }
0x224: {  	v22 =	vmul.f32 v22, v3;
	v19 =	vmul.f32 v19, v2;
	v23 =	vmax.f32 v23, v61  }
0x225: {  	v20 =	vmul.f32 v20, v4;
	v23 =	vmul.f32 v23, v5  }
0x226: {  	v16 =	vadd.f32 v16, v21;
	v17 =	vadd.f32 v18, v17  }
0x227: {  	v62 =	vadd.f32 v22, v19;
	v63 =	vadd.f32 v23, v20;
	_ =	sdelay $0x1  }
0x228: {  	v16 =	vadd.f32 v62, v16;
	v17 =	vadd.f32 v17, v63;
	_ =	sdelay $0x1  }
0x229: {  	v16 =	vadd.f32 v17, v16;
	_ =	sdelay $0x1  }
0x22a: {  	s31 =	simm.s32 $0x2FF0;
	s12 =	simm.s32 $0x0;
	(xrf2) =	vadd.scan.msk.f32 $0xffff, v16  }
.LBB2_7:
0x22b: {  	_ =	sdelay $0x6  }
0x22c: {  	s12 =	sadd.s32 $0x2, s12;
	s23 =	sadd.s32 $0x120, s23;
	s24 =	sadd.s32 $0x100, s24  }
0x22d: {  	p0 =	slt.u32 s12, $0x26  }
0x22e: {  	v16, _, _ =	vpop (xrf2)  }
0x22f: {  	v16 =	vmul.f32 $1.442695020e+00, v16;
	_ =	sdelay $0x1  }
0x230: {  	v16 =	vbroadcast v16, $0xF;
	_ =	sdelay $0x1  }
0x231: {  	(erf) = vpow2.f32 v16;
	_ =	sdelay $0x8  }
0x232: {  	v16 =	vpop (erf)  }
0x233: {  	v14 =	vmul.f32 v16, v14;
	v13 =	vmul.f32 v16, v13;
	[tilespmem:s31+$0x80] =	vst v16  }
0x234: {  	v12 =	vmul.f32 v16, v12;
	v17 =	vmul.f32 v16, v10  }
0x235: {  	v15 =	vmul.f32 v16, v15;
	v10 =	vld [tilespmem:s23+$0xFFFFFFA0];
	[tilespmem:s31+$0x0] =	vst v14;
	v14 =	vmul.f32 v16, v8  }
0x236: {  	v11 =	vmul.f32 v16, v11;
	v16 =	vmul.f32 v16, v9;
	v8 =	vld [tilespmem:s23+$0xFFFFFFD0];
	[tilespmem:s31+$0x30] =	vst v17  }
0x237: {  	v9 =	vld [tilespmem:s23+$0xFFFFFFC0];
	[tilespmem:s31+$0x40] =	vst v14  }
0x238: {  	v14 =	vld [tilespmem:s23+$0xFFFFFF80];
	[tilespmem:s31+$0x50] =	vst v15  }
0x239: {  	v15 =	vld [tilespmem:s23+$0xFFFFFF90];
	[tilespmem:s31+$0x70] =	vst v16  }
0x23a: {  	v16 =	vld [tilespmem:s23+$0xFFFFFF70];
	[tilespmem:s31+$0x60] =	vst v11  }
0x23b: {  	v11 =	vld [tilespmem:s23+$0xFFFFFFE0];
	[tilespmem:s31+$0x10] =	vst v13  }
0x23c: {  	v13 =	vld [tilespmem:s23+$0xFFFFFFB0];
	[tilespmem:s31+$0x20] =	vst v12;
	s31 =	smov.u32 s23  }
0x23d: {  	v12 =	vld [tilespmem:s24+$0xFFFFFFC0]  }
0x23e: {  	v17 =	vld [tilespmem:s24+$0xFFFFFF90]  }
0x23f: {  	v18 =	vld [tilespmem:s24+$0xFFFFFFF0]  }
0x240: {  	v19 =	vld [tilespmem:s24+$0xFFFFFF80]  }
0x241: {  	v20 =	vld [tilespmem:s24+$0xFFFFFFA0]  }
0x242: {  	v21 =	vld [tilespmem:s24+$0xFFFFFFD0]  }
0x243: {  	v22 =	vld [tilespmem:s24+$0xFFFFFFE0]  }
0x244: {  	v12 =	vadd.f32 v12, v13;
	v23 =	vld [tilespmem:s24+$0xFFFFFFB0];
	v18 =	vadd.f32 v18, v11  }
0x245: {  	v19 =	vadd.f32 v19, v16  }
0x246: {  	v24 =	vmul.f32 $2.000000030e-01, v12;
	v20 =	vadd.f32 v20, v15;
	v25 =	vmul.f32 $2.000000030e-01, v18  }
0x247: {  	v17 =	vadd.f32 v17, v14;
	v26 =	vmul.f32 $2.000000030e-01, v19;
	v21 =	vadd.f32 v21, v9  }
0x248: {  	v12 =	vmax.f32 v12, v24;
	v27 =	vmul.f32 $2.000000030e-01, v20;
	v22 =	vadd.f32 v22, v8  }
0x249: {  	v24 =	vmul.f32 $2.000000030e-01, v17;
	v12 =	vmul.f32 v12, v4;
	v23 =	vadd.f32 v23, v10  }
0x24a: {  	v18 =	vmax.f32 v18, v25;
	v20 =	vmax.f32 v20, v27;
	v27 =	vmul.f32 $2.000000030e-01, v22  }
0x24b: {  	v17 =	vmax.f32 v17, v24;
	v20 =	vmul.f32 v20, v2;
	v24 =	vmul.f32 $2.000000030e-01, v23  }
0x24c: {  	v19 =	vmax.f32 v19, v26;
	v17 =	vmul.f32 v17, v1;
	v22 =	vmax.f32 v22, v27  }
0x24d: {  	v18 =	vmul.f32 v18, v7;
	v23 =	vmax.f32 v23, v24;
	v24 =	vmul.f32 $2.000000030e-01, v21  }
0x24e: {  	v19 =	vmul.f32 v19, v0;
	v22 =	vmul.f32 v22, v6  }
0x24f: {  	v23 =	vmul.f32 v23, v3;
	v21 =	vmax.f32 v21, v24  }
0x250: {  	v17 =	vadd.f32 v17, v19;
	v18 =	vadd.f32 v18, v22;
	v21 =	vmul.f32 v21, v5  }
0x251: {  	v19 =	vadd.f32 v23, v20  }
0x252: {  	v12 =	vadd.f32 v21, v12  }
0x253: {  	v17 =	vadd.f32 v19, v17  }
0x254: {  	v12 =	vadd.f32 v18, v12;
	_ =	sdelay $0x1  }
0x255: {  	v12 =	vadd.f32 v12, v17;
	_ =	sdelay $0x1  }
0x256: {  	(xrf2) =	vadd.scan.msk.f32 $0xffff, v12;
	_ =	sdelay $0x9  }
0x257: {  	v12, _, _ =	vpop (xrf2)  }
0x258: {  	v12 =	vmul.f32 $1.442695020e+00, v12;
	_ =	sdelay $0x1  }
0x259: {  	v12 =	vbroadcast v12, $0xF;
	_ =	sdelay $0x1  }
0x25a: {  	(erf) = vpow2.f32 v12;
	_ =	sdelay $0x8  }
0x25b: {  	v12 =	vpop (erf)  }
0x25c: {  	v16 =	vmul.f32 v12, v16;
	v14 =	vmul.f32 v12, v14;
	[tilespmem:s23+$0xFFFFFFF0] =	vst v12  }
0x25d: {  	v15 =	vmul.f32 v12, v15;
	v10 =	vmul.f32 v12, v10  }
0x25e: {  	v13 =	vmul.f32 v12, v13;
	v11 =	vmul.f32 v12, v11;
	[tilespmem:s23+$0xFFFFFF70] =	vst v16  }
0x25f: {  	v16 =	vmul.f32 v12, v8;
	[tilespmem:s23+$0xFFFFFF90] =	vst v15;
	v15 =	vmul.f32 v12, v9;
	v8 =	vld [tilespmem:s23+$0x40]  }
0x260: {  	[tilespmem:s23+$0xFFFFFFA0] =	vst v10;
	v10 =	vld [tilespmem:s23+$0x30]  }
0x261: {  	[tilespmem:s23+$0xFFFFFFB0] =	vst v13;
	v9 =	vld [tilespmem:s23+$0x70]  }
0x262: {  	[tilespmem:s23+$0xFFFFFFE0] =	vst v11;
	v12 =	vld [tilespmem:s23+$0x20]  }
0x263: {  	[tilespmem:s23+$0xFFFFFF80] =	vst v14;
	v11 =	vld [tilespmem:s23+$0x60]  }
0x264: {  	[tilespmem:s23+$0xFFFFFFD0] =	vst v16;
	v14 =	vld [tilespmem:s23+$0x0]  }
0x265: {  	[tilespmem:s23+$0xFFFFFFC0] =	vst v15;
	v13 =	vld [tilespmem:s23+$0x10]  }
0x266: {  	v15 =	vld [tilespmem:s24+$0x0]  }
0x267: {  	v16 =	vld [tilespmem:s24+$0x10]  }
0x268: {  	v17 =	vld [tilespmem:s24+$0x60]  }
0x269: {  	v18 =	vld [tilespmem:s24+$0x70]  }
0x26a: {  	v19 =	vld [tilespmem:s24+$0x20]  }
0x26b: {  	v20 =	vadd.f32 v15, v14;
	v21 =	vld [tilespmem:s24+$0x40]  }
0x26c: {  	v16 =	vadd.f32 v16, v13;
	v22 =	vld [tilespmem:s24+$0x30]  }
0x26d: {  	v23 =	vmul.f32 $2.000000030e-01, v20;
	v24 =	vld [tilespmem:s24+$0x50];
	v17 =	vadd.f32 v17, v11  }
0x26e: {  	v15 =	vld [tilespmem:s23+$0x50];
	v25 =	vmul.f32 $2.000000030e-01, v16;
	v18 =	vadd.f32 v18, v9  }
0x26f: {  	v20 =	vmax.f32 v20, v23;
	v19 =	vadd.f32 v19, v12;
	v23 =	vmul.f32 $2.000000030e-01, v17  }
0x270: {  	v16 =	vmax.f32 v16, v25;
	v21 =	vadd.f32 v21, v8;
	v25 =	vmul.f32 $2.000000030e-01, v18  }
0x271: {  	v16 =	vmul.f32 v16, v1;
	v22 =	vadd.f32 v22, v10;
	v17 =	vmax.f32 v17, v23  }
0x272: {  	v23 =	vmul.f32 $2.000000030e-01, v19;
	v17 =	vmul.f32 v17, v6;
	v18 =	vmax.f32 v18, v25  }
0x273: {  	v25 =	vmul.f32 $2.000000030e-01, v22;
	v24 =	vadd.f32 v24, v15  }
0x274: {  	v20 =	vmul.f32 v20, v0;
	v19 =	vmax.f32 v19, v23;
	v23 =	vmul.f32 $2.000000030e-01, v21  }
0x275: {  	v18 =	vmul.f32 v18, v7;
	v22 =	vmax.f32 v22, v25;
	v25 =	vmul.f32 $2.000000030e-01, v24  }
0x276: {  	v16 =	vadd.f32 v16, v20;
	v21 =	vmax.f32 v21, v23;
	v22 =	vmul.f32 v22, v3  }
0x277: {  	v19 =	vmul.f32 v19, v2;
	v17 =	vadd.f32 v18, v17;
	v20 =	vmax.f32 v24, v25  }
0x278: {  	v18 =	vmul.f32 v21, v4;
	v20 =	vmul.f32 v20, v5  }
0x279: {  	v19 =	vadd.f32 v22, v19  }
0x27a: {  	v18 =	vadd.f32 v20, v18  }
0x27b: {  	v16 =	vadd.f32 v19, v16  }
.Ltmp2:
0x27c: {  	v17 =	vadd.f32 v17, v18;
	(pc) =	sbr.rel @p0 .LBB2_7-.Ltmp2, $3  }
0x27d: {  	_ = 	snop  }
0x27e: {  	v16 =	vadd.f32 v17, v16;
	_ =	sdelay $0x1  }
0x27f: {  	(xrf2) =	vadd.scan.msk.f32 $0xffff, v16  }
0x280: {  	_ =	sdelay $0x8  }
0x281: {  	v16, _, _ =	vpop (xrf2)  }
0x282: {  	v16 =	vmul.f32 $1.442695020e+00, v16;
	_ =	sdelay $0x1  }
0x283: {  	v16 =	vbroadcast v16, $0xF;
	_ =	sdelay $0x1  }
0x284: {  	(erf) = vpow2.f32 v16;
	_ =	sdelay $0x8  }
0x285: {  	v16 =	vpop (erf)  }
0x286: {  	v14 =	vmul.f32 v16, v14  }
0x287: {  	[tilespmem:s31+$0x80] =	vst v16;
	v10 =	vmul.f32 v16, v10  }
0x288: {  	v8 =	vmul.f32 v16, v8;
	[tilespmem:s31+$0x0] =	vst v14  }
0x289: {  	v9 =	vmul.f32 v16, v9;
	[tilespmem:s31+$0x30] =	vst v10  }
0x28a: {  	v14 =	vmul.f32 v16, v15;
	[tilespmem:s31+$0x40] =	vst v8  }
0x28b: {  	v8 =	vmul.f32 v16, v11;
	[tilespmem:s31+$0x70] =	vst v9  }
0x28c: {  	v10 =	vmul.f32 v16, v13;
	[tilespmem:s31+$0x50] =	vst v14  }
0x28d: {  	v9 =	vmul.f32 v16, v12;
	[tilespmem:s31+$0x60] =	vst v8  }
0x28e: {  	[tilespmem:s31+$0x10] =	vst v10  }
0x28f: {  	s12 =	simm.s32 $0x210;
	[tilespmem:s31+$0x20] =	vst v9  }
0x290: {  	[spmem:s3] =	stream.indirect.scatter.add.f32 [tilespmem:s2], [sflag:$0x8], $0x90, s12, s29, $0xb8;
	[tilespmem:$0x1E3F0] =	vst v63  }
0x291: {  	_ = 	snop  }
0x292: {  	[tilespmem:s30], [sflag:$0x5] =	stream.indirect.gather [hbm4b:s1+s29], $0x80, s22, s29, $0xb8;
	[tilespmem:$0x1E3F0] =	vst v63  }
0x293: {  	_ =	swait.ge [sflag:s13], $0x1400  }
0x294: {  	[sflag:s13] =	ssyncset.done $0x0  }
0x295: {  	s23 =	simm.s32 $0x45E0;
	[sflag:s13] =	ssyncadd.s32 $0xFFFFEC00  }
0x296: {  	v8 =	vld [tilespmem:s23+$0x30]  }
0x297: {  	v9 =	vld [tilespmem:s23+$0x60]  }
0x298: {  	v11 =	vld [tilespmem:s23+$0x50]  }
0x299: {  	v12 =	vld [tilespmem:s23+$0x10]  }
0x29a: {  	v10 =	vld [tilespmem:s23+$0x20]  }
0x29b: {  	v13 =	vld [tilespmem:s23+$0x0]  }
0x29c: {  	v14 =	vld [tilespmem:s23+$0x70]  }
0x29d: {  	s24 =	simm.s32 $0x70E0;
	v15 =	vld [tilespmem:s23+$0x40]  }
0x29e: {  	v16 =	vld [tilespmem:s24+$0xFFFFFFC0]  }
0x29f: {  	v17 =	vld [tilespmem:s24+$0xFFFFFF90]  }
0x2a0: {  	v18 =	vld [tilespmem:s24+$0xFFFFFFF0]  }
0x2a1: {  	v19 =	vld [tilespmem:s24+$0xFFFFFF80]  }
0x2a2: {  	v20 =	vld [tilespmem:s24+$0xFFFFFFA0]  }
0x2a3: {  	v22 =	vld [tilespmem:s24+$0xFFFFFFE0]  }
0x2a4: {  	v23 =	vld [tilespmem:s24+$0xFFFFFFB0]  }
0x2a5: {  	v21 =	vld [tilespmem:s24+$0xFFFFFFD0]  }
0x2a6: {  	v16 =	vadd.f32 v16, v15;
	v18 =	vadd.f32 v18, v14  }
0x2a7: {  	v19 =	vadd.f32 v19, v13;
	v20 =	vadd.f32 v20, v10  }
0x2a8: {  	v17 =	vadd.f32 v17, v12;
	v22 =	vadd.f32 v22, v9;
	v24 =	vmul.f32 $2.000000030e-01, v16  }
0x2a9: {  	v23 =	vadd.f32 v23, v8;
	v25 =	vmul.f32 $2.000000030e-01, v18;
	v26 =	vmul.f32 $2.000000030e-01, v19  }
0x2aa: {  	v21 =	vadd.f32 v21, v11;
	v27 =	vmul.f32 $2.000000030e-01, v20;
	v43 =	vmul.f32 $2.000000030e-01, v17  }
0x2ab: {  	v44 =	vmul.f32 $2.000000030e-01, v22;
	v45 =	vmul.f32 $2.000000030e-01, v23  }
0x2ac: {  	v46 =	vmul.f32 $2.000000030e-01, v21;
	v16 =	vmax.f32 v16, v24;
	v20 =	vmax.f32 v20, v27  }
0x2ad: {  	v18 =	vmax.f32 v18, v25;
	v17 =	vmax.f32 v17, v43;
	v19 =	vmax.f32 v19, v26  }
0x2ae: {  	v22 =	vmax.f32 v22, v44;
	v16 =	vmul.f32 v16, v4;
	v20 =	vmul.f32 v20, v2  }
0x2af: {  	v23 =	vmax.f32 v23, v45;
	v17 =	vmul.f32 v17, v1;
	v18 =	vmul.f32 v18, v7  }
0x2b0: {  	v21 =	vmax.f32 v21, v46;
	v19 =	vmul.f32 v19, v0;
	v22 =	vmul.f32 v22, v6  }
0x2b1: {  	v23 =	vmul.f32 v23, v3;
	v21 =	vmul.f32 v21, v5  }
0x2b2: {  	v17 =	vadd.f32 v17, v19;
	v18 =	vadd.f32 v18, v22  }
0x2b3: {  	v47 =	vadd.f32 v23, v20;
	v16 =	vadd.f32 v21, v16;
	_ =	sdelay $0x1  }
0x2b4: {  	v17 =	vadd.f32 v47, v17;
	v16 =	vadd.f32 v18, v16;
	_ =	sdelay $0x1  }
0x2b5: {  	v16 =	vadd.f32 v16, v17;
	_ =	sdelay $0x1  }
0x2b6: {  	(xrf2) =	vadd.scan.msk.f32 $0xffff, v16;
	_ =	sdelay $0x9  }
0x2b7: {  	v16, _, _ =	vpop (xrf2)  }
0x2b8: {  	v16 =	vmul.f32 $1.442695020e+00, v16;
	_ =	sdelay $0x1  }
0x2b9: {  	v16 =	vbroadcast v16, $0xF;
	_ =	sdelay $0x1  }
0x2ba: {  	(erf) = vpow2.f32 v16;
	_ =	sdelay $0x8  }
0x2bb: {  	v16 =	vpop (erf)  }
0x2bc: {  	v13 =	vmul.f32 v16, v13  }
0x2bd: {  	[tilespmem:s23+$0x80] =	vst v16;
	v10 =	vmul.f32 v16, v10  }
0x2be: {  	v17 =	vmul.f32 v16, v8;
	[tilespmem:s23+$0x0] =	vst v13  }
0x2bf: {  	v8 =	vld [tilespmem:s23+$0xD0];
	v14 =	vmul.f32 v16, v14;
	[tilespmem:s23+$0x20] =	vst v10  }
0x2c0: {  	v13 =	vmul.f32 v16, v15;
	[tilespmem:s23+$0x30] =	vst v17;
	v10 =	vld [tilespmem:s23+$0xC0]  }
0x2c1: {  	v15 =	vmul.f32 v16, v9;
	v9 =	vld [tilespmem:s23+$0x100];
	[tilespmem:s23+$0x70] =	vst v14  }
0x2c2: {  	v14 =	vld [tilespmem:s23+$0x90];
	[tilespmem:s23+$0x40] =	vst v13;
	v13 =	vmul.f32 v16, v12  }
0x2c3: {  	v12 =	vld [tilespmem:s23+$0xB0];
	v16 =	vmul.f32 v16, v11;
	[tilespmem:s23+$0x60] =	vst v15  }
0x2c4: {  	v11 =	vld [tilespmem:s23+$0xF0];
	[tilespmem:s23+$0x10] =	vst v13  }
0x2c5: {  	[tilespmem:s23+$0x50] =	vst v16;
	v13 =	vld [tilespmem:s23+$0xA0]  }
0x2c6: {  	v15 =	vld [tilespmem:s24+$0x0]  }
0x2c7: {  	v16 =	vld [tilespmem:s24+$0x10]  }
0x2c8: {  	v17 =	vld [tilespmem:s24+$0x60]  }
0x2c9: {  	v48 =	vld [tilespmem:s24+$0x70]  }
0x2ca: {  	v49 =	vld [tilespmem:s24+$0x20]  }
0x2cb: {  	v50 =	vld [tilespmem:s24+$0x40]  }
0x2cc: {  	v52 =	vld [tilespmem:s24+$0x30];
	_ =	sdelay $0x1  }
0x2cd: {  	v53 =	vld [tilespmem:s24+$0x50];
	v51 =	vadd.f32 v15, v14;
	v16 =	vadd.f32 v16, v13  }
0x2ce: {  	v17 =	vadd.f32 v17, v11;
	v15 =	vld [tilespmem:s23+$0xE0];
	v18 =	vadd.f32 v48, v9  }
0x2cf: {  	v19 =	vadd.f32 v49, v12;
	v20 =	vadd.f32 v50, v8;
	v54 =	vmul.f32 $2.000000030e-01, v51  }
0x2d0: {  	v22 =	vadd.f32 v52, v10;
	v55 =	vmul.f32 $2.000000030e-01, v16;
	v56 =	vmul.f32 $2.000000030e-01, v17  }
0x2d1: {  	v57 =	vmul.f32 $2.000000030e-01, v18;
	v58 =	vmul.f32 $2.000000030e-01, v19  }
0x2d2: {  	v59 =	vmul.f32 $2.000000030e-01, v22;
	v60 =	vmul.f32 $2.000000030e-01, v20;
	v21 =	vmax.f32 v51, v54  }
0x2d3: {  	v16 =	vmax.f32 v16, v55;
	v17 =	vmax.f32 v17, v56;
	v23 =	vadd.f32 v53, v15  }
0x2d4: {  	v18 =	vmax.f32 v18, v57;
	v22 =	vmax.f32 v22, v59;
	v16 =	vmul.f32 v16, v1  }
0x2d5: {  	v19 =	vmax.f32 v19, v58;
	v17 =	vmul.f32 v17, v6;
	v61 =	vmul.f32 $2.000000030e-01, v23  }
0x2d6: {  	v20 =	vmax.f32 v20, v60;
	v21 =	vmul.f32 v21, v0;
	v18 =	vmul.f32 v18, v7  }
0x2d7: {  	v22 =	vmul.f32 v22, v3;
	v19 =	vmul.f32 v19, v2;
	v23 =	vmax.f32 v23, v61  }
0x2d8: {  	v20 =	vmul.f32 v20, v4;
	v23 =	vmul.f32 v23, v5  }
0x2d9: {  	v16 =	vadd.f32 v16, v21;
	v17 =	vadd.f32 v18, v17  }
0x2da: {  	v62 =	vadd.f32 v22, v19;
	v63 =	vadd.f32 v23, v20;
	_ =	sdelay $0x1  }
0x2db: {  	v16 =	vadd.f32 v62, v16;
	v17 =	vadd.f32 v17, v63;
	_ =	sdelay $0x1  }
0x2dc: {  	v16 =	vadd.f32 v17, v16;
	_ =	sdelay $0x1  }
0x2dd: {  	s31 =	simm.s32 $0x45E0;
	s12 =	simm.s32 $0x28;
	(xrf2) =	vadd.scan.msk.f32 $0xffff, v16  }
.LBB2_9:
0x2de: {  	_ =	sdelay $0x6  }
0x2df: {  	s12 =	sadd.s32 $0x2, s12;
	s24 =	sadd.s32 $0x100, s24;
	s23 =	sadd.s32 $0x120, s23  }
0x2e0: {  	p0 =	slt.u32 s12, $0x4E  }
0x2e1: {  	v16, _, _ =	vpop (xrf2)  }
0x2e2: {  	v16 =	vmul.f32 $1.442695020e+00, v16;
	_ =	sdelay $0x1  }
0x2e3: {  	v16 =	vbroadcast v16, $0xF;
	_ =	sdelay $0x1  }
0x2e4: {  	(erf) = vpow2.f32 v16;
	_ =	sdelay $0x8  }
0x2e5: {  	v16 =	vpop (erf)  }
0x2e6: {  	v14 =	vmul.f32 v16, v14;
	v13 =	vmul.f32 v16, v13;
	[tilespmem:s31+$0x110] =	vst v16  }
0x2e7: {  	v12 =	vmul.f32 v16, v12;
	v17 =	vmul.f32 v16, v10  }
0x2e8: {  	v15 =	vmul.f32 v16, v15;
	v10 =	vld [tilespmem:s23+$0x30];
	[tilespmem:s31+$0x90] =	vst v14;
	v14 =	vmul.f32 v16, v8  }
0x2e9: {  	v11 =	vmul.f32 v16, v11;
	v16 =	vmul.f32 v16, v9;
	v8 =	vld [tilespmem:s23+$0x60];
	[tilespmem:s31+$0xC0] =	vst v17  }
0x2ea: {  	v9 =	vld [tilespmem:s23+$0x50];
	[tilespmem:s31+$0xD0] =	vst v14  }
0x2eb: {  	v14 =	vld [tilespmem:s23+$0x10];
	[tilespmem:s31+$0xE0] =	vst v15  }
0x2ec: {  	v15 =	vld [tilespmem:s23+$0x20];
	[tilespmem:s31+$0x100] =	vst v16  }
0x2ed: {  	v16 =	vld [tilespmem:s23+$0x0];
	[tilespmem:s31+$0xF0] =	vst v11  }
0x2ee: {  	v11 =	vld [tilespmem:s23+$0x70];
	[tilespmem:s31+$0xA0] =	vst v13  }
0x2ef: {  	v13 =	vld [tilespmem:s23+$0x40];
	[tilespmem:s31+$0xB0] =	vst v12;
	s31 =	smov.u32 s23  }
0x2f0: {  	v12 =	vld [tilespmem:s24+$0xFFFFFFC0]  }
0x2f1: {  	v17 =	vld [tilespmem:s24+$0xFFFFFF90]  }
0x2f2: {  	v18 =	vld [tilespmem:s24+$0xFFFFFFF0]  }
0x2f3: {  	v19 =	vld [tilespmem:s24+$0xFFFFFF80]  }
0x2f4: {  	v20 =	vld [tilespmem:s24+$0xFFFFFFA0]  }
0x2f5: {  	v21 =	vld [tilespmem:s24+$0xFFFFFFD0]  }
0x2f6: {  	v22 =	vld [tilespmem:s24+$0xFFFFFFE0]  }
0x2f7: {  	v12 =	vadd.f32 v12, v13;
	v23 =	vld [tilespmem:s24+$0xFFFFFFB0];
	v18 =	vadd.f32 v18, v11  }
0x2f8: {  	v19 =	vadd.f32 v19, v16  }
0x2f9: {  	v24 =	vmul.f32 $2.000000030e-01, v12;
	v20 =	vadd.f32 v20, v15;
	v25 =	vmul.f32 $2.000000030e-01, v18  }
0x2fa: {  	v17 =	vadd.f32 v17, v14;
	v26 =	vmul.f32 $2.000000030e-01, v19;
	v21 =	vadd.f32 v21, v9  }
0x2fb: {  	v12 =	vmax.f32 v12, v24;
	v27 =	vmul.f32 $2.000000030e-01, v20;
	v22 =	vadd.f32 v22, v8  }
0x2fc: {  	v24 =	vmul.f32 $2.000000030e-01, v17;
	v12 =	vmul.f32 v12, v4;
	v23 =	vadd.f32 v23, v10  }
0x2fd: {  	v18 =	vmax.f32 v18, v25;
	v20 =	vmax.f32 v20, v27;
	v27 =	vmul.f32 $2.000000030e-01, v22  }
0x2fe: {  	v17 =	vmax.f32 v17, v24;
	v20 =	vmul.f32 v20, v2;
	v24 =	vmul.f32 $2.000000030e-01, v23  }
0x2ff: {  	v19 =	vmax.f32 v19, v26;
	v17 =	vmul.f32 v17, v1;
	v22 =	vmax.f32 v22, v27  }
0x300: {  	v18 =	vmul.f32 v18, v7;
	v23 =	vmax.f32 v23, v24;
	v24 =	vmul.f32 $2.000000030e-01, v21  }
0x301: {  	v19 =	vmul.f32 v19, v0;
	v22 =	vmul.f32 v22, v6  }
0x302: {  	v23 =	vmul.f32 v23, v3;
	v21 =	vmax.f32 v21, v24  }
0x303: {  	v17 =	vadd.f32 v17, v19;
	v18 =	vadd.f32 v18, v22;
	v21 =	vmul.f32 v21, v5  }
0x304: {  	v19 =	vadd.f32 v23, v20  }
0x305: {  	v12 =	vadd.f32 v21, v12  }
0x306: {  	v17 =	vadd.f32 v19, v17  }
0x307: {  	v12 =	vadd.f32 v18, v12;
	_ =	sdelay $0x1  }
0x308: {  	v12 =	vadd.f32 v12, v17;
	_ =	sdelay $0x1  }
0x309: {  	(xrf2) =	vadd.scan.msk.f32 $0xffff, v12;
	_ =	sdelay $0x9  }
0x30a: {  	v12, _, _ =	vpop (xrf2)  }
0x30b: {  	v12 =	vmul.f32 $1.442695020e+00, v12;
	_ =	sdelay $0x1  }
0x30c: {  	v12 =	vbroadcast v12, $0xF;
	_ =	sdelay $0x1  }
0x30d: {  	(erf) = vpow2.f32 v12;
	_ =	sdelay $0x8  }
0x30e: {  	v12 =	vpop (erf)  }
0x30f: {  	v16 =	vmul.f32 v12, v16;
	v14 =	vmul.f32 v12, v14;
	[tilespmem:s23+$0x80] =	vst v12  }
0x310: {  	v15 =	vmul.f32 v12, v15;
	v10 =	vmul.f32 v12, v10  }
0x311: {  	v13 =	vmul.f32 v12, v13;
	v11 =	vmul.f32 v12, v11;
	[tilespmem:s23+$0x0] =	vst v16  }
0x312: {  	v16 =	vmul.f32 v12, v8;
	[tilespmem:s23+$0x20] =	vst v15;
	v15 =	vmul.f32 v12, v9;
	v8 =	vld [tilespmem:s23+$0xD0]  }
0x313: {  	[tilespmem:s23+$0x30] =	vst v10;
	v10 =	vld [tilespmem:s23+$0xC0]  }
0x314: {  	[tilespmem:s23+$0x40] =	vst v13;
	v9 =	vld [tilespmem:s23+$0x100]  }
0x315: {  	[tilespmem:s23+$0x70] =	vst v11;
	v12 =	vld [tilespmem:s23+$0xB0]  }
0x316: {  	[tilespmem:s23+$0x10] =	vst v14;
	v11 =	vld [tilespmem:s23+$0xF0]  }
0x317: {  	[tilespmem:s23+$0x60] =	vst v16;
	v14 =	vld [tilespmem:s23+$0x90]  }
0x318: {  	[tilespmem:s23+$0x50] =	vst v15;
	v13 =	vld [tilespmem:s23+$0xA0]  }
0x319: {  	v15 =	vld [tilespmem:s24+$0x0]  }
0x31a: {  	v16 =	vld [tilespmem:s24+$0x10]  }
0x31b: {  	v17 =	vld [tilespmem:s24+$0x60]  }
0x31c: {  	v18 =	vld [tilespmem:s24+$0x70]  }
0x31d: {  	v19 =	vld [tilespmem:s24+$0x20]  }
0x31e: {  	v20 =	vadd.f32 v15, v14;
	v21 =	vld [tilespmem:s24+$0x40]  }
0x31f: {  	v16 =	vadd.f32 v16, v13;
	v22 =	vld [tilespmem:s24+$0x30]  }
0x320: {  	v23 =	vmul.f32 $2.000000030e-01, v20;
	v24 =	vld [tilespmem:s24+$0x50];
	v17 =	vadd.f32 v17, v11  }
0x321: {  	v15 =	vld [tilespmem:s23+$0xE0];
	v25 =	vmul.f32 $2.000000030e-01, v16;
	v18 =	vadd.f32 v18, v9  }
0x322: {  	v20 =	vmax.f32 v20, v23;
	v19 =	vadd.f32 v19, v12;
	v23 =	vmul.f32 $2.000000030e-01, v17  }
0x323: {  	v16 =	vmax.f32 v16, v25;
	v21 =	vadd.f32 v21, v8;
	v25 =	vmul.f32 $2.000000030e-01, v18  }
0x324: {  	v16 =	vmul.f32 v16, v1;
	v22 =	vadd.f32 v22, v10;
	v17 =	vmax.f32 v17, v23  }
0x325: {  	v23 =	vmul.f32 $2.000000030e-01, v19;
	v17 =	vmul.f32 v17, v6;
	v18 =	vmax.f32 v18, v25  }
0x326: {  	v25 =	vmul.f32 $2.000000030e-01, v22;
	v24 =	vadd.f32 v24, v15  }
0x327: {  	v20 =	vmul.f32 v20, v0;
	v19 =	vmax.f32 v19, v23;
	v23 =	vmul.f32 $2.000000030e-01, v21  }
0x328: {  	v18 =	vmul.f32 v18, v7;
	v22 =	vmax.f32 v22, v25;
	v25 =	vmul.f32 $2.000000030e-01, v24  }
0x329: {  	v16 =	vadd.f32 v16, v20;
	v21 =	vmax.f32 v21, v23;
	v22 =	vmul.f32 v22, v3  }
0x32a: {  	v19 =	vmul.f32 v19, v2;
	v17 =	vadd.f32 v18, v17;
	v20 =	vmax.f32 v24, v25  }
0x32b: {  	v18 =	vmul.f32 v21, v4;
	v20 =	vmul.f32 v20, v5  }
0x32c: {  	v19 =	vadd.f32 v22, v19  }
0x32d: {  	v18 =	vadd.f32 v20, v18  }
0x32e: {  	v16 =	vadd.f32 v19, v16  }
.Ltmp3:
0x32f: {  	v17 =	vadd.f32 v17, v18;
	(pc) =	sbr.rel @p0 .LBB2_9-.Ltmp3, $3  }
0x330: {  	_ = 	snop  }
0x331: {  	v16 =	vadd.f32 v17, v16;
	_ =	sdelay $0x1  }
0x332: {  	(xrf2) =	vadd.scan.msk.f32 $0xffff, v16  }
0x333: {  	_ =	sdelay $0x8  }
0x334: {  	v16, _, _ =	vpop (xrf2)  }
0x335: {  	v16 =	vmul.f32 $1.442695020e+00, v16;
	_ =	sdelay $0x1  }
0x336: {  	v16 =	vbroadcast v16, $0xF;
	_ =	sdelay $0x1  }
0x337: {  	(erf) = vpow2.f32 v16;
	_ =	sdelay $0x8  }
0x338: {  	v16 =	vpop (erf)  }
0x339: {  	v14 =	vmul.f32 v16, v14  }
0x33a: {  	[tilespmem:s31+$0x110] =	vst v16;
	v10 =	vmul.f32 v16, v10  }
0x33b: {  	v8 =	vmul.f32 v16, v8;
	[tilespmem:s31+$0x90] =	vst v14  }
0x33c: {  	v61 =	vmul.f32 v16, v15;
	[tilespmem:s31+$0xC0] =	vst v10  }
0x33d: {  	v9 =	vmul.f32 v16, v9;
	[tilespmem:s31+$0xD0] =	vst v8  }
0x33e: {  	v62 =	vmul.f32 v16, v13;
	[tilespmem:s31+$0xE0] =	vst v61  }
0x33f: {  	v63 =	vmul.f32 v16, v12;
	[tilespmem:s31+$0x100] =	vst v9  }
0x340: {  	v8 =	vmul.f32 v16, v11;
	[tilespmem:s31+$0xA0] =	vst v62  }
0x341: {  	[tilespmem:s31+$0xB0] =	vst v63  }
0x342: {  	s12 =	simm.s32 $0x238;
	s23 =	simm.s32 $0x45E0;
	p0 =	sgt.u32 s18, $0x3C;
	[tilespmem:s31+$0xF0] =	vst v8  }
0x343: {  	[spmem:s3] =	stream.indirect.scatter.add.f32 [tilespmem:s23], [sflag:$0x8], $0x90, s12, s29, $0xb8;
	[tilespmem:$0x1E3F0] =	vst v63  }
0x344: {  	s12 =	sadd.s32 @!p0 s20, s16  }
0x345: {  	s31 =	simm.s32 $0x148;
	s12 =	sshrl.u32 @!p0 s12, $0x3  }
0x346: {  	[tilespmem:s0], [sflag:$0x6] =	stream.indirect.gather [hbm4b:s1+s29], $0x80, s31, s29, $0xb8;
	[tilespmem:$0x1E3F0] =	vst v63  }
0x347: {  	s24 =	simm.s32 @!p0 $0xD0;
	s23 =	simm.s32 @!p0 $0x0;
	s20 =	sadd.s32 @!p0 s7, s12  }
0x348: {  	[tilespmem:s24], [sflag:$0x2] =	stream.linear.gather @!p0 [hbm4b:s20+s23], $0x50, $0x38;
	[tilespmem:$0x1E3F0] =	vst v63  }
0x349: {  	s18 =	sadd.s32 $0x1, s18;
	s12 =	sadd.s32 @!p0 s8, s12;
	s20 =	simm.s32 @!p0 $0x170  }
0x34a: {  	[tilespmem:s20], [sflag:$0x2] =	stream.linear.gather @!p0 [hbm4b:s12+s23], $0x50, $0x38;
	[tilespmem:$0x1E3F0] =	vst v63  }
0x34b: {  	p0 =	sne.s32 s18, $0x3E  }
.Ltmp4:
0x34c: {  	_ = 	snop;
	(pc) =	sbr.rel @p0 .LBB2_2-.Ltmp4, $1  }
0x34d: {  	_ =	sdelay $0x3  }
0x34e: {  	s12 =	simm.s32 $0x8  }
0x34f: {  	_ =	swait.ge [sflag:s12], $0x1680  }
0x350: {  	[sflag:s12] =	ssyncset.done $0x0  }
0x351: {  	[sflag:s12] =	ssyncadd.s32 $0xFFFFE980  }
0x352: {  	_ =	swait.ge [sflag:s12], $0x1680  }
0x353: {  	[sflag:s12] =	ssyncset.done $0x0  }
0x354: {  	[sflag:s12] =	ssyncadd.s32 $0xFFFFE980  }
0x355: {  	_ =	swait.ge [sflag:s9], $0x2D00  }
0x356: {  	[sflag:s9] =	ssyncset.done $0x0  }
0x357: {  	[sflag:s9] =	ssyncadd.s32 $0xFFFFD300  }
0x358: {  	v8 =	vld [tilespmem:$0x120]  }
0x359: {  	v9 =	vld [tilespmem:$0x130]  }
0x35a: {  	v11 =	vld [tilespmem:$0x148]  }
0x35b: {  	v12 =	vld [tilespmem:$0x158]  }
0x35c: {  	v10 =	vld [tilespmem:$0x138]  }
0x35d: {  	[tilespmem:$0x1C0] =	vst v8;
	v8 =	vld [tilespmem:$0x160]  }
0x35e: {  	[tilespmem:$0x1D0] =	vst v9  }
0x35f: {  	[tilespmem:$0x1E8] =	vst v11  }
0x360: {  	[tilespmem:$0x1F8] =	vst v12  }
0x361: {  	[tilespmem:$0x1D8] =	vst v10  }
0x362: {  	[tilespmem:$0x200] =	vst v8  }
0x363: {  	_ =	swait.ge [sflag:s11], $0x1400  }
0x364: {  	[sflag:s11] =	ssyncset.done $0x0  }
0x365: {  	s18 =	simm.s32 $0x2F0;
	[sflag:s11] =	ssyncadd.s32 $0xFFFFEC00  }
0x366: {  	v8 =	vld [tilespmem:s18+$0xFFFFFFA0]  }
0x367: {  	v9 =	vld [tilespmem:s18+$0xFFFFFFD0]  }
0x368: {  	v11 =	vld [tilespmem:s18+$0xFFFFFFC0]  }
0x369: {  	v12 =	vld [tilespmem:s18+$0xFFFFFF80]  }
0x36a: {  	v10 =	vld [tilespmem:s18+$0xFFFFFF90]  }
0x36b: {  	v13 =	vld [tilespmem:s18+$0xFFFFFF70]  }
0x36c: {  	v14 =	vld [tilespmem:s18+$0xFFFFFFE0]  }
0x36d: {  	s20 =	simm.s32 $0x5CE0;
	v15 =	vld [tilespmem:s18+$0xFFFFFFB0]  }
0x36e: {  	v16 =	vld [tilespmem:s20+$0xFFFFFFC0]  }
0x36f: {  	v17 =	vld [tilespmem:s20+$0xFFFFFF90]  }
0x370: {  	v18 =	vld [tilespmem:s20+$0xFFFFFFF0]  }
0x371: {  	v19 =	vld [tilespmem:s20+$0xFFFFFF80]  }
0x372: {  	v20 =	vld [tilespmem:s20+$0xFFFFFFA0]  }
0x373: {  	v22 =	vld [tilespmem:s20+$0xFFFFFFE0]  }
0x374: {  	v23 =	vld [tilespmem:s20+$0xFFFFFFB0]  }
0x375: {  	v21 =	vld [tilespmem:s20+$0xFFFFFFD0]  }
0x376: {  	v16 =	vadd.f32 v16, v15;
	v18 =	vadd.f32 v18, v14  }
0x377: {  	v19 =	vadd.f32 v19, v13;
	v20 =	vadd.f32 v20, v10  }
0x378: {  	v17 =	vadd.f32 v17, v12;
	v22 =	vadd.f32 v22, v9;
	v24 =	vmul.f32 $2.000000030e-01, v16  }
0x379: {  	v23 =	vadd.f32 v23, v8;
	v25 =	vmul.f32 $2.000000030e-01, v18;
	v26 =	vmul.f32 $2.000000030e-01, v19  }
0x37a: {  	v21 =	vadd.f32 v21, v11;
	v27 =	vmul.f32 $2.000000030e-01, v20;
	v43 =	vmul.f32 $2.000000030e-01, v17  }
0x37b: {  	v44 =	vmul.f32 $2.000000030e-01, v22;
	v45 =	vmul.f32 $2.000000030e-01, v23  }
0x37c: {  	v46 =	vmul.f32 $2.000000030e-01, v21;
	v16 =	vmax.f32 v16, v24;
	v20 =	vmax.f32 v20, v27  }
0x37d: {  	v18 =	vmax.f32 v18, v25;
	v17 =	vmax.f32 v17, v43;
	v19 =	vmax.f32 v19, v26  }
0x37e: {  	v22 =	vmax.f32 v22, v44;
	v16 =	vmul.f32 v16, v4;
	v20 =	vmul.f32 v20, v2  }
0x37f: {  	v23 =	vmax.f32 v23, v45;
	v17 =	vmul.f32 v17, v1;
	v18 =	vmul.f32 v18, v7  }
0x380: {  	v21 =	vmax.f32 v21, v46;
	v19 =	vmul.f32 v19, v0;
	v22 =	vmul.f32 v22, v6  }
0x381: {  	v23 =	vmul.f32 v23, v3;
	v21 =	vmul.f32 v21, v5  }
0x382: {  	v17 =	vadd.f32 v17, v19;
	v18 =	vadd.f32 v18, v22  }
0x383: {  	v47 =	vadd.f32 v23, v20;
	v16 =	vadd.f32 v21, v16;
	_ =	sdelay $0x1  }
0x384: {  	v17 =	vadd.f32 v47, v17;
	v16 =	vadd.f32 v18, v16;
	_ =	sdelay $0x1  }
0x385: {  	v16 =	vadd.f32 v16, v17;
	_ =	sdelay $0x1  }
0x386: {  	(xrf2) =	vadd.scan.msk.f32 $0xffff, v16;
	_ =	sdelay $0x9  }
0x387: {  	v16, _, _ =	vpop (xrf2)  }
0x388: {  	v16 =	vmul.f32 $1.442695020e+00, v16;
	_ =	sdelay $0x1  }
0x389: {  	v16 =	vbroadcast v16, $0xF;
	_ =	sdelay $0x1  }
0x38a: {  	(erf) = vpow2.f32 v16;
	_ =	sdelay $0x8  }
0x38b: {  	v16 =	vpop (erf)  }
0x38c: {  	v13 =	vmul.f32 v16, v13  }
0x38d: {  	[tilespmem:s18+$0xFFFFFFF0] =	vst v16;
	v10 =	vmul.f32 v16, v10  }
0x38e: {  	v17 =	vmul.f32 v16, v8;
	[tilespmem:s18+$0xFFFFFF70] =	vst v13  }
0x38f: {  	v8 =	vld [tilespmem:s18+$0x40];
	v14 =	vmul.f32 v16, v14;
	[tilespmem:s18+$0xFFFFFF90] =	vst v10  }
0x390: {  	v13 =	vmul.f32 v16, v15;
	[tilespmem:s18+$0xFFFFFFA0] =	vst v17;
	v10 =	vld [tilespmem:s18+$0x30]  }
0x391: {  	v15 =	vmul.f32 v16, v9;
	v9 =	vld [tilespmem:s18+$0x70];
	[tilespmem:s18+$0xFFFFFFE0] =	vst v14  }
0x392: {  	v14 =	vld [tilespmem:s18+$0x0];
	[tilespmem:s18+$0xFFFFFFB0] =	vst v13;
	v13 =	vmul.f32 v16, v12  }
0x393: {  	v12 =	vld [tilespmem:s18+$0x20];
	v16 =	vmul.f32 v16, v11;
	[tilespmem:s18+$0xFFFFFFD0] =	vst v15  }
0x394: {  	v11 =	vld [tilespmem:s18+$0x60];
	[tilespmem:s18+$0xFFFFFF80] =	vst v13  }
0x395: {  	[tilespmem:s18+$0xFFFFFFC0] =	vst v16;
	v13 =	vld [tilespmem:s18+$0x10]  }
0x396: {  	v15 =	vld [tilespmem:s20+$0x0]  }
0x397: {  	v16 =	vld [tilespmem:s20+$0x10]  }
0x398: {  	v17 =	vld [tilespmem:s20+$0x60]  }
0x399: {  	v48 =	vld [tilespmem:s20+$0x70]  }
0x39a: {  	v49 =	vld [tilespmem:s20+$0x20]  }
0x39b: {  	v50 =	vld [tilespmem:s20+$0x40]  }
0x39c: {  	v52 =	vld [tilespmem:s20+$0x30];
	_ =	sdelay $0x1  }
0x39d: {  	v53 =	vld [tilespmem:s20+$0x50];
	v51 =	vadd.f32 v15, v14;
	v16 =	vadd.f32 v16, v13  }
0x39e: {  	v17 =	vadd.f32 v17, v11;
	v15 =	vld [tilespmem:s18+$0x50];
	v18 =	vadd.f32 v48, v9  }
0x39f: {  	v19 =	vadd.f32 v49, v12;
	v20 =	vadd.f32 v50, v8;
	v54 =	vmul.f32 $2.000000030e-01, v51  }
0x3a0: {  	v22 =	vadd.f32 v52, v10;
	v55 =	vmul.f32 $2.000000030e-01, v16;
	v56 =	vmul.f32 $2.000000030e-01, v17  }
0x3a1: {  	v57 =	vmul.f32 $2.000000030e-01, v18;
	v58 =	vmul.f32 $2.000000030e-01, v19  }
0x3a2: {  	v59 =	vmul.f32 $2.000000030e-01, v22;
	v60 =	vmul.f32 $2.000000030e-01, v20;
	v21 =	vmax.f32 v51, v54  }
0x3a3: {  	v16 =	vmax.f32 v16, v55;
	v17 =	vmax.f32 v17, v56;
	v23 =	vadd.f32 v53, v15  }
0x3a4: {  	v18 =	vmax.f32 v18, v57;
	v22 =	vmax.f32 v22, v59;
	v16 =	vmul.f32 v16, v1  }
0x3a5: {  	v19 =	vmax.f32 v19, v58;
	v17 =	vmul.f32 v17, v6;
	v61 =	vmul.f32 $2.000000030e-01, v23  }
0x3a6: {  	v20 =	vmax.f32 v20, v60;
	v21 =	vmul.f32 v21, v0;
	v18 =	vmul.f32 v18, v7  }
0x3a7: {  	v22 =	vmul.f32 v22, v3;
	v19 =	vmul.f32 v19, v2;
	v23 =	vmax.f32 v23, v61  }
0x3a8: {  	v20 =	vmul.f32 v20, v4;
	v23 =	vmul.f32 v23, v5  }
0x3a9: {  	v16 =	vadd.f32 v16, v21;
	v17 =	vadd.f32 v18, v17  }
0x3aa: {  	v62 =	vadd.f32 v22, v19;
	v63 =	vadd.f32 v23, v20;
	_ =	sdelay $0x1  }
0x3ab: {  	v16 =	vadd.f32 v62, v16;
	v17 =	vadd.f32 v17, v63;
	_ =	sdelay $0x1  }
0x3ac: {  	v16 =	vadd.f32 v17, v16;
	_ =	sdelay $0x1  }
0x3ad: {  	s23 =	simm.s32 $0x2F0;
	s12 =	simm.s32 $0x0;
	(xrf2) =	vadd.scan.msk.f32 $0xffff, v16  }
.LBB2_12:
0x3ae: {  	_ =	sdelay $0x6  }
0x3af: {  	s12 =	sadd.s32 $0x2, s12;
	s18 =	sadd.s32 $0x120, s18;
	s20 =	sadd.s32 $0x100, s20  }
0x3b0: {  	p0 =	slt.u32 s12, $0x26  }
0x3b1: {  	v16, _, _ =	vpop (xrf2)  }
0x3b2: {  	v16 =	vmul.f32 $1.442695020e+00, v16;
	_ =	sdelay $0x1  }
0x3b3: {  	v16 =	vbroadcast v16, $0xF;
	_ =	sdelay $0x1  }
0x3b4: {  	(erf) = vpow2.f32 v16;
	_ =	sdelay $0x8  }
0x3b5: {  	v16 =	vpop (erf)  }
0x3b6: {  	v14 =	vmul.f32 v16, v14;
	v13 =	vmul.f32 v16, v13;
	[tilespmem:s23+$0x80] =	vst v16  }
0x3b7: {  	v12 =	vmul.f32 v16, v12;
	v17 =	vmul.f32 v16, v10  }
0x3b8: {  	v15 =	vmul.f32 v16, v15;
	v10 =	vld [tilespmem:s18+$0xFFFFFFA0];
	[tilespmem:s23+$0x0] =	vst v14;
	v14 =	vmul.f32 v16, v8  }
0x3b9: {  	v11 =	vmul.f32 v16, v11;
	v16 =	vmul.f32 v16, v9;
	v8 =	vld [tilespmem:s18+$0xFFFFFFD0];
	[tilespmem:s23+$0x30] =	vst v17  }
0x3ba: {  	v9 =	vld [tilespmem:s18+$0xFFFFFFC0];
	[tilespmem:s23+$0x40] =	vst v14  }
0x3bb: {  	v14 =	vld [tilespmem:s18+$0xFFFFFF80];
	[tilespmem:s23+$0x50] =	vst v15  }
0x3bc: {  	v15 =	vld [tilespmem:s18+$0xFFFFFF90];
	[tilespmem:s23+$0x70] =	vst v16  }
0x3bd: {  	v16 =	vld [tilespmem:s18+$0xFFFFFF70];
	[tilespmem:s23+$0x60] =	vst v11  }
0x3be: {  	v11 =	vld [tilespmem:s18+$0xFFFFFFE0];
	[tilespmem:s23+$0x10] =	vst v13  }
0x3bf: {  	v13 =	vld [tilespmem:s18+$0xFFFFFFB0];
	[tilespmem:s23+$0x20] =	vst v12;
	s23 =	smov.u32 s18  }
0x3c0: {  	v12 =	vld [tilespmem:s20+$0xFFFFFFC0]  }
0x3c1: {  	v17 =	vld [tilespmem:s20+$0xFFFFFF90]  }
0x3c2: {  	v18 =	vld [tilespmem:s20+$0xFFFFFFF0]  }
0x3c3: {  	v19 =	vld [tilespmem:s20+$0xFFFFFF80]  }
0x3c4: {  	v20 =	vld [tilespmem:s20+$0xFFFFFFA0]  }
0x3c5: {  	v21 =	vld [tilespmem:s20+$0xFFFFFFD0]  }
0x3c6: {  	v22 =	vld [tilespmem:s20+$0xFFFFFFE0]  }
0x3c7: {  	v12 =	vadd.f32 v12, v13;
	v23 =	vld [tilespmem:s20+$0xFFFFFFB0];
	v18 =	vadd.f32 v18, v11  }
0x3c8: {  	v19 =	vadd.f32 v19, v16  }
0x3c9: {  	v24 =	vmul.f32 $2.000000030e-01, v12;
	v20 =	vadd.f32 v20, v15;
	v25 =	vmul.f32 $2.000000030e-01, v18  }
0x3ca: {  	v17 =	vadd.f32 v17, v14;
	v26 =	vmul.f32 $2.000000030e-01, v19;
	v21 =	vadd.f32 v21, v9  }
0x3cb: {  	v12 =	vmax.f32 v12, v24;
	v27 =	vmul.f32 $2.000000030e-01, v20;
	v22 =	vadd.f32 v22, v8  }
0x3cc: {  	v24 =	vmul.f32 $2.000000030e-01, v17;
	v12 =	vmul.f32 v12, v4;
	v23 =	vadd.f32 v23, v10  }
0x3cd: {  	v18 =	vmax.f32 v18, v25;
	v20 =	vmax.f32 v20, v27;
	v27 =	vmul.f32 $2.000000030e-01, v22  }
0x3ce: {  	v17 =	vmax.f32 v17, v24;
	v20 =	vmul.f32 v20, v2;
	v24 =	vmul.f32 $2.000000030e-01, v23  }
0x3cf: {  	v19 =	vmax.f32 v19, v26;
	v17 =	vmul.f32 v17, v1;
	v22 =	vmax.f32 v22, v27  }
0x3d0: {  	v18 =	vmul.f32 v18, v7;
	v23 =	vmax.f32 v23, v24;
	v24 =	vmul.f32 $2.000000030e-01, v21  }
0x3d1: {  	v19 =	vmul.f32 v19, v0;
	v22 =	vmul.f32 v22, v6  }
0x3d2: {  	v23 =	vmul.f32 v23, v3;
	v21 =	vmax.f32 v21, v24  }
0x3d3: {  	v17 =	vadd.f32 v17, v19;
	v18 =	vadd.f32 v18, v22;
	v21 =	vmul.f32 v21, v5  }
0x3d4: {  	v19 =	vadd.f32 v23, v20  }
0x3d5: {  	v12 =	vadd.f32 v21, v12  }
0x3d6: {  	v17 =	vadd.f32 v19, v17  }
0x3d7: {  	v12 =	vadd.f32 v18, v12;
	_ =	sdelay $0x1  }
0x3d8: {  	v12 =	vadd.f32 v12, v17;
	_ =	sdelay $0x1  }
0x3d9: {  	(xrf2) =	vadd.scan.msk.f32 $0xffff, v12;
	_ =	sdelay $0x9  }
0x3da: {  	v12, _, _ =	vpop (xrf2)  }
0x3db: {  	v12 =	vmul.f32 $1.442695020e+00, v12;
	_ =	sdelay $0x1  }
0x3dc: {  	v12 =	vbroadcast v12, $0xF;
	_ =	sdelay $0x1  }
0x3dd: {  	(erf) = vpow2.f32 v12;
	_ =	sdelay $0x8  }
0x3de: {  	v12 =	vpop (erf)  }
0x3df: {  	v16 =	vmul.f32 v12, v16;
	v14 =	vmul.f32 v12, v14;
	[tilespmem:s18+$0xFFFFFFF0] =	vst v12  }
0x3e0: {  	v15 =	vmul.f32 v12, v15;
	v10 =	vmul.f32 v12, v10  }
0x3e1: {  	v13 =	vmul.f32 v12, v13;
	v11 =	vmul.f32 v12, v11;
	[tilespmem:s18+$0xFFFFFF70] =	vst v16  }
0x3e2: {  	v16 =	vmul.f32 v12, v8;
	[tilespmem:s18+$0xFFFFFF90] =	vst v15;
	v15 =	vmul.f32 v12, v9;
	v8 =	vld [tilespmem:s18+$0x40]  }
0x3e3: {  	[tilespmem:s18+$0xFFFFFFA0] =	vst v10;
	v10 =	vld [tilespmem:s18+$0x30]  }
0x3e4: {  	[tilespmem:s18+$0xFFFFFFB0] =	vst v13;
	v9 =	vld [tilespmem:s18+$0x70]  }
0x3e5: {  	[tilespmem:s18+$0xFFFFFFE0] =	vst v11;
	v12 =	vld [tilespmem:s18+$0x20]  }
0x3e6: {  	[tilespmem:s18+$0xFFFFFF80] =	vst v14;
	v11 =	vld [tilespmem:s18+$0x60]  }
0x3e7: {  	[tilespmem:s18+$0xFFFFFFD0] =	vst v16;
	v14 =	vld [tilespmem:s18+$0x0]  }
0x3e8: {  	[tilespmem:s18+$0xFFFFFFC0] =	vst v15;
	v13 =	vld [tilespmem:s18+$0x10]  }
0x3e9: {  	v15 =	vld [tilespmem:s20+$0x0]  }
0x3ea: {  	v16 =	vld [tilespmem:s20+$0x10]  }
0x3eb: {  	v17 =	vld [tilespmem:s20+$0x60]  }
0x3ec: {  	v18 =	vld [tilespmem:s20+$0x70]  }
0x3ed: {  	v19 =	vld [tilespmem:s20+$0x20]  }
0x3ee: {  	v20 =	vadd.f32 v15, v14;
	v21 =	vld [tilespmem:s20+$0x40]  }
0x3ef: {  	v16 =	vadd.f32 v16, v13;
	v22 =	vld [tilespmem:s20+$0x30]  }
0x3f0: {  	v23 =	vmul.f32 $2.000000030e-01, v20;
	v24 =	vld [tilespmem:s20+$0x50];
	v17 =	vadd.f32 v17, v11  }
0x3f1: {  	v15 =	vld [tilespmem:s18+$0x50];
	v25 =	vmul.f32 $2.000000030e-01, v16;
	v18 =	vadd.f32 v18, v9  }
0x3f2: {  	v20 =	vmax.f32 v20, v23;
	v19 =	vadd.f32 v19, v12;
	v23 =	vmul.f32 $2.000000030e-01, v17  }
0x3f3: {  	v16 =	vmax.f32 v16, v25;
	v21 =	vadd.f32 v21, v8;
	v25 =	vmul.f32 $2.000000030e-01, v18  }
0x3f4: {  	v16 =	vmul.f32 v16, v1;
	v22 =	vadd.f32 v22, v10;
	v17 =	vmax.f32 v17, v23  }
0x3f5: {  	v23 =	vmul.f32 $2.000000030e-01, v19;
	v17 =	vmul.f32 v17, v6;
	v18 =	vmax.f32 v18, v25  }
0x3f6: {  	v25 =	vmul.f32 $2.000000030e-01, v22;
	v24 =	vadd.f32 v24, v15  }
0x3f7: {  	v20 =	vmul.f32 v20, v0;
	v19 =	vmax.f32 v19, v23;
	v23 =	vmul.f32 $2.000000030e-01, v21  }
0x3f8: {  	v18 =	vmul.f32 v18, v7;
	v22 =	vmax.f32 v22, v25;
	v25 =	vmul.f32 $2.000000030e-01, v24  }
0x3f9: {  	v16 =	vadd.f32 v16, v20;
	v21 =	vmax.f32 v21, v23;
	v22 =	vmul.f32 v22, v3  }
0x3fa: {  	v19 =	vmul.f32 v19, v2;
	v17 =	vadd.f32 v18, v17;
	v20 =	vmax.f32 v24, v25  }
0x3fb: {  	v18 =	vmul.f32 v21, v4;
	v20 =	vmul.f32 v20, v5  }
0x3fc: {  	v19 =	vadd.f32 v22, v19  }
0x3fd: {  	v18 =	vadd.f32 v20, v18  }
0x3fe: {  	v16 =	vadd.f32 v19, v16  }
.Ltmp5:
0x3ff: {  	v17 =	vadd.f32 v17, v18;
	(pc) =	sbr.rel @p0 .LBB2_12-.Ltmp5, $3  }
0x400: {  	_ = 	snop  }
0x401: {  	v16 =	vadd.f32 v17, v16;
	_ =	sdelay $0x1  }
0x402: {  	(xrf2) =	vadd.scan.msk.f32 $0xffff, v16  }
0x403: {  	_ =	sdelay $0x8  }
0x404: {  	v16, _, _ =	vpop (xrf2)  }
0x405: {  	v16 =	vmul.f32 $1.442695020e+00, v16;
	_ =	sdelay $0x1  }
0x406: {  	v16 =	vbroadcast v16, $0xF;
	_ =	sdelay $0x1  }
0x407: {  	(erf) = vpow2.f32 v16;
	_ =	sdelay $0x8  }
0x408: {  	v16 =	vpop (erf)  }
0x409: {  	v14 =	vmul.f32 v16, v14  }
0x40a: {  	[tilespmem:s23+$0x80] =	vst v16;
	v10 =	vmul.f32 v16, v10  }
0x40b: {  	v8 =	vmul.f32 v16, v8;
	[tilespmem:s23+$0x0] =	vst v14  }
0x40c: {  	v9 =	vmul.f32 v16, v9;
	[tilespmem:s23+$0x30] =	vst v10  }
0x40d: {  	v14 =	vmul.f32 v16, v15;
	[tilespmem:s23+$0x40] =	vst v8  }
0x40e: {  	v8 =	vmul.f32 v16, v11;
	[tilespmem:s23+$0x70] =	vst v9  }
0x40f: {  	v10 =	vmul.f32 v16, v13;
	[tilespmem:s23+$0x50] =	vst v14  }
0x410: {  	v9 =	vmul.f32 v16, v12;
	[tilespmem:s23+$0x60] =	vst v8  }
0x411: {  	[tilespmem:s23+$0x10] =	vst v10  }
0x412: {  	s12 =	simm.s32 $0x1C0;
	[tilespmem:s23+$0x20] =	vst v9  }
0x413: {  	[spmem:s3] =	stream.indirect.scatter.add.f32 [tilespmem:s28], [sflag:$0x7], $0x90, s12, s29, $0xb8;
	[tilespmem:$0x1E3F0] =	vst v63  }
0x414: {  	_ =	swait.ge [sflag:s13], $0x1400  }
0x415: {  	[sflag:s13] =	ssyncset.done $0x0  }
0x416: {  	s18 =	simm.s32 $0x18E0;
	[sflag:s13] =	ssyncadd.s32 $0xFFFFEC00  }
0x417: {  	v8 =	vld [tilespmem:s18+$0x30]  }
0x418: {  	v9 =	vld [tilespmem:s18+$0x60]  }
0x419: {  	v11 =	vld [tilespmem:s18+$0x50]  }
0x41a: {  	v12 =	vld [tilespmem:s18+$0x10]  }
0x41b: {  	v10 =	vld [tilespmem:s18+$0x20]  }
0x41c: {  	v13 =	vld [tilespmem:s18+$0x0]  }
0x41d: {  	v14 =	vld [tilespmem:s18+$0x70]  }
0x41e: {  	s20 =	simm.s32 $0x70E0;
	v15 =	vld [tilespmem:s18+$0x40]  }
0x41f: {  	v16 =	vld [tilespmem:s20+$0xFFFFFFC0]  }
0x420: {  	v17 =	vld [tilespmem:s20+$0xFFFFFF90]  }
0x421: {  	v18 =	vld [tilespmem:s20+$0xFFFFFFF0]  }
0x422: {  	v19 =	vld [tilespmem:s20+$0xFFFFFF80]  }
0x423: {  	v20 =	vld [tilespmem:s20+$0xFFFFFFA0]  }
0x424: {  	v22 =	vld [tilespmem:s20+$0xFFFFFFE0]  }
0x425: {  	v23 =	vld [tilespmem:s20+$0xFFFFFFB0]  }
0x426: {  	v21 =	vld [tilespmem:s20+$0xFFFFFFD0]  }
0x427: {  	v16 =	vadd.f32 v16, v15;
	v18 =	vadd.f32 v18, v14  }
0x428: {  	v19 =	vadd.f32 v19, v13;
	v20 =	vadd.f32 v20, v10  }
0x429: {  	v17 =	vadd.f32 v17, v12;
	v22 =	vadd.f32 v22, v9;
	v24 =	vmul.f32 $2.000000030e-01, v16  }
0x42a: {  	v23 =	vadd.f32 v23, v8;
	v25 =	vmul.f32 $2.000000030e-01, v18;
	v26 =	vmul.f32 $2.000000030e-01, v19  }
0x42b: {  	v21 =	vadd.f32 v21, v11;
	v27 =	vmul.f32 $2.000000030e-01, v20;
	v43 =	vmul.f32 $2.000000030e-01, v17  }
0x42c: {  	v44 =	vmul.f32 $2.000000030e-01, v22;
	v45 =	vmul.f32 $2.000000030e-01, v23  }
0x42d: {  	v46 =	vmul.f32 $2.000000030e-01, v21;
	v16 =	vmax.f32 v16, v24;
	v20 =	vmax.f32 v20, v27  }
0x42e: {  	v18 =	vmax.f32 v18, v25;
	v17 =	vmax.f32 v17, v43;
	v19 =	vmax.f32 v19, v26  }
0x42f: {  	v22 =	vmax.f32 v22, v44;
	v16 =	vmul.f32 v16, v4;
	v20 =	vmul.f32 v20, v2  }
0x430: {  	v23 =	vmax.f32 v23, v45;
	v17 =	vmul.f32 v17, v1;
	v18 =	vmul.f32 v18, v7  }
0x431: {  	v21 =	vmax.f32 v21, v46;
	v19 =	vmul.f32 v19, v0;
	v22 =	vmul.f32 v22, v6  }
0x432: {  	v23 =	vmul.f32 v23, v3;
	v21 =	vmul.f32 v21, v5  }
0x433: {  	v17 =	vadd.f32 v17, v19;
	v18 =	vadd.f32 v18, v22  }
0x434: {  	v47 =	vadd.f32 v23, v20;
	v16 =	vadd.f32 v21, v16;
	_ =	sdelay $0x1  }
0x435: {  	v17 =	vadd.f32 v47, v17;
	v16 =	vadd.f32 v18, v16;
	_ =	sdelay $0x1  }
0x436: {  	v16 =	vadd.f32 v16, v17;
	_ =	sdelay $0x1  }
0x437: {  	(xrf2) =	vadd.scan.msk.f32 $0xffff, v16;
	_ =	sdelay $0x9  }
0x438: {  	v16, _, _ =	vpop (xrf2)  }
0x439: {  	v16 =	vmul.f32 $1.442695020e+00, v16;
	_ =	sdelay $0x1  }
0x43a: {  	v16 =	vbroadcast v16, $0xF;
	_ =	sdelay $0x1  }
0x43b: {  	(erf) = vpow2.f32 v16;
	_ =	sdelay $0x8  }
0x43c: {  	v16 =	vpop (erf)  }
0x43d: {  	v13 =	vmul.f32 v16, v13  }
0x43e: {  	[tilespmem:s18+$0x80] =	vst v16;
	v10 =	vmul.f32 v16, v10  }
0x43f: {  	v17 =	vmul.f32 v16, v8;
	[tilespmem:s18+$0x0] =	vst v13  }
0x440: {  	v8 =	vld [tilespmem:s18+$0xD0];
	v14 =	vmul.f32 v16, v14;
	[tilespmem:s18+$0x20] =	vst v10  }
0x441: {  	v13 =	vmul.f32 v16, v15;
	[tilespmem:s18+$0x30] =	vst v17;
	v10 =	vld [tilespmem:s18+$0xC0]  }
0x442: {  	v15 =	vmul.f32 v16, v9;
	v9 =	vld [tilespmem:s18+$0x100];
	[tilespmem:s18+$0x70] =	vst v14  }
0x443: {  	v14 =	vld [tilespmem:s18+$0x90];
	[tilespmem:s18+$0x40] =	vst v13;
	v13 =	vmul.f32 v16, v12  }
0x444: {  	v12 =	vld [tilespmem:s18+$0xB0];
	v16 =	vmul.f32 v16, v11;
	[tilespmem:s18+$0x60] =	vst v15  }
0x445: {  	v11 =	vld [tilespmem:s18+$0xF0];
	[tilespmem:s18+$0x10] =	vst v13  }
0x446: {  	[tilespmem:s18+$0x50] =	vst v16;
	v13 =	vld [tilespmem:s18+$0xA0]  }
0x447: {  	v15 =	vld [tilespmem:s20+$0x0]  }
0x448: {  	v16 =	vld [tilespmem:s20+$0x10]  }
0x449: {  	v17 =	vld [tilespmem:s20+$0x60]  }
0x44a: {  	v48 =	vld [tilespmem:s20+$0x70]  }
0x44b: {  	v49 =	vld [tilespmem:s20+$0x20]  }
0x44c: {  	v50 =	vld [tilespmem:s20+$0x40]  }
0x44d: {  	v52 =	vld [tilespmem:s20+$0x30];
	_ =	sdelay $0x1  }
0x44e: {  	v53 =	vld [tilespmem:s20+$0x50];
	v51 =	vadd.f32 v15, v14;
	v16 =	vadd.f32 v16, v13  }
0x44f: {  	v17 =	vadd.f32 v17, v11;
	v15 =	vld [tilespmem:s18+$0xE0];
	v18 =	vadd.f32 v48, v9  }
0x450: {  	v19 =	vadd.f32 v49, v12;
	v20 =	vadd.f32 v50, v8;
	v54 =	vmul.f32 $2.000000030e-01, v51  }
0x451: {  	v22 =	vadd.f32 v52, v10;
	v55 =	vmul.f32 $2.000000030e-01, v16;
	v56 =	vmul.f32 $2.000000030e-01, v17  }
0x452: {  	v57 =	vmul.f32 $2.000000030e-01, v18;
	v58 =	vmul.f32 $2.000000030e-01, v19  }
0x453: {  	v59 =	vmul.f32 $2.000000030e-01, v22;
	v60 =	vmul.f32 $2.000000030e-01, v20;
	v21 =	vmax.f32 v51, v54  }
0x454: {  	v16 =	vmax.f32 v16, v55;
	v17 =	vmax.f32 v17, v56;
	v23 =	vadd.f32 v53, v15  }
0x455: {  	v18 =	vmax.f32 v18, v57;
	v22 =	vmax.f32 v22, v59;
	v16 =	vmul.f32 v16, v1  }
0x456: {  	v19 =	vmax.f32 v19, v58;
	v17 =	vmul.f32 v17, v6;
	v61 =	vmul.f32 $2.000000030e-01, v23  }
0x457: {  	v20 =	vmax.f32 v20, v60;
	v21 =	vmul.f32 v21, v0;
	v18 =	vmul.f32 v18, v7  }
0x458: {  	v22 =	vmul.f32 v22, v3;
	v19 =	vmul.f32 v19, v2;
	v23 =	vmax.f32 v23, v61  }
0x459: {  	v20 =	vmul.f32 v20, v4;
	v23 =	vmul.f32 v23, v5  }
0x45a: {  	v16 =	vadd.f32 v16, v21;
	v17 =	vadd.f32 v18, v17  }
0x45b: {  	v62 =	vadd.f32 v22, v19;
	v63 =	vadd.f32 v23, v20;
	_ =	sdelay $0x1  }
0x45c: {  	v16 =	vadd.f32 v62, v16;
	v17 =	vadd.f32 v17, v63;
	_ =	sdelay $0x1  }
0x45d: {  	v16 =	vadd.f32 v17, v16;
	_ =	sdelay $0x1  }
0x45e: {  	s23 =	simm.s32 $0x18E0;
	s12 =	simm.s32 $0x28;
	s24 =	rddreg [dreg:$0xf];
	(xrf2) =	vadd.scan.msk.f32 $0xffff, v16  }
.LBB2_14:
0x45f: {  	_ =	sdelay $0x6  }
0x460: {  	s12 =	sadd.s32 $0x2, s12;
	s20 =	sadd.s32 $0x100, s20;
	s18 =	sadd.s32 $0x120, s18  }
0x461: {  	p0 =	slt.u32 s12, $0x4E  }
0x462: {  	v16, _, _ =	vpop (xrf2)  }
0x463: {  	v16 =	vmul.f32 $1.442695020e+00, v16;
	_ =	sdelay $0x1  }
0x464: {  	v16 =	vbroadcast v16, $0xF;
	_ =	sdelay $0x1  }
0x465: {  	(erf) = vpow2.f32 v16;
	_ =	sdelay $0x8  }
0x466: {  	v16 =	vpop (erf)  }
0x467: {  	v14 =	vmul.f32 v16, v14;
	v13 =	vmul.f32 v16, v13;
	[tilespmem:s23+$0x110] =	vst v16  }
0x468: {  	v12 =	vmul.f32 v16, v12;
	v17 =	vmul.f32 v16, v10  }
0x469: {  	v15 =	vmul.f32 v16, v15;
	v10 =	vld [tilespmem:s18+$0x30];
	[tilespmem:s23+$0x90] =	vst v14;
	v14 =	vmul.f32 v16, v8  }
0x46a: {  	v11 =	vmul.f32 v16, v11;
	v16 =	vmul.f32 v16, v9;
	v8 =	vld [tilespmem:s18+$0x60];
	[tilespmem:s23+$0xC0] =	vst v17  }
0x46b: {  	v9 =	vld [tilespmem:s18+$0x50];
	[tilespmem:s23+$0xD0] =	vst v14  }
0x46c: {  	v14 =	vld [tilespmem:s18+$0x10];
	[tilespmem:s23+$0xE0] =	vst v15  }
0x46d: {  	v15 =	vld [tilespmem:s18+$0x20];
	[tilespmem:s23+$0x100] =	vst v16  }
0x46e: {  	v16 =	vld [tilespmem:s18+$0x0];
	[tilespmem:s23+$0xF0] =	vst v11  }
0x46f: {  	v11 =	vld [tilespmem:s18+$0x70];
	[tilespmem:s23+$0xA0] =	vst v13  }
0x470: {  	v13 =	vld [tilespmem:s18+$0x40];
	[tilespmem:s23+$0xB0] =	vst v12;
	s23 =	smov.u32 s18  }
0x471: {  	v12 =	vld [tilespmem:s20+$0xFFFFFFC0]  }
0x472: {  	v17 =	vld [tilespmem:s20+$0xFFFFFF90]  }
0x473: {  	v18 =	vld [tilespmem:s20+$0xFFFFFFF0]  }
0x474: {  	v19 =	vld [tilespmem:s20+$0xFFFFFF80]  }
0x475: {  	v20 =	vld [tilespmem:s20+$0xFFFFFFA0]  }
0x476: {  	v21 =	vld [tilespmem:s20+$0xFFFFFFD0]  }
0x477: {  	v22 =	vld [tilespmem:s20+$0xFFFFFFE0]  }
0x478: {  	v12 =	vadd.f32 v12, v13;
	v23 =	vld [tilespmem:s20+$0xFFFFFFB0];
	v18 =	vadd.f32 v18, v11  }
0x479: {  	v19 =	vadd.f32 v19, v16  }
0x47a: {  	v24 =	vmul.f32 $2.000000030e-01, v12;
	v20 =	vadd.f32 v20, v15;
	v25 =	vmul.f32 $2.000000030e-01, v18  }
0x47b: {  	v17 =	vadd.f32 v17, v14;
	v26 =	vmul.f32 $2.000000030e-01, v19;
	v21 =	vadd.f32 v21, v9  }
0x47c: {  	v12 =	vmax.f32 v12, v24;
	v27 =	vmul.f32 $2.000000030e-01, v20;
	v22 =	vadd.f32 v22, v8  }
0x47d: {  	v24 =	vmul.f32 $2.000000030e-01, v17;
	v12 =	vmul.f32 v12, v4;
	v23 =	vadd.f32 v23, v10  }
0x47e: {  	v18 =	vmax.f32 v18, v25;
	v20 =	vmax.f32 v20, v27;
	v27 =	vmul.f32 $2.000000030e-01, v22  }
0x47f: {  	v17 =	vmax.f32 v17, v24;
	v20 =	vmul.f32 v20, v2;
	v24 =	vmul.f32 $2.000000030e-01, v23  }
0x480: {  	v19 =	vmax.f32 v19, v26;
	v17 =	vmul.f32 v17, v1;
	v22 =	vmax.f32 v22, v27  }
0x481: {  	v18 =	vmul.f32 v18, v7;
	v23 =	vmax.f32 v23, v24;
	v24 =	vmul.f32 $2.000000030e-01, v21  }
0x482: {  	v19 =	vmul.f32 v19, v0;
	v22 =	vmul.f32 v22, v6  }
0x483: {  	v23 =	vmul.f32 v23, v3;
	v21 =	vmax.f32 v21, v24  }
0x484: {  	v17 =	vadd.f32 v17, v19;
	v18 =	vadd.f32 v18, v22;
	v21 =	vmul.f32 v21, v5  }
0x485: {  	v19 =	vadd.f32 v23, v20  }
0x486: {  	v12 =	vadd.f32 v21, v12  }
0x487: {  	v17 =	vadd.f32 v19, v17  }
0x488: {  	v12 =	vadd.f32 v18, v12;
	_ =	sdelay $0x1  }
0x489: {  	v12 =	vadd.f32 v12, v17;
	_ =	sdelay $0x1  }
0x48a: {  	(xrf2) =	vadd.scan.msk.f32 $0xffff, v12;
	_ =	sdelay $0x9  }
0x48b: {  	v12, _, _ =	vpop (xrf2)  }
0x48c: {  	v12 =	vmul.f32 $1.442695020e+00, v12;
	_ =	sdelay $0x1  }
0x48d: {  	v12 =	vbroadcast v12, $0xF;
	_ =	sdelay $0x1  }
0x48e: {  	(erf) = vpow2.f32 v12;
	_ =	sdelay $0x8  }
0x48f: {  	v12 =	vpop (erf)  }
0x490: {  	v16 =	vmul.f32 v12, v16;
	v14 =	vmul.f32 v12, v14;
	[tilespmem:s18+$0x80] =	vst v12  }
0x491: {  	v15 =	vmul.f32 v12, v15;
	v10 =	vmul.f32 v12, v10  }
0x492: {  	v13 =	vmul.f32 v12, v13;
	v11 =	vmul.f32 v12, v11;
	[tilespmem:s18+$0x0] =	vst v16  }
0x493: {  	v16 =	vmul.f32 v12, v8;
	[tilespmem:s18+$0x20] =	vst v15;
	v15 =	vmul.f32 v12, v9;
	v8 =	vld [tilespmem:s18+$0xD0]  }
0x494: {  	[tilespmem:s18+$0x30] =	vst v10;
	v10 =	vld [tilespmem:s18+$0xC0]  }
0x495: {  	[tilespmem:s18+$0x40] =	vst v13;
	v9 =	vld [tilespmem:s18+$0x100]  }
0x496: {  	[tilespmem:s18+$0x70] =	vst v11;
	v12 =	vld [tilespmem:s18+$0xB0]  }
0x497: {  	[tilespmem:s18+$0x10] =	vst v14;
	v11 =	vld [tilespmem:s18+$0xF0]  }
0x498: {  	[tilespmem:s18+$0x60] =	vst v16;
	v14 =	vld [tilespmem:s18+$0x90]  }
0x499: {  	[tilespmem:s18+$0x50] =	vst v15;
	v13 =	vld [tilespmem:s18+$0xA0]  }
0x49a: {  	v15 =	vld [tilespmem:s20+$0x0]  }
0x49b: {  	v16 =	vld [tilespmem:s20+$0x10]  }
0x49c: {  	v17 =	vld [tilespmem:s20+$0x60]  }
0x49d: {  	v18 =	vld [tilespmem:s20+$0x70]  }
0x49e: {  	v19 =	vld [tilespmem:s20+$0x20]  }
0x49f: {  	v20 =	vadd.f32 v15, v14;
	v21 =	vld [tilespmem:s20+$0x40]  }
0x4a0: {  	v16 =	vadd.f32 v16, v13;
	v22 =	vld [tilespmem:s20+$0x30]  }
0x4a1: {  	v23 =	vmul.f32 $2.000000030e-01, v20;
	v24 =	vld [tilespmem:s20+$0x50];
	v17 =	vadd.f32 v17, v11  }
0x4a2: {  	v15 =	vld [tilespmem:s18+$0xE0];
	v25 =	vmul.f32 $2.000000030e-01, v16;
	v18 =	vadd.f32 v18, v9  }
0x4a3: {  	v20 =	vmax.f32 v20, v23;
	v19 =	vadd.f32 v19, v12;
	v23 =	vmul.f32 $2.000000030e-01, v17  }
0x4a4: {  	v16 =	vmax.f32 v16, v25;
	v21 =	vadd.f32 v21, v8;
	v25 =	vmul.f32 $2.000000030e-01, v18  }
0x4a5: {  	v16 =	vmul.f32 v16, v1;
	v22 =	vadd.f32 v22, v10;
	v17 =	vmax.f32 v17, v23  }
0x4a6: {  	v23 =	vmul.f32 $2.000000030e-01, v19;
	v17 =	vmul.f32 v17, v6;
	v18 =	vmax.f32 v18, v25  }
0x4a7: {  	v25 =	vmul.f32 $2.000000030e-01, v22;
	v24 =	vadd.f32 v24, v15  }
0x4a8: {  	v20 =	vmul.f32 v20, v0;
	v19 =	vmax.f32 v19, v23;
	v23 =	vmul.f32 $2.000000030e-01, v21  }
0x4a9: {  	v18 =	vmul.f32 v18, v7;
	v22 =	vmax.f32 v22, v25;
	v25 =	vmul.f32 $2.000000030e-01, v24  }
0x4aa: {  	v16 =	vadd.f32 v16, v20;
	v21 =	vmax.f32 v21, v23;
	v22 =	vmul.f32 v22, v3  }
0x4ab: {  	v19 =	vmul.f32 v19, v2;
	v17 =	vadd.f32 v18, v17;
	v20 =	vmax.f32 v24, v25  }
0x4ac: {  	v18 =	vmul.f32 v21, v4;
	v20 =	vmul.f32 v20, v5  }
0x4ad: {  	v19 =	vadd.f32 v22, v19  }
0x4ae: {  	v18 =	vadd.f32 v20, v18  }
0x4af: {  	v16 =	vadd.f32 v19, v16  }
.Ltmp6:
0x4b0: {  	v17 =	vadd.f32 v17, v18;
	(pc) =	sbr.rel @p0 .LBB2_14-.Ltmp6, $3  }
0x4b1: {  	_ = 	snop  }
0x4b2: {  	v16 =	vadd.f32 v17, v16;
	_ =	sdelay $0x1  }
0x4b3: {  	(xrf2) =	vadd.scan.msk.f32 $0xffff, v16  }
0x4b4: {  	_ =	sdelay $0x8  }
0x4b5: {  	v0, _, _ =	vpop (xrf2)  }
0x4b6: {  	v0 =	vmul.f32 $1.442695020e+00, v0;
	_ =	sdelay $0x1  }
0x4b7: {  	v0 =	vbroadcast v0, $0xF;
	_ =	sdelay $0x1  }
0x4b8: {  	(erf) = vpow2.f32 v0;
	_ =	sdelay $0x8  }
0x4b9: {  	v0 =	vpop (erf)  }
0x4ba: {  	v1 =	vmul.f32 v0, v14  }
0x4bb: {  	[tilespmem:s23+$0x110] =	vst v0;
	v2 =	vmul.f32 v0, v10  }
0x4bc: {  	v60 =	vmul.f32 v0, v8;
	[tilespmem:s23+$0x90] =	vst v1  }
0x4bd: {  	v3 =	vmul.f32 v0, v15;
	[tilespmem:s23+$0xC0] =	vst v2  }
0x4be: {  	v61 =	vmul.f32 v0, v9;
	[tilespmem:s23+$0xD0] =	vst v60  }
0x4bf: {  	v62 =	vmul.f32 v0, v11;
	[tilespmem:s23+$0xE0] =	vst v3  }
0x4c0: {  	v63 =	vmul.f32 v0, v13;
	[tilespmem:s23+$0x100] =	vst v61  }
0x4c1: {  	v0 =	vmul.f32 v0, v12;
	[tilespmem:s23+$0xF0] =	vst v62  }
0x4c2: {  	[tilespmem:s23+$0xA0] =	vst v63  }
0x4c3: {  	[tilespmem:s23+$0xB0] =	vst v0  }
0x4c4: {  	[spmem:s3] =	stream.indirect.scatter.add.f32 [tilespmem:s17], [sflag:$0x7], $0x90, s14, s29, $0xb8;
	[tilespmem:$0x1E3F0] =	vst v63  }
0x4c5: {  	_ =	swait.ge [sflag:s10], $0x1680  }
0x4c6: {  	[sflag:s10] =	ssyncset.done $0x0  }
0x4c7: {  	[sflag:s10] =	ssyncadd.s32 $0xFFFFE980  }
0x4c8: {  	_ =	swait.ge [sflag:s10], $0x1680  }
0x4c9: {  	[sflag:s10] =	ssyncset.done $0x0  }
0x4ca: {  	[sflag:s10] =	ssyncadd.s32 $0xFFFFE980  }
0x4cb: {  	[bflag:$0x0] =	sbarrier.arrive $0xFFFF  }
0x4cc: {  	s18 =	rddreg [dreg:$0x7]  }
0x4cd: {  	s12 =	rddreg [dreg:$0xc]  }
0x4ce: {  	s23 =	simm.s32 $0x9;
	s20 =	rddreg [dreg:$0xe]  }
0x4cf: {  	[hbm:s12], [sflag:s18] =	dma.local [spmem:s20], $0x2BF2  }
0x4d0: {  	_ =	swait.ge [sflag:s23], $0x2BF2  }
0x4d1: {  	s24 =	sadd.s32 $0x1, s24;
	s31 =	rddreg [dreg:$0xd]  }
0x4d2: {  	p0 =	sne.s32 s24, s31  }
.Ltmp7:
0x4d3: {  	_ = 	snop;
	(pc) =	sbr.rel @p0 .LBB2_1-.Ltmp7, $3  }
0x4d4: {  	_ =	sdelay $0x1  }
0x4d5: {  	[sflag:s23] =	ssyncset.done $0x0  }
0x4d6: {  	[sflag:s23] =	ssyncadd.s32 $0xFFFFD40E  }
0x4d7: {  	_ =	sfence.sel $0x180000  }
0x4d8: {  	[bflag:$0x0] =	sbarrier.arrive $0xFFFF  }
0x4d9: {  	_ =	strace $0x90000047  }
0x4da: {  	s0 =	stileid.u32;
	[bflag:$0x2] =	sbarrier.arrive $0xFFFF  }
0x4db: {  	p0 =	sne.s32 s0, $0x0;
	s0 =	rddreg [dreg:$0x5]  }
0x4dc: {  	s0 =	sadd.s32 @!p0 $0x100000, s0  }
0x4dd: {  	[sflag:s0] =	ssyncadd.tile.s32 @!p0 $0x1;
	_ =	shalt  }
.Lfunc_end2:
_tile_overlayer_lowered:
.L_overlay_start_2:
0x4de: {  	(tag) =	ssettag $0x2  }
0x4df: {  	s0 =	rddreg [dreg:$0x0];
	s2 =	stileid.u32  }
0x4e0: {  	s1 =	rddreg [dreg:$0x1];
	p0 =	sne.s32 s2, $0x0  }
0x4e1: {  	s3 =	rddreg [dreg:$0x2];
	[bflag:$0x3] =	sbarrier.arrive $0xFFFF;
	s2 =	simm.s32 @!p0 $0x1C09  }
0x4e2: {  	[timem:s3], [sflag:s2] =	dma.local @!p0 [hbm:s0], s1  }
0x4e3: {  	s0 =	simm.s32 @!p0 $0x9  }
0x4e4: {  	_ =	swait.ge @!p0 [sflag:s0], s1  }
0x4e5: {  	s1 =	ssub.s32 @!p0 $0x0, s1;
	[sflag:s0] =	ssyncset.done @!p0 $0x0  }
0x4e6: {  	[sflag:s0] =	ssyncadd.s32 @!p0 s1  }
0x4e7: {  	[bflag:$0x3] =	sbarrier.arrive $0xFFFF  }
0x4e8: {  	_ =	shalt  }

</sc_bundles>
